<compile_context>
chip_gen: v7x
topology: tpu7x:2x2x1
jax: 0.10.2.dev20260603
libtpu: 0.0.44.dev20260713+nightly
codegen_flags: <defaults>
</compile_context>

<pallas_src>
import functools

import jax
import jax.numpy as jnp
from jax.experimental import pallas as pl
from jax.experimental.pallas import tpu as pltpu
from jax.experimental.pallas import tpu_sc as plsc

N = 10000
E = 320000
D = 128
H = 128
C = 40
CP = 48

NC = 2
NS = 16
NW = NC * NS
NPAD = 10240
ROWS_W = NPAD // NW
ROWS_T = NPAD // NS
BLK = 512

EPW = 10240
EPAD = EPW * NW
PAD_ROW = N + 100

EBLK = 2000
NEB = E // EBLK

_SC_MESH = plsc.VectorSubcoreMesh(
    core_axis_name="c", subcore_axis_name="s", num_cores=NC, num_subcores=NS)


EPT = E // NW


@functools.partial(
    pl.kernel,
    out_type=jax.ShapeDtypeStruct((NC, NPAD), jnp.float32),
    mesh=_SC_MESH,
    scratch_types=[
        pltpu.VMEM((EPT,), jnp.int32),
        pltpu.VMEM((NPAD,), jnp.float32),
        pltpu.VMEM((NS, ROWS_T), jnp.float32),
        pltpu.VMEM_SHARED((NS, NPAD), jnp.float32),
    ],
    compiler_params=pltpu.CompilerParams(needs_layout_passes=False),
)
def _deg_kernel(dst_hbm, deg_hbm, dslice, hist, rbuf, stage):
    c = jax.lax.axis_index("c")
    s = jax.lax.axis_index("s")
    wid = s * NC + c

    zeros16 = jnp.zeros((16,), jnp.float32)

    def zbody(i, _):
        hist[pl.ds(i * 16, 16)] = zeros16
        return 0

    jax.lax.fori_loop(0, NPAD // 16, zbody, 0)

    off = pl.multiple_of(wid * EPT, 8)
    pltpu.sync_copy(dst_hbm.at[pl.ds(off, EPT)], dslice)

    ones16 = jnp.ones((16,), jnp.float32)

    def in_body(i, _):
        d16 = dslice[pl.ds(i * 16, 16)]
        plsc.addupdate_scatter(hist, [d16], ones16)
        return 0

    jax.lax.fori_loop(0, EPT // 16, in_body, 0)

    pltpu.sync_copy(hist, stage.at[s])
    plsc.subcore_barrier()

    row0 = s * ROWS_T
    pltpu.sync_copy(stage.at[:, pl.ds(row0, ROWS_T)], rbuf)

    def red_body(g, _):
        acc = rbuf[0, pl.ds(g * 16, 16)]
        for p in range(1, NS):
            acc = acc + rbuf[p, pl.ds(g * 16, 16)]
        hist[pl.ds(g * 16, 16)] = acc
        return 0

    jax.lax.fori_loop(0, ROWS_T // 16, red_body, 0)
    pltpu.sync_copy(hist.at[pl.ds(0, ROWS_T)],
                    deg_hbm.at[c, pl.ds(row0, ROWS_T)])


def _scat_body(srcp, dstp, hp, out_hbm,
               src0, src1, src2, src3, src4, src5, src6, src7,
               dst0, dst1, dst2, dst3, dst4, dst5, dst6, dst7,
               rows0, rows1, rows2, rows3, acc,
               gs0, gs1, gs2, gs3, ss0, ss1, ss2, ss3,
               is0, is1, is2, is3, is4, is5, is6, is7, *, F, CH, CNT0, CNT1):
    c = jax.lax.axis_index("c")
    s = jax.lax.axis_index("s")
    per_s = CNT0 + CNT1
    off = s * per_s + c * CNT0
    cnt = jnp.where(c == 0, CNT0, CNT1)

    srcv = [src0, src1, src2, src3, src4, src5, src6, src7]
    dstv = [dst0, dst1, dst2, dst3, dst4, dst5, dst6, dst7]
    rows = [rows0, rows1, rows2, rows3]
    gsem = [gs0, gs1, gs2, gs3]
    ssem = [ss0, ss1, ss2, ss3]
    isem = [is0, is1, is2, is3, is4, is5, is6, is7]

    def idx_start(j, q):
        pltpu.async_copy(srcp.at[off + j], srcv[q], isem[q])
        pltpu.async_copy(dstp.at[off + j], dstv[q], isem[q])

    def idx_wait(j, q):
        pltpu.make_async_copy(srcp.at[off + j], srcv[q], isem[q]).wait()
        pltpu.make_async_copy(dstp.at[off + j], dstv[q], isem[q]).wait()

    def gather_start(t, q):
        pltpu.async_copy(hp.at[srcv[q]], rows[t], gsem[t])

    def gather_wait(t, q):
        pltpu.make_async_copy(hp.at[srcv[q]], rows[t], gsem[t]).wait()

    def scat_start(t, q):
        pltpu.async_copy(rows[t], acc.at[dstv[q]], ssem[t], add=True)

    def scat_wait(t, q):
        pltpu.make_async_copy(rows[t], acc.at[dstv[q]], ssem[t]).wait()

    zeros16 = jnp.zeros((16,), jnp.float32)

    def zrow(i, _):
        def zcol(g, _):
            rows0[i, pl.ds(g * 16, 16)] = zeros16
            return 0
        jax.lax.fori_loop(0, F // 16, zcol, 0)
        return 0

    jax.lax.fori_loop(0, CH, zrow, 0)

    row0 = s * ROWS_T

    def zacc(b, _):
        pltpu.sync_copy(rows0, acc.at[pl.ds(row0 + b * CH, CH)])
        return 0

    jax.lax.fori_loop(0, ROWS_T // CH, zacc, 0)
    plsc.subcore_barrier()

    for q in range(4):
        idx_start(q, q)
    idx_wait(0, 0)
    gather_start(0, 0)
    idx_wait(1, 1)
    gather_start(1, 1)

    def body(k, _):
        for t8 in range(8):
            b = 8 * k + t8
            t = t8 % 4
            u = (t8 + 2) % 4
            q = t8
            qn = (t8 + 2) % 8
            qp = (t8 + 4) % 8

            @pl.when((b >= 1) & (b < cnt + 1))
            def _():
                scat_wait((t8 + 3) % 4, (t8 + 7) % 8)

            @pl.when(b < cnt)
            def _():
                gather_wait(t, q)
                scat_start(t, q)

            @pl.when(b + 2 < cnt)
            def _():
                idx_wait(b + 2, qn)
                gather_start(u, qn)

            @pl.when(b + 4 < cnt)
            def _():
                idx_start(b + 4, qp)

        return 0

    slots = max(CNT0, CNT1) + 2
    jax.lax.fori_loop(0, (slots + 7) // 8, body, 0)
    plsc.subcore_barrier()

    pltpu.sync_copy(acc.at[pl.ds(row0, ROWS_T)],
                    out_hbm.at[c, pl.ds(row0, ROWS_T)])


def _make_scat(F, CH, CNT0, CNT1):
    assert (CNT0 + CNT1) * NS * CH == EPAD
    return functools.partial(
        pl.kernel,
        out_type=jax.ShapeDtypeStruct((NC, NPAD, F), jnp.float32),
        mesh=_SC_MESH,
        scratch_types=(
            [pltpu.VMEM((CH,), jnp.int32) for _ in range(16)]
            + [pltpu.VMEM((CH, F), jnp.float32) for _ in range(4)]
            + [pltpu.VMEM_SHARED((NPAD, F), jnp.float32)]
            + [pltpu.SemaphoreType.DMA for _ in range(16)]
        ),
        compiler_params=pltpu.CompilerParams(use_tc_tiling_on_sc=False),
    )(functools.partial(_scat_body, F=F, CH=CH, CNT0=CNT0, CNT1=CNT1))


CH_H = 80
CH_C = 128
_scat_h = _make_scat(H, CH_H, 196, 60)
_scat_c = _make_scat(CP, CH_C, 120, 40)


def _mm1_body(x_ref, w1_ref, deg_ref, hp1_ref, dinv_ref):
    deg = deg_ref[0] + deg_ref[1] + 1.0
    dinv = jax.lax.rsqrt(deg)
    h = jnp.dot(x_ref[...], w1_ref[...], preferred_element_type=jnp.float32)
    hp1_ref[...] = h * dinv[:, None]
    dinv_ref[...] = dinv


def _mm2_body(s1_ref, hp1_ref, dinv_ref, b1_ref, w2_ref, x1_ref, hp2_ref):
    dinv = dinv_ref[...]
    x1 = (s1_ref[0] + s1_ref[1] + hp1_ref[...]) * dinv[:, None] + b1_ref[...]
    x1_ref[...] = x1
    x2 = jnp.maximum(x1, 0.0)
    h2 = jnp.dot(x2, w2_ref[...], preferred_element_type=jnp.float32)
    hp2_ref[...] = h2 * dinv[:, None]


def _fin_body(s2_ref, hp2_ref, dinv_ref, b2_ref, out_ref):
    dinv = dinv_ref[...]
    out_ref[...] = (s2_ref[0] + s2_ref[1] + hp2_ref[...]) * dinv[:, None] \
        + b2_ref[...]


def _row_spec(cols):
    return pl.BlockSpec((BLK, cols), lambda i: (i, 0))


def _part_spec(cols):
    return pl.BlockSpec((NC, BLK, cols), lambda i: (0, i, 0))


def _vec_spec():
    return pl.BlockSpec((BLK,), lambda i: (i,))


def _full_spec(r, co):
    return pl.BlockSpec((r, co), lambda i: (0, 0))


def kernel(last_e_emb, edge_index, W1, b1, W2, b2):
    src = edge_index[0]
    dst = edge_index[1]

    xp = jnp.zeros((NPAD, D), jnp.float32).at[:N].set(last_e_emb)

    pad = jnp.full((EPAD - E,), PAD_ROW, jnp.int32)
    srcf = jnp.concatenate([src, pad])
    dstf = jnp.concatenate([dst, pad])
    srcp_h = srcf.reshape(EPAD // CH_H, CH_H)
    dstp_h = dstf.reshape(EPAD // CH_H, CH_H)
    srcp_c = srcf.reshape(EPAD // CH_C, CH_C)
    dstp_c = dstf.reshape(EPAD // CH_C, CH_C)

    deg = _deg_kernel(dst)

    grid = (NPAD // BLK,)
    hp1, dinv = pl.pallas_call(
        _mm1_body,
        grid=grid,
        in_specs=[_row_spec(D), _full_spec(D, H),
                  pl.BlockSpec((NC, BLK), lambda i: (0, i))],
        out_specs=[_row_spec(H), _vec_spec()],
        out_shape=[jax.ShapeDtypeStruct((NPAD, H), jnp.float32),
                   jax.ShapeDtypeStruct((NPAD,), jnp.float32)],
    )(xp, W1, deg)

    s1 = _scat_h(srcp_h, dstp_h, hp1)

    b1r = jnp.broadcast_to(b1[None, :], (1, H))
    W2p = jnp.zeros((H, CP), jnp.float32).at[:, :C].set(W2)
    x1p, hp2 = pl.pallas_call(
        _mm2_body,
        grid=grid,
        in_specs=[_part_spec(H), _row_spec(H), _vec_spec(),
                  _full_spec(1, H), _full_spec(H, CP)],
        out_specs=[_row_spec(H), _row_spec(CP)],
        out_shape=[jax.ShapeDtypeStruct((NPAD, H), jnp.float32),
                   jax.ShapeDtypeStruct((NPAD, CP), jnp.float32)],
    )(s1, hp1, dinv, b1r, W2p)

    s2 = _scat_c(srcp_c, dstp_c, hp2)

    b2r = jnp.zeros((1, CP), jnp.float32).at[0, :C].set(b2)
    logits = pl.pallas_call(
        _fin_body,
        grid=grid,
        in_specs=[_part_spec(CP), _row_spec(CP), _vec_spec(), _full_spec(1, CP)],
        out_specs=_row_spec(CP),
        out_shape=jax.ShapeDtypeStruct((NPAD, CP), jnp.float32),
    )(s2, hp2, dinv, b2r)

    return (x1p[:N], logits[:N, :C])

# --- scband reference (transcript-rebuilt; emitter-appended) ---
"""Pipeline reference for scband-mstep-model-68753836474414 (READ-ONLY COPY).

The authoritative reference and input builder live on the scoring server;
editing this copy changes nothing except your own understanding.
"""

import jax, jax.numpy as jnp
import numpy as np

N = 10000
E = 320000
D = 128
H = 128
C = 40


def setup_inputs(seed: int = 0) -> dict:
    key = jax.random.key(seed)
    k1, k2, k3, k4 = jax.random.split(key, 4)
    last_e_emb = jax.random.normal(k1, (N, D), dtype=jnp.float32)
    edge_index = jax.random.randint(k2, (2, E), 0, N, dtype=jnp.int32)
    W1 = jax.random.normal(k3, (D, H), dtype=jnp.float32) * (1.0 / np.sqrt(D))
    b1 = jnp.zeros((H,), dtype=jnp.float32)
    W2 = jax.random.normal(k4, (H, C), dtype=jnp.float32) * (1.0 / np.sqrt(H))
    b2 = jnp.zeros((C,), dtype=jnp.float32)
    return {"last_e_emb": last_e_emb, "edge_index": edge_index,
            "W1": W1, "b1": b1, "W2": W2, "b2": b2}


def _gcn_conv(x, edge_index, W, b):
    # Faithful GCNConv: add self-loops, symmetric D^-1/2 (A+I) D^-1/2 normalization
    num_nodes = x.shape[0]
    src = edge_index[0]
    dst = edge_index[1]
    loop = jnp.arange(num_nodes, dtype=src.dtype)
    src = jnp.concatenate([src, loop])
    dst = jnp.concatenate([dst, loop])
    deg = jnp.zeros((num_nodes,), dtype=x.dtype).at[dst].add(1.0)
    dinv = jnp.where(deg > 0, jax.lax.rsqrt(deg), 0.0)
    norm = dinv[src] * dinv[dst]
    h = x @ W
    msg = h[src] * norm[:, None]
    out = jax.ops.segment_sum(msg, dst, num_segments=num_nodes)
    return out + b


def reference(last_e_emb, edge_index, W1, b1, W2, b2):
    x1 = _gcn_conv(last_e_emb, edge_index, W1, b1)
    # dropout is identity at inference
    x2 = jax.nn.relu(x1)
    logits = _gcn_conv(x2, edge_index, W2, b2)
    return (x1, logits)

if __name__ == "__main__":
    import jax
    _d = setup_inputs()
    print(jax.jit(kernel)(*tuple(_d.values())))

</pallas_src>

<mosaic_0001>
#map = affine_map<(d0, d1) -> (0)>
#map1 = affine_map<(d0, d1) -> (0, 0)>
module attributes {stable_mosaic.version = 14 : i64} {
  func.func @_deg_kernel(%arg0: i32, %arg1: i32, %arg2: memref<320000xi32, #tpu.memory_space<hbm>>, %arg3: memref<2x10240xf32, #tpu.memory_space<hbm>>, %arg4: memref<10000xi32, #tpu.memory_space<vmem>>, %arg5: memref<10240xf32, #tpu.memory_space<vmem>>, %arg6: memref<16x640xf32, #tpu.memory_space<vmem>>, %arg7: memref<16x10240xf32, #tpu.memory_space<vmem_shared>>) attributes {dimension_semantics = [#tpu.dimension_semantics<core_parallel>, #tpu.dimension_semantics<subcore_parallel>], iteration_bounds = array<i64: 2, 16>, scalar_prefetch = 0 : i64, scratch_operands = 4 : i64, tpu.core_type = #tpu.core_type<sc_vector_subcore>, window_params = [{transform_indices = #map}, {transform_indices = #map1}]} {
    %mul3A = arith.constant 2 : i32
    %mul3A_0 = arith.muli %arg1, %mul3A : i32
    %add3A = arith.addi %mul3A_0, %arg0 : i32
    %broadcast_in_dim3A = arith.constant 0.000000e+00 : f32
    %broadcast_in_dim3A_1 = vector.broadcast %broadcast_in_dim3A : f32 to vector<16xf32>
    %scan3A = arith.constant 0 : i32
    %scan3A_2 = arith.constant 0 : i32
    %scan3A_3 = arith.constant 640 : i32
    %scan3A_4 = arith.addi %scan3A_2, %scan3A_3 : i32
    %scan3A_5 = arith.constant 1 : i32
    %scan3A_6 = scf.for %scan3A_28 = %scan3A_2 to %scan3A_4 step %scan3A_5 iter_args(%scan3A_29 = %scan3A) -> (i32)  : i32 {
      %mul3A_30 = arith.constant 16 : i32
      %mul3A_31 = arith.muli %scan3A_28, %mul3A_30 : i32
      %swap3A = arith.index_cast %mul3A_31 : i32 to index
      %swap3A_32 = tpu.vector_load %arg5[%swap3A] {strides = array<i32>} : memref<10240xf32, #tpu.memory_space<vmem>>, vector<16xf32>,
      tpu.vector_store %arg5[%swap3A], %broadcast_in_dim3A_1 {strides = array<i32>} : memref<10240xf32, #tpu.memory_space<vmem>>, vector<16xf32>,
      %scan3A_33 = arith.constant 0 : i32
      scf.yield %scan3A_33 : i32
    }
    %scan3A_7 = arith.constant 640 : i32
    %mul3A_8 = arith.constant 10000 : i32
    %mul3A_9 = arith.muli %add3A, %mul3A_8 : i32
    %multiple_of3A = tpu.assume_multiple %mul3A_9, 8 : i32
    "tpu.region"() ({
      %run_scoped3A = tpu.sem_alloc : memref<!tpu.dma_semaphore, #tpu.memory_space<semaphore_mem>>
      %dma_start3A = tpu.memref_slice %arg2[%multiple_of3A] : memref<320000xi32, #tpu.memory_space<hbm>> -> memref<10000xi32, #tpu.memory_space<hbm>>
      %dma_start3A_28 = tpu.memref_slice %arg2[%multiple_of3A] : memref<320000xi32, #tpu.memory_space<hbm>> -> memref<10000xi32, #tpu.memory_space<hbm>>
      tpu.enqueue_dma source(%dma_start3A_28 : memref<10000xi32, #tpu.memory_space<hbm>>) target(%arg4 : memref<10000xi32, #tpu.memory_space<vmem>>) target_semaphore(%run_scoped3A : memref<!tpu.dma_semaphore, #tpu.memory_space<semaphore_mem>>)
      %dma_wait3A = tpu.memref_slice %arg2[%multiple_of3A] : memref<320000xi32, #tpu.memory_space<hbm>> -> memref<10000xi32, #tpu.memory_space<hbm>>
      %dma_wait3A_29 = tpu.memref_slice %arg2[%multiple_of3A] : memref<320000xi32, #tpu.memory_space<hbm>> -> memref<10000xi32, #tpu.memory_space<hbm>>
      tpu.wait_dma2 semaphore(%run_scoped3A : memref<!tpu.dma_semaphore, #tpu.memory_space<semaphore_mem>>) src(%dma_wait3A_29 : memref<10000xi32, #tpu.memory_space<hbm>>) dst(%arg4 : memref<10000xi32, #tpu.memory_space<vmem>>)
      tpu.yield
    }) : () -> ()
    %broadcast_in_dim3A_10 = arith.constant 1.000000e+00 : f32
    %broadcast_in_dim3A_11 = vector.broadcast %broadcast_in_dim3A_10 : f32 to vector<16xf32>
    %scan3A_12 = arith.constant 0 : i32
    %scan3A_13 = arith.constant 0 : i32
    %scan3A_14 = arith.constant 625 : i32
    %scan3A_15 = arith.addi %scan3A_13, %scan3A_14 : i32
    %scan3A_16 = arith.constant 1 : i32
    %scan3A_17 = scf.for %scan3A_28 = %scan3A_13 to %scan3A_15 step %scan3A_16 iter_args(%scan3A_29 = %scan3A_12) -> (i32)  : i32 {
      %mul3A_30 = arith.constant 16 : i32
      %mul3A_31 = arith.muli %scan3A_28, %mul3A_30 : i32
      %get3A = arith.index_cast %mul3A_31 : i32 to index
      %get3A_32 = tpu.vector_load %arg4[%get3A] {strides = array<i32>} : memref<10000xi32, #tpu.memory_space<vmem>>, vector<16xi32>,
      tpu.vector_store_idx %arg5[%get3A_32], %broadcast_in_dim3A_11 {add = true} : memref<10240xf32, #tpu.memory_space<vmem>>[vector<16xi32>], vector<16xf32>,
      %scan3A_33 = arith.constant 0 : i32
      scf.yield %scan3A_33 : i32
    }
    %scan3A_18 = arith.constant 625 : i32
    "tpu.region"() ({
      %run_scoped3A = tpu.sem_alloc : memref<!tpu.dma_semaphore, #tpu.memory_space<semaphore_mem>>
      %dma_start3A = arith.constant 0 : i32
      %dma_start3A_28 = tpu.memref_slice %arg7[%arg1, %dma_start3A] : memref<16x10240xf32, #tpu.memory_space<vmem_shared>> -> memref<1x10240xf32, #tpu.memory_space<vmem_shared>>
      %dma_start3A_29 = tpu.memref_squeeze %dma_start3A_28 : memref<1x10240xf32, #tpu.memory_space<vmem_shared>> -> memref<10240xf32, #tpu.memory_space<vmem_shared>>
      %dma_start3A_30 = arith.constant 0 : i32
      %dma_start3A_31 = tpu.memref_slice %arg7[%arg1, %dma_start3A_30] : memref<16x10240xf32, #tpu.memory_space<vmem_shared>> -> memref<1x10240xf32, #tpu.memory_space<vmem_shared>>
      %dma_start3A_32 = tpu.memref_squeeze %dma_start3A_31 : memref<1x10240xf32, #tpu.memory_space<vmem_shared>> -> memref<10240xf32, #tpu.memory_space<vmem_shared>>
      tpu.enqueue_dma source(%arg5 : memref<10240xf32, #tpu.memory_space<vmem>>) target(%dma_start3A_32 : memref<10240xf32, #tpu.memory_space<vmem_shared>>) target_semaphore(%run_scoped3A : memref<!tpu.dma_semaphore, #tpu.memory_space<semaphore_mem>>)
      %dma_wait3A = arith.constant 0 : i32
      %dma_wait3A_33 = tpu.memref_slice %arg7[%arg1, %dma_wait3A] : memref<16x10240xf32, #tpu.memory_space<vmem_shared>> -> memref<1x10240xf32, #tpu.memory_space<vmem_shared>>
      %dma_wait3A_34 = tpu.memref_squeeze %dma_wait3A_33 : memref<1x10240xf32, #tpu.memory_space<vmem_shared>> -> memref<10240xf32, #tpu.memory_space<vmem_shared>>
      %dma_wait3A_35 = arith.constant 0 : i32
      %dma_wait3A_36 = tpu.memref_slice %arg7[%arg1, %dma_wait3A_35] : memref<16x10240xf32, #tpu.memory_space<vmem_shared>> -> memref<1x10240xf32, #tpu.memory_space<vmem_shared>>
      %dma_wait3A_37 = tpu.memref_squeeze %dma_wait3A_36 : memref<1x10240xf32, #tpu.memory_space<vmem_shared>> -> memref<10240xf32, #tpu.memory_space<vmem_shared>>
      tpu.wait_dma2 semaphore(%run_scoped3A : memref<!tpu.dma_semaphore, #tpu.memory_space<semaphore_mem>>) src(%arg5 : memref<10240xf32, #tpu.memory_space<vmem>>) dst(%dma_wait3A_37 : memref<10240xf32, #tpu.memory_space<vmem_shared>>)
      tpu.yield
    }) : () -> ()
    %barrier3A = arith.constant 0 : index
    tpu.barrier barrier_id(%barrier3A)
    %mul3A_19 = arith.constant 640 : i32
    %mul3A_20 = arith.muli %arg1, %mul3A_19 : i32
    "tpu.region"() ({
      %run_scoped3A = tpu.sem_alloc : memref<!tpu.dma_semaphore, #tpu.memory_space<semaphore_mem>>
      %dma_start3A = arith.constant 0 : i32
      %dma_start3A_28 = tpu.memref_slice %arg7[%dma_start3A, %mul3A_20] : memref<16x10240xf32, #tpu.memory_space<vmem_shared>> -> memref<16x640xf32, #tpu.memory_space<vmem_shared>>
      %dma_start3A_29 = arith.constant 0 : i32
      %dma_start3A_30 = tpu.memref_slice %arg7[%dma_start3A_29, %mul3A_20] : memref<16x10240xf32, #tpu.memory_space<vmem_shared>> -> memref<16x640xf32, #tpu.memory_space<vmem_shared>>
      tpu.enqueue_dma source(%dma_start3A_30 : memref<16x640xf32, #tpu.memory_space<vmem_shared>>) target(%arg6 : memref<16x640xf32, #tpu.memory_space<vmem>>) target_semaphore(%run_scoped3A : memref<!tpu.dma_semaphore, #tpu.memory_space<semaphore_mem>>)
      %dma_wait3A = arith.constant 0 : i32
      %dma_wait3A_31 = tpu.memref_slice %arg7[%dma_wait3A, %mul3A_20] : memref<16x10240xf32, #tpu.memory_space<vmem_shared>> -> memref<16x640xf32, #tpu.memory_space<vmem_shared>>
      %dma_wait3A_32 = arith.constant 0 : i32
      %dma_wait3A_33 = tpu.memref_slice %arg7[%dma_wait3A_32, %mul3A_20] : memref<16x10240xf32, #tpu.memory_space<vmem_shared>> -> memref<16x640xf32, #tpu.memory_space<vmem_shared>>
      tpu.wait_dma2 semaphore(%run_scoped3A : memref<!tpu.dma_semaphore, #tpu.memory_space<semaphore_mem>>) src(%dma_wait3A_33 : memref<16x640xf32, #tpu.memory_space<vmem_shared>>) dst(%arg6 : memref<16x640xf32, #tpu.memory_space<vmem>>)
      tpu.yield
    }) : () -> ()
    %scan3A_21 = arith.constant 0 : i32
    %scan3A_22 = arith.constant 0 : i32
    %scan3A_23 = arith.constant 40 : i32
    %scan3A_24 = arith.addi %scan3A_22, %scan3A_23 : i32
    %scan3A_25 = arith.constant 1 : i32
    %scan3A_26 = scf.for %scan3A_28 = %scan3A_22 to %scan3A_24 step %scan3A_25 iter_args(%scan3A_29 = %scan3A_21) -> (i32)  : i32 {
      %mul3A_30 = arith.constant 16 : i32
      %mul3A_31 = arith.muli %scan3A_28, %mul3A_30 : i32
      %get3A = arith.constant 0 : i32
      %get3A_32 = arith.index_cast %get3A : i32 to index
      %get3A_33 = arith.index_cast %mul3A_31 : i32 to index
      %get3A_34 = tpu.vector_load %arg6[%get3A_32, %get3A_33] {strides = array<i32>} : memref<16x640xf32, #tpu.memory_space<vmem>>, vector<16xf32>,
      %mul3A_35 = arith.constant 16 : i32
      %mul3A_36 = arith.muli %scan3A_28, %mul3A_35 : i32
      %get3A_37 = arith.constant 1 : i32
      %get3A_38 = arith.index_cast %get3A_37 : i32 to index
      %get3A_39 = arith.index_cast %mul3A_36 : i32 to index
      %get3A_40 = tpu.vector_load %arg6[%get3A_38, %get3A_39] {strides = array<i32>} : memref<16x640xf32, #tpu.memory_space<vmem>>, vector<16xf32>,
      %add3A_41 = arith.addf %get3A_34, %get3A_40 : vector<16xf32>
      %mul3A_42 = arith.constant 16 : i32
      %mul3A_43 = arith.muli %scan3A_28, %mul3A_42 : i32
      %get3A_44 = arith.constant 2 : i32
      %get3A_45 = arith.index_cast %get3A_44 : i32 to index
      %get3A_46 = arith.index_cast %mul3A_43 : i32 to index
      %get3A_47 = tpu.vector_load %arg6[%get3A_45, %get3A_46] {strides = array<i32>} : memref<16x640xf32, #tpu.memory_space<vmem>>, vector<16xf32>,
      %add3A_48 = arith.addf %add3A_41, %get3A_47 : vector<16xf32>
      %mul3A_49 = arith.constant 16 : i32
      %mul3A_50 = arith.muli %scan3A_28, %mul3A_49 : i32
      %get3A_51 = arith.constant 3 : i32
      %get3A_52 = arith.index_cast %get3A_51 : i32 to index
      %get3A_53 = arith.index_cast %mul3A_50 : i32 to index
      %get3A_54 = tpu.vector_load %arg6[%get3A_52, %get3A_53] {strides = array<i32>} : memref<16x640xf32, #tpu.memory_space<vmem>>, vector<16xf32>,
      %add3A_55 = arith.addf %add3A_48, %get3A_54 : vector<16xf32>
      %mul3A_56 = arith.constant 16 : i32
      %mul3A_57 = arith.muli %scan3A_28, %mul3A_56 : i32
      %get3A_58 = arith.constant 4 : i32
      %get3A_59 = arith.index_cast %get3A_58 : i32 to index
      %get3A_60 = arith.index_cast %mul3A_57 : i32 to index
      %get3A_61 = tpu.vector_load %arg6[%get3A_59, %get3A_60] {strides = array<i32>} : memref<16x640xf32, #tpu.memory_space<vmem>>, vector<16xf32>,
      %add3A_62 = arith.addf %add3A_55, %get3A_61 : vector<16xf32>
      %mul3A_63 = arith.constant 16 : i32
      %mul3A_64 = arith.muli %scan3A_28, %mul3A_63 : i32
      %get3A_65 = arith.constant 5 : i32
      %get3A_66 = arith.index_cast %get3A_65 : i32 to index
      %get3A_67 = arith.index_cast %mul3A_64 : i32 to index
      %get3A_68 = tpu.vector_load %arg6[%get3A_66, %get3A_67] {strides = array<i32>} : memref<16x640xf32, #tpu.memory_space<vmem>>, vector<16xf32>,
      %add3A_69 = arith.addf %add3A_62, %get3A_68 : vector<16xf32>
      %mul3A_70 = arith.constant 16 : i32
      %mul3A_71 = arith.muli %scan3A_28, %mul3A_70 : i32
      %get3A_72 = arith.constant 6 : i32
      %get3A_73 = arith.index_cast %get3A_72 : i32 to index
      %get3A_74 = arith.index_cast %mul3A_71 : i32 to index
      %get3A_75 = tpu.vector_load %arg6[%get3A_73, %get3A_74] {strides = array<i32>} : memref<16x640xf32, #tpu.memory_space<vmem>>, vector<16xf32>,
      %add3A_76 = arith.addf %add3A_69, %get3A_75 : vector<16xf32>
      %mul3A_77 = arith.constant 16 : i32
      %mul3A_78 = arith.muli %scan3A_28, %mul3A_77 : i32
      %get3A_79 = arith.constant 7 : i32
      %get3A_80 = arith.index_cast %get3A_79 : i32 to index
      %get3A_81 = arith.index_cast %mul3A_78 : i32 to index
      %get3A_82 = tpu.vector_load %arg6[%get3A_80, %get3A_81] {strides = array<i32>} : memref<16x640xf32, #tpu.memory_space<vmem>>, vector<16xf32>,
      %add3A_83 = arith.addf %add3A_76, %get3A_82 : vector<16xf32>
      %mul3A_84 = arith.constant 16 : i32
      %mul3A_85 = arith.muli %scan3A_28, %mul3A_84 : i32
      %get3A_86 = arith.constant 8 : i32
      %get3A_87 = arith.index_cast %get3A_86 : i32 to index
      %get3A_88 = arith.index_cast %mul3A_85 : i32 to index
      %get3A_89 = tpu.vector_load %arg6[%get3A_87, %get3A_88] {strides = array<i32>} : memref<16x640xf32, #tpu.memory_space<vmem>>, vector<16xf32>,
      %add3A_90 = arith.addf %add3A_83, %get3A_89 : vector<16xf32>
      %mul3A_91 = arith.constant 16 : i32
      %mul3A_92 = arith.muli %scan3A_28, %mul3A_91 : i32
      %get3A_93 = arith.constant 9 : i32
      %get3A_94 = arith.index_cast %get3A_93 : i32 to index
      %get3A_95 = arith.index_cast %mul3A_92 : i32 to index
      %get3A_96 = tpu.vector_load %arg6[%get3A_94, %get3A_95] {strides = array<i32>} : memref<16x640xf32, #tpu.memory_space<vmem>>, vector<16xf32>,
      %add3A_97 = arith.addf %add3A_90, %get3A_96 : vector<16xf32>
      %mul3A_98 = arith.constant 16 : i32
      %mul3A_99 = arith.muli %scan3A_28, %mul3A_98 : i32
      %get3A_100 = arith.constant 10 : i32
      %get3A_101 = arith.index_cast %get3A_100 : i32 to index
      %get3A_102 = arith.index_cast %mul3A_99 : i32 to index
      %get3A_103 = tpu.vector_load %arg6[%get3A_101, %get3A_102] {strides = array<i32>} : memref<16x640xf32, #tpu.memory_space<vmem>>, vector<16xf32>,
      %add3A_104 = arith.addf %add3A_97, %get3A_103 : vector<16xf32>
      %mul3A_105 = arith.constant 16 : i32
      %mul3A_106 = arith.muli %scan3A_28, %mul3A_105 : i32
      %get3A_107 = arith.constant 11 : i32
      %get3A_108 = arith.index_cast %get3A_107 : i32 to index
      %get3A_109 = arith.index_cast %mul3A_106 : i32 to index
      %get3A_110 = tpu.vector_load %arg6[%get3A_108, %get3A_109] {strides = array<i32>} : memref<16x640xf32, #tpu.memory_space<vmem>>, vector<16xf32>,
      %add3A_111 = arith.addf %add3A_104, %get3A_110 : vector<16xf32>
      %mul3A_112 = arith.constant 16 : i32
      %mul3A_113 = arith.muli %scan3A_28, %mul3A_112 : i32
      %get3A_114 = arith.constant 12 : i32
      %get3A_115 = arith.index_cast %get3A_114 : i32 to index
      %get3A_116 = arith.index_cast %mul3A_113 : i32 to index
      %get3A_117 = tpu.vector_load %arg6[%get3A_115, %get3A_116] {strides = array<i32>} : memref<16x640xf32, #tpu.memory_space<vmem>>, vector<16xf32>,
      %add3A_118 = arith.addf %add3A_111, %get3A_117 : vector<16xf32>
      %mul3A_119 = arith.constant 16 : i32
      %mul3A_120 = arith.muli %scan3A_28, %mul3A_119 : i32
      %get3A_121 = arith.constant 13 : i32
      %get3A_122 = arith.index_cast %get3A_121 : i32 to index
      %get3A_123 = arith.index_cast %mul3A_120 : i32 to index
      %get3A_124 = tpu.vector_load %arg6[%get3A_122, %get3A_123] {strides = array<i32>} : memref<16x640xf32, #tpu.memory_space<vmem>>, vector<16xf32>,
      %add3A_125 = arith.addf %add3A_118, %get3A_124 : vector<16xf32>
      %mul3A_126 = arith.constant 16 : i32
      %mul3A_127 = arith.muli %scan3A_28, %mul3A_126 : i32
      %get3A_128 = arith.constant 14 : i32
      %get3A_129 = arith.index_cast %get3A_128 : i32 to index
      %get3A_130 = arith.index_cast %mul3A_127 : i32 to index
      %get3A_131 = tpu.vector_load %arg6[%get3A_129, %get3A_130] {strides = array<i32>} : memref<16x640xf32, #tpu.memory_space<vmem>>, vector<16xf32>,
      %add3A_132 = arith.addf %add3A_125, %get3A_131 : vector<16xf32>
      %mul3A_133 = arith.constant 16 : i32
      %mul3A_134 = arith.muli %scan3A_28, %mul3A_133 : i32
      %get3A_135 = arith.constant 15 : i32
      %get3A_136 = arith.index_cast %get3A_135 : i32 to index
      %get3A_137 = arith.index_cast %mul3A_134 : i32 to index
      %get3A_138 = tpu.vector_load %arg6[%get3A_136, %get3A_137] {strides = array<i32>} : memref<16x640xf32, #tpu.memory_space<vmem>>, vector<16xf32>,
      %add3A_139 = arith.addf %add3A_132, %get3A_138 : vector<16xf32>
      %mul3A_140 = arith.constant 16 : i32
      %mul3A_141 = arith.muli %scan3A_28, %mul3A_140 : i32
      %swap3A = arith.index_cast %mul3A_141 : i32 to index
      %swap3A_142 = tpu.vector_load %arg5[%swap3A] {strides = array<i32>} : memref<10240xf32, #tpu.memory_space<vmem>>, vector<16xf32>,
      tpu.vector_store %arg5[%swap3A], %add3A_139 {strides = array<i32>} : memref<10240xf32, #tpu.memory_space<vmem>>, vector<16xf32>,
      %scan3A_143 = arith.constant 0 : i32
      scf.yield %scan3A_143 : i32
    }
    %scan3A_27 = arith.constant 40 : i32
    "tpu.region"() ({
      %run_scoped3A = tpu.sem_alloc : memref<!tpu.dma_semaphore, #tpu.memory_space<semaphore_mem>>
      %dma_start3A = arith.constant 0 : i32
      %dma_start3A_28 = tpu.memref_slice %arg5[%dma_start3A] : memref<10240xf32, #tpu.memory_space<vmem>> -> memref<640xf32, #tpu.memory_space<vmem>>
      %dma_start3A_29 = tpu.memref_slice %arg3[%arg0, %mul3A_20] : memref<2x10240xf32, #tpu.memory_space<hbm>> -> memref<1x640xf32, #tpu.memory_space<hbm>>
      %dma_start3A_30 = tpu.memref_squeeze %dma_start3A_29 : memref<1x640xf32, #tpu.memory_space<hbm>> -> memref<640xf32, #tpu.memory_space<hbm>>
      %dma_start3A_31 = tpu.memref_slice %arg3[%arg0, %mul3A_20] : memref<2x10240xf32, #tpu.memory_space<hbm>> -> memref<1x640xf32, #tpu.memory_space<hbm>>
      %dma_start3A_32 = tpu.memref_squeeze %dma_start3A_31 : memref<1x640xf32, #tpu.memory_space<hbm>> -> memref<640xf32, #tpu.memory_space<hbm>>
      %dma_start3A_33 = arith.constant 0 : i32
      %dma_start3A_34 = tpu.memref_slice %arg5[%dma_start3A_33] : memref<10240xf32, #tpu.memory_space<vmem>> -> memref<640xf32, #tpu.memory_space<vmem>>
      tpu.enqueue_dma source(%dma_start3A_34 : memref<640xf32, #tpu.memory_space<vmem>>) target(%dma_start3A_32 : memref<640xf32, #tpu.memory_space<hbm>>) target_semaphore(%run_scoped3A : memref<!tpu.dma_semaphore, #tpu.memory_space<semaphore_mem>>)
      %dma_wait3A = arith.constant 0 : i32
      %dma_wait3A_35 = tpu.memref_slice %arg5[%dma_wait3A] : memref<10240xf32, #tpu.memory_space<vmem>> -> memref<640xf32, #tpu.memory_space<vmem>>
      %dma_wait3A_36 = tpu.memref_slice %arg3[%arg0, %mul3A_20] : memref<2x10240xf32, #tpu.memory_space<hbm>> -> memref<1x640xf32, #tpu.memory_space<hbm>>
      %dma_wait3A_37 = tpu.memref_squeeze %dma_wait3A_36 : memref<1x640xf32, #tpu.memory_space<hbm>> -> memref<640xf32, #tpu.memory_space<hbm>>
      %dma_wait3A_38 = tpu.memref_slice %arg3[%arg0, %mul3A_20] : memref<2x10240xf32, #tpu.memory_space<hbm>> -> memref<1x640xf32, #tpu.memory_space<hbm>>
      %dma_wait3A_39 = tpu.memref_squeeze %dma_wait3A_38 : memref<1x640xf32, #tpu.memory_space<hbm>> -> memref<640xf32, #tpu.memory_space<hbm>>
      %dma_wait3A_40 = arith.constant 0 : i32
      %dma_wait3A_41 = tpu.memref_slice %arg5[%dma_wait3A_40] : memref<10240xf32, #tpu.memory_space<vmem>> -> memref<640xf32, #tpu.memory_space<vmem>>
      tpu.wait_dma2 semaphore(%run_scoped3A : memref<!tpu.dma_semaphore, #tpu.memory_space<semaphore_mem>>) src(%dma_wait3A_41 : memref<640xf32, #tpu.memory_space<vmem>>) dst(%dma_wait3A_39 : memref<640xf32, #tpu.memory_space<hbm>>)
      tpu.yield
    }) : () -> ()
    return
  }
}

#map = affine_map<(d0, d1) -> (0, 0)>
#map1 = affine_map<(d0, d1) -> (0, 0, 0)>
module attributes {stable_mosaic.version = 14 : i64} {
  func.func @_scat_body(%arg0: i32, %arg1: i32, %arg2: memref<2560x128xi32, #tpu.memory_space<hbm>>, %arg3: memref<2560x128xi32, #tpu.memory_space<hbm>>, %arg4: memref<10240x48xf32, #tpu.memory_space<hbm>>, %arg5: memref<2x10240x48xf32, #tpu.memory_space<hbm>>, %arg6: memref<128xi32, #tpu.memory_space<vmem>>, %arg7: memref<128xi32, #tpu.memory_space<vmem>>, %arg8: memref<128xi32, #tpu.memory_space<vmem>>, %arg9: memref<128xi32, #tpu.memory_space<vmem>>, %arg10: memref<128xi32, #tpu.memory_space<vmem>>, %arg11: memref<128xi32, #tpu.memory_space<vmem>>, %arg12: memref<128xi32, #tpu.memory_space<vmem>>, %arg13: memref<128xi32, #tpu.memory_space<vmem>>, %arg14: memref<128xi32, #tpu.memory_space<vmem>>, %arg15: memref<128xi32, #tpu.memory_space<vmem>>, %arg16: memref<128xi32, #tpu.memory_space<vmem>>, %arg17: memref<128xi32, #tpu.memory_space<vmem>>, %arg18: memref<128xi32, #tpu.memory_space<vmem>>, %arg19: memref<128xi32, #tpu.memory_space<vmem>>, %arg20: memref<128xi32, #tpu.memory_space<vmem>>, %arg21: memref<128xi32, #tpu.memory_space<vmem>>, %arg22: memref<128x48xf32, #tpu.memory_space<vmem>>, %arg23: memref<128x48xf32, #tpu.memory_space<vmem>>, %arg24: memref<128x48xf32, #tpu.memory_space<vmem>>, %arg25: memref<128x48xf32, #tpu.memory_space<vmem>>, %arg26: memref<10240x48xf32, #tpu.memory_space<vmem_shared>>, %arg27: memref<!tpu.dma_semaphore, #tpu.memory_space<semaphore_mem>>, %arg28: memref<!tpu.dma_semaphore, #tpu.memory_space<semaphore_mem>>, %arg29: memref<!tpu.dma_semaphore, #tpu.memory_space<semaphore_mem>>, %arg30: memref<!tpu.dma_semaphore, #tpu.memory_space<semaphore_mem>>, %arg31: memref<!tpu.dma_semaphore, #tpu.memory_space<semaphore_mem>>, %arg32: memref<!tpu.dma_semaphore, #tpu.memory_space<semaphore_mem>>, %arg33: memref<!tpu.dma_semaphore, #tpu.memory_space<semaphore_mem>>, %arg34: memref<!tpu.dma_semaphore, #tpu.memory_space<semaphore_mem>>, %arg35: memref<!tpu.dma_semaphore, #tpu.memory_space<semaphore_mem>>, %arg36: memref<!tpu.dma_semaphore, #tpu.memory_space<semaphore_mem>>, %arg37: memref<!tpu.dma_semaphore, #tpu.memory_space<semaphore_mem>>, %arg38: memref<!tpu.dma_semaphore, #tpu.memory_space<semaphore_mem>>, %arg39: memref<!tpu.dma_semaphore, #tpu.memory_space<semaphore_mem>>, %arg40: memref<!tpu.dma_semaphore, #tpu.memory_space<semaphore_mem>>, %arg41: memref<!tpu.dma_semaphore, #tpu.memory_space<semaphore_mem>>, %arg42: memref<!tpu.dma_semaphore, #tpu.memory_space<semaphore_mem>>) attributes {dimension_semantics = [#tpu.dimension_semantics<core_parallel>, #tpu.dimension_semantics<subcore_parallel>], iteration_bounds = array<i64: 2, 16>, scalar_prefetch = 0 : i64, scratch_operands = 37 : i64, tpu.core_type = #tpu.core_type<sc_vector_subcore>, window_params = [{transform_indices = #map}, {transform_indices = #map}, {transform_indices = #map}, {transform_indices = #map1}]} {
    %mul3A = arith.constant 160 : i32
    %mul3A_0 = arith.muli %arg1, %mul3A : i32
    %mul3A_1 = arith.constant 120 : i32
    %mul3A_2 = arith.muli %arg0, %mul3A_1 : i32
    %add3A = arith.addi %mul3A_0, %mul3A_2 : i32
    %eq3A = arith.constant 0 : i32
    %eq3A_3 = arith.cmpi eq, %arg0, %eq3A : i32
    %jit3A = arith.constant 120 : i32
    %jit3A_4 = arith.constant 40 : i32
    %select_n3A = arith.select %eq3A_3, %jit3A, %jit3A_4 : i32
    %broadcast_in_dim3A = arith.constant 0.000000e+00 : f32
    %broadcast_in_dim3A_5 = vector.broadcast %broadcast_in_dim3A : f32 to vector<16xf32>
    %scan3A = arith.constant 0 : i32
    %scan3A_6 = arith.constant 0 : i32
    %scan3A_7 = arith.constant 128 : i32
    %scan3A_8 = arith.addi %scan3A_6, %scan3A_7 : i32
    %scan3A_9 = arith.constant 1 : i32
    %scan3A_10 = scf.for %scan3A_129 = %scan3A_6 to %scan3A_8 step %scan3A_9 iter_args(%scan3A_130 = %scan3A) -> (i32)  : i32 {
      %scan3A_131 = arith.constant 0 : i32
      %scan3A_132 = arith.constant 0 : i32
      %scan3A_133 = arith.constant 3 : i32
      %scan3A_134 = arith.addi %scan3A_132, %scan3A_133 : i32
      %scan3A_135 = arith.constant 1 : i32
      %scan3A_136 = scf.for %scan3A_139 = %scan3A_132 to %scan3A_134 step %scan3A_135 iter_args(%scan3A_140 = %scan3A_131) -> (i32)  : i32 {
        %mul3A_141 = arith.constant 16 : i32
        %mul3A_142 = arith.muli %scan3A_139, %mul3A_141 : i32
        %swap3A = arith.index_cast %scan3A_129 : i32 to index
        %swap3A_143 = arith.index_cast %mul3A_142 : i32 to index
        %swap3A_144 = tpu.vector_load %arg22[%swap3A, %swap3A_143] {strides = array<i32>} : memref<128x48xf32, #tpu.memory_space<vmem>>, vector<1x16xf32>,
        %swap3A_145 = vector.shape_cast %swap3A_144 : vector<1x16xf32> to vector<16xf32>
        %swap3A_146 = vector.shape_cast %broadcast_in_dim3A_5 : vector<16xf32> to vector<1x16xf32>
        tpu.vector_store %arg22[%swap3A, %swap3A_143], %swap3A_146 {strides = array<i32>} : memref<128x48xf32, #tpu.memory_space<vmem>>, vector<1x16xf32>,
        %scan3A_147 = arith.constant 0 : i32
        scf.yield %scan3A_147 : i32
      }
      %scan3A_137 = arith.constant 3 : i32
      %scan3A_138 = arith.constant 0 : i32
      scf.yield %scan3A_138 : i32
    }
    %scan3A_11 = arith.constant 128 : i32
    %mul3A_12 = arith.constant 640 : i32
    %mul3A_13 = arith.muli %arg1, %mul3A_12 : i32
    %scan3A_14 = arith.constant 0 : i32
    %scan3A_15 = arith.constant 0 : i32
    %scan3A_16 = arith.constant 5 : i32
    %scan3A_17 = arith.addi %scan3A_15, %scan3A_16 : i32
    %scan3A_18 = arith.constant 1 : i32
    %scan3A_19 = scf.for %scan3A_129 = %scan3A_15 to %scan3A_17 step %scan3A_18 iter_args(%scan3A_130 = %scan3A_14) -> (i32)  : i32 {
      %mul3A_131 = arith.constant 128 : i32
      %mul3A_132 = arith.muli %scan3A_129, %mul3A_131 : i32
      %add3A_133 = arith.addi %mul3A_13, %mul3A_132 : i32
      "tpu.region"() ({
        %run_scoped3A = tpu.sem_alloc : memref<!tpu.dma_semaphore, #tpu.memory_space<semaphore_mem>>
        %dma_start3A_135 = arith.constant 0 : i32
        %dma_start3A_136 = tpu.memref_slice %arg26[%add3A_133, %dma_start3A_135] : memref<10240x48xf32, #tpu.memory_space<vmem_shared>> -> memref<128x48xf32, #tpu.memory_space<vmem_shared>>
        %dma_start3A_137 = arith.constant 0 : i32
        %dma_start3A_138 = tpu.memref_slice %arg26[%add3A_133, %dma_start3A_137] : memref<10240x48xf32, #tpu.memory_space<vmem_shared>> -> memref<128x48xf32, #tpu.memory_space<vmem_shared>>
        tpu.enqueue_dma source(%arg22 : memref<128x48xf32, #tpu.memory_space<vmem>>) target(%dma_start3A_138 : memref<128x48xf32, #tpu.memory_space<vmem_shared>>) target_semaphore(%run_scoped3A : memref<!tpu.dma_semaphore, #tpu.memory_space<semaphore_mem>>)
        %dma_wait3A_139 = arith.constant 0 : i32
        %dma_wait3A_140 = tpu.memref_slice %arg26[%add3A_133, %dma_wait3A_139] : memref<10240x48xf32, #tpu.memory_space<vmem_shared>> -> memref<128x48xf32, #tpu.memory_space<vmem_shared>>
        %dma_wait3A_141 = arith.constant 0 : i32
        %dma_wait3A_142 = tpu.memref_slice %arg26[%add3A_133, %dma_wait3A_141] : memref<10240x48xf32, #tpu.memory_space<vmem_shared>> -> memref<128x48xf32, #tpu.memory_space<vmem_shared>>
        tpu.wait_dma2 semaphore(%run_scoped3A : memref<!tpu.dma_semaphore, #tpu.memory_space<semaphore_mem>>) src(%arg22 : memref<128x48xf32, #tpu.memory_space<vmem>>) dst(%dma_wait3A_142 : memref<128x48xf32, #tpu.memory_space<vmem_shared>>)
        tpu.yield
      }) : () -> ()
      %scan3A_134 = arith.constant 0 : i32
      scf.yield %scan3A_134 : i32
    }
    %scan3A_20 = arith.constant 5 : i32
    %barrier3A = arith.constant 0 : index
    tpu.barrier barrier_id(%barrier3A)
    %add3A_21 = arith.constant 0 : i32
    %add3A_22 = arith.addi %add3A, %add3A_21 : i32
    %dma_start3A = arith.constant 0 : i32
    %dma_start3A_23 = tpu.memref_slice %arg2[%add3A_22, %dma_start3A] : memref<2560x128xi32, #tpu.memory_space<hbm>> -> memref<1x128xi32, #tpu.memory_space<hbm>>
    %dma_start3A_24 = tpu.memref_squeeze %dma_start3A_23 : memref<1x128xi32, #tpu.memory_space<hbm>> -> memref<128xi32, #tpu.memory_space<hbm>>
    %dma_start3A_25 = arith.constant 0 : i32
    %dma_start3A_26 = tpu.memref_slice %arg2[%add3A_22, %dma_start3A_25] : memref<2560x128xi32, #tpu.memory_space<hbm>> -> memref<1x128xi32, #tpu.memory_space<hbm>>
    %dma_start3A_27 = tpu.memref_squeeze %dma_start3A_26 : memref<1x128xi32, #tpu.memory_space<hbm>> -> memref<128xi32, #tpu.memory_space<hbm>>
    tpu.enqueue_dma source(%dma_start3A_27 : memref<128xi32, #tpu.memory_space<hbm>>) target(%arg6 : memref<128xi32, #tpu.memory_space<vmem>>) target_semaphore(%arg35 : memref<!tpu.dma_semaphore, #tpu.memory_space<semaphore_mem>>)
    %add3A_28 = arith.constant 0 : i32
    %add3A_29 = arith.addi %add3A, %add3A_28 : i32
    %dma_start3A_30 = arith.constant 0 : i32
    %dma_start3A_31 = tpu.memref_slice %arg3[%add3A_29, %dma_start3A_30] : memref<2560x128xi32, #tpu.memory_space<hbm>> -> memref<1x128xi32, #tpu.memory_space<hbm>>
    %dma_start3A_32 = tpu.memref_squeeze %dma_start3A_31 : memref<1x128xi32, #tpu.memory_space<hbm>> -> memref<128xi32, #tpu.memory_space<hbm>>
    %dma_start3A_33 = arith.constant 0 : i32
    %dma_start3A_34 = tpu.memref_slice %arg3[%add3A_29, %dma_start3A_33] : memref<2560x128xi32, #tpu.memory_space<hbm>> -> memref<1x128xi32, #tpu.memory_space<hbm>>
    %dma_start3A_35 = tpu.memref_squeeze %dma_start3A_34 : memref<1x128xi32, #tpu.memory_space<hbm>> -> memref<128xi32, #tpu.memory_space<hbm>>
    tpu.enqueue_dma source(%dma_start3A_35 : memref<128xi32, #tpu.memory_space<hbm>>) target(%arg14 : memref<128xi32, #tpu.memory_space<vmem>>) target_semaphore(%arg35 : memref<!tpu.dma_semaphore, #tpu.memory_space<semaphore_mem>>)
    %add3A_36 = arith.constant 1 : i32
    %add3A_37 = arith.addi %add3A, %add3A_36 : i32
    %dma_start3A_38 = arith.constant 0 : i32
    %dma_start3A_39 = tpu.memref_slice %arg2[%add3A_37, %dma_start3A_38] : memref<2560x128xi32, #tpu.memory_space<hbm>> -> memref<1x128xi32, #tpu.memory_space<hbm>>
    %dma_start3A_40 = tpu.memref_squeeze %dma_start3A_39 : memref<1x128xi32, #tpu.memory_space<hbm>> -> memref<128xi32, #tpu.memory_space<hbm>>
    %dma_start3A_41 = arith.constant 0 : i32
    %dma_start3A_42 = tpu.memref_slice %arg2[%add3A_37, %dma_start3A_41] : memref<2560x128xi32, #tpu.memory_space<hbm>> -> memref<1x128xi32, #tpu.memory_space<hbm>>
    %dma_start3A_43 = tpu.memref_squeeze %dma_start3A_42 : memref<1x128xi32, #tpu.memory_space<hbm>> -> memref<128xi32, #tpu.memory_space<hbm>>
    tpu.enqueue_dma source(%dma_start3A_43 : memref<128xi32, #tpu.memory_space<hbm>>) target(%arg7 : memref<128xi32, #tpu.memory_space<vmem>>) target_semaphore(%arg36 : memref<!tpu.dma_semaphore, #tpu.memory_space<semaphore_mem>>)
    %add3A_44 = arith.constant 1 : i32
    %add3A_45 = arith.addi %add3A, %add3A_44 : i32
    %dma_start3A_46 = arith.constant 0 : i32
    %dma_start3A_47 = tpu.memref_slice %arg3[%add3A_45, %dma_start3A_46] : memref<2560x128xi32, #tpu.memory_space<hbm>> -> memref<1x128xi32, #tpu.memory_space<hbm>>
    %dma_start3A_48 = tpu.memref_squeeze %dma_start3A_47 : memref<1x128xi32, #tpu.memory_space<hbm>> -> memref<128xi32, #tpu.memory_space<hbm>>
    %dma_start3A_49 = arith.constant 0 : i32
    %dma_start3A_50 = tpu.memref_slice %arg3[%add3A_45, %dma_start3A_49] : memref<2560x128xi32, #tpu.memory_space<hbm>> -> memref<1x128xi32, #tpu.memory_space<hbm>>
    %dma_start3A_51 = tpu.memref_squeeze %dma_start3A_50 : memref<1x128xi32, #tpu.memory_space<hbm>> -> memref<128xi32, #tpu.memory_space<hbm>>
    tpu.enqueue_dma source(%dma_start3A_51 : memref<128xi32, #tpu.memory_space<hbm>>) target(%arg15 : memref<128xi32, #tpu.memory_space<vmem>>) target_semaphore(%arg36 : memref<!tpu.dma_semaphore, #tpu.memory_space<semaphore_mem>>)
    %add3A_52 = arith.constant 2 : i32
    %add3A_53 = arith.addi %add3A, %add3A_52 : i32
    %dma_start3A_54 = arith.constant 0 : i32
    %dma_start3A_55 = tpu.memref_slice %arg2[%add3A_53, %dma_start3A_54] : memref<2560x128xi32, #tpu.memory_space<hbm>> -> memref<1x128xi32, #tpu.memory_space<hbm>>
    %dma_start3A_56 = tpu.memref_squeeze %dma_start3A_55 : memref<1x128xi32, #tpu.memory_space<hbm>> -> memref<128xi32, #tpu.memory_space<hbm>>
    %dma_start3A_57 = arith.constant 0 : i32
    %dma_start3A_58 = tpu.memref_slice %arg2[%add3A_53, %dma_start3A_57] : memref<2560x128xi32, #tpu.memory_space<hbm>> -> memref<1x128xi32, #tpu.memory_space<hbm>>
    %dma_start3A_59 = tpu.memref_squeeze %dma_start3A_58 : memref<1x128xi32, #tpu.memory_space<hbm>> -> memref<128xi32, #tpu.memory_space<hbm>>
    tpu.enqueue_dma source(%dma_start3A_59 : memref<128xi32, #tpu.memory_space<hbm>>) target(%arg8 : memref<128xi32, #tpu.memory_space<vmem>>) target_semaphore(%arg37 : memref<!tpu.dma_semaphore, #tpu.memory_space<semaphore_mem>>)
    %add3A_60 = arith.constant 2 : i32
    %add3A_61 = arith.addi %add3A, %add3A_60 : i32
    %dma_start3A_62 = arith.constant 0 : i32
    %dma_start3A_63 = tpu.memref_slice %arg3[%add3A_61, %dma_start3A_62] : memref<2560x128xi32, #tpu.memory_space<hbm>> -> memref<1x128xi32, #tpu.memory_space<hbm>>
    %dma_start3A_64 = tpu.memref_squeeze %dma_start3A_63 : memref<1x128xi32, #tpu.memory_space<hbm>> -> memref<128xi32, #tpu.memory_space<hbm>>
    %dma_start3A_65 = arith.constant 0 : i32
    %dma_start3A_66 = tpu.memref_slice %arg3[%add3A_61, %dma_start3A_65] : memref<2560x128xi32, #tpu.memory_space<hbm>> -> memref<1x128xi32, #tpu.memory_space<hbm>>
    %dma_start3A_67 = tpu.memref_squeeze %dma_start3A_66 : memref<1x128xi32, #tpu.memory_space<hbm>> -> memref<128xi32, #tpu.memory_space<hbm>>
    tpu.enqueue_dma source(%dma_start3A_67 : memref<128xi32, #tpu.memory_space<hbm>>) target(%arg16 : memref<128xi32, #tpu.memory_space<vmem>>) target_semaphore(%arg37 : memref<!tpu.dma_semaphore, #tpu.memory_space<semaphore_mem>>)
    %add3A_68 = arith.constant 3 : i32
    %add3A_69 = arith.addi %add3A, %add3A_68 : i32
    %dma_start3A_70 = arith.constant 0 : i32
    %dma_start3A_71 = tpu.memref_slice %arg2[%add3A_69, %dma_start3A_70] : memref<2560x128xi32, #tpu.memory_space<hbm>> -> memref<1x128xi32, #tpu.memory_space<hbm>>
    %dma_start3A_72 = tpu.memref_squeeze %dma_start3A_71 : memref<1x128xi32, #tpu.memory_space<hbm>> -> memref<128xi32, #tpu.memory_space<hbm>>
    %dma_start3A_73 = arith.constant 0 : i32
    %dma_start3A_74 = tpu.memref_slice %arg2[%add3A_69, %dma_start3A_73] : memref<2560x128xi32, #tpu.memory_space<hbm>> -> memref<1x128xi32, #tpu.memory_space<hbm>>
    %dma_start3A_75 = tpu.memref_squeeze %dma_start3A_74 : memref<1x128xi32, #tpu.memory_space<hbm>> -> memref<128xi32, #tpu.memory_space<hbm>>
    tpu.enqueue_dma source(%dma_start3A_75 : memref<128xi32, #tpu.memory_space<hbm>>) target(%arg9 : memref<128xi32, #tpu.memory_space<vmem>>) target_semaphore(%arg38 : memref<!tpu.dma_semaphore, #tpu.memory_space<semaphore_mem>>)
    %add3A_76 = arith.constant 3 : i32
    %add3A_77 = arith.addi %add3A, %add3A_76 : i32
    %dma_start3A_78 = arith.constant 0 : i32
    %dma_start3A_79 = tpu.memref_slice %arg3[%add3A_77, %dma_start3A_78] : memref<2560x128xi32, #tpu.memory_space<hbm>> -> memref<1x128xi32, #tpu.memory_space<hbm>>
    %dma_start3A_80 = tpu.memref_squeeze %dma_start3A_79 : memref<1x128xi32, #tpu.memory_space<hbm>> -> memref<128xi32, #tpu.memory_space<hbm>>
    %dma_start3A_81 = arith.constant 0 : i32
    %dma_start3A_82 = tpu.memref_slice %arg3[%add3A_77, %dma_start3A_81] : memref<2560x128xi32, #tpu.memory_space<hbm>> -> memref<1x128xi32, #tpu.memory_space<hbm>>
    %dma_start3A_83 = tpu.memref_squeeze %dma_start3A_82 : memref<1x128xi32, #tpu.memory_space<hbm>> -> memref<128xi32, #tpu.memory_space<hbm>>
    tpu.enqueue_dma source(%dma_start3A_83 : memref<128xi32, #tpu.memory_space<hbm>>) target(%arg17 : memref<128xi32, #tpu.memory_space<vmem>>) target_semaphore(%arg38 : memref<!tpu.dma_semaphore, #tpu.memory_space<semaphore_mem>>)
    %add3A_84 = arith.constant 0 : i32
    %add3A_85 = arith.addi %add3A, %add3A_84 : i32
    %dma_wait3A = arith.constant 0 : i32
    %dma_wait3A_86 = tpu.memref_slice %arg2[%add3A_85, %dma_wait3A] : memref<2560x128xi32, #tpu.memory_space<hbm>> -> memref<1x128xi32, #tpu.memory_space<hbm>>
    %dma_wait3A_87 = tpu.memref_squeeze %dma_wait3A_86 : memref<1x128xi32, #tpu.memory_space<hbm>> -> memref<128xi32, #tpu.memory_space<hbm>>
    %dma_wait3A_88 = arith.constant 0 : i32
    %dma_wait3A_89 = tpu.memref_slice %arg2[%add3A_85, %dma_wait3A_88] : memref<2560x128xi32, #tpu.memory_space<hbm>> -> memref<1x128xi32, #tpu.memory_space<hbm>>
    %dma_wait3A_90 = tpu.memref_squeeze %dma_wait3A_89 : memref<1x128xi32, #tpu.memory_space<hbm>> -> memref<128xi32, #tpu.memory_space<hbm>>
    tpu.wait_dma2 semaphore(%arg35 : memref<!tpu.dma_semaphore, #tpu.memory_space<semaphore_mem>>) src(%dma_wait3A_90 : memref<128xi32, #tpu.memory_space<hbm>>) dst(%arg6 : memref<128xi32, #tpu.memory_space<vmem>>)
    %add3A_91 = arith.constant 0 : i32
    %add3A_92 = arith.addi %add3A, %add3A_91 : i32
    %dma_wait3A_93 = arith.constant 0 : i32
    %dma_wait3A_94 = tpu.memref_slice %arg3[%add3A_92, %dma_wait3A_93] : memref<2560x128xi32, #tpu.memory_space<hbm>> -> memref<1x128xi32, #tpu.memory_space<hbm>>
    %dma_wait3A_95 = tpu.memref_squeeze %dma_wait3A_94 : memref<1x128xi32, #tpu.memory_space<hbm>> -> memref<128xi32, #tpu.memory_space<hbm>>
    %dma_wait3A_96 = arith.constant 0 : i32
    %dma_wait3A_97 = tpu.memref_slice %arg3[%add3A_92, %dma_wait3A_96] : memref<2560x128xi32, #tpu.memory_space<hbm>> -> memref<1x128xi32, #tpu.memory_space<hbm>>
    %dma_wait3A_98 = tpu.memref_squeeze %dma_wait3A_97 : memref<1x128xi32, #tpu.memory_space<hbm>> -> memref<128xi32, #tpu.memory_space<hbm>>
    tpu.wait_dma2 semaphore(%arg35 : memref<!tpu.dma_semaphore, #tpu.memory_space<semaphore_mem>>) src(%dma_wait3A_98 : memref<128xi32, #tpu.memory_space<hbm>>) dst(%arg14 : memref<128xi32, #tpu.memory_space<vmem>>)
    %dma_start3A_99 = arith.constant 0 : i32
    %dma_start3A_100 = arith.constant 0 : i32
    %dma_start3A_101 = tpu.memref_slice %arg4[%dma_start3A_99, %dma_start3A_100] : memref<10240x48xf32, #tpu.memory_space<hbm>> -> memref<10240x48xf32, #tpu.memory_space<hbm>>
    tpu.enqueue_indirect_dma source(%dma_start3A_101 : memref<10240x48xf32, #tpu.memory_space<hbm>>) target(%arg22 : memref<128x48xf32, #tpu.memory_space<vmem>>) offsets(%arg6 : memref<128xi32, #tpu.memory_space<vmem>>) semaphore(%arg27 : memref<!tpu.dma_semaphore, #tpu.memory_space<semaphore_mem>>)
    %add3A_102 = arith.constant 1 : i32
    %add3A_103 = arith.addi %add3A, %add3A_102 : i32
    %dma_wait3A_104 = arith.constant 0 : i32
    %dma_wait3A_105 = tpu.memref_slice %arg2[%add3A_103, %dma_wait3A_104] : memref<2560x128xi32, #tpu.memory_space<hbm>> -> memref<1x128xi32, #tpu.memory_space<hbm>>
    %dma_wait3A_106 = tpu.memref_squeeze %dma_wait3A_105 : memref<1x128xi32, #tpu.memory_space<hbm>> -> memref<128xi32, #tpu.memory_space<hbm>>
    %dma_wait3A_107 = arith.constant 0 : i32
    %dma_wait3A_108 = tpu.memref_slice %arg2[%add3A_103, %dma_wait3A_107] : memref<2560x128xi32, #tpu.memory_space<hbm>> -> memref<1x128xi32, #tpu.memory_space<hbm>>
    %dma_wait3A_109 = tpu.memref_squeeze %dma_wait3A_108 : memref<1x128xi32, #tpu.memory_space<hbm>> -> memref<128xi32, #tpu.memory_space<hbm>>
    tpu.wait_dma2 semaphore(%arg36 : memref<!tpu.dma_semaphore, #tpu.memory_space<semaphore_mem>>) src(%dma_wait3A_109 : memref<128xi32, #tpu.memory_space<hbm>>) dst(%arg7 : memref<128xi32, #tpu.memory_space<vmem>>)
    %add3A_110 = arith.constant 1 : i32
    %add3A_111 = arith.addi %add3A, %add3A_110 : i32
    %dma_wait3A_112 = arith.constant 0 : i32
    %dma_wait3A_113 = tpu.memref_slice %arg3[%add3A_111, %dma_wait3A_112] : memref<2560x128xi32, #tpu.memory_space<hbm>> -> memref<1x128xi32, #tpu.memory_space<hbm>>
    %dma_wait3A_114 = tpu.memref_squeeze %dma_wait3A_113 : memref<1x128xi32, #tpu.memory_space<hbm>> -> memref<128xi32, #tpu.memory_space<hbm>>
    %dma_wait3A_115 = arith.constant 0 : i32
    %dma_wait3A_116 = tpu.memref_slice %arg3[%add3A_111, %dma_wait3A_115] : memref<2560x128xi32, #tpu.memory_space<hbm>> -> memref<1x128xi32, #tpu.memory_space<hbm>>
    %dma_wait3A_117 = tpu.memref_squeeze %dma_wait3A_116 : memref<1x128xi32, #tpu.memory_space<hbm>> -> memref<128xi32, #tpu.memory_space<hbm>>
    tpu.wait_dma2 semaphore(%arg36 : memref<!tpu.dma_semaphore, #tpu.memory_space<semaphore_mem>>) src(%dma_wait3A_117 : memref<128xi32, #tpu.memory_space<hbm>>) dst(%arg15 : memref<128xi32, #tpu.memory_space<vmem>>)
    %dma_start3A_118 = arith.constant 0 : i32
    %dma_start3A_119 = arith.constant 0 : i32
    %dma_start3A_120 = tpu.memref_slice %arg4[%dma_start3A_118, %dma_start3A_119] : memref<10240x48xf32, #tpu.memory_space<hbm>> -> memref<10240x48xf32, #tpu.memory_space<hbm>>
    tpu.enqueue_indirect_dma source(%dma_start3A_120 : memref<10240x48xf32, #tpu.memory_space<hbm>>) target(%arg23 : memref<128x48xf32, #tpu.memory_space<vmem>>) offsets(%arg7 : memref<128xi32, #tpu.memory_space<vmem>>) semaphore(%arg28 : memref<!tpu.dma_semaphore, #tpu.memory_space<semaphore_mem>>)
    %scan3A_121 = arith.constant 0 : i32
    %scan3A_122 = arith.constant 0 : i32
    %scan3A_123 = arith.constant 16 : i32
    %scan3A_124 = arith.addi %scan3A_122, %scan3A_123 : i32
    %scan3A_125 = arith.constant 1 : i32
    %scan3A_126 = scf.for %scan3A_129 = %scan3A_122 to %scan3A_124 step %scan3A_125 iter_args(%scan3A_130 = %scan3A_121) -> (i32)  : i32 {
      %mul3A_131 = arith.constant 8 : i32
      %mul3A_132 = arith.muli %mul3A_131, %scan3A_129 : i32
      %add3A_133 = arith.constant 0 : i32
      %add3A_134 = arith.addi %mul3A_132, %add3A_133 : i32
      %ge3A = arith.constant 1 : i32
      %ge3A_135 = arith.cmpi sge, %add3A_134, %ge3A : i32
      %add3A_136 = arith.constant 1 : i32
      %add3A_137 = arith.addi %select_n3A, %add3A_136 : i32
      %lt3A = arith.cmpi slt, %add3A_134, %add3A_137 : i32
      %and3A = arith.andi %ge3A_135, %lt3A : i1
      %convert_element_type3A = arith.extui %and3A : i1 to i32
      %cond3A = arith.constant 0 : i32
      %cond3A_138 = arith.cmpi ne, %convert_element_type3A, %cond3A : i32
      scf.if %cond3A_138 {
        %dma_wait3A_359 = arith.constant 0 : i32
        %dma_wait3A_360 = arith.constant 0 : i32
        %dma_wait3A_361 = tpu.memref_slice %arg26[%dma_wait3A_359, %dma_wait3A_360] : memref<10240x48xf32, #tpu.memory_space<vmem_shared>> -> memref<10240x48xf32, #tpu.memory_space<vmem_shared>>
        tpu.wait_indirect_dma semaphore(%arg34 : memref<!tpu.dma_semaphore, #tpu.memory_space<semaphore_mem>>) src(%arg25 : memref<128x48xf32, #tpu.memory_space<vmem>>) dst(%dma_wait3A_361 : memref<10240x48xf32, #tpu.memory_space<vmem_shared>>)
      } else {
      }
      %lt3A_139 = arith.cmpi slt, %add3A_134, %select_n3A : i32
      %convert_element_type3A_140 = arith.extui %lt3A_139 : i1 to i32
      %cond3A_141 = arith.constant 0 : i32
      %cond3A_142 = arith.cmpi ne, %convert_element_type3A_140, %cond3A_141 : i32
      scf.if %cond3A_142 {
        %dma_wait3A_359 = arith.constant 0 : i32
        %dma_wait3A_360 = arith.constant 0 : i32
        %dma_wait3A_361 = tpu.memref_slice %arg4[%dma_wait3A_359, %dma_wait3A_360] : memref<10240x48xf32, #tpu.memory_space<hbm>> -> memref<10240x48xf32, #tpu.memory_space<hbm>>
        tpu.wait_indirect_dma semaphore(%arg27 : memref<!tpu.dma_semaphore, #tpu.memory_space<semaphore_mem>>) src(%dma_wait3A_361 : memref<10240x48xf32, #tpu.memory_space<hbm>>) dst(%arg22 : memref<128x48xf32, #tpu.memory_space<vmem>>)
        %dma_start3A_362 = arith.constant 0 : i32
        %dma_start3A_363 = arith.constant 0 : i32
        %dma_start3A_364 = tpu.memref_slice %arg26[%dma_start3A_362, %dma_start3A_363] : memref<10240x48xf32, #tpu.memory_space<vmem_shared>> -> memref<10240x48xf32, #tpu.memory_space<vmem_shared>>
        tpu.enqueue_indirect_dma source(%arg22 : memref<128x48xf32, #tpu.memory_space<vmem>>) target(%dma_start3A_364 : memref<10240x48xf32, #tpu.memory_space<vmem_shared>>) offsets(%arg14 : memref<128xi32, #tpu.memory_space<vmem>>) semaphore(%arg31 : memref<!tpu.dma_semaphore, #tpu.memory_space<semaphore_mem>>) {add = true}
      } else {
      }
      %add3A_143 = arith.constant 2 : i32
      %add3A_144 = arith.addi %add3A_134, %add3A_143 : i32
      %lt3A_145 = arith.cmpi slt, %add3A_144, %select_n3A : i32
      %convert_element_type3A_146 = arith.extui %lt3A_145 : i1 to i32
      %cond3A_147 = arith.constant 0 : i32
      %cond3A_148 = arith.cmpi ne, %convert_element_type3A_146, %cond3A_147 : i32
      scf.if %cond3A_148 {
        %add3A_359 = arith.constant 2 : i32
        %add3A_360 = arith.addi %add3A_134, %add3A_359 : i32
        %add3A_361 = arith.addi %add3A, %add3A_360 : i32
        %dma_wait3A_362 = arith.constant 0 : i32
        %dma_wait3A_363 = tpu.memref_slice %arg2[%add3A_361, %dma_wait3A_362] : memref<2560x128xi32, #tpu.memory_space<hbm>> -> memref<1x128xi32, #tpu.memory_space<hbm>>
        %dma_wait3A_364 = tpu.memref_squeeze %dma_wait3A_363 : memref<1x128xi32, #tpu.memory_space<hbm>> -> memref<128xi32, #tpu.memory_space<hbm>>
        %dma_wait3A_365 = arith.constant 0 : i32
        %dma_wait3A_366 = tpu.memref_slice %arg2[%add3A_361, %dma_wait3A_365] : memref<2560x128xi32, #tpu.memory_space<hbm>> -> memref<1x128xi32, #tpu.memory_space<hbm>>
        %dma_wait3A_367 = tpu.memref_squeeze %dma_wait3A_366 : memref<1x128xi32, #tpu.memory_space<hbm>> -> memref<128xi32, #tpu.memory_space<hbm>>
        tpu.wait_dma2 semaphore(%arg37 : memref<!tpu.dma_semaphore, #tpu.memory_space<semaphore_mem>>) src(%dma_wait3A_367 : memref<128xi32, #tpu.memory_space<hbm>>) dst(%arg8 : memref<128xi32, #tpu.memory_space<vmem>>)
        %add3A_368 = arith.addi %add3A, %add3A_360 : i32
        %dma_wait3A_369 = arith.constant 0 : i32
        %dma_wait3A_370 = tpu.memref_slice %arg3[%add3A_368, %dma_wait3A_369] : memref<2560x128xi32, #tpu.memory_space<hbm>> -> memref<1x128xi32, #tpu.memory_space<hbm>>
        %dma_wait3A_371 = tpu.memref_squeeze %dma_wait3A_370 : memref<1x128xi32, #tpu.memory_space<hbm>> -> memref<128xi32, #tpu.memory_space<hbm>>
        %dma_wait3A_372 = arith.constant 0 : i32
        %dma_wait3A_373 = tpu.memref_slice %arg3[%add3A_368, %dma_wait3A_372] : memref<2560x128xi32, #tpu.memory_space<hbm>> -> memref<1x128xi32, #tpu.memory_space<hbm>>
        %dma_wait3A_374 = tpu.memref_squeeze %dma_wait3A_373 : memref<1x128xi32, #tpu.memory_space<hbm>> -> memref<128xi32, #tpu.memory_space<hbm>>
        tpu.wait_dma2 semaphore(%arg37 : memref<!tpu.dma_semaphore, #tpu.memory_space<semaphore_mem>>) src(%dma_wait3A_374 : memref<128xi32, #tpu.memory_space<hbm>>) dst(%arg16 : memref<128xi32, #tpu.memory_space<vmem>>)
        %dma_start3A_375 = arith.constant 0 : i32
        %dma_start3A_376 = arith.constant 0 : i32
        %dma_start3A_377 = tpu.memref_slice %arg4[%dma_start3A_375, %dma_start3A_376] : memref<10240x48xf32, #tpu.memory_space<hbm>> -> memref<10240x48xf32, #tpu.memory_space<hbm>>
        tpu.enqueue_indirect_dma source(%dma_start3A_377 : memref<10240x48xf32, #tpu.memory_space<hbm>>) target(%arg24 : memref<128x48xf32, #tpu.memory_space<vmem>>) offsets(%arg8 : memref<128xi32, #tpu.memory_space<vmem>>) semaphore(%arg29 : memref<!tpu.dma_semaphore, #tpu.memory_space<semaphore_mem>>)
      } else {
      }
      %add3A_149 = arith.constant 4 : i32
      %add3A_150 = arith.addi %add3A_134, %add3A_149 : i32
      %lt3A_151 = arith.cmpi slt, %add3A_150, %select_n3A : i32
      %convert_element_type3A_152 = arith.extui %lt3A_151 : i1 to i32
      %cond3A_153 = arith.constant 0 : i32
      %cond3A_154 = arith.cmpi ne, %convert_element_type3A_152, %cond3A_153 : i32
      scf.if %cond3A_154 {
        %add3A_359 = arith.constant 4 : i32
        %add3A_360 = arith.addi %add3A_134, %add3A_359 : i32
        %add3A_361 = arith.addi %add3A, %add3A_360 : i32
        %dma_start3A_362 = arith.constant 0 : i32
        %dma_start3A_363 = tpu.memref_slice %arg2[%add3A_361, %dma_start3A_362] : memref<2560x128xi32, #tpu.memory_space<hbm>> -> memref<1x128xi32, #tpu.memory_space<hbm>>
        %dma_start3A_364 = tpu.memref_squeeze %dma_start3A_363 : memref<1x128xi32, #tpu.memory_space<hbm>> -> memref<128xi32, #tpu.memory_space<hbm>>
        %dma_start3A_365 = arith.constant 0 : i32
        %dma_start3A_366 = tpu.memref_slice %arg2[%add3A_361, %dma_start3A_365] : memref<2560x128xi32, #tpu.memory_space<hbm>> -> memref<1x128xi32, #tpu.memory_space<hbm>>
        %dma_start3A_367 = tpu.memref_squeeze %dma_start3A_366 : memref<1x128xi32, #tpu.memory_space<hbm>> -> memref<128xi32, #tpu.memory_space<hbm>>
        tpu.enqueue_dma source(%dma_start3A_367 : memref<128xi32, #tpu.memory_space<hbm>>) target(%arg10 : memref<128xi32, #tpu.memory_space<vmem>>) target_semaphore(%arg39 : memref<!tpu.dma_semaphore, #tpu.memory_space<semaphore_mem>>)
        %add3A_368 = arith.addi %add3A, %add3A_360 : i32
        %dma_start3A_369 = arith.constant 0 : i32
        %dma_start3A_370 = tpu.memref_slice %arg3[%add3A_368, %dma_start3A_369] : memref<2560x128xi32, #tpu.memory_space<hbm>> -> memref<1x128xi32, #tpu.memory_space<hbm>>
        %dma_start3A_371 = tpu.memref_squeeze %dma_start3A_370 : memref<1x128xi32, #tpu.memory_space<hbm>> -> memref<128xi32, #tpu.memory_space<hbm>>
        %dma_start3A_372 = arith.constant 0 : i32
        %dma_start3A_373 = tpu.memref_slice %arg3[%add3A_368, %dma_start3A_372] : memref<2560x128xi32, #tpu.memory_space<hbm>> -> memref<1x128xi32, #tpu.memory_space<hbm>>
        %dma_start3A_374 = tpu.memref_squeeze %dma_start3A_373 : memref<1x128xi32, #tpu.memory_space<hbm>> -> memref<128xi32, #tpu.memory_space<hbm>>
        tpu.enqueue_dma source(%dma_start3A_374 : memref<128xi32, #tpu.memory_space<hbm>>) target(%arg18 : memref<128xi32, #tpu.memory_space<vmem>>) target_semaphore(%arg39 : memref<!tpu.dma_semaphore, #tpu.memory_space<semaphore_mem>>)
      } else {
      }
      %mul3A_155 = arith.constant 8 : i32
      %mul3A_156 = arith.muli %mul3A_155, %scan3A_129 : i32
      %add3A_157 = arith.constant 1 : i32
      %add3A_158 = arith.addi %mul3A_156, %add3A_157 : i32
      %ge3A_159 = arith.constant 1 : i32
      %ge3A_160 = arith.cmpi sge, %add3A_158, %ge3A_159 : i32
      %add3A_161 = arith.constant 1 : i32
      %add3A_162 = arith.addi %select_n3A, %add3A_161 : i32
      %lt3A_163 = arith.cmpi slt, %add3A_158, %add3A_162 : i32
      %and3A_164 = arith.andi %ge3A_160, %lt3A_163 : i1
      %convert_element_type3A_165 = arith.extui %and3A_164 : i1 to i32
      %cond3A_166 = arith.constant 0 : i32
      %cond3A_167 = arith.cmpi ne, %convert_element_type3A_165, %cond3A_166 : i32
      scf.if %cond3A_167 {
        %dma_wait3A_359 = arith.constant 0 : i32
        %dma_wait3A_360 = arith.constant 0 : i32
        %dma_wait3A_361 = tpu.memref_slice %arg26[%dma_wait3A_359, %dma_wait3A_360] : memref<10240x48xf32, #tpu.memory_space<vmem_shared>> -> memref<10240x48xf32, #tpu.memory_space<vmem_shared>>
        tpu.wait_indirect_dma semaphore(%arg31 : memref<!tpu.dma_semaphore, #tpu.memory_space<semaphore_mem>>) src(%arg22 : memref<128x48xf32, #tpu.memory_space<vmem>>) dst(%dma_wait3A_361 : memref<10240x48xf32, #tpu.memory_space<vmem_shared>>)
      } else {
      }
      %lt3A_168 = arith.cmpi slt, %add3A_158, %select_n3A : i32
      %convert_element_type3A_169 = arith.extui %lt3A_168 : i1 to i32
      %cond3A_170 = arith.constant 0 : i32
      %cond3A_171 = arith.cmpi ne, %convert_element_type3A_169, %cond3A_170 : i32
      scf.if %cond3A_171 {
        %dma_wait3A_359 = arith.constant 0 : i32
        %dma_wait3A_360 = arith.constant 0 : i32
        %dma_wait3A_361 = tpu.memref_slice %arg4[%dma_wait3A_359, %dma_wait3A_360] : memref<10240x48xf32, #tpu.memory_space<hbm>> -> memref<10240x48xf32, #tpu.memory_space<hbm>>
        tpu.wait_indirect_dma semaphore(%arg28 : memref<!tpu.dma_semaphore, #tpu.memory_space<semaphore_mem>>) src(%dma_wait3A_361 : memref<10240x48xf32, #tpu.memory_space<hbm>>) dst(%arg23 : memref<128x48xf32, #tpu.memory_space<vmem>>)
        %dma_start3A_362 = arith.constant 0 : i32
        %dma_start3A_363 = arith.constant 0 : i32
        %dma_start3A_364 = tpu.memref_slice %arg26[%dma_start3A_362, %dma_start3A_363] : memref<10240x48xf32, #tpu.memory_space<vmem_shared>> -> memref<10240x48xf32, #tpu.memory_space<vmem_shared>>
        tpu.enqueue_indirect_dma source(%arg23 : memref<128x48xf32, #tpu.memory_space<vmem>>) target(%dma_start3A_364 : memref<10240x48xf32, #tpu.memory_space<vmem_shared>>) offsets(%arg15 : memref<128xi32, #tpu.memory_space<vmem>>) semaphore(%arg32 : memref<!tpu.dma_semaphore, #tpu.memory_space<semaphore_mem>>) {add = true}
      } else {
      }
      %add3A_172 = arith.constant 2 : i32
      %add3A_173 = arith.addi %add3A_158, %add3A_172 : i32
      %lt3A_174 = arith.cmpi slt, %add3A_173, %select_n3A : i32
      %convert_element_type3A_175 = arith.extui %lt3A_174 : i1 to i32
      %cond3A_176 = arith.constant 0 : i32
      %cond3A_177 = arith.cmpi ne, %convert_element_type3A_175, %cond3A_176 : i32
      scf.if %cond3A_177 {
        %add3A_359 = arith.constant 2 : i32
        %add3A_360 = arith.addi %add3A_158, %add3A_359 : i32
        %add3A_361 = arith.addi %add3A, %add3A_360 : i32
        %dma_wait3A_362 = arith.constant 0 : i32
        %dma_wait3A_363 = tpu.memref_slice %arg2[%add3A_361, %dma_wait3A_362] : memref<2560x128xi32, #tpu.memory_space<hbm>> -> memref<1x128xi32, #tpu.memory_space<hbm>>
        %dma_wait3A_364 = tpu.memref_squeeze %dma_wait3A_363 : memref<1x128xi32, #tpu.memory_space<hbm>> -> memref<128xi32, #tpu.memory_space<hbm>>
        %dma_wait3A_365 = arith.constant 0 : i32
        %dma_wait3A_366 = tpu.memref_slice %arg2[%add3A_361, %dma_wait3A_365] : memref<2560x128xi32, #tpu.memory_space<hbm>> -> memref<1x128xi32, #tpu.memory_space<hbm>>
        %dma_wait3A_367 = tpu.memref_squeeze %dma_wait3A_366 : memref<1x128xi32, #tpu.memory_space<hbm>> -> memref<128xi32, #tpu.memory_space<hbm>>
        tpu.wait_dma2 semaphore(%arg38 : memref<!tpu.dma_semaphore, #tpu.memory_space<semaphore_mem>>) src(%dma_wait3A_367 : memref<128xi32, #tpu.memory_space<hbm>>) dst(%arg9 : memref<128xi32, #tpu.memory_space<vmem>>)
        %add3A_368 = arith.addi %add3A, %add3A_360 : i32
        %dma_wait3A_369 = arith.constant 0 : i32
        %dma_wait3A_370 = tpu.memref_slice %arg3[%add3A_368, %dma_wait3A_369] : memref<2560x128xi32, #tpu.memory_space<hbm>> -> memref<1x128xi32, #tpu.memory_space<hbm>>
        %dma_wait3A_371 = tpu.memref_squeeze %dma_wait3A_370 : memref<1x128xi32, #tpu.memory_space<hbm>> -> memref<128xi32, #tpu.memory_space<hbm>>
        %dma_wait3A_372 = arith.constant 0 : i32
        %dma_wait3A_373 = tpu.memref_slice %arg3[%add3A_368, %dma_wait3A_372] : memref<2560x128xi32, #tpu.memory_space<hbm>> -> memref<1x128xi32, #tpu.memory_space<hbm>>
        %dma_wait3A_374 = tpu.memref_squeeze %dma_wait3A_373 : memref<1x128xi32, #tpu.memory_space<hbm>> -> memref<128xi32, #tpu.memory_space<hbm>>
        tpu.wait_dma2 semaphore(%arg38 : memref<!tpu.dma_semaphore, #tpu.memory_space<semaphore_mem>>) src(%dma_wait3A_374 : memref<128xi32, #tpu.memory_space<hbm>>) dst(%arg17 : memref<128xi32, #tpu.memory_space<vmem>>)
        %dma_start3A_375 = arith.constant 0 : i32
        %dma_start3A_376 = arith.constant 0 : i32
        %dma_start3A_377 = tpu.memref_slice %arg4[%dma_start3A_375, %dma_start3A_376] : memref<10240x48xf32, #tpu.memory_space<hbm>> -> memref<10240x48xf32, #tpu.memory_space<hbm>>
        tpu.enqueue_indirect_dma source(%dma_start3A_377 : memref<10240x48xf32, #tpu.memory_space<hbm>>) target(%arg25 : memref<128x48xf32, #tpu.memory_space<vmem>>) offsets(%arg9 : memref<128xi32, #tpu.memory_space<vmem>>) semaphore(%arg30 : memref<!tpu.dma_semaphore, #tpu.memory_space<semaphore_mem>>)
      } else {
      }
      %add3A_178 = arith.constant 4 : i32
      %add3A_179 = arith.addi %add3A_158, %add3A_178 : i32
      %lt3A_180 = arith.cmpi slt, %add3A_179, %select_n3A : i32
      %convert_element_type3A_181 = arith.extui %lt3A_180 : i1 to i32
      %cond3A_182 = arith.constant 0 : i32
      %cond3A_183 = arith.cmpi ne, %convert_element_type3A_181, %cond3A_182 : i32
      scf.if %cond3A_183 {
        %add3A_359 = arith.constant 4 : i32
        %add3A_360 = arith.addi %add3A_158, %add3A_359 : i32
        %add3A_361 = arith.addi %add3A, %add3A_360 : i32
        %dma_start3A_362 = arith.constant 0 : i32
        %dma_start3A_363 = tpu.memref_slice %arg2[%add3A_361, %dma_start3A_362] : memref<2560x128xi32, #tpu.memory_space<hbm>> -> memref<1x128xi32, #tpu.memory_space<hbm>>
        %dma_start3A_364 = tpu.memref_squeeze %dma_start3A_363 : memref<1x128xi32, #tpu.memory_space<hbm>> -> memref<128xi32, #tpu.memory_space<hbm>>
        %dma_start3A_365 = arith.constant 0 : i32
        %dma_start3A_366 = tpu.memref_slice %arg2[%add3A_361, %dma_start3A_365] : memref<2560x128xi32, #tpu.memory_space<hbm>> -> memref<1x128xi32, #tpu.memory_space<hbm>>
        %dma_start3A_367 = tpu.memref_squeeze %dma_start3A_366 : memref<1x128xi32, #tpu.memory_space<hbm>> -> memref<128xi32, #tpu.memory_space<hbm>>
        tpu.enqueue_dma source(%dma_start3A_367 : memref<128xi32, #tpu.memory_space<hbm>>) target(%arg11 : memref<128xi32, #tpu.memory_space<vmem>>) target_semaphore(%arg40 : memref<!tpu.dma_semaphore, #tpu.memory_space<semaphore_mem>>)
        %add3A_368 = arith.addi %add3A, %add3A_360 : i32
        %dma_start3A_369 = arith.constant 0 : i32
        %dma_start3A_370 = tpu.memref_slice %arg3[%add3A_368, %dma_start3A_369] : memref<2560x128xi32, #tpu.memory_space<hbm>> -> memref<1x128xi32, #tpu.memory_space<hbm>>
        %dma_start3A_371 = tpu.memref_squeeze %dma_start3A_370 : memref<1x128xi32, #tpu.memory_space<hbm>> -> memref<128xi32, #tpu.memory_space<hbm>>
        %dma_start3A_372 = arith.constant 0 : i32
        %dma_start3A_373 = tpu.memref_slice %arg3[%add3A_368, %dma_start3A_372] : memref<2560x128xi32, #tpu.memory_space<hbm>> -> memref<1x128xi32, #tpu.memory_space<hbm>>
        %dma_start3A_374 = tpu.memref_squeeze %dma_start3A_373 : memref<1x128xi32, #tpu.memory_space<hbm>> -> memref<128xi32, #tpu.memory_space<hbm>>
        tpu.enqueue_dma source(%dma_start3A_374 : memref<128xi32, #tpu.memory_space<hbm>>) target(%arg19 : memref<128xi32, #tpu.memory_space<vmem>>) target_semaphore(%arg40 : memref<!tpu.dma_semaphore, #tpu.memory_space<semaphore_mem>>)
      } else {
      }
      %mul3A_184 = arith.constant 8 : i32
      %mul3A_185 = arith.muli %mul3A_184, %scan3A_129 : i32
      %add3A_186 = arith.constant 2 : i32
      %add3A_187 = arith.addi %mul3A_185, %add3A_186 : i32
      %ge3A_188 = arith.constant 1 : i32
      %ge3A_189 = arith.cmpi sge, %add3A_187, %ge3A_188 : i32
      %add3A_190 = arith.constant 1 : i32
      %add3A_191 = arith.addi %select_n3A, %add3A_190 : i32
      %lt3A_192 = arith.cmpi slt, %add3A_187, %add3A_191 : i32
      %and3A_193 = arith.andi %ge3A_189, %lt3A_192 : i1
      %convert_element_type3A_194 = arith.extui %and3A_193 : i1 to i32
      %cond3A_195 = arith.constant 0 : i32
      %cond3A_196 = arith.cmpi ne, %convert_element_type3A_194, %cond3A_195 : i32
      scf.if %cond3A_196 {
        %dma_wait3A_359 = arith.constant 0 : i32
        %dma_wait3A_360 = arith.constant 0 : i32
        %dma_wait3A_361 = tpu.memref_slice %arg26[%dma_wait3A_359, %dma_wait3A_360] : memref<10240x48xf32, #tpu.memory_space<vmem_shared>> -> memref<10240x48xf32, #tpu.memory_space<vmem_shared>>
        tpu.wait_indirect_dma semaphore(%arg32 : memref<!tpu.dma_semaphore, #tpu.memory_space<semaphore_mem>>) src(%arg23 : memref<128x48xf32, #tpu.memory_space<vmem>>) dst(%dma_wait3A_361 : memref<10240x48xf32, #tpu.memory_space<vmem_shared>>)
      } else {
      }
      %lt3A_197 = arith.cmpi slt, %add3A_187, %select_n3A : i32
      %convert_element_type3A_198 = arith.extui %lt3A_197 : i1 to i32
      %cond3A_199 = arith.constant 0 : i32
      %cond3A_200 = arith.cmpi ne, %convert_element_type3A_198, %cond3A_199 : i32
      scf.if %cond3A_200 {
        %dma_wait3A_359 = arith.constant 0 : i32
        %dma_wait3A_360 = arith.constant 0 : i32
        %dma_wait3A_361 = tpu.memref_slice %arg4[%dma_wait3A_359, %dma_wait3A_360] : memref<10240x48xf32, #tpu.memory_space<hbm>> -> memref<10240x48xf32, #tpu.memory_space<hbm>>
        tpu.wait_indirect_dma semaphore(%arg29 : memref<!tpu.dma_semaphore, #tpu.memory_space<semaphore_mem>>) src(%dma_wait3A_361 : memref<10240x48xf32, #tpu.memory_space<hbm>>) dst(%arg24 : memref<128x48xf32, #tpu.memory_space<vmem>>)
        %dma_start3A_362 = arith.constant 0 : i32
        %dma_start3A_363 = arith.constant 0 : i32
        %dma_start3A_364 = tpu.memref_slice %arg26[%dma_start3A_362, %dma_start3A_363] : memref<10240x48xf32, #tpu.memory_space<vmem_shared>> -> memref<10240x48xf32, #tpu.memory_space<vmem_shared>>
        tpu.enqueue_indirect_dma source(%arg24 : memref<128x48xf32, #tpu.memory_space<vmem>>) target(%dma_start3A_364 : memref<10240x48xf32, #tpu.memory_space<vmem_shared>>) offsets(%arg16 : memref<128xi32, #tpu.memory_space<vmem>>) semaphore(%arg33 : memref<!tpu.dma_semaphore, #tpu.memory_space<semaphore_mem>>) {add = true}
      } else {
      }
      %add3A_201 = arith.constant 2 : i32
      %add3A_202 = arith.addi %add3A_187, %add3A_201 : i32
      %lt3A_203 = arith.cmpi slt, %add3A_202, %select_n3A : i32
      %convert_element_type3A_204 = arith.extui %lt3A_203 : i1 to i32
      %cond3A_205 = arith.constant 0 : i32
      %cond3A_206 = arith.cmpi ne, %convert_element_type3A_204, %cond3A_205 : i32
      scf.if %cond3A_206 {
        %add3A_359 = arith.constant 2 : i32
        %add3A_360 = arith.addi %add3A_187, %add3A_359 : i32
        %add3A_361 = arith.addi %add3A, %add3A_360 : i32
        %dma_wait3A_362 = arith.constant 0 : i32
        %dma_wait3A_363 = tpu.memref_slice %arg2[%add3A_361, %dma_wait3A_362] : memref<2560x128xi32, #tpu.memory_space<hbm>> -> memref<1x128xi32, #tpu.memory_space<hbm>>
        %dma_wait3A_364 = tpu.memref_squeeze %dma_wait3A_363 : memref<1x128xi32, #tpu.memory_space<hbm>> -> memref<128xi32, #tpu.memory_space<hbm>>
        %dma_wait3A_365 = arith.constant 0 : i32
        %dma_wait3A_366 = tpu.memref_slice %arg2[%add3A_361, %dma_wait3A_365] : memref<2560x128xi32, #tpu.memory_space<hbm>> -> memref<1x128xi32, #tpu.memory_space<hbm>>
        %dma_wait3A_367 = tpu.memref_squeeze %dma_wait3A_366 : memref<1x128xi32, #tpu.memory_space<hbm>> -> memref<128xi32, #tpu.memory_space<hbm>>
        tpu.wait_dma2 semaphore(%arg39 : memref<!tpu.dma_semaphore, #tpu.memory_space<semaphore_mem>>) src(%dma_wait3A_367 : memref<128xi32, #tpu.memory_space<hbm>>) dst(%arg10 : memref<128xi32, #tpu.memory_space<vmem>>)
        %add3A_368 = arith.addi %add3A, %add3A_360 : i32
        %dma_wait3A_369 = arith.constant 0 : i32
        %dma_wait3A_370 = tpu.memref_slice %arg3[%add3A_368, %dma_wait3A_369] : memref<2560x128xi32, #tpu.memory_space<hbm>> -> memref<1x128xi32, #tpu.memory_space<hbm>>
        %dma_wait3A_371 = tpu.memref_squeeze %dma_wait3A_370 : memref<1x128xi32, #tpu.memory_space<hbm>> -> memref<128xi32, #tpu.memory_space<hbm>>
        %dma_wait3A_372 = arith.constant 0 : i32
        %dma_wait3A_373 = tpu.memref_slice %arg3[%add3A_368, %dma_wait3A_372] : memref<2560x128xi32, #tpu.memory_space<hbm>> -> memref<1x128xi32, #tpu.memory_space<hbm>>
        %dma_wait3A_374 = tpu.memref_squeeze %dma_wait3A_373 : memref<1x128xi32, #tpu.memory_space<hbm>> -> memref<128xi32, #tpu.memory_space<hbm>>
        tpu.wait_dma2 semaphore(%arg39 : memref<!tpu.dma_semaphore, #tpu.memory_space<semaphore_mem>>) src(%dma_wait3A_374 : memref<128xi32, #tpu.memory_space<hbm>>) dst(%arg18 : memref<128xi32, #tpu.memory_space<vmem>>)
        %dma_start3A_375 = arith.constant 0 : i32
        %dma_start3A_376 = arith.constant 0 : i32
        %dma_start3A_377 = tpu.memref_slice %arg4[%dma_start3A_375, %dma_start3A_376] : memref<10240x48xf32, #tpu.memory_space<hbm>> -> memref<10240x48xf32, #tpu.memory_space<hbm>>
        tpu.enqueue_indirect_dma source(%dma_start3A_377 : memref<10240x48xf32, #tpu.memory_space<hbm>>) target(%arg22 : memref<128x48xf32, #tpu.memory_space<vmem>>) offsets(%arg10 : memref<128xi32, #tpu.memory_space<vmem>>) semaphore(%arg27 : memref<!tpu.dma_semaphore, #tpu.memory_space<semaphore_mem>>)
      } else {
      }
      %add3A_207 = arith.constant 4 : i32
      %add3A_208 = arith.addi %add3A_187, %add3A_207 : i32
      %lt3A_209 = arith.cmpi slt, %add3A_208, %select_n3A : i32
      %convert_element_type3A_210 = arith.extui %lt3A_209 : i1 to i32
      %cond3A_211 = arith.constant 0 : i32
      %cond3A_212 = arith.cmpi ne, %convert_element_type3A_210, %cond3A_211 : i32
      scf.if %cond3A_212 {
        %add3A_359 = arith.constant 4 : i32
        %add3A_360 = arith.addi %add3A_187, %add3A_359 : i32
        %add3A_361 = arith.addi %add3A, %add3A_360 : i32
        %dma_start3A_362 = arith.constant 0 : i32
        %dma_start3A_363 = tpu.memref_slice %arg2[%add3A_361, %dma_start3A_362] : memref<2560x128xi32, #tpu.memory_space<hbm>> -> memref<1x128xi32, #tpu.memory_space<hbm>>
        %dma_start3A_364 = tpu.memref_squeeze %dma_start3A_363 : memref<1x128xi32, #tpu.memory_space<hbm>> -> memref<128xi32, #tpu.memory_space<hbm>>
        %dma_start3A_365 = arith.constant 0 : i32
        %dma_start3A_366 = tpu.memref_slice %arg2[%add3A_361, %dma_start3A_365] : memref<2560x128xi32, #tpu.memory_space<hbm>> -> memref<1x128xi32, #tpu.memory_space<hbm>>
        %dma_start3A_367 = tpu.memref_squeeze %dma_start3A_366 : memref<1x128xi32, #tpu.memory_space<hbm>> -> memref<128xi32, #tpu.memory_space<hbm>>
        tpu.enqueue_dma source(%dma_start3A_367 : memref<128xi32, #tpu.memory_space<hbm>>) target(%arg12 : memref<128xi32, #tpu.memory_space<vmem>>) target_semaphore(%arg41 : memref<!tpu.dma_semaphore, #tpu.memory_space<semaphore_mem>>)
        %add3A_368 = arith.addi %add3A, %add3A_360 : i32
        %dma_start3A_369 = arith.constant 0 : i32
        %dma_start3A_370 = tpu.memref_slice %arg3[%add3A_368, %dma_start3A_369] : memref<2560x128xi32, #tpu.memory_space<hbm>> -> memref<1x128xi32, #tpu.memory_space<hbm>>
        %dma_start3A_371 = tpu.memref_squeeze %dma_start3A_370 : memref<1x128xi32, #tpu.memory_space<hbm>> -> memref<128xi32, #tpu.memory_space<hbm>>
        %dma_start3A_372 = arith.constant 0 : i32
        %dma_start3A_373 = tpu.memref_slice %arg3[%add3A_368, %dma_start3A_372] : memref<2560x128xi32, #tpu.memory_space<hbm>> -> memref<1x128xi32, #tpu.memory_space<hbm>>
        %dma_start3A_374 = tpu.memref_squeeze %dma_start3A_373 : memref<1x128xi32, #tpu.memory_space<hbm>> -> memref<128xi32, #tpu.memory_space<hbm>>
        tpu.enqueue_dma source(%dma_start3A_374 : memref<128xi32, #tpu.memory_space<hbm>>) target(%arg20 : memref<128xi32, #tpu.memory_space<vmem>>) target_semaphore(%arg41 : memref<!tpu.dma_semaphore, #tpu.memory_space<semaphore_mem>>)
      } else {
      }
      %mul3A_213 = arith.constant 8 : i32
      %mul3A_214 = arith.muli %mul3A_213, %scan3A_129 : i32
      %add3A_215 = arith.constant 3 : i32
      %add3A_216 = arith.addi %mul3A_214, %add3A_215 : i32
      %ge3A_217 = arith.constant 1 : i32
      %ge3A_218 = arith.cmpi sge, %add3A_216, %ge3A_217 : i32
      %add3A_219 = arith.constant 1 : i32
      %add3A_220 = arith.addi %select_n3A, %add3A_219 : i32
      %lt3A_221 = arith.cmpi slt, %add3A_216, %add3A_220 : i32
      %and3A_222 = arith.andi %ge3A_218, %lt3A_221 : i1
      %convert_element_type3A_223 = arith.extui %and3A_222 : i1 to i32
      %cond3A_224 = arith.constant 0 : i32
      %cond3A_225 = arith.cmpi ne, %convert_element_type3A_223, %cond3A_224 : i32
      scf.if %cond3A_225 {
        %dma_wait3A_359 = arith.constant 0 : i32
        %dma_wait3A_360 = arith.constant 0 : i32
        %dma_wait3A_361 = tpu.memref_slice %arg26[%dma_wait3A_359, %dma_wait3A_360] : memref<10240x48xf32, #tpu.memory_space<vmem_shared>> -> memref<10240x48xf32, #tpu.memory_space<vmem_shared>>
        tpu.wait_indirect_dma semaphore(%arg33 : memref<!tpu.dma_semaphore, #tpu.memory_space<semaphore_mem>>) src(%arg24 : memref<128x48xf32, #tpu.memory_space<vmem>>) dst(%dma_wait3A_361 : memref<10240x48xf32, #tpu.memory_space<vmem_shared>>)
      } else {
      }
      %lt3A_226 = arith.cmpi slt, %add3A_216, %select_n3A : i32
      %convert_element_type3A_227 = arith.extui %lt3A_226 : i1 to i32
      %cond3A_228 = arith.constant 0 : i32
      %cond3A_229 = arith.cmpi ne, %convert_element_type3A_227, %cond3A_228 : i32
      scf.if %cond3A_229 {
        %dma_wait3A_359 = arith.constant 0 : i32
        %dma_wait3A_360 = arith.constant 0 : i32
        %dma_wait3A_361 = tpu.memref_slice %arg4[%dma_wait3A_359, %dma_wait3A_360] : memref<10240x48xf32, #tpu.memory_space<hbm>> -> memref<10240x48xf32, #tpu.memory_space<hbm>>
        tpu.wait_indirect_dma semaphore(%arg30 : memref<!tpu.dma_semaphore, #tpu.memory_space<semaphore_mem>>) src(%dma_wait3A_361 : memref<10240x48xf32, #tpu.memory_space<hbm>>) dst(%arg25 : memref<128x48xf32, #tpu.memory_space<vmem>>)
        %dma_start3A_362 = arith.constant 0 : i32
        %dma_start3A_363 = arith.constant 0 : i32
        %dma_start3A_364 = tpu.memref_slice %arg26[%dma_start3A_362, %dma_start3A_363] : memref<10240x48xf32, #tpu.memory_space<vmem_shared>> -> memref<10240x48xf32, #tpu.memory_space<vmem_shared>>
        tpu.enqueue_indirect_dma source(%arg25 : memref<128x48xf32, #tpu.memory_space<vmem>>) target(%dma_start3A_364 : memref<10240x48xf32, #tpu.memory_space<vmem_shared>>) offsets(%arg17 : memref<128xi32, #tpu.memory_space<vmem>>) semaphore(%arg34 : memref<!tpu.dma_semaphore, #tpu.memory_space<semaphore_mem>>) {add = true}
      } else {
      }
      %add3A_230 = arith.constant 2 : i32
      %add3A_231 = arith.addi %add3A_216, %add3A_230 : i32
      %lt3A_232 = arith.cmpi slt, %add3A_231, %select_n3A : i32
      %convert_element_type3A_233 = arith.extui %lt3A_232 : i1 to i32
      %cond3A_234 = arith.constant 0 : i32
      %cond3A_235 = arith.cmpi ne, %convert_element_type3A_233, %cond3A_234 : i32
      scf.if %cond3A_235 {
        %add3A_359 = arith.constant 2 : i32
        %add3A_360 = arith.addi %add3A_216, %add3A_359 : i32
        %add3A_361 = arith.addi %add3A, %add3A_360 : i32
        %dma_wait3A_362 = arith.constant 0 : i32
        %dma_wait3A_363 = tpu.memref_slice %arg2[%add3A_361, %dma_wait3A_362] : memref<2560x128xi32, #tpu.memory_space<hbm>> -> memref<1x128xi32, #tpu.memory_space<hbm>>
        %dma_wait3A_364 = tpu.memref_squeeze %dma_wait3A_363 : memref<1x128xi32, #tpu.memory_space<hbm>> -> memref<128xi32, #tpu.memory_space<hbm>>
        %dma_wait3A_365 = arith.constant 0 : i32
        %dma_wait3A_366 = tpu.memref_slice %arg2[%add3A_361, %dma_wait3A_365] : memref<2560x128xi32, #tpu.memory_space<hbm>> -> memref<1x128xi32, #tpu.memory_space<hbm>>
        %dma_wait3A_367 = tpu.memref_squeeze %dma_wait3A_366 : memref<1x128xi32, #tpu.memory_space<hbm>> -> memref<128xi32, #tpu.memory_space<hbm>>
        tpu.wait_dma2 semaphore(%arg40 : memref<!tpu.dma_semaphore, #tpu.memory_space<semaphore_mem>>) src(%dma_wait3A_367 : memref<128xi32, #tpu.memory_space<hbm>>) dst(%arg11 : memref<128xi32, #tpu.memory_space<vmem>>)
        %add3A_368 = arith.addi %add3A, %add3A_360 : i32
        %dma_wait3A_369 = arith.constant 0 : i32
        %dma_wait3A_370 = tpu.memref_slice %arg3[%add3A_368, %dma_wait3A_369] : memref<2560x128xi32, #tpu.memory_space<hbm>> -> memref<1x128xi32, #tpu.memory_space<hbm>>
        %dma_wait3A_371 = tpu.memref_squeeze %dma_wait3A_370 : memref<1x128xi32, #tpu.memory_space<hbm>> -> memref<128xi32, #tpu.memory_space<hbm>>
        %dma_wait3A_372 = arith.constant 0 : i32
        %dma_wait3A_373 = tpu.memref_slice %arg3[%add3A_368, %dma_wait3A_372] : memref<2560x128xi32, #tpu.memory_space<hbm>> -> memref<1x128xi32, #tpu.memory_space<hbm>>
        %dma_wait3A_374 = tpu.memref_squeeze %dma_wait3A_373 : memref<1x128xi32, #tpu.memory_space<hbm>> -> memref<128xi32, #tpu.memory_space<hbm>>
        tpu.wait_dma2 semaphore(%arg40 : memref<!tpu.dma_semaphore, #tpu.memory_space<semaphore_mem>>) src(%dma_wait3A_374 : memref<128xi32, #tpu.memory_space<hbm>>) dst(%arg19 : memref<128xi32, #tpu.memory_space<vmem>>)
        %dma_start3A_375 = arith.constant 0 : i32
        %dma_start3A_376 = arith.constant 0 : i32
        %dma_start3A_377 = tpu.memref_slice %arg4[%dma_start3A_375, %dma_start3A_376] : memref<10240x48xf32, #tpu.memory_space<hbm>> -> memref<10240x48xf32, #tpu.memory_space<hbm>>
        tpu.enqueue_indirect_dma source(%dma_start3A_377 : memref<10240x48xf32, #tpu.memory_space<hbm>>) target(%arg23 : memref<128x48xf32, #tpu.memory_space<vmem>>) offsets(%arg11 : memref<128xi32, #tpu.memory_space<vmem>>) semaphore(%arg28 : memref<!tpu.dma_semaphore, #tpu.memory_space<semaphore_mem>>)
      } else {
      }
      %add3A_236 = arith.constant 4 : i32
      %add3A_237 = arith.addi %add3A_216, %add3A_236 : i32
      %lt3A_238 = arith.cmpi slt, %add3A_237, %select_n3A : i32
      %convert_element_type3A_239 = arith.extui %lt3A_238 : i1 to i32
      %cond3A_240 = arith.constant 0 : i32
      %cond3A_241 = arith.cmpi ne, %convert_element_type3A_239, %cond3A_240 : i32
      scf.if %cond3A_241 {
        %add3A_359 = arith.constant 4 : i32
        %add3A_360 = arith.addi %add3A_216, %add3A_359 : i32
        %add3A_361 = arith.addi %add3A, %add3A_360 : i32
        %dma_start3A_362 = arith.constant 0 : i32
        %dma_start3A_363 = tpu.memref_slice %arg2[%add3A_361, %dma_start3A_362] : memref<2560x128xi32, #tpu.memory_space<hbm>> -> memref<1x128xi32, #tpu.memory_space<hbm>>
        %dma_start3A_364 = tpu.memref_squeeze %dma_start3A_363 : memref<1x128xi32, #tpu.memory_space<hbm>> -> memref<128xi32, #tpu.memory_space<hbm>>
        %dma_start3A_365 = arith.constant 0 : i32
        %dma_start3A_366 = tpu.memref_slice %arg2[%add3A_361, %dma_start3A_365] : memref<2560x128xi32, #tpu.memory_space<hbm>> -> memref<1x128xi32, #tpu.memory_space<hbm>>
        %dma_start3A_367 = tpu.memref_squeeze %dma_start3A_366 : memref<1x128xi32, #tpu.memory_space<hbm>> -> memref<128xi32, #tpu.memory_space<hbm>>
        tpu.enqueue_dma source(%dma_start3A_367 : memref<128xi32, #tpu.memory_space<hbm>>) target(%arg13 : memref<128xi32, #tpu.memory_space<vmem>>) target_semaphore(%arg42 : memref<!tpu.dma_semaphore, #tpu.memory_space<semaphore_mem>>)
        %add3A_368 = arith.addi %add3A, %add3A_360 : i32
        %dma_start3A_369 = arith.constant 0 : i32
        %dma_start3A_370 = tpu.memref_slice %arg3[%add3A_368, %dma_start3A_369] : memref<2560x128xi32, #tpu.memory_space<hbm>> -> memref<1x128xi32, #tpu.memory_space<hbm>>
        %dma_start3A_371 = tpu.memref_squeeze %dma_start3A_370 : memref<1x128xi32, #tpu.memory_space<hbm>> -> memref<128xi32, #tpu.memory_space<hbm>>
        %dma_start3A_372 = arith.constant 0 : i32
        %dma_start3A_373 = tpu.memref_slice %arg3[%add3A_368, %dma_start3A_372] : memref<2560x128xi32, #tpu.memory_space<hbm>> -> memref<1x128xi32, #tpu.memory_space<hbm>>
        %dma_start3A_374 = tpu.memref_squeeze %dma_start3A_373 : memref<1x128xi32, #tpu.memory_space<hbm>> -> memref<128xi32, #tpu.memory_space<hbm>>
        tpu.enqueue_dma source(%dma_start3A_374 : memref<128xi32, #tpu.memory_space<hbm>>) target(%arg21 : memref<128xi32, #tpu.memory_space<vmem>>) target_semaphore(%arg42 : memref<!tpu.dma_semaphore, #tpu.memory_space<semaphore_mem>>)
      } else {
      }
      %mul3A_242 = arith.constant 8 : i32
      %mul3A_243 = arith.muli %mul3A_242, %scan3A_129 : i32
      %add3A_244 = arith.constant 4 : i32
      %add3A_245 = arith.addi %mul3A_243, %add3A_244 : i32
      %ge3A_246 = arith.constant 1 : i32
      %ge3A_247 = arith.cmpi sge, %add3A_245, %ge3A_246 : i32
      %add3A_248 = arith.constant 1 : i32
      %add3A_249 = arith.addi %select_n3A, %add3A_248 : i32
      %lt3A_250 = arith.cmpi slt, %add3A_245, %add3A_249 : i32
      %and3A_251 = arith.andi %ge3A_247, %lt3A_250 : i1
      %convert_element_type3A_252 = arith.extui %and3A_251 : i1 to i32
      %cond3A_253 = arith.constant 0 : i32
      %cond3A_254 = arith.cmpi ne, %convert_element_type3A_252, %cond3A_253 : i32
      scf.if %cond3A_254 {
        %dma_wait3A_359 = arith.constant 0 : i32
        %dma_wait3A_360 = arith.constant 0 : i32
        %dma_wait3A_361 = tpu.memref_slice %arg26[%dma_wait3A_359, %dma_wait3A_360] : memref<10240x48xf32, #tpu.memory_space<vmem_shared>> -> memref<10240x48xf32, #tpu.memory_space<vmem_shared>>
        tpu.wait_indirect_dma semaphore(%arg34 : memref<!tpu.dma_semaphore, #tpu.memory_space<semaphore_mem>>) src(%arg25 : memref<128x48xf32, #tpu.memory_space<vmem>>) dst(%dma_wait3A_361 : memref<10240x48xf32, #tpu.memory_space<vmem_shared>>)
      } else {
      }
      %lt3A_255 = arith.cmpi slt, %add3A_245, %select_n3A : i32
      %convert_element_type3A_256 = arith.extui %lt3A_255 : i1 to i32
      %cond3A_257 = arith.constant 0 : i32
      %cond3A_258 = arith.cmpi ne, %convert_element_type3A_256, %cond3A_257 : i32
      scf.if %cond3A_258 {
        %dma_wait3A_359 = arith.constant 0 : i32
        %dma_wait3A_360 = arith.constant 0 : i32
        %dma_wait3A_361 = tpu.memref_slice %arg4[%dma_wait3A_359, %dma_wait3A_360] : memref<10240x48xf32, #tpu.memory_space<hbm>> -> memref<10240x48xf32, #tpu.memory_space<hbm>>
        tpu.wait_indirect_dma semaphore(%arg27 : memref<!tpu.dma_semaphore, #tpu.memory_space<semaphore_mem>>) src(%dma_wait3A_361 : memref<10240x48xf32, #tpu.memory_space<hbm>>) dst(%arg22 : memref<128x48xf32, #tpu.memory_space<vmem>>)
        %dma_start3A_362 = arith.constant 0 : i32
        %dma_start3A_363 = arith.constant 0 : i32
        %dma_start3A_364 = tpu.memref_slice %arg26[%dma_start3A_362, %dma_start3A_363] : memref<10240x48xf32, #tpu.memory_space<vmem_shared>> -> memref<10240x48xf32, #tpu.memory_space<vmem_shared>>
        tpu.enqueue_indirect_dma source(%arg22 : memref<128x48xf32, #tpu.memory_space<vmem>>) target(%dma_start3A_364 : memref<10240x48xf32, #tpu.memory_space<vmem_shared>>) offsets(%arg18 : memref<128xi32, #tpu.memory_space<vmem>>) semaphore(%arg31 : memref<!tpu.dma_semaphore, #tpu.memory_space<semaphore_mem>>) {add = true}
      } else {
      }
      %add3A_259 = arith.constant 2 : i32
      %add3A_260 = arith.addi %add3A_245, %add3A_259 : i32
      %lt3A_261 = arith.cmpi slt, %add3A_260, %select_n3A : i32
      %convert_element_type3A_262 = arith.extui %lt3A_261 : i1 to i32
      %cond3A_263 = arith.constant 0 : i32
      %cond3A_264 = arith.cmpi ne, %convert_element_type3A_262, %cond3A_263 : i32
      scf.if %cond3A_264 {
        %add3A_359 = arith.constant 2 : i32
        %add3A_360 = arith.addi %add3A_245, %add3A_359 : i32
        %add3A_361 = arith.addi %add3A, %add3A_360 : i32
        %dma_wait3A_362 = arith.constant 0 : i32
        %dma_wait3A_363 = tpu.memref_slice %arg2[%add3A_361, %dma_wait3A_362] : memref<2560x128xi32, #tpu.memory_space<hbm>> -> memref<1x128xi32, #tpu.memory_space<hbm>>
        %dma_wait3A_364 = tpu.memref_squeeze %dma_wait3A_363 : memref<1x128xi32, #tpu.memory_space<hbm>> -> memref<128xi32, #tpu.memory_space<hbm>>
        %dma_wait3A_365 = arith.constant 0 : i32
        %dma_wait3A_366 = tpu.memref_slice %arg2[%add3A_361, %dma_wait3A_365] : memref<2560x128xi32, #tpu.memory_space<hbm>> -> memref<1x128xi32, #tpu.memory_space<hbm>>
        %dma_wait3A_367 = tpu.memref_squeeze %dma_wait3A_366 : memref<1x128xi32, #tpu.memory_space<hbm>> -> memref<128xi32, #tpu.memory_space<hbm>>
        tpu.wait_dma2 semaphore(%arg41 : memref<!tpu.dma_semaphore, #tpu.memory_space<semaphore_mem>>) src(%dma_wait3A_367 : memref<128xi32, #tpu.memory_space<hbm>>) dst(%arg12 : memref<128xi32, #tpu.memory_space<vmem>>)
        %add3A_368 = arith.addi %add3A, %add3A_360 : i32
        %dma_wait3A_369 = arith.constant 0 : i32
        %dma_wait3A_370 = tpu.memref_slice %arg3[%add3A_368, %dma_wait3A_369] : memref<2560x128xi32, #tpu.memory_space<hbm>> -> memref<1x128xi32, #tpu.memory_space<hbm>>
        %dma_wait3A_371 = tpu.memref_squeeze %dma_wait3A_370 : memref<1x128xi32, #tpu.memory_space<hbm>> -> memref<128xi32, #tpu.memory_space<hbm>>
        %dma_wait3A_372 = arith.constant 0 : i32
        %dma_wait3A_373 = tpu.memref_slice %arg3[%add3A_368, %dma_wait3A_372] : memref<2560x128xi32, #tpu.memory_space<hbm>> -> memref<1x128xi32, #tpu.memory_space<hbm>>
        %dma_wait3A_374 = tpu.memref_squeeze %dma_wait3A_373 : memref<1x128xi32, #tpu.memory_space<hbm>> -> memref<128xi32, #tpu.memory_space<hbm>>
        tpu.wait_dma2 semaphore(%arg41 : memref<!tpu.dma_semaphore, #tpu.memory_space<semaphore_mem>>) src(%dma_wait3A_374 : memref<128xi32, #tpu.memory_space<hbm>>) dst(%arg20 : memref<128xi32, #tpu.memory_space<vmem>>)
        %dma_start3A_375 = arith.constant 0 : i32
        %dma_start3A_376 = arith.constant 0 : i32
        %dma_start3A_377 = tpu.memref_slice %arg4[%dma_start3A_375, %dma_start3A_376] : memref<10240x48xf32, #tpu.memory_space<hbm>> -> memref<10240x48xf32, #tpu.memory_space<hbm>>
        tpu.enqueue_indirect_dma source(%dma_start3A_377 : memref<10240x48xf32, #tpu.memory_space<hbm>>) target(%arg24 : memref<128x48xf32, #tpu.memory_space<vmem>>) offsets(%arg12 : memref<128xi32, #tpu.memory_space<vmem>>) semaphore(%arg29 : memref<!tpu.dma_semaphore, #tpu.memory_space<semaphore_mem>>)
      } else {
      }
      %add3A_265 = arith.constant 4 : i32
      %add3A_266 = arith.addi %add3A_245, %add3A_265 : i32
      %lt3A_267 = arith.cmpi slt, %add3A_266, %select_n3A : i32
      %convert_element_type3A_268 = arith.extui %lt3A_267 : i1 to i32
      %cond3A_269 = arith.constant 0 : i32
      %cond3A_270 = arith.cmpi ne, %convert_element_type3A_268, %cond3A_269 : i32
      scf.if %cond3A_270 {
        %add3A_359 = arith.constant 4 : i32
        %add3A_360 = arith.addi %add3A_245, %add3A_359 : i32
        %add3A_361 = arith.addi %add3A, %add3A_360 : i32
        %dma_start3A_362 = arith.constant 0 : i32
        %dma_start3A_363 = tpu.memref_slice %arg2[%add3A_361, %dma_start3A_362] : memref<2560x128xi32, #tpu.memory_space<hbm>> -> memref<1x128xi32, #tpu.memory_space<hbm>>
        %dma_start3A_364 = tpu.memref_squeeze %dma_start3A_363 : memref<1x128xi32, #tpu.memory_space<hbm>> -> memref<128xi32, #tpu.memory_space<hbm>>
        %dma_start3A_365 = arith.constant 0 : i32
        %dma_start3A_366 = tpu.memref_slice %arg2[%add3A_361, %dma_start3A_365] : memref<2560x128xi32, #tpu.memory_space<hbm>> -> memref<1x128xi32, #tpu.memory_space<hbm>>
        %dma_start3A_367 = tpu.memref_squeeze %dma_start3A_366 : memref<1x128xi32, #tpu.memory_space<hbm>> -> memref<128xi32, #tpu.memory_space<hbm>>
        tpu.enqueue_dma source(%dma_start3A_367 : memref<128xi32, #tpu.memory_space<hbm>>) target(%arg6 : memref<128xi32, #tpu.memory_space<vmem>>) target_semaphore(%arg35 : memref<!tpu.dma_semaphore, #tpu.memory_space<semaphore_mem>>)
        %add3A_368 = arith.addi %add3A, %add3A_360 : i32
        %dma_start3A_369 = arith.constant 0 : i32
        %dma_start3A_370 = tpu.memref_slice %arg3[%add3A_368, %dma_start3A_369] : memref<2560x128xi32, #tpu.memory_space<hbm>> -> memref<1x128xi32, #tpu.memory_space<hbm>>
        %dma_start3A_371 = tpu.memref_squeeze %dma_start3A_370 : memref<1x128xi32, #tpu.memory_space<hbm>> -> memref<128xi32, #tpu.memory_space<hbm>>
        %dma_start3A_372 = arith.constant 0 : i32
        %dma_start3A_373 = tpu.memref_slice %arg3[%add3A_368, %dma_start3A_372] : memref<2560x128xi32, #tpu.memory_space<hbm>> -> memref<1x128xi32, #tpu.memory_space<hbm>>
        %dma_start3A_374 = tpu.memref_squeeze %dma_start3A_373 : memref<1x128xi32, #tpu.memory_space<hbm>> -> memref<128xi32, #tpu.memory_space<hbm>>
        tpu.enqueue_dma source(%dma_start3A_374 : memref<128xi32, #tpu.memory_space<hbm>>) target(%arg14 : memref<128xi32, #tpu.memory_space<vmem>>) target_semaphore(%arg35 : memref<!tpu.dma_semaphore, #tpu.memory_space<semaphore_mem>>)
      } else {
      }
      %mul3A_271 = arith.constant 8 : i32
      %mul3A_272 = arith.muli %mul3A_271, %scan3A_129 : i32
      %add3A_273 = arith.constant 5 : i32
      %add3A_274 = arith.addi %mul3A_272, %add3A_273 : i32
      %ge3A_275 = arith.constant 1 : i32
      %ge3A_276 = arith.cmpi sge, %add3A_274, %ge3A_275 : i32
      %add3A_277 = arith.constant 1 : i32
      %add3A_278 = arith.addi %select_n3A, %add3A_277 : i32
      %lt3A_279 = arith.cmpi slt, %add3A_274, %add3A_278 : i32
      %and3A_280 = arith.andi %ge3A_276, %lt3A_279 : i1
      %convert_element_type3A_281 = arith.extui %and3A_280 : i1 to i32
      %cond3A_282 = arith.constant 0 : i32
      %cond3A_283 = arith.cmpi ne, %convert_element_type3A_281, %cond3A_282 : i32
      scf.if %cond3A_283 {
        %dma_wait3A_359 = arith.constant 0 : i32
        %dma_wait3A_360 = arith.constant 0 : i32
        %dma_wait3A_361 = tpu.memref_slice %arg26[%dma_wait3A_359, %dma_wait3A_360] : memref<10240x48xf32, #tpu.memory_space<vmem_shared>> -> memref<10240x48xf32, #tpu.memory_space<vmem_shared>>
        tpu.wait_indirect_dma semaphore(%arg31 : memref<!tpu.dma_semaphore, #tpu.memory_space<semaphore_mem>>) src(%arg22 : memref<128x48xf32, #tpu.memory_space<vmem>>) dst(%dma_wait3A_361 : memref<10240x48xf32, #tpu.memory_space<vmem_shared>>)
      } else {
      }
      %lt3A_284 = arith.cmpi slt, %add3A_274, %select_n3A : i32
      %convert_element_type3A_285 = arith.extui %lt3A_284 : i1 to i32
      %cond3A_286 = arith.constant 0 : i32
      %cond3A_287 = arith.cmpi ne, %convert_element_type3A_285, %cond3A_286 : i32
      scf.if %cond3A_287 {
        %dma_wait3A_359 = arith.constant 0 : i32
        %dma_wait3A_360 = arith.constant 0 : i32
        %dma_wait3A_361 = tpu.memref_slice %arg4[%dma_wait3A_359, %dma_wait3A_360] : memref<10240x48xf32, #tpu.memory_space<hbm>> -> memref<10240x48xf32, #tpu.memory_space<hbm>>
        tpu.wait_indirect_dma semaphore(%arg28 : memref<!tpu.dma_semaphore, #tpu.memory_space<semaphore_mem>>) src(%dma_wait3A_361 : memref<10240x48xf32, #tpu.memory_space<hbm>>) dst(%arg23 : memref<128x48xf32, #tpu.memory_space<vmem>>)
        %dma_start3A_362 = arith.constant 0 : i32
        %dma_start3A_363 = arith.constant 0 : i32
        %dma_start3A_364 = tpu.memref_slice %arg26[%dma_start3A_362, %dma_start3A_363] : memref<10240x48xf32, #tpu.memory_space<vmem_shared>> -> memref<10240x48xf32, #tpu.memory_space<vmem_shared>>
        tpu.enqueue_indirect_dma source(%arg23 : memref<128x48xf32, #tpu.memory_space<vmem>>) target(%dma_start3A_364 : memref<10240x48xf32, #tpu.memory_space<vmem_shared>>) offsets(%arg19 : memref<128xi32, #tpu.memory_space<vmem>>) semaphore(%arg32 : memref<!tpu.dma_semaphore, #tpu.memory_space<semaphore_mem>>) {add = true}
      } else {
      }
      %add3A_288 = arith.constant 2 : i32
      %add3A_289 = arith.addi %add3A_274, %add3A_288 : i32
      %lt3A_290 = arith.cmpi slt, %add3A_289, %select_n3A : i32
      %convert_element_type3A_291 = arith.extui %lt3A_290 : i1 to i32
      %cond3A_292 = arith.constant 0 : i32
      %cond3A_293 = arith.cmpi ne, %convert_element_type3A_291, %cond3A_292 : i32
      scf.if %cond3A_293 {
        %add3A_359 = arith.constant 2 : i32
        %add3A_360 = arith.addi %add3A_274, %add3A_359 : i32
        %add3A_361 = arith.addi %add3A, %add3A_360 : i32
        %dma_wait3A_362 = arith.constant 0 : i32
        %dma_wait3A_363 = tpu.memref_slice %arg2[%add3A_361, %dma_wait3A_362] : memref<2560x128xi32, #tpu.memory_space<hbm>> -> memref<1x128xi32, #tpu.memory_space<hbm>>
        %dma_wait3A_364 = tpu.memref_squeeze %dma_wait3A_363 : memref<1x128xi32, #tpu.memory_space<hbm>> -> memref<128xi32, #tpu.memory_space<hbm>>
        %dma_wait3A_365 = arith.constant 0 : i32
        %dma_wait3A_366 = tpu.memref_slice %arg2[%add3A_361, %dma_wait3A_365] : memref<2560x128xi32, #tpu.memory_space<hbm>> -> memref<1x128xi32, #tpu.memory_space<hbm>>
        %dma_wait3A_367 = tpu.memref_squeeze %dma_wait3A_366 : memref<1x128xi32, #tpu.memory_space<hbm>> -> memref<128xi32, #tpu.memory_space<hbm>>
        tpu.wait_dma2 semaphore(%arg42 : memref<!tpu.dma_semaphore, #tpu.memory_space<semaphore_mem>>) src(%dma_wait3A_367 : memref<128xi32, #tpu.memory_space<hbm>>) dst(%arg13 : memref<128xi32, #tpu.memory_space<vmem>>)
        %add3A_368 = arith.addi %add3A, %add3A_360 : i32
        %dma_wait3A_369 = arith.constant 0 : i32
        %dma_wait3A_370 = tpu.memref_slice %arg3[%add3A_368, %dma_wait3A_369] : memref<2560x128xi32, #tpu.memory_space<hbm>> -> memref<1x128xi32, #tpu.memory_space<hbm>>
        %dma_wait3A_371 = tpu.memref_squeeze %dma_wait3A_370 : memref<1x128xi32, #tpu.memory_space<hbm>> -> memref<128xi32, #tpu.memory_space<hbm>>
        %dma_wait3A_372 = arith.constant 0 : i32
        %dma_wait3A_373 = tpu.memref_slice %arg3[%add3A_368, %dma_wait3A_372] : memref<2560x128xi32, #tpu.memory_space<hbm>> -> memref<1x128xi32, #tpu.memory_space<hbm>>
        %dma_wait3A_374 = tpu.memref_squeeze %dma_wait3A_373 : memref<1x128xi32, #tpu.memory_space<hbm>> -> memref<128xi32, #tpu.memory_space<hbm>>
        tpu.wait_dma2 semaphore(%arg42 : memref<!tpu.dma_semaphore, #tpu.memory_space<semaphore_mem>>) src(%dma_wait3A_374 : memref<128xi32, #tpu.memory_space<hbm>>) dst(%arg21 : memref<128xi32, #tpu.memory_space<vmem>>)
        %dma_start3A_375 = arith.constant 0 : i32
        %dma_start3A_376 = arith.constant 0 : i32
        %dma_start3A_377 = tpu.memref_slice %arg4[%dma_start3A_375, %dma_start3A_376] : memref<10240x48xf32, #tpu.memory_space<hbm>> -> memref<10240x48xf32, #tpu.memory_space<hbm>>
        tpu.enqueue_indirect_dma source(%dma_start3A_377 : memref<10240x48xf32, #tpu.memory_space<hbm>>) target(%arg25 : memref<128x48xf32, #tpu.memory_space<vmem>>) offsets(%arg13 : memref<128xi32, #tpu.memory_space<vmem>>) semaphore(%arg30 : memref<!tpu.dma_semaphore, #tpu.memory_space<semaphore_mem>>)
      } else {
      }
      %add3A_294 = arith.constant 4 : i32
      %add3A_295 = arith.addi %add3A_274, %add3A_294 : i32
      %lt3A_296 = arith.cmpi slt, %add3A_295, %select_n3A : i32
      %convert_element_type3A_297 = arith.extui %lt3A_296 : i1 to i32
      %cond3A_298 = arith.constant 0 : i32
      %cond3A_299 = arith.cmpi ne, %convert_element_type3A_297, %cond3A_298 : i32
      scf.if %cond3A_299 {
        %add3A_359 = arith.constant 4 : i32
        %add3A_360 = arith.addi %add3A_274, %add3A_359 : i32
        %add3A_361 = arith.addi %add3A, %add3A_360 : i32
        %dma_start3A_362 = arith.constant 0 : i32
        %dma_start3A_363 = tpu.memref_slice %arg2[%add3A_361, %dma_start3A_362] : memref<2560x128xi32, #tpu.memory_space<hbm>> -> memref<1x128xi32, #tpu.memory_space<hbm>>
        %dma_start3A_364 = tpu.memref_squeeze %dma_start3A_363 : memref<1x128xi32, #tpu.memory_space<hbm>> -> memref<128xi32, #tpu.memory_space<hbm>>
        %dma_start3A_365 = arith.constant 0 : i32
        %dma_start3A_366 = tpu.memref_slice %arg2[%add3A_361, %dma_start3A_365] : memref<2560x128xi32, #tpu.memory_space<hbm>> -> memref<1x128xi32, #tpu.memory_space<hbm>>
        %dma_start3A_367 = tpu.memref_squeeze %dma_start3A_366 : memref<1x128xi32, #tpu.memory_space<hbm>> -> memref<128xi32, #tpu.memory_space<hbm>>
        tpu.enqueue_dma source(%dma_start3A_367 : memref<128xi32, #tpu.memory_space<hbm>>) target(%arg7 : memref<128xi32, #tpu.memory_space<vmem>>) target_semaphore(%arg36 : memref<!tpu.dma_semaphore, #tpu.memory_space<semaphore_mem>>)
        %add3A_368 = arith.addi %add3A, %add3A_360 : i32
        %dma_start3A_369 = arith.constant 0 : i32
        %dma_start3A_370 = tpu.memref_slice %arg3[%add3A_368, %dma_start3A_369] : memref<2560x128xi32, #tpu.memory_space<hbm>> -> memref<1x128xi32, #tpu.memory_space<hbm>>
        %dma_start3A_371 = tpu.memref_squeeze %dma_start3A_370 : memref<1x128xi32, #tpu.memory_space<hbm>> -> memref<128xi32, #tpu.memory_space<hbm>>
        %dma_start3A_372 = arith.constant 0 : i32
        %dma_start3A_373 = tpu.memref_slice %arg3[%add3A_368, %dma_start3A_372] : memref<2560x128xi32, #tpu.memory_space<hbm>> -> memref<1x128xi32, #tpu.memory_space<hbm>>
        %dma_start3A_374 = tpu.memref_squeeze %dma_start3A_373 : memref<1x128xi32, #tpu.memory_space<hbm>> -> memref<128xi32, #tpu.memory_space<hbm>>
        tpu.enqueue_dma source(%dma_start3A_374 : memref<128xi32, #tpu.memory_space<hbm>>) target(%arg15 : memref<128xi32, #tpu.memory_space<vmem>>) target_semaphore(%arg36 : memref<!tpu.dma_semaphore, #tpu.memory_space<semaphore_mem>>)
      } else {
      }
      %mul3A_300 = arith.constant 8 : i32
      %mul3A_301 = arith.muli %mul3A_300, %scan3A_129 : i32
      %add3A_302 = arith.constant 6 : i32
      %add3A_303 = arith.addi %mul3A_301, %add3A_302 : i32
      %ge3A_304 = arith.constant 1 : i32
      %ge3A_305 = arith.cmpi sge, %add3A_303, %ge3A_304 : i32
      %add3A_306 = arith.constant 1 : i32
      %add3A_307 = arith.addi %select_n3A, %add3A_306 : i32
      %lt3A_308 = arith.cmpi slt, %add3A_303, %add3A_307 : i32
      %and3A_309 = arith.andi %ge3A_305, %lt3A_308 : i1
      %convert_element_type3A_310 = arith.extui %and3A_309 : i1 to i32
      %cond3A_311 = arith.constant 0 : i32
      %cond3A_312 = arith.cmpi ne, %convert_element_type3A_310, %cond3A_311 : i32
      scf.if %cond3A_312 {
        %dma_wait3A_359 = arith.constant 0 : i32
        %dma_wait3A_360 = arith.constant 0 : i32
        %dma_wait3A_361 = tpu.memref_slice %arg26[%dma_wait3A_359, %dma_wait3A_360] : memref<10240x48xf32, #tpu.memory_space<vmem_shared>> -> memref<10240x48xf32, #tpu.memory_space<vmem_shared>>
        tpu.wait_indirect_dma semaphore(%arg32 : memref<!tpu.dma_semaphore, #tpu.memory_space<semaphore_mem>>) src(%arg23 : memref<128x48xf32, #tpu.memory_space<vmem>>) dst(%dma_wait3A_361 : memref<10240x48xf32, #tpu.memory_space<vmem_shared>>)
      } else {
      }
      %lt3A_313 = arith.cmpi slt, %add3A_303, %select_n3A : i32
      %convert_element_type3A_314 = arith.extui %lt3A_313 : i1 to i32
      %cond3A_315 = arith.constant 0 : i32
      %cond3A_316 = arith.cmpi ne, %convert_element_type3A_314, %cond3A_315 : i32
      scf.if %cond3A_316 {
        %dma_wait3A_359 = arith.constant 0 : i32
        %dma_wait3A_360 = arith.constant 0 : i32
        %dma_wait3A_361 = tpu.memref_slice %arg4[%dma_wait3A_359, %dma_wait3A_360] : memref<10240x48xf32, #tpu.memory_space<hbm>> -> memref<10240x48xf32, #tpu.memory_space<hbm>>
        tpu.wait_indirect_dma semaphore(%arg29 : memref<!tpu.dma_semaphore, #tpu.memory_space<semaphore_mem>>) src(%dma_wait3A_361 : memref<10240x48xf32, #tpu.memory_space<hbm>>) dst(%arg24 : memref<128x48xf32, #tpu.memory_space<vmem>>)
        %dma_start3A_362 = arith.constant 0 : i32
        %dma_start3A_363 = arith.constant 0 : i32
        %dma_start3A_364 = tpu.memref_slice %arg26[%dma_start3A_362, %dma_start3A_363] : memref<10240x48xf32, #tpu.memory_space<vmem_shared>> -> memref<10240x48xf32, #tpu.memory_space<vmem_shared>>
        tpu.enqueue_indirect_dma source(%arg24 : memref<128x48xf32, #tpu.memory_space<vmem>>) target(%dma_start3A_364 : memref<10240x48xf32, #tpu.memory_space<vmem_shared>>) offsets(%arg20 : memref<128xi32, #tpu.memory_space<vmem>>) semaphore(%arg33 : memref<!tpu.dma_semaphore, #tpu.memory_space<semaphore_mem>>) {add = true}
      } else {
      }
      %add3A_317 = arith.constant 2 : i32
      %add3A_318 = arith.addi %add3A_303, %add3A_317 : i32
      %lt3A_319 = arith.cmpi slt, %add3A_318, %select_n3A : i32
      %convert_element_type3A_320 = arith.extui %lt3A_319 : i1 to i32
      %cond3A_321 = arith.constant 0 : i32
      %cond3A_322 = arith.cmpi ne, %convert_element_type3A_320, %cond3A_321 : i32
      scf.if %cond3A_322 {
        %add3A_359 = arith.constant 2 : i32
        %add3A_360 = arith.addi %add3A_303, %add3A_359 : i32
        %add3A_361 = arith.addi %add3A, %add3A_360 : i32
        %dma_wait3A_362 = arith.constant 0 : i32
        %dma_wait3A_363 = tpu.memref_slice %arg2[%add3A_361, %dma_wait3A_362] : memref<2560x128xi32, #tpu.memory_space<hbm>> -> memref<1x128xi32, #tpu.memory_space<hbm>>
        %dma_wait3A_364 = tpu.memref_squeeze %dma_wait3A_363 : memref<1x128xi32, #tpu.memory_space<hbm>> -> memref<128xi32, #tpu.memory_space<hbm>>
        %dma_wait3A_365 = arith.constant 0 : i32
        %dma_wait3A_366 = tpu.memref_slice %arg2[%add3A_361, %dma_wait3A_365] : memref<2560x128xi32, #tpu.memory_space<hbm>> -> memref<1x128xi32, #tpu.memory_space<hbm>>
        %dma_wait3A_367 = tpu.memref_squeeze %dma_wait3A_366 : memref<1x128xi32, #tpu.memory_space<hbm>> -> memref<128xi32, #tpu.memory_space<hbm>>
        tpu.wait_dma2 semaphore(%arg35 : memref<!tpu.dma_semaphore, #tpu.memory_space<semaphore_mem>>) src(%dma_wait3A_367 : memref<128xi32, #tpu.memory_space<hbm>>) dst(%arg6 : memref<128xi32, #tpu.memory_space<vmem>>)
        %add3A_368 = arith.addi %add3A, %add3A_360 : i32
        %dma_wait3A_369 = arith.constant 0 : i32
        %dma_wait3A_370 = tpu.memref_slice %arg3[%add3A_368, %dma_wait3A_369] : memref<2560x128xi32, #tpu.memory_space<hbm>> -> memref<1x128xi32, #tpu.memory_space<hbm>>
        %dma_wait3A_371 = tpu.memref_squeeze %dma_wait3A_370 : memref<1x128xi32, #tpu.memory_space<hbm>> -> memref<128xi32, #tpu.memory_space<hbm>>
        %dma_wait3A_372 = arith.constant 0 : i32
        %dma_wait3A_373 = tpu.memref_slice %arg3[%add3A_368, %dma_wait3A_372] : memref<2560x128xi32, #tpu.memory_space<hbm>> -> memref<1x128xi32, #tpu.memory_space<hbm>>
        %dma_wait3A_374 = tpu.memref_squeeze %dma_wait3A_373 : memref<1x128xi32, #tpu.memory_space<hbm>> -> memref<128xi32, #tpu.memory_space<hbm>>
        tpu.wait_dma2 semaphore(%arg35 : memref<!tpu.dma_semaphore, #tpu.memory_space<semaphore_mem>>) src(%dma_wait3A_374 : memref<128xi32, #tpu.memory_space<hbm>>) dst(%arg14 : memref<128xi32, #tpu.memory_space<vmem>>)
        %dma_start3A_375 = arith.constant 0 : i32
        %dma_start3A_376 = arith.constant 0 : i32
        %dma_start3A_377 = tpu.memref_slice %arg4[%dma_start3A_375, %dma_start3A_376] : memref<10240x48xf32, #tpu.memory_space<hbm>> -> memref<10240x48xf32, #tpu.memory_space<hbm>>
        tpu.enqueue_indirect_dma source(%dma_start3A_377 : memref<10240x48xf32, #tpu.memory_space<hbm>>) target(%arg22 : memref<128x48xf32, #tpu.memory_space<vmem>>) offsets(%arg6 : memref<128xi32, #tpu.memory_space<vmem>>) semaphore(%arg27 : memref<!tpu.dma_semaphore, #tpu.memory_space<semaphore_mem>>)
      } else {
      }
      %add3A_323 = arith.constant 4 : i32
      %add3A_324 = arith.addi %add3A_303, %add3A_323 : i32
      %lt3A_325 = arith.cmpi slt, %add3A_324, %select_n3A : i32
      %convert_element_type3A_326 = arith.extui %lt3A_325 : i1 to i32
      %cond3A_327 = arith.constant 0 : i32
      %cond3A_328 = arith.cmpi ne, %convert_element_type3A_326, %cond3A_327 : i32
      scf.if %cond3A_328 {
        %add3A_359 = arith.constant 4 : i32
        %add3A_360 = arith.addi %add3A_303, %add3A_359 : i32
        %add3A_361 = arith.addi %add3A, %add3A_360 : i32
        %dma_start3A_362 = arith.constant 0 : i32
        %dma_start3A_363 = tpu.memref_slice %arg2[%add3A_361, %dma_start3A_362] : memref<2560x128xi32, #tpu.memory_space<hbm>> -> memref<1x128xi32, #tpu.memory_space<hbm>>
        %dma_start3A_364 = tpu.memref_squeeze %dma_start3A_363 : memref<1x128xi32, #tpu.memory_space<hbm>> -> memref<128xi32, #tpu.memory_space<hbm>>
        %dma_start3A_365 = arith.constant 0 : i32
        %dma_start3A_366 = tpu.memref_slice %arg2[%add3A_361, %dma_start3A_365] : memref<2560x128xi32, #tpu.memory_space<hbm>> -> memref<1x128xi32, #tpu.memory_space<hbm>>
        %dma_start3A_367 = tpu.memref_squeeze %dma_start3A_366 : memref<1x128xi32, #tpu.memory_space<hbm>> -> memref<128xi32, #tpu.memory_space<hbm>>
        tpu.enqueue_dma source(%dma_start3A_367 : memref<128xi32, #tpu.memory_space<hbm>>) target(%arg8 : memref<128xi32, #tpu.memory_space<vmem>>) target_semaphore(%arg37 : memref<!tpu.dma_semaphore, #tpu.memory_space<semaphore_mem>>)
        %add3A_368 = arith.addi %add3A, %add3A_360 : i32
        %dma_start3A_369 = arith.constant 0 : i32
        %dma_start3A_370 = tpu.memref_slice %arg3[%add3A_368, %dma_start3A_369] : memref<2560x128xi32, #tpu.memory_space<hbm>> -> memref<1x128xi32, #tpu.memory_space<hbm>>
        %dma_start3A_371 = tpu.memref_squeeze %dma_start3A_370 : memref<1x128xi32, #tpu.memory_space<hbm>> -> memref<128xi32, #tpu.memory_space<hbm>>
        %dma_start3A_372 = arith.constant 0 : i32
        %dma_start3A_373 = tpu.memref_slice %arg3[%add3A_368, %dma_start3A_372] : memref<2560x128xi32, #tpu.memory_space<hbm>> -> memref<1x128xi32, #tpu.memory_space<hbm>>
        %dma_start3A_374 = tpu.memref_squeeze %dma_start3A_373 : memref<1x128xi32, #tpu.memory_space<hbm>> -> memref<128xi32, #tpu.memory_space<hbm>>
        tpu.enqueue_dma source(%dma_start3A_374 : memref<128xi32, #tpu.memory_space<hbm>>) target(%arg16 : memref<128xi32, #tpu.memory_space<vmem>>) target_semaphore(%arg37 : memref<!tpu.dma_semaphore, #tpu.memory_space<semaphore_mem>>)
      } else {
      }
      %mul3A_329 = arith.constant 8 : i32
      %mul3A_330 = arith.muli %mul3A_329, %scan3A_129 : i32
      %add3A_331 = arith.constant 7 : i32
      %add3A_332 = arith.addi %mul3A_330, %add3A_331 : i32
      %ge3A_333 = arith.constant 1 : i32
      %ge3A_334 = arith.cmpi sge, %add3A_332, %ge3A_333 : i32
      %add3A_335 = arith.constant 1 : i32
      %add3A_336 = arith.addi %select_n3A, %add3A_335 : i32
      %lt3A_337 = arith.cmpi slt, %add3A_332, %add3A_336 : i32
      %and3A_338 = arith.andi %ge3A_334, %lt3A_337 : i1
      %convert_element_type3A_339 = arith.extui %and3A_338 : i1 to i32
      %cond3A_340 = arith.constant 0 : i32
      %cond3A_341 = arith.cmpi ne, %convert_element_type3A_339, %cond3A_340 : i32
      scf.if %cond3A_341 {
        %dma_wait3A_359 = arith.constant 0 : i32
        %dma_wait3A_360 = arith.constant 0 : i32
        %dma_wait3A_361 = tpu.memref_slice %arg26[%dma_wait3A_359, %dma_wait3A_360] : memref<10240x48xf32, #tpu.memory_space<vmem_shared>> -> memref<10240x48xf32, #tpu.memory_space<vmem_shared>>
        tpu.wait_indirect_dma semaphore(%arg33 : memref<!tpu.dma_semaphore, #tpu.memory_space<semaphore_mem>>) src(%arg24 : memref<128x48xf32, #tpu.memory_space<vmem>>) dst(%dma_wait3A_361 : memref<10240x48xf32, #tpu.memory_space<vmem_shared>>)
      } else {
      }
      %lt3A_342 = arith.cmpi slt, %add3A_332, %select_n3A : i32
      %convert_element_type3A_343 = arith.extui %lt3A_342 : i1 to i32
      %cond3A_344 = arith.constant 0 : i32
      %cond3A_345 = arith.cmpi ne, %convert_element_type3A_343, %cond3A_344 : i32
      scf.if %cond3A_345 {
        %dma_wait3A_359 = arith.constant 0 : i32
        %dma_wait3A_360 = arith.constant 0 : i32
        %dma_wait3A_361 = tpu.memref_slice %arg4[%dma_wait3A_359, %dma_wait3A_360] : memref<10240x48xf32, #tpu.memory_space<hbm>> -> memref<10240x48xf32, #tpu.memory_space<hbm>>
        tpu.wait_indirect_dma semaphore(%arg30 : memref<!tpu.dma_semaphore, #tpu.memory_space<semaphore_mem>>) src(%dma_wait3A_361 : memref<10240x48xf32, #tpu.memory_space<hbm>>) dst(%arg25 : memref<128x48xf32, #tpu.memory_space<vmem>>)
        %dma_start3A_362 = arith.constant 0 : i32
        %dma_start3A_363 = arith.constant 0 : i32
        %dma_start3A_364 = tpu.memref_slice %arg26[%dma_start3A_362, %dma_start3A_363] : memref<10240x48xf32, #tpu.memory_space<vmem_shared>> -> memref<10240x48xf32, #tpu.memory_space<vmem_shared>>
        tpu.enqueue_indirect_dma source(%arg25 : memref<128x48xf32, #tpu.memory_space<vmem>>) target(%dma_start3A_364 : memref<10240x48xf32, #tpu.memory_space<vmem_shared>>) offsets(%arg21 : memref<128xi32, #tpu.memory_space<vmem>>) semaphore(%arg34 : memref<!tpu.dma_semaphore, #tpu.memory_space<semaphore_mem>>) {add = true}
      } else {
      }
      %add3A_346 = arith.constant 2 : i32
      %add3A_347 = arith.addi %add3A_332, %add3A_346 : i32
      %lt3A_348 = arith.cmpi slt, %add3A_347, %select_n3A : i32
      %convert_element_type3A_349 = arith.extui %lt3A_348 : i1 to i32
      %cond3A_350 = arith.constant 0 : i32
      %cond3A_351 = arith.cmpi ne, %convert_element_type3A_349, %cond3A_350 : i32
      scf.if %cond3A_351 {
        %add3A_359 = arith.constant 2 : i32
        %add3A_360 = arith.addi %add3A_332, %add3A_359 : i32
        %add3A_361 = arith.addi %add3A, %add3A_360 : i32
        %dma_wait3A_362 = arith.constant 0 : i32
        %dma_wait3A_363 = tpu.memref_slice %arg2[%add3A_361, %dma_wait3A_362] : memref<2560x128xi32, #tpu.memory_space<hbm>> -> memref<1x128xi32, #tpu.memory_space<hbm>>
        %dma_wait3A_364 = tpu.memref_squeeze %dma_wait3A_363 : memref<1x128xi32, #tpu.memory_space<hbm>> -> memref<128xi32, #tpu.memory_space<hbm>>
        %dma_wait3A_365 = arith.constant 0 : i32
        %dma_wait3A_366 = tpu.memref_slice %arg2[%add3A_361, %dma_wait3A_365] : memref<2560x128xi32, #tpu.memory_space<hbm>> -> memref<1x128xi32, #tpu.memory_space<hbm>>
        %dma_wait3A_367 = tpu.memref_squeeze %dma_wait3A_366 : memref<1x128xi32, #tpu.memory_space<hbm>> -> memref<128xi32, #tpu.memory_space<hbm>>
        tpu.wait_dma2 semaphore(%arg36 : memref<!tpu.dma_semaphore, #tpu.memory_space<semaphore_mem>>) src(%dma_wait3A_367 : memref<128xi32, #tpu.memory_space<hbm>>) dst(%arg7 : memref<128xi32, #tpu.memory_space<vmem>>)
        %add3A_368 = arith.addi %add3A, %add3A_360 : i32
        %dma_wait3A_369 = arith.constant 0 : i32
        %dma_wait3A_370 = tpu.memref_slice %arg3[%add3A_368, %dma_wait3A_369] : memref<2560x128xi32, #tpu.memory_space<hbm>> -> memref<1x128xi32, #tpu.memory_space<hbm>>
        %dma_wait3A_371 = tpu.memref_squeeze %dma_wait3A_370 : memref<1x128xi32, #tpu.memory_space<hbm>> -> memref<128xi32, #tpu.memory_space<hbm>>
        %dma_wait3A_372 = arith.constant 0 : i32
        %dma_wait3A_373 = tpu.memref_slice %arg3[%add3A_368, %dma_wait3A_372] : memref<2560x128xi32, #tpu.memory_space<hbm>> -> memref<1x128xi32, #tpu.memory_space<hbm>>
        %dma_wait3A_374 = tpu.memref_squeeze %dma_wait3A_373 : memref<1x128xi32, #tpu.memory_space<hbm>> -> memref<128xi32, #tpu.memory_space<hbm>>
        tpu.wait_dma2 semaphore(%arg36 : memref<!tpu.dma_semaphore, #tpu.memory_space<semaphore_mem>>) src(%dma_wait3A_374 : memref<128xi32, #tpu.memory_space<hbm>>) dst(%arg15 : memref<128xi32, #tpu.memory_space<vmem>>)
        %dma_start3A_375 = arith.constant 0 : i32
        %dma_start3A_376 = arith.constant 0 : i32
        %dma_start3A_377 = tpu.memref_slice %arg4[%dma_start3A_375, %dma_start3A_376] : memref<10240x48xf32, #tpu.memory_space<hbm>> -> memref<10240x48xf32, #tpu.memory_space<hbm>>
        tpu.enqueue_indirect_dma source(%dma_start3A_377 : memref<10240x48xf32, #tpu.memory_space<hbm>>) target(%arg23 : memref<128x48xf32, #tpu.memory_space<vmem>>) offsets(%arg7 : memref<128xi32, #tpu.memory_space<vmem>>) semaphore(%arg28 : memref<!tpu.dma_semaphore, #tpu.memory_space<semaphore_mem>>)
      } else {
      }
      %add3A_352 = arith.constant 4 : i32
      %add3A_353 = arith.addi %add3A_332, %add3A_352 : i32
      %lt3A_354 = arith.cmpi slt, %add3A_353, %select_n3A : i32
      %convert_element_type3A_355 = arith.extui %lt3A_354 : i1 to i32
      %cond3A_356 = arith.constant 0 : i32
      %cond3A_357 = arith.cmpi ne, %convert_element_type3A_355, %cond3A_356 : i32
      scf.if %cond3A_357 {
        %add3A_359 = arith.constant 4 : i32
        %add3A_360 = arith.addi %add3A_332, %add3A_359 : i32
        %add3A_361 = arith.addi %add3A, %add3A_360 : i32
        %dma_start3A_362 = arith.constant 0 : i32
        %dma_start3A_363 = tpu.memref_slice %arg2[%add3A_361, %dma_start3A_362] : memref<2560x128xi32, #tpu.memory_space<hbm>> -> memref<1x128xi32, #tpu.memory_space<hbm>>
        %dma_start3A_364 = tpu.memref_squeeze %dma_start3A_363 : memref<1x128xi32, #tpu.memory_space<hbm>> -> memref<128xi32, #tpu.memory_space<hbm>>
        %dma_start3A_365 = arith.constant 0 : i32
        %dma_start3A_366 = tpu.memref_slice %arg2[%add3A_361, %dma_start3A_365] : memref<2560x128xi32, #tpu.memory_space<hbm>> -> memref<1x128xi32, #tpu.memory_space<hbm>>
        %dma_start3A_367 = tpu.memref_squeeze %dma_start3A_366 : memref<1x128xi32, #tpu.memory_space<hbm>> -> memref<128xi32, #tpu.memory_space<hbm>>
        tpu.enqueue_dma source(%dma_start3A_367 : memref<128xi32, #tpu.memory_space<hbm>>) target(%arg9 : memref<128xi32, #tpu.memory_space<vmem>>) target_semaphore(%arg38 : memref<!tpu.dma_semaphore, #tpu.memory_space<semaphore_mem>>)
        %add3A_368 = arith.addi %add3A, %add3A_360 : i32
        %dma_start3A_369 = arith.constant 0 : i32
        %dma_start3A_370 = tpu.memref_slice %arg3[%add3A_368, %dma_start3A_369] : memref<2560x128xi32, #tpu.memory_space<hbm>> -> memref<1x128xi32, #tpu.memory_space<hbm>>
        %dma_start3A_371 = tpu.memref_squeeze %dma_start3A_370 : memref<1x128xi32, #tpu.memory_space<hbm>> -> memref<128xi32, #tpu.memory_space<hbm>>
        %dma_start3A_372 = arith.constant 0 : i32
        %dma_start3A_373 = tpu.memref_slice %arg3[%add3A_368, %dma_start3A_372] : memref<2560x128xi32, #tpu.memory_space<hbm>> -> memref<1x128xi32, #tpu.memory_space<hbm>>
        %dma_start3A_374 = tpu.memref_squeeze %dma_start3A_373 : memref<1x128xi32, #tpu.memory_space<hbm>> -> memref<128xi32, #tpu.memory_space<hbm>>
        tpu.enqueue_dma source(%dma_start3A_374 : memref<128xi32, #tpu.memory_space<hbm>>) target(%arg17 : memref<128xi32, #tpu.memory_space<vmem>>) target_semaphore(%arg38 : memref<!tpu.dma_semaphore, #tpu.memory_space<semaphore_mem>>)
      } else {
      }
      %scan3A_358 = arith.constant 0 : i32
      scf.yield %scan3A_358 : i32
    }
    %scan3A_127 = arith.constant 16 : i32
    %barrier3A_128 = arith.constant 0 : index
    tpu.barrier barrier_id(%barrier3A_128)
    "tpu.region"() ({
      %run_scoped3A = tpu.sem_alloc : memref<!tpu.dma_semaphore, #tpu.memory_space<semaphore_mem>>
      %dma_start3A_129 = arith.constant 0 : i32
      %dma_start3A_130 = tpu.memref_slice %arg5[%arg0, %mul3A_13, %dma_start3A_129] : memref<2x10240x48xf32, #tpu.memory_space<hbm>> -> memref<1x640x48xf32, #tpu.memory_space<hbm>>
      %dma_start3A_131 = tpu.memref_squeeze %dma_start3A_130 : memref<1x640x48xf32, #tpu.memory_space<hbm>> -> memref<640x48xf32, #tpu.memory_space<hbm>>
      %dma_start3A_132 = arith.constant 0 : i32
      %dma_start3A_133 = tpu.memref_slice %arg26[%mul3A_13, %dma_start3A_132] : memref<10240x48xf32, #tpu.memory_space<vmem_shared>> -> memref<640x48xf32, #tpu.memory_space<vmem_shared>>
      tpu.enqueue_dma source(%dma_start3A_133 : memref<640x48xf32, #tpu.memory_space<vmem_shared>>) target(%dma_start3A_131 : memref<640x48xf32, #tpu.memory_space<hbm>>) target_semaphore(%run_scoped3A : memref<!tpu.dma_semaphore, #tpu.memory_space<semaphore_mem>>)
      %dma_wait3A_134 = arith.constant 0 : i32
      %dma_wait3A_135 = tpu.memref_slice %arg5[%arg0, %mul3A_13, %dma_wait3A_134] : memref<2x10240x48xf32, #tpu.memory_space<hbm>> -> memref<1x640x48xf32, #tpu.memory_space<hbm>>
      %dma_wait3A_136 = tpu.memref_squeeze %dma_wait3A_135 : memref<1x640x48xf32, #tpu.memory_space<hbm>> -> memref<640x48xf32, #tpu.memory_space<hbm>>
      %dma_wait3A_137 = arith.constant 0 : i32
      %dma_wait3A_138 = tpu.memref_slice %arg26[%mul3A_13, %dma_wait3A_137] : memref<10240x48xf32, #tpu.memory_space<vmem_shared>> -> memref<640x48xf32, #tpu.memory_space<vmem_shared>>
      tpu.wait_dma2 semaphore(%run_scoped3A : memref<!tpu.dma_semaphore, #tpu.memory_space<semaphore_mem>>) src(%dma_wait3A_138 : memref<640x48xf32, #tpu.memory_space<vmem_shared>>) dst(%dma_wait3A_136 : memref<640x48xf32, #tpu.memory_space<hbm>>)
      tpu.yield
    }) : () -> ()
    return
  }
}

#map = affine_map<(d0, d1) -> (0, 0)>
#map1 = affine_map<(d0, d1) -> (0, 0, 0)>
module attributes {stable_mosaic.version = 14 : i64} {
  func.func @_scat_body(%arg0: i32, %arg1: i32, %arg2: memref<4096x80xi32, #tpu.memory_space<hbm>>, %arg3: memref<4096x80xi32, #tpu.memory_space<hbm>>, %arg4: memref<10240x128xf32, #tpu.memory_space<hbm>>, %arg5: memref<2x10240x128xf32, #tpu.memory_space<hbm>>, %arg6: memref<80xi32, #tpu.memory_space<vmem>>, %arg7: memref<80xi32, #tpu.memory_space<vmem>>, %arg8: memref<80xi32, #tpu.memory_space<vmem>>, %arg9: memref<80xi32, #tpu.memory_space<vmem>>, %arg10: memref<80xi32, #tpu.memory_space<vmem>>, %arg11: memref<80xi32, #tpu.memory_space<vmem>>, %arg12: memref<80xi32, #tpu.memory_space<vmem>>, %arg13: memref<80xi32, #tpu.memory_space<vmem>>, %arg14: memref<80xi32, #tpu.memory_space<vmem>>, %arg15: memref<80xi32, #tpu.memory_space<vmem>>, %arg16: memref<80xi32, #tpu.memory_space<vmem>>, %arg17: memref<80xi32, #tpu.memory_space<vmem>>, %arg18: memref<80xi32, #tpu.memory_space<vmem>>, %arg19: memref<80xi32, #tpu.memory_space<vmem>>, %arg20: memref<80xi32, #tpu.memory_space<vmem>>, %arg21: memref<80xi32, #tpu.memory_space<vmem>>, %arg22: memref<80x128xf32, #tpu.memory_space<vmem>>, %arg23: memref<80x128xf32, #tpu.memory_space<vmem>>, %arg24: memref<80x128xf32, #tpu.memory_space<vmem>>, %arg25: memref<80x128xf32, #tpu.memory_space<vmem>>, %arg26: memref<10240x128xf32, #tpu.memory_space<vmem_shared>>, %arg27: memref<!tpu.dma_semaphore, #tpu.memory_space<semaphore_mem>>, %arg28: memref<!tpu.dma_semaphore, #tpu.memory_space<semaphore_mem>>, %arg29: memref<!tpu.dma_semaphore, #tpu.memory_space<semaphore_mem>>, %arg30: memref<!tpu.dma_semaphore, #tpu.memory_space<semaphore_mem>>, %arg31: memref<!tpu.dma_semaphore, #tpu.memory_space<semaphore_mem>>, %arg32: memref<!tpu.dma_semaphore, #tpu.memory_space<semaphore_mem>>, %arg33: memref<!tpu.dma_semaphore, #tpu.memory_space<semaphore_mem>>, %arg34: memref<!tpu.dma_semaphore, #tpu.memory_space<semaphore_mem>>, %arg35: memref<!tpu.dma_semaphore, #tpu.memory_space<semaphore_mem>>, %arg36: memref<!tpu.dma_semaphore, #tpu.memory_space<semaphore_mem>>, %arg37: memref<!tpu.dma_semaphore, #tpu.memory_space<semaphore_mem>>, %arg38: memref<!tpu.dma_semaphore, #tpu.memory_space<semaphore_mem>>, %arg39: memref<!tpu.dma_semaphore, #tpu.memory_space<semaphore_mem>>, %arg40: memref<!tpu.dma_semaphore, #tpu.memory_space<semaphore_mem>>, %arg41: memref<!tpu.dma_semaphore, #tpu.memory_space<semaphore_mem>>, %arg42: memref<!tpu.dma_semaphore, #tpu.memory_space<semaphore_mem>>) attributes {dimension_semantics = [#tpu.dimension_semantics<core_parallel>, #tpu.dimension_semantics<subcore_parallel>], iteration_bounds = array<i64: 2, 16>, scalar_prefetch = 0 : i64, scratch_operands = 37 : i64, tpu.core_type = #tpu.core_type<sc_vector_subcore>, window_params = [{transform_indices = #map}, {transform_indices = #map}, {transform_indices = #map}, {transform_indices = #map1}]} {
    %mul3A = arith.constant 256 : i32
    %mul3A_0 = arith.muli %arg1, %mul3A : i32
    %mul3A_1 = arith.constant 196 : i32
    %mul3A_2 = arith.muli %arg0, %mul3A_1 : i32
    %add3A = arith.addi %mul3A_0, %mul3A_2 : i32
    %eq3A = arith.constant 0 : i32
    %eq3A_3 = arith.cmpi eq, %arg0, %eq3A : i32
    %jit3A = arith.constant 196 : i32
    %jit3A_4 = arith.constant 60 : i32
    %select_n3A = arith.select %eq3A_3, %jit3A, %jit3A_4 : i32
    %broadcast_in_dim3A = arith.constant 0.000000e+00 : f32
    %broadcast_in_dim3A_5 = vector.broadcast %broadcast_in_dim3A : f32 to vector<16xf32>
    %scan3A = arith.constant 0 : i32
    %scan3A_6 = arith.constant 0 : i32
    %scan3A_7 = arith.constant 80 : i32
    %scan3A_8 = arith.addi %scan3A_6, %scan3A_7 : i32
    %scan3A_9 = arith.constant 1 : i32
    %scan3A_10 = scf.for %scan3A_129 = %scan3A_6 to %scan3A_8 step %scan3A_9 iter_args(%scan3A_130 = %scan3A) -> (i32)  : i32 {
      %scan3A_131 = arith.constant 0 : i32
      %scan3A_132 = arith.constant 0 : i32
      %scan3A_133 = arith.constant 8 : i32
      %scan3A_134 = arith.addi %scan3A_132, %scan3A_133 : i32
      %scan3A_135 = arith.constant 1 : i32
      %scan3A_136 = scf.for %scan3A_139 = %scan3A_132 to %scan3A_134 step %scan3A_135 iter_args(%scan3A_140 = %scan3A_131) -> (i32)  : i32 {
        %mul3A_141 = arith.constant 16 : i32
        %mul3A_142 = arith.muli %scan3A_139, %mul3A_141 : i32
        %swap3A = arith.index_cast %scan3A_129 : i32 to index
        %swap3A_143 = arith.index_cast %mul3A_142 : i32 to index
        %swap3A_144 = tpu.vector_load %arg22[%swap3A, %swap3A_143] {strides = array<i32>} : memref<80x128xf32, #tpu.memory_space<vmem>>, vector<1x16xf32>,
        %swap3A_145 = vector.shape_cast %swap3A_144 : vector<1x16xf32> to vector<16xf32>
        %swap3A_146 = vector.shape_cast %broadcast_in_dim3A_5 : vector<16xf32> to vector<1x16xf32>
        tpu.vector_store %arg22[%swap3A, %swap3A_143], %swap3A_146 {strides = array<i32>} : memref<80x128xf32, #tpu.memory_space<vmem>>, vector<1x16xf32>,
        %scan3A_147 = arith.constant 0 : i32
        scf.yield %scan3A_147 : i32
      }
      %scan3A_137 = arith.constant 8 : i32
      %scan3A_138 = arith.constant 0 : i32
      scf.yield %scan3A_138 : i32
    }
    %scan3A_11 = arith.constant 80 : i32
    %mul3A_12 = arith.constant 640 : i32
    %mul3A_13 = arith.muli %arg1, %mul3A_12 : i32
    %scan3A_14 = arith.constant 0 : i32
    %scan3A_15 = arith.constant 0 : i32
    %scan3A_16 = arith.constant 8 : i32
    %scan3A_17 = arith.addi %scan3A_15, %scan3A_16 : i32
    %scan3A_18 = arith.constant 1 : i32
    %scan3A_19 = scf.for %scan3A_129 = %scan3A_15 to %scan3A_17 step %scan3A_18 iter_args(%scan3A_130 = %scan3A_14) -> (i32)  : i32 {
      %mul3A_131 = arith.constant 80 : i32
      %mul3A_132 = arith.muli %scan3A_129, %mul3A_131 : i32
      %add3A_133 = arith.addi %mul3A_13, %mul3A_132 : i32
      "tpu.region"() ({
        %run_scoped3A = tpu.sem_alloc : memref<!tpu.dma_semaphore, #tpu.memory_space<semaphore_mem>>
        %dma_start3A_135 = arith.constant 0 : i32
        %dma_start3A_136 = tpu.memref_slice %arg26[%add3A_133, %dma_start3A_135] : memref<10240x128xf32, #tpu.memory_space<vmem_shared>> -> memref<80x128xf32, #tpu.memory_space<vmem_shared>>
        %dma_start3A_137 = arith.constant 0 : i32
        %dma_start3A_138 = tpu.memref_slice %arg26[%add3A_133, %dma_start3A_137] : memref<10240x128xf32, #tpu.memory_space<vmem_shared>> -> memref<80x128xf32, #tpu.memory_space<vmem_shared>>
        tpu.enqueue_dma source(%arg22 : memref<80x128xf32, #tpu.memory_space<vmem>>) target(%dma_start3A_138 : memref<80x128xf32, #tpu.memory_space<vmem_shared>>) target_semaphore(%run_scoped3A : memref<!tpu.dma_semaphore, #tpu.memory_space<semaphore_mem>>)
        %dma_wait3A_139 = arith.constant 0 : i32
        %dma_wait3A_140 = tpu.memref_slice %arg26[%add3A_133, %dma_wait3A_139] : memref<10240x128xf32, #tpu.memory_space<vmem_shared>> -> memref<80x128xf32, #tpu.memory_space<vmem_shared>>
        %dma_wait3A_141 = arith.constant 0 : i32
        %dma_wait3A_142 = tpu.memref_slice %arg26[%add3A_133, %dma_wait3A_141] : memref<10240x128xf32, #tpu.memory_space<vmem_shared>> -> memref<80x128xf32, #tpu.memory_space<vmem_shared>>
        tpu.wait_dma2 semaphore(%run_scoped3A : memref<!tpu.dma_semaphore, #tpu.memory_space<semaphore_mem>>) src(%arg22 : memref<80x128xf32, #tpu.memory_space<vmem>>) dst(%dma_wait3A_142 : memref<80x128xf32, #tpu.memory_space<vmem_shared>>)
        tpu.yield
      }) : () -> ()
      %scan3A_134 = arith.constant 0 : i32
      scf.yield %scan3A_134 : i32
    }
    %scan3A_20 = arith.constant 8 : i32
    %barrier3A = arith.constant 0 : index
    tpu.barrier barrier_id(%barrier3A)
    %add3A_21 = arith.constant 0 : i32
    %add3A_22 = arith.addi %add3A, %add3A_21 : i32
    %dma_start3A = arith.constant 0 : i32
    %dma_start3A_23 = tpu.memref_slice %arg2[%add3A_22, %dma_start3A] : memref<4096x80xi32, #tpu.memory_space<hbm>> -> memref<1x80xi32, #tpu.memory_space<hbm>>
    %dma_start3A_24 = tpu.memref_squeeze %dma_start3A_23 : memref<1x80xi32, #tpu.memory_space<hbm>> -> memref<80xi32, #tpu.memory_space<hbm>>
    %dma_start3A_25 = arith.constant 0 : i32
    %dma_start3A_26 = tpu.memref_slice %arg2[%add3A_22, %dma_start3A_25] : memref<4096x80xi32, #tpu.memory_space<hbm>> -> memref<1x80xi32, #tpu.memory_space<hbm>>
    %dma_start3A_27 = tpu.memref_squeeze %dma_start3A_26 : memref<1x80xi32, #tpu.memory_space<hbm>> -> memref<80xi32, #tpu.memory_space<hbm>>
    tpu.enqueue_dma source(%dma_start3A_27 : memref<80xi32, #tpu.memory_space<hbm>>) target(%arg6 : memref<80xi32, #tpu.memory_space<vmem>>) target_semaphore(%arg35 : memref<!tpu.dma_semaphore, #tpu.memory_space<semaphore_mem>>)
    %add3A_28 = arith.constant 0 : i32
    %add3A_29 = arith.addi %add3A, %add3A_28 : i32
    %dma_start3A_30 = arith.constant 0 : i32
    %dma_start3A_31 = tpu.memref_slice %arg3[%add3A_29, %dma_start3A_30] : memref<4096x80xi32, #tpu.memory_space<hbm>> -> memref<1x80xi32, #tpu.memory_space<hbm>>
    %dma_start3A_32 = tpu.memref_squeeze %dma_start3A_31 : memref<1x80xi32, #tpu.memory_space<hbm>> -> memref<80xi32, #tpu.memory_space<hbm>>
    %dma_start3A_33 = arith.constant 0 : i32
    %dma_start3A_34 = tpu.memref_slice %arg3[%add3A_29, %dma_start3A_33] : memref<4096x80xi32, #tpu.memory_space<hbm>> -> memref<1x80xi32, #tpu.memory_space<hbm>>
    %dma_start3A_35 = tpu.memref_squeeze %dma_start3A_34 : memref<1x80xi32, #tpu.memory_space<hbm>> -> memref<80xi32, #tpu.memory_space<hbm>>
    tpu.enqueue_dma source(%dma_start3A_35 : memref<80xi32, #tpu.memory_space<hbm>>) target(%arg14 : memref<80xi32, #tpu.memory_space<vmem>>) target_semaphore(%arg35 : memref<!tpu.dma_semaphore, #tpu.memory_space<semaphore_mem>>)
    %add3A_36 = arith.constant 1 : i32
    %add3A_37 = arith.addi %add3A, %add3A_36 : i32
    %dma_start3A_38 = arith.constant 0 : i32
    %dma_start3A_39 = tpu.memref_slice %arg2[%add3A_37, %dma_start3A_38] : memref<4096x80xi32, #tpu.memory_space<hbm>> -> memref<1x80xi32, #tpu.memory_space<hbm>>
    %dma_start3A_40 = tpu.memref_squeeze %dma_start3A_39 : memref<1x80xi32, #tpu.memory_space<hbm>> -> memref<80xi32, #tpu.memory_space<hbm>>
    %dma_start3A_41 = arith.constant 0 : i32
    %dma_start3A_42 = tpu.memref_slice %arg2[%add3A_37, %dma_start3A_41] : memref<4096x80xi32, #tpu.memory_space<hbm>> -> memref<1x80xi32, #tpu.memory_space<hbm>>
    %dma_start3A_43 = tpu.memref_squeeze %dma_start3A_42 : memref<1x80xi32, #tpu.memory_space<hbm>> -> memref<80xi32, #tpu.memory_space<hbm>>
    tpu.enqueue_dma source(%dma_start3A_43 : memref<80xi32, #tpu.memory_space<hbm>>) target(%arg7 : memref<80xi32, #tpu.memory_space<vmem>>) target_semaphore(%arg36 : memref<!tpu.dma_semaphore, #tpu.memory_space<semaphore_mem>>)
    %add3A_44 = arith.constant 1 : i32
    %add3A_45 = arith.addi %add3A, %add3A_44 : i32
    %dma_start3A_46 = arith.constant 0 : i32
    %dma_start3A_47 = tpu.memref_slice %arg3[%add3A_45, %dma_start3A_46] : memref<4096x80xi32, #tpu.memory_space<hbm>> -> memref<1x80xi32, #tpu.memory_space<hbm>>
    %dma_start3A_48 = tpu.memref_squeeze %dma_start3A_47 : memref<1x80xi32, #tpu.memory_space<hbm>> -> memref<80xi32, #tpu.memory_space<hbm>>
    %dma_start3A_49 = arith.constant 0 : i32
    %dma_start3A_50 = tpu.memref_slice %arg3[%add3A_45, %dma_start3A_49] : memref<4096x80xi32, #tpu.memory_space<hbm>> -> memref<1x80xi32, #tpu.memory_space<hbm>>
    %dma_start3A_51 = tpu.memref_squeeze %dma_start3A_50 : memref<1x80xi32, #tpu.memory_space<hbm>> -> memref<80xi32, #tpu.memory_space<hbm>>
    tpu.enqueue_dma source(%dma_start3A_51 : memref<80xi32, #tpu.memory_space<hbm>>) target(%arg15 : memref<80xi32, #tpu.memory_space<vmem>>) target_semaphore(%arg36 : memref<!tpu.dma_semaphore, #tpu.memory_space<semaphore_mem>>)
    %add3A_52 = arith.constant 2 : i32
    %add3A_53 = arith.addi %add3A, %add3A_52 : i32
    %dma_start3A_54 = arith.constant 0 : i32
    %dma_start3A_55 = tpu.memref_slice %arg2[%add3A_53, %dma_start3A_54] : memref<4096x80xi32, #tpu.memory_space<hbm>> -> memref<1x80xi32, #tpu.memory_space<hbm>>
    %dma_start3A_56 = tpu.memref_squeeze %dma_start3A_55 : memref<1x80xi32, #tpu.memory_space<hbm>> -> memref<80xi32, #tpu.memory_space<hbm>>
    %dma_start3A_57 = arith.constant 0 : i32
    %dma_start3A_58 = tpu.memref_slice %arg2[%add3A_53, %dma_start3A_57] : memref<4096x80xi32, #tpu.memory_space<hbm>> -> memref<1x80xi32, #tpu.memory_space<hbm>>
    %dma_start3A_59 = tpu.memref_squeeze %dma_start3A_58 : memref<1x80xi32, #tpu.memory_space<hbm>> -> memref<80xi32, #tpu.memory_space<hbm>>
    tpu.enqueue_dma source(%dma_start3A_59 : memref<80xi32, #tpu.memory_space<hbm>>) target(%arg8 : memref<80xi32, #tpu.memory_space<vmem>>) target_semaphore(%arg37 : memref<!tpu.dma_semaphore, #tpu.memory_space<semaphore_mem>>)
    %add3A_60 = arith.constant 2 : i32
    %add3A_61 = arith.addi %add3A, %add3A_60 : i32
    %dma_start3A_62 = arith.constant 0 : i32
    %dma_start3A_63 = tpu.memref_slice %arg3[%add3A_61, %dma_start3A_62] : memref<4096x80xi32, #tpu.memory_space<hbm>> -> memref<1x80xi32, #tpu.memory_space<hbm>>
    %dma_start3A_64 = tpu.memref_squeeze %dma_start3A_63 : memref<1x80xi32, #tpu.memory_space<hbm>> -> memref<80xi32, #tpu.memory_space<hbm>>
    %dma_start3A_65 = arith.constant 0 : i32
    %dma_start3A_66 = tpu.memref_slice %arg3[%add3A_61, %dma_start3A_65] : memref<4096x80xi32, #tpu.memory_space<hbm>> -> memref<1x80xi32, #tpu.memory_space<hbm>>
    %dma_start3A_67 = tpu.memref_squeeze %dma_start3A_66 : memref<1x80xi32, #tpu.memory_space<hbm>> -> memref<80xi32, #tpu.memory_space<hbm>>
    tpu.enqueue_dma source(%dma_start3A_67 : memref<80xi32, #tpu.memory_space<hbm>>) target(%arg16 : memref<80xi32, #tpu.memory_space<vmem>>) target_semaphore(%arg37 : memref<!tpu.dma_semaphore, #tpu.memory_space<semaphore_mem>>)
    %add3A_68 = arith.constant 3 : i32
    %add3A_69 = arith.addi %add3A, %add3A_68 : i32
    %dma_start3A_70 = arith.constant 0 : i32
    %dma_start3A_71 = tpu.memref_slice %arg2[%add3A_69, %dma_start3A_70] : memref<4096x80xi32, #tpu.memory_space<hbm>> -> memref<1x80xi32, #tpu.memory_space<hbm>>
    %dma_start3A_72 = tpu.memref_squeeze %dma_start3A_71 : memref<1x80xi32, #tpu.memory_space<hbm>> -> memref<80xi32, #tpu.memory_space<hbm>>
    %dma_start3A_73 = arith.constant 0 : i32
    %dma_start3A_74 = tpu.memref_slice %arg2[%add3A_69, %dma_start3A_73] : memref<4096x80xi32, #tpu.memory_space<hbm>> -> memref<1x80xi32, #tpu.memory_space<hbm>>
    %dma_start3A_75 = tpu.memref_squeeze %dma_start3A_74 : memref<1x80xi32, #tpu.memory_space<hbm>> -> memref<80xi32, #tpu.memory_space<hbm>>
    tpu.enqueue_dma source(%dma_start3A_75 : memref<80xi32, #tpu.memory_space<hbm>>) target(%arg9 : memref<80xi32, #tpu.memory_space<vmem>>) target_semaphore(%arg38 : memref<!tpu.dma_semaphore, #tpu.memory_space<semaphore_mem>>)
    %add3A_76 = arith.constant 3 : i32
    %add3A_77 = arith.addi %add3A, %add3A_76 : i32
    %dma_start3A_78 = arith.constant 0 : i32
    %dma_start3A_79 = tpu.memref_slice %arg3[%add3A_77, %dma_start3A_78] : memref<4096x80xi32, #tpu.memory_space<hbm>> -> memref<1x80xi32, #tpu.memory_space<hbm>>
    %dma_start3A_80 = tpu.memref_squeeze %dma_start3A_79 : memref<1x80xi32, #tpu.memory_space<hbm>> -> memref<80xi32, #tpu.memory_space<hbm>>
    %dma_start3A_81 = arith.constant 0 : i32
    %dma_start3A_82 = tpu.memref_slice %arg3[%add3A_77, %dma_start3A_81] : memref<4096x80xi32, #tpu.memory_space<hbm>> -> memref<1x80xi32, #tpu.memory_space<hbm>>
    %dma_start3A_83 = tpu.memref_squeeze %dma_start3A_82 : memref<1x80xi32, #tpu.memory_space<hbm>> -> memref<80xi32, #tpu.memory_space<hbm>>
    tpu.enqueue_dma source(%dma_start3A_83 : memref<80xi32, #tpu.memory_space<hbm>>) target(%arg17 : memref<80xi32, #tpu.memory_space<vmem>>) target_semaphore(%arg38 : memref<!tpu.dma_semaphore, #tpu.memory_space<semaphore_mem>>)
    %add3A_84 = arith.constant 0 : i32
    %add3A_85 = arith.addi %add3A, %add3A_84 : i32
    %dma_wait3A = arith.constant 0 : i32
    %dma_wait3A_86 = tpu.memref_slice %arg2[%add3A_85, %dma_wait3A] : memref<4096x80xi32, #tpu.memory_space<hbm>> -> memref<1x80xi32, #tpu.memory_space<hbm>>
    %dma_wait3A_87 = tpu.memref_squeeze %dma_wait3A_86 : memref<1x80xi32, #tpu.memory_space<hbm>> -> memref<80xi32, #tpu.memory_space<hbm>>
    %dma_wait3A_88 = arith.constant 0 : i32
    %dma_wait3A_89 = tpu.memref_slice %arg2[%add3A_85, %dma_wait3A_88] : memref<4096x80xi32, #tpu.memory_space<hbm>> -> memref<1x80xi32, #tpu.memory_space<hbm>>
    %dma_wait3A_90 = tpu.memref_squeeze %dma_wait3A_89 : memref<1x80xi32, #tpu.memory_space<hbm>> -> memref<80xi32, #tpu.memory_space<hbm>>
    tpu.wait_dma2 semaphore(%arg35 : memref<!tpu.dma_semaphore, #tpu.memory_space<semaphore_mem>>) src(%dma_wait3A_90 : memref<80xi32, #tpu.memory_space<hbm>>) dst(%arg6 : memref<80xi32, #tpu.memory_space<vmem>>)
    %add3A_91 = arith.constant 0 : i32
    %add3A_92 = arith.addi %add3A, %add3A_91 : i32
    %dma_wait3A_93 = arith.constant 0 : i32
    %dma_wait3A_94 = tpu.memref_slice %arg3[%add3A_92, %dma_wait3A_93] : memref<4096x80xi32, #tpu.memory_space<hbm>> -> memref<1x80xi32, #tpu.memory_space<hbm>>
    %dma_wait3A_95 = tpu.memref_squeeze %dma_wait3A_94 : memref<1x80xi32, #tpu.memory_space<hbm>> -> memref<80xi32, #tpu.memory_space<hbm>>
    %dma_wait3A_96 = arith.constant 0 : i32
    %dma_wait3A_97 = tpu.memref_slice %arg3[%add3A_92, %dma_wait3A_96] : memref<4096x80xi32, #tpu.memory_space<hbm>> -> memref<1x80xi32, #tpu.memory_space<hbm>>
    %dma_wait3A_98 = tpu.memref_squeeze %dma_wait3A_97 : memref<1x80xi32, #tpu.memory_space<hbm>> -> memref<80xi32, #tpu.memory_space<hbm>>
    tpu.wait_dma2 semaphore(%arg35 : memref<!tpu.dma_semaphore, #tpu.memory_space<semaphore_mem>>) src(%dma_wait3A_98 : memref<80xi32, #tpu.memory_space<hbm>>) dst(%arg14 : memref<80xi32, #tpu.memory_space<vmem>>)
    %dma_start3A_99 = arith.constant 0 : i32
    %dma_start3A_100 = arith.constant 0 : i32
    %dma_start3A_101 = tpu.memref_slice %arg4[%dma_start3A_99, %dma_start3A_100] : memref<10240x128xf32, #tpu.memory_space<hbm>> -> memref<10240x128xf32, #tpu.memory_space<hbm>>
    tpu.enqueue_indirect_dma source(%dma_start3A_101 : memref<10240x128xf32, #tpu.memory_space<hbm>>) target(%arg22 : memref<80x128xf32, #tpu.memory_space<vmem>>) offsets(%arg6 : memref<80xi32, #tpu.memory_space<vmem>>) semaphore(%arg27 : memref<!tpu.dma_semaphore, #tpu.memory_space<semaphore_mem>>)
    %add3A_102 = arith.constant 1 : i32
    %add3A_103 = arith.addi %add3A, %add3A_102 : i32
    %dma_wait3A_104 = arith.constant 0 : i32
    %dma_wait3A_105 = tpu.memref_slice %arg2[%add3A_103, %dma_wait3A_104] : memref<4096x80xi32, #tpu.memory_space<hbm>> -> memref<1x80xi32, #tpu.memory_space<hbm>>
    %dma_wait3A_106 = tpu.memref_squeeze %dma_wait3A_105 : memref<1x80xi32, #tpu.memory_space<hbm>> -> memref<80xi32, #tpu.memory_space<hbm>>
    %dma_wait3A_107 = arith.constant 0 : i32
    %dma_wait3A_108 = tpu.memref_slice %arg2[%add3A_103, %dma_wait3A_107] : memref<4096x80xi32, #tpu.memory_space<hbm>> -> memref<1x80xi32, #tpu.memory_space<hbm>>
    %dma_wait3A_109 = tpu.memref_squeeze %dma_wait3A_108 : memref<1x80xi32, #tpu.memory_space<hbm>> -> memref<80xi32, #tpu.memory_space<hbm>>
    tpu.wait_dma2 semaphore(%arg36 : memref<!tpu.dma_semaphore, #tpu.memory_space<semaphore_mem>>) src(%dma_wait3A_109 : memref<80xi32, #tpu.memory_space<hbm>>) dst(%arg7 : memref<80xi32, #tpu.memory_space<vmem>>)
    %add3A_110 = arith.constant 1 : i32
    %add3A_111 = arith.addi %add3A, %add3A_110 : i32
    %dma_wait3A_112 = arith.constant 0 : i32
    %dma_wait3A_113 = tpu.memref_slice %arg3[%add3A_111, %dma_wait3A_112] : memref<4096x80xi32, #tpu.memory_space<hbm>> -> memref<1x80xi32, #tpu.memory_space<hbm>>
    %dma_wait3A_114 = tpu.memref_squeeze %dma_wait3A_113 : memref<1x80xi32, #tpu.memory_space<hbm>> -> memref<80xi32, #tpu.memory_space<hbm>>
    %dma_wait3A_115 = arith.constant 0 : i32
    %dma_wait3A_116 = tpu.memref_slice %arg3[%add3A_111, %dma_wait3A_115] : memref<4096x80xi32, #tpu.memory_space<hbm>> -> memref<1x80xi32, #tpu.memory_space<hbm>>
    %dma_wait3A_117 = tpu.memref_squeeze %dma_wait3A_116 : memref<1x80xi32, #tpu.memory_space<hbm>> -> memref<80xi32, #tpu.memory_space<hbm>>
    tpu.wait_dma2 semaphore(%arg36 : memref<!tpu.dma_semaphore, #tpu.memory_space<semaphore_mem>>) src(%dma_wait3A_117 : memref<80xi32, #tpu.memory_space<hbm>>) dst(%arg15 : memref<80xi32, #tpu.memory_space<vmem>>)
    %dma_start3A_118 = arith.constant 0 : i32
    %dma_start3A_119 = arith.constant 0 : i32
    %dma_start3A_120 = tpu.memref_slice %arg4[%dma_start3A_118, %dma_start3A_119] : memref<10240x128xf32, #tpu.memory_space<hbm>> -> memref<10240x128xf32, #tpu.memory_space<hbm>>
    tpu.enqueue_indirect_dma source(%dma_start3A_120 : memref<10240x128xf32, #tpu.memory_space<hbm>>) target(%arg23 : memref<80x128xf32, #tpu.memory_space<vmem>>) offsets(%arg7 : memref<80xi32, #tpu.memory_space<vmem>>) semaphore(%arg28 : memref<!tpu.dma_semaphore, #tpu.memory_space<semaphore_mem>>)
    %scan3A_121 = arith.constant 0 : i32
    %scan3A_122 = arith.constant 0 : i32
    %scan3A_123 = arith.constant 25 : i32
    %scan3A_124 = arith.addi %scan3A_122, %scan3A_123 : i32
    %scan3A_125 = arith.constant 1 : i32
    %scan3A_126 = scf.for %scan3A_129 = %scan3A_122 to %scan3A_124 step %scan3A_125 iter_args(%scan3A_130 = %scan3A_121) -> (i32)  : i32 {
      %mul3A_131 = arith.constant 8 : i32
      %mul3A_132 = arith.muli %mul3A_131, %scan3A_129 : i32
      %add3A_133 = arith.constant 0 : i32
      %add3A_134 = arith.addi %mul3A_132, %add3A_133 : i32
      %ge3A = arith.constant 1 : i32
      %ge3A_135 = arith.cmpi sge, %add3A_134, %ge3A : i32
      %add3A_136 = arith.constant 1 : i32
      %add3A_137 = arith.addi %select_n3A, %add3A_136 : i32
      %lt3A = arith.cmpi slt, %add3A_134, %add3A_137 : i32
      %and3A = arith.andi %ge3A_135, %lt3A : i1
      %convert_element_type3A = arith.extui %and3A : i1 to i32
      %cond3A = arith.constant 0 : i32
      %cond3A_138 = arith.cmpi ne, %convert_element_type3A, %cond3A : i32
      scf.if %cond3A_138 {
        %dma_wait3A_359 = arith.constant 0 : i32
        %dma_wait3A_360 = arith.constant 0 : i32
        %dma_wait3A_361 = tpu.memref_slice %arg26[%dma_wait3A_359, %dma_wait3A_360] : memref<10240x128xf32, #tpu.memory_space<vmem_shared>> -> memref<10240x128xf32, #tpu.memory_space<vmem_shared>>
        tpu.wait_indirect_dma semaphore(%arg34 : memref<!tpu.dma_semaphore, #tpu.memory_space<semaphore_mem>>) src(%arg25 : memref<80x128xf32, #tpu.memory_space<vmem>>) dst(%dma_wait3A_361 : memref<10240x128xf32, #tpu.memory_space<vmem_shared>>)
      } else {
      }
      %lt3A_139 = arith.cmpi slt, %add3A_134, %select_n3A : i32
      %convert_element_type3A_140 = arith.extui %lt3A_139 : i1 to i32
      %cond3A_141 = arith.constant 0 : i32
      %cond3A_142 = arith.cmpi ne, %convert_element_type3A_140, %cond3A_141 : i32
      scf.if %cond3A_142 {
        %dma_wait3A_359 = arith.constant 0 : i32
        %dma_wait3A_360 = arith.constant 0 : i32
        %dma_wait3A_361 = tpu.memref_slice %arg4[%dma_wait3A_359, %dma_wait3A_360] : memref<10240x128xf32, #tpu.memory_space<hbm>> -> memref<10240x128xf32, #tpu.memory_space<hbm>>
        tpu.wait_indirect_dma semaphore(%arg27 : memref<!tpu.dma_semaphore, #tpu.memory_space<semaphore_mem>>) src(%dma_wait3A_361 : memref<10240x128xf32, #tpu.memory_space<hbm>>) dst(%arg22 : memref<80x128xf32, #tpu.memory_space<vmem>>)
        %dma_start3A_362 = arith.constant 0 : i32
        %dma_start3A_363 = arith.constant 0 : i32
        %dma_start3A_364 = tpu.memref_slice %arg26[%dma_start3A_362, %dma_start3A_363] : memref<10240x128xf32, #tpu.memory_space<vmem_shared>> -> memref<10240x128xf32, #tpu.memory_space<vmem_shared>>
        tpu.enqueue_indirect_dma source(%arg22 : memref<80x128xf32, #tpu.memory_space<vmem>>) target(%dma_start3A_364 : memref<10240x128xf32, #tpu.memory_space<vmem_shared>>) offsets(%arg14 : memref<80xi32, #tpu.memory_space<vmem>>) semaphore(%arg31 : memref<!tpu.dma_semaphore, #tpu.memory_space<semaphore_mem>>) {add = true}
      } else {
      }
      %add3A_143 = arith.constant 2 : i32
      %add3A_144 = arith.addi %add3A_134, %add3A_143 : i32
      %lt3A_145 = arith.cmpi slt, %add3A_144, %select_n3A : i32
      %convert_element_type3A_146 = arith.extui %lt3A_145 : i1 to i32
      %cond3A_147 = arith.constant 0 : i32
      %cond3A_148 = arith.cmpi ne, %convert_element_type3A_146, %cond3A_147 : i32
      scf.if %cond3A_148 {
        %add3A_359 = arith.constant 2 : i32
        %add3A_360 = arith.addi %add3A_134, %add3A_359 : i32
        %add3A_361 = arith.addi %add3A, %add3A_360 : i32
        %dma_wait3A_362 = arith.constant 0 : i32
        %dma_wait3A_363 = tpu.memref_slice %arg2[%add3A_361, %dma_wait3A_362] : memref<4096x80xi32, #tpu.memory_space<hbm>> -> memref<1x80xi32, #tpu.memory_space<hbm>>
        %dma_wait3A_364 = tpu.memref_squeeze %dma_wait3A_363 : memref<1x80xi32, #tpu.memory_space<hbm>> -> memref<80xi32, #tpu.memory_space<hbm>>
        %dma_wait3A_365 = arith.constant 0 : i32
        %dma_wait3A_366 = tpu.memref_slice %arg2[%add3A_361, %dma_wait3A_365] : memref<4096x80xi32, #tpu.memory_space<hbm>> -> memref<1x80xi32, #tpu.memory_space<hbm>>
        %dma_wait3A_367 = tpu.memref_squeeze %dma_wait3A_366 : memref<1x80xi32, #tpu.memory_space<hbm>> -> memref<80xi32, #tpu.memory_space<hbm>>
        tpu.wait_dma2 semaphore(%arg37 : memref<!tpu.dma_semaphore, #tpu.memory_space<semaphore_mem>>) src(%dma_wait3A_367 : memref<80xi32, #tpu.memory_space<hbm>>) dst(%arg8 : memref<80xi32, #tpu.memory_space<vmem>>)
        %add3A_368 = arith.addi %add3A, %add3A_360 : i32
        %dma_wait3A_369 = arith.constant 0 : i32
        %dma_wait3A_370 = tpu.memref_slice %arg3[%add3A_368, %dma_wait3A_369] : memref<4096x80xi32, #tpu.memory_space<hbm>> -> memref<1x80xi32, #tpu.memory_space<hbm>>
        %dma_wait3A_371 = tpu.memref_squeeze %dma_wait3A_370 : memref<1x80xi32, #tpu.memory_space<hbm>> -> memref<80xi32, #tpu.memory_space<hbm>>
        %dma_wait3A_372 = arith.constant 0 : i32
        %dma_wait3A_373 = tpu.memref_slice %arg3[%add3A_368, %dma_wait3A_372] : memref<4096x80xi32, #tpu.memory_space<hbm>> -> memref<1x80xi32, #tpu.memory_space<hbm>>
        %dma_wait3A_374 = tpu.memref_squeeze %dma_wait3A_373 : memref<1x80xi32, #tpu.memory_space<hbm>> -> memref<80xi32, #tpu.memory_space<hbm>>
        tpu.wait_dma2 semaphore(%arg37 : memref<!tpu.dma_semaphore, #tpu.memory_space<semaphore_mem>>) src(%dma_wait3A_374 : memref<80xi32, #tpu.memory_space<hbm>>) dst(%arg16 : memref<80xi32, #tpu.memory_space<vmem>>)
        %dma_start3A_375 = arith.constant 0 : i32
        %dma_start3A_376 = arith.constant 0 : i32
        %dma_start3A_377 = tpu.memref_slice %arg4[%dma_start3A_375, %dma_start3A_376] : memref<10240x128xf32, #tpu.memory_space<hbm>> -> memref<10240x128xf32, #tpu.memory_space<hbm>>
        tpu.enqueue_indirect_dma source(%dma_start3A_377 : memref<10240x128xf32, #tpu.memory_space<hbm>>) target(%arg24 : memref<80x128xf32, #tpu.memory_space<vmem>>) offsets(%arg8 : memref<80xi32, #tpu.memory_space<vmem>>) semaphore(%arg29 : memref<!tpu.dma_semaphore, #tpu.memory_space<semaphore_mem>>)
      } else {
      }
      %add3A_149 = arith.constant 4 : i32
      %add3A_150 = arith.addi %add3A_134, %add3A_149 : i32
      %lt3A_151 = arith.cmpi slt, %add3A_150, %select_n3A : i32
      %convert_element_type3A_152 = arith.extui %lt3A_151 : i1 to i32
      %cond3A_153 = arith.constant 0 : i32
      %cond3A_154 = arith.cmpi ne, %convert_element_type3A_152, %cond3A_153 : i32
      scf.if %cond3A_154 {
        %add3A_359 = arith.constant 4 : i32
        %add3A_360 = arith.addi %add3A_134, %add3A_359 : i32
        %add3A_361 = arith.addi %add3A, %add3A_360 : i32
        %dma_start3A_362 = arith.constant 0 : i32
        %dma_start3A_363 = tpu.memref_slice %arg2[%add3A_361, %dma_start3A_362] : memref<4096x80xi32, #tpu.memory_space<hbm>> -> memref<1x80xi32, #tpu.memory_space<hbm>>
        %dma_start3A_364 = tpu.memref_squeeze %dma_start3A_363 : memref<1x80xi32, #tpu.memory_space<hbm>> -> memref<80xi32, #tpu.memory_space<hbm>>
        %dma_start3A_365 = arith.constant 0 : i32
        %dma_start3A_366 = tpu.memref_slice %arg2[%add3A_361, %dma_start3A_365] : memref<4096x80xi32, #tpu.memory_space<hbm>> -> memref<1x80xi32, #tpu.memory_space<hbm>>
        %dma_start3A_367 = tpu.memref_squeeze %dma_start3A_366 : memref<1x80xi32, #tpu.memory_space<hbm>> -> memref<80xi32, #tpu.memory_space<hbm>>
        tpu.enqueue_dma source(%dma_start3A_367 : memref<80xi32, #tpu.memory_space<hbm>>) target(%arg10 : memref<80xi32, #tpu.memory_space<vmem>>) target_semaphore(%arg39 : memref<!tpu.dma_semaphore, #tpu.memory_space<semaphore_mem>>)
        %add3A_368 = arith.addi %add3A, %add3A_360 : i32
        %dma_start3A_369 = arith.constant 0 : i32
        %dma_start3A_370 = tpu.memref_slice %arg3[%add3A_368, %dma_start3A_369] : memref<4096x80xi32, #tpu.memory_space<hbm>> -> memref<1x80xi32, #tpu.memory_space<hbm>>
        %dma_start3A_371 = tpu.memref_squeeze %dma_start3A_370 : memref<1x80xi32, #tpu.memory_space<hbm>> -> memref<80xi32, #tpu.memory_space<hbm>>
        %dma_start3A_372 = arith.constant 0 : i32
        %dma_start3A_373 = tpu.memref_slice %arg3[%add3A_368, %dma_start3A_372] : memref<4096x80xi32, #tpu.memory_space<hbm>> -> memref<1x80xi32, #tpu.memory_space<hbm>>
        %dma_start3A_374 = tpu.memref_squeeze %dma_start3A_373 : memref<1x80xi32, #tpu.memory_space<hbm>> -> memref<80xi32, #tpu.memory_space<hbm>>
        tpu.enqueue_dma source(%dma_start3A_374 : memref<80xi32, #tpu.memory_space<hbm>>) target(%arg18 : memref<80xi32, #tpu.memory_space<vmem>>) target_semaphore(%arg39 : memref<!tpu.dma_semaphore, #tpu.memory_space<semaphore_mem>>)
      } else {
      }
      %mul3A_155 = arith.constant 8 : i32
      %mul3A_156 = arith.muli %mul3A_155, %scan3A_129 : i32
      %add3A_157 = arith.constant 1 : i32
      %add3A_158 = arith.addi %mul3A_156, %add3A_157 : i32
      %ge3A_159 = arith.constant 1 : i32
      %ge3A_160 = arith.cmpi sge, %add3A_158, %ge3A_159 : i32
      %add3A_161 = arith.constant 1 : i32
      %add3A_162 = arith.addi %select_n3A, %add3A_161 : i32
      %lt3A_163 = arith.cmpi slt, %add3A_158, %add3A_162 : i32
      %and3A_164 = arith.andi %ge3A_160, %lt3A_163 : i1
      %convert_element_type3A_165 = arith.extui %and3A_164 : i1 to i32
      %cond3A_166 = arith.constant 0 : i32
      %cond3A_167 = arith.cmpi ne, %convert_element_type3A_165, %cond3A_166 : i32
      scf.if %cond3A_167 {
        %dma_wait3A_359 = arith.constant 0 : i32
        %dma_wait3A_360 = arith.constant 0 : i32
        %dma_wait3A_361 = tpu.memref_slice %arg26[%dma_wait3A_359, %dma_wait3A_360] : memref<10240x128xf32, #tpu.memory_space<vmem_shared>> -> memref<10240x128xf32, #tpu.memory_space<vmem_shared>>
        tpu.wait_indirect_dma semaphore(%arg31 : memref<!tpu.dma_semaphore, #tpu.memory_space<semaphore_mem>>) src(%arg22 : memref<80x128xf32, #tpu.memory_space<vmem>>) dst(%dma_wait3A_361 : memref<10240x128xf32, #tpu.memory_space<vmem_shared>>)
      } else {
      }
      %lt3A_168 = arith.cmpi slt, %add3A_158, %select_n3A : i32
      %convert_element_type3A_169 = arith.extui %lt3A_168 : i1 to i32
      %cond3A_170 = arith.constant 0 : i32
      %cond3A_171 = arith.cmpi ne, %convert_element_type3A_169, %cond3A_170 : i32
      scf.if %cond3A_171 {
        %dma_wait3A_359 = arith.constant 0 : i32
        %dma_wait3A_360 = arith.constant 0 : i32
        %dma_wait3A_361 = tpu.memref_slice %arg4[%dma_wait3A_359, %dma_wait3A_360] : memref<10240x128xf32, #tpu.memory_space<hbm>> -> memref<10240x128xf32, #tpu.memory_space<hbm>>
        tpu.wait_indirect_dma semaphore(%arg28 : memref<!tpu.dma_semaphore, #tpu.memory_space<semaphore_mem>>) src(%dma_wait3A_361 : memref<10240x128xf32, #tpu.memory_space<hbm>>) dst(%arg23 : memref<80x128xf32, #tpu.memory_space<vmem>>)
        %dma_start3A_362 = arith.constant 0 : i32
        %dma_start3A_363 = arith.constant 0 : i32
        %dma_start3A_364 = tpu.memref_slice %arg26[%dma_start3A_362, %dma_start3A_363] : memref<10240x128xf32, #tpu.memory_space<vmem_shared>> -> memref<10240x128xf32, #tpu.memory_space<vmem_shared>>
        tpu.enqueue_indirect_dma source(%arg23 : memref<80x128xf32, #tpu.memory_space<vmem>>) target(%dma_start3A_364 : memref<10240x128xf32, #tpu.memory_space<vmem_shared>>) offsets(%arg15 : memref<80xi32, #tpu.memory_space<vmem>>) semaphore(%arg32 : memref<!tpu.dma_semaphore, #tpu.memory_space<semaphore_mem>>) {add = true}
      } else {
      }
      %add3A_172 = arith.constant 2 : i32
      %add3A_173 = arith.addi %add3A_158, %add3A_172 : i32
      %lt3A_174 = arith.cmpi slt, %add3A_173, %select_n3A : i32
      %convert_element_type3A_175 = arith.extui %lt3A_174 : i1 to i32
      %cond3A_176 = arith.constant 0 : i32
      %cond3A_177 = arith.cmpi ne, %convert_element_type3A_175, %cond3A_176 : i32
      scf.if %cond3A_177 {
        %add3A_359 = arith.constant 2 : i32
        %add3A_360 = arith.addi %add3A_158, %add3A_359 : i32
        %add3A_361 = arith.addi %add3A, %add3A_360 : i32
        %dma_wait3A_362 = arith.constant 0 : i32
        %dma_wait3A_363 = tpu.memref_slice %arg2[%add3A_361, %dma_wait3A_362] : memref<4096x80xi32, #tpu.memory_space<hbm>> -> memref<1x80xi32, #tpu.memory_space<hbm>>
        %dma_wait3A_364 = tpu.memref_squeeze %dma_wait3A_363 : memref<1x80xi32, #tpu.memory_space<hbm>> -> memref<80xi32, #tpu.memory_space<hbm>>
        %dma_wait3A_365 = arith.constant 0 : i32
        %dma_wait3A_366 = tpu.memref_slice %arg2[%add3A_361, %dma_wait3A_365] : memref<4096x80xi32, #tpu.memory_space<hbm>> -> memref<1x80xi32, #tpu.memory_space<hbm>>
        %dma_wait3A_367 = tpu.memref_squeeze %dma_wait3A_366 : memref<1x80xi32, #tpu.memory_space<hbm>> -> memref<80xi32, #tpu.memory_space<hbm>>
        tpu.wait_dma2 semaphore(%arg38 : memref<!tpu.dma_semaphore, #tpu.memory_space<semaphore_mem>>) src(%dma_wait3A_367 : memref<80xi32, #tpu.memory_space<hbm>>) dst(%arg9 : memref<80xi32, #tpu.memory_space<vmem>>)
        %add3A_368 = arith.addi %add3A, %add3A_360 : i32
        %dma_wait3A_369 = arith.constant 0 : i32
        %dma_wait3A_370 = tpu.memref_slice %arg3[%add3A_368, %dma_wait3A_369] : memref<4096x80xi32, #tpu.memory_space<hbm>> -> memref<1x80xi32, #tpu.memory_space<hbm>>
        %dma_wait3A_371 = tpu.memref_squeeze %dma_wait3A_370 : memref<1x80xi32, #tpu.memory_space<hbm>> -> memref<80xi32, #tpu.memory_space<hbm>>
        %dma_wait3A_372 = arith.constant 0 : i32
        %dma_wait3A_373 = tpu.memref_slice %arg3[%add3A_368, %dma_wait3A_372] : memref<4096x80xi32, #tpu.memory_space<hbm>> -> memref<1x80xi32, #tpu.memory_space<hbm>>
        %dma_wait3A_374 = tpu.memref_squeeze %dma_wait3A_373 : memref<1x80xi32, #tpu.memory_space<hbm>> -> memref<80xi32, #tpu.memory_space<hbm>>
        tpu.wait_dma2 semaphore(%arg38 : memref<!tpu.dma_semaphore, #tpu.memory_space<semaphore_mem>>) src(%dma_wait3A_374 : memref<80xi32, #tpu.memory_space<hbm>>) dst(%arg17 : memref<80xi32, #tpu.memory_space<vmem>>)
        %dma_start3A_375 = arith.constant 0 : i32
        %dma_start3A_376 = arith.constant 0 : i32
        %dma_start3A_377 = tpu.memref_slice %arg4[%dma_start3A_375, %dma_start3A_376] : memref<10240x128xf32, #tpu.memory_space<hbm>> -> memref<10240x128xf32, #tpu.memory_space<hbm>>
        tpu.enqueue_indirect_dma source(%dma_start3A_377 : memref<10240x128xf32, #tpu.memory_space<hbm>>) target(%arg25 : memref<80x128xf32, #tpu.memory_space<vmem>>) offsets(%arg9 : memref<80xi32, #tpu.memory_space<vmem>>) semaphore(%arg30 : memref<!tpu.dma_semaphore, #tpu.memory_space<semaphore_mem>>)
      } else {
      }
      %add3A_178 = arith.constant 4 : i32
      %add3A_179 = arith.addi %add3A_158, %add3A_178 : i32
      %lt3A_180 = arith.cmpi slt, %add3A_179, %select_n3A : i32
      %convert_element_type3A_181 = arith.extui %lt3A_180 : i1 to i32
      %cond3A_182 = arith.constant 0 : i32
      %cond3A_183 = arith.cmpi ne, %convert_element_type3A_181, %cond3A_182 : i32
      scf.if %cond3A_183 {
        %add3A_359 = arith.constant 4 : i32
        %add3A_360 = arith.addi %add3A_158, %add3A_359 : i32
        %add3A_361 = arith.addi %add3A, %add3A_360 : i32
        %dma_start3A_362 = arith.constant 0 : i32
        %dma_start3A_363 = tpu.memref_slice %arg2[%add3A_361, %dma_start3A_362] : memref<4096x80xi32, #tpu.memory_space<hbm>> -> memref<1x80xi32, #tpu.memory_space<hbm>>
        %dma_start3A_364 = tpu.memref_squeeze %dma_start3A_363 : memref<1x80xi32, #tpu.memory_space<hbm>> -> memref<80xi32, #tpu.memory_space<hbm>>
        %dma_start3A_365 = arith.constant 0 : i32
        %dma_start3A_366 = tpu.memref_slice %arg2[%add3A_361, %dma_start3A_365] : memref<4096x80xi32, #tpu.memory_space<hbm>> -> memref<1x80xi32, #tpu.memory_space<hbm>>
        %dma_start3A_367 = tpu.memref_squeeze %dma_start3A_366 : memref<1x80xi32, #tpu.memory_space<hbm>> -> memref<80xi32, #tpu.memory_space<hbm>>
        tpu.enqueue_dma source(%dma_start3A_367 : memref<80xi32, #tpu.memory_space<hbm>>) target(%arg11 : memref<80xi32, #tpu.memory_space<vmem>>) target_semaphore(%arg40 : memref<!tpu.dma_semaphore, #tpu.memory_space<semaphore_mem>>)
        %add3A_368 = arith.addi %add3A, %add3A_360 : i32
        %dma_start3A_369 = arith.constant 0 : i32
        %dma_start3A_370 = tpu.memref_slice %arg3[%add3A_368, %dma_start3A_369] : memref<4096x80xi32, #tpu.memory_space<hbm>> -> memref<1x80xi32, #tpu.memory_space<hbm>>
        %dma_start3A_371 = tpu.memref_squeeze %dma_start3A_370 : memref<1x80xi32, #tpu.memory_space<hbm>> -> memref<80xi32, #tpu.memory_space<hbm>>
        %dma_start3A_372 = arith.constant 0 : i32
        %dma_start3A_373 = tpu.memref_slice %arg3[%add3A_368, %dma_start3A_372] : memref<4096x80xi32, #tpu.memory_space<hbm>> -> memref<1x80xi32, #tpu.memory_space<hbm>>
        %dma_start3A_374 = tpu.memref_squeeze %dma_start3A_373 : memref<1x80xi32, #tpu.memory_space<hbm>> -> memref<80xi32, #tpu.memory_space<hbm>>
        tpu.enqueue_dma source(%dma_start3A_374 : memref<80xi32, #tpu.memory_space<hbm>>) target(%arg19 : memref<80xi32, #tpu.memory_space<vmem>>) target_semaphore(%arg40 : memref<!tpu.dma_semaphore, #tpu.memory_space<semaphore_mem>>)
      } else {
      }
      %mul3A_184 = arith.constant 8 : i32
      %mul3A_185 = arith.muli %mul3A_184, %scan3A_129 : i32
      %add3A_186 = arith.constant 2 : i32
      %add3A_187 = arith.addi %mul3A_185, %add3A_186 : i32
      %ge3A_188 = arith.constant 1 : i32
      %ge3A_189 = arith.cmpi sge, %add3A_187, %ge3A_188 : i32
      %add3A_190 = arith.constant 1 : i32
      %add3A_191 = arith.addi %select_n3A, %add3A_190 : i32
      %lt3A_192 = arith.cmpi slt, %add3A_187, %add3A_191 : i32
      %and3A_193 = arith.andi %ge3A_189, %lt3A_192 : i1
      %convert_element_type3A_194 = arith.extui %and3A_193 : i1 to i32
      %cond3A_195 = arith.constant 0 : i32
      %cond3A_196 = arith.cmpi ne, %convert_element_type3A_194, %cond3A_195 : i32
      scf.if %cond3A_196 {
        %dma_wait3A_359 = arith.constant 0 : i32
        %dma_wait3A_360 = arith.constant 0 : i32
        %dma_wait3A_361 = tpu.memref_slice %arg26[%dma_wait3A_359, %dma_wait3A_360] : memref<10240x128xf32, #tpu.memory_space<vmem_shared>> -> memref<10240x128xf32, #tpu.memory_space<vmem_shared>>
        tpu.wait_indirect_dma semaphore(%arg32 : memref<!tpu.dma_semaphore, #tpu.memory_space<semaphore_mem>>) src(%arg23 : memref<80x128xf32, #tpu.memory_space<vmem>>) dst(%dma_wait3A_361 : memref<10240x128xf32, #tpu.memory_space<vmem_shared>>)
      } else {
      }
      %lt3A_197 = arith.cmpi slt, %add3A_187, %select_n3A : i32
      %convert_element_type3A_198 = arith.extui %lt3A_197 : i1 to i32
      %cond3A_199 = arith.constant 0 : i32
      %cond3A_200 = arith.cmpi ne, %convert_element_type3A_198, %cond3A_199 : i32
      scf.if %cond3A_200 {
        %dma_wait3A_359 = arith.constant 0 : i32
        %dma_wait3A_360 = arith.constant 0 : i32
        %dma_wait3A_361 = tpu.memref_slice %arg4[%dma_wait3A_359, %dma_wait3A_360] : memref<10240x128xf32, #tpu.memory_space<hbm>> -> memref<10240x128xf32, #tpu.memory_space<hbm>>
        tpu.wait_indirect_dma semaphore(%arg29 : memref<!tpu.dma_semaphore, #tpu.memory_space<semaphore_mem>>) src(%dma_wait3A_361 : memref<10240x128xf32, #tpu.memory_space<hbm>>) dst(%arg24 : memref<80x128xf32, #tpu.memory_space<vmem>>)
        %dma_start3A_362 = arith.constant 0 : i32
        %dma_start3A_363 = arith.constant 0 : i32
        %dma_start3A_364 = tpu.memref_slice %arg26[%dma_start3A_362, %dma_start3A_363] : memref<10240x128xf32, #tpu.memory_space<vmem_shared>> -> memref<10240x128xf32, #tpu.memory_space<vmem_shared>>
        tpu.enqueue_indirect_dma source(%arg24 : memref<80x128xf32, #tpu.memory_space<vmem>>) target(%dma_start3A_364 : memref<10240x128xf32, #tpu.memory_space<vmem_shared>>) offsets(%arg16 : memref<80xi32, #tpu.memory_space<vmem>>) semaphore(%arg33 : memref<!tpu.dma_semaphore, #tpu.memory_space<semaphore_mem>>) {add = true}
      } else {
      }
      %add3A_201 = arith.constant 2 : i32
      %add3A_202 = arith.addi %add3A_187, %add3A_201 : i32
      %lt3A_203 = arith.cmpi slt, %add3A_202, %select_n3A : i32
      %convert_element_type3A_204 = arith.extui %lt3A_203 : i1 to i32
      %cond3A_205 = arith.constant 0 : i32
      %cond3A_206 = arith.cmpi ne, %convert_element_type3A_204, %cond3A_205 : i32
      scf.if %cond3A_206 {
        %add3A_359 = arith.constant 2 : i32
        %add3A_360 = arith.addi %add3A_187, %add3A_359 : i32
        %add3A_361 = arith.addi %add3A, %add3A_360 : i32
        %dma_wait3A_362 = arith.constant 0 : i32
        %dma_wait3A_363 = tpu.memref_slice %arg2[%add3A_361, %dma_wait3A_362] : memref<4096x80xi32, #tpu.memory_space<hbm>> -> memref<1x80xi32, #tpu.memory_space<hbm>>
        %dma_wait3A_364 = tpu.memref_squeeze %dma_wait3A_363 : memref<1x80xi32, #tpu.memory_space<hbm>> -> memref<80xi32, #tpu.memory_space<hbm>>
        %dma_wait3A_365 = arith.constant 0 : i32
        %dma_wait3A_366 = tpu.memref_slice %arg2[%add3A_361, %dma_wait3A_365] : memref<4096x80xi32, #tpu.memory_space<hbm>> -> memref<1x80xi32, #tpu.memory_space<hbm>>
        %dma_wait3A_367 = tpu.memref_squeeze %dma_wait3A_366 : memref<1x80xi32, #tpu.memory_space<hbm>> -> memref<80xi32, #tpu.memory_space<hbm>>
        tpu.wait_dma2 semaphore(%arg39 : memref<!tpu.dma_semaphore, #tpu.memory_space<semaphore_mem>>) src(%dma_wait3A_367 : memref<80xi32, #tpu.memory_space<hbm>>) dst(%arg10 : memref<80xi32, #tpu.memory_space<vmem>>)
        %add3A_368 = arith.addi %add3A, %add3A_360 : i32
        %dma_wait3A_369 = arith.constant 0 : i32
        %dma_wait3A_370 = tpu.memref_slice %arg3[%add3A_368, %dma_wait3A_369] : memref<4096x80xi32, #tpu.memory_space<hbm>> -> memref<1x80xi32, #tpu.memory_space<hbm>>
        %dma_wait3A_371 = tpu.memref_squeeze %dma_wait3A_370 : memref<1x80xi32, #tpu.memory_space<hbm>> -> memref<80xi32, #tpu.memory_space<hbm>>
        %dma_wait3A_372 = arith.constant 0 : i32
        %dma_wait3A_373 = tpu.memref_slice %arg3[%add3A_368, %dma_wait3A_372] : memref<4096x80xi32, #tpu.memory_space<hbm>> -> memref<1x80xi32, #tpu.memory_space<hbm>>
        %dma_wait3A_374 = tpu.memref_squeeze %dma_wait3A_373 : memref<1x80xi32, #tpu.memory_space<hbm>> -> memref<80xi32, #tpu.memory_space<hbm>>
        tpu.wait_dma2 semaphore(%arg39 : memref<!tpu.dma_semaphore, #tpu.memory_space<semaphore_mem>>) src(%dma_wait3A_374 : memref<80xi32, #tpu.memory_space<hbm>>) dst(%arg18 : memref<80xi32, #tpu.memory_space<vmem>>)
        %dma_start3A_375 = arith.constant 0 : i32
        %dma_start3A_376 = arith.constant 0 : i32
        %dma_start3A_377 = tpu.memref_slice %arg4[%dma_start3A_375, %dma_start3A_376] : memref<10240x128xf32, #tpu.memory_space<hbm>> -> memref<10240x128xf32, #tpu.memory_space<hbm>>
        tpu.enqueue_indirect_dma source(%dma_start3A_377 : memref<10240x128xf32, #tpu.memory_space<hbm>>) target(%arg22 : memref<80x128xf32, #tpu.memory_space<vmem>>) offsets(%arg10 : memref<80xi32, #tpu.memory_space<vmem>>) semaphore(%arg27 : memref<!tpu.dma_semaphore, #tpu.memory_space<semaphore_mem>>)
      } else {
      }
      %add3A_207 = arith.constant 4 : i32
      %add3A_208 = arith.addi %add3A_187, %add3A_207 : i32
      %lt3A_209 = arith.cmpi slt, %add3A_208, %select_n3A : i32
      %convert_element_type3A_210 = arith.extui %lt3A_209 : i1 to i32
      %cond3A_211 = arith.constant 0 : i32
      %cond3A_212 = arith.cmpi ne, %convert_element_type3A_210, %cond3A_211 : i32
      scf.if %cond3A_212 {
        %add3A_359 = arith.constant 4 : i32
        %add3A_360 = arith.addi %add3A_187, %add3A_359 : i32
        %add3A_361 = arith.addi %add3A, %add3A_360 : i32
        %dma_start3A_362 = arith.constant 0 : i32
        %dma_start3A_363 = tpu.memref_slice %arg2[%add3A_361, %dma_start3A_362] : memref<4096x80xi32, #tpu.memory_space<hbm>> -> memref<1x80xi32, #tpu.memory_space<hbm>>
        %dma_start3A_364 = tpu.memref_squeeze %dma_start3A_363 : memref<1x80xi32, #tpu.memory_space<hbm>> -> memref<80xi32, #tpu.memory_space<hbm>>
        %dma_start3A_365 = arith.constant 0 : i32
        %dma_start3A_366 = tpu.memref_slice %arg2[%add3A_361, %dma_start3A_365] : memref<4096x80xi32, #tpu.memory_space<hbm>> -> memref<1x80xi32, #tpu.memory_space<hbm>>
        %dma_start3A_367 = tpu.memref_squeeze %dma_start3A_366 : memref<1x80xi32, #tpu.memory_space<hbm>> -> memref<80xi32, #tpu.memory_space<hbm>>
        tpu.enqueue_dma source(%dma_start3A_367 : memref<80xi32, #tpu.memory_space<hbm>>) target(%arg12 : memref<80xi32, #tpu.memory_space<vmem>>) target_semaphore(%arg41 : memref<!tpu.dma_semaphore, #tpu.memory_space<semaphore_mem>>)
        %add3A_368 = arith.addi %add3A, %add3A_360 : i32
        %dma_start3A_369 = arith.constant 0 : i32
        %dma_start3A_370 = tpu.memref_slice %arg3[%add3A_368, %dma_start3A_369] : memref<4096x80xi32, #tpu.memory_space<hbm>> -> memref<1x80xi32, #tpu.memory_space<hbm>>
        %dma_start3A_371 = tpu.memref_squeeze %dma_start3A_370 : memref<1x80xi32, #tpu.memory_space<hbm>> -> memref<80xi32, #tpu.memory_space<hbm>>
        %dma_start3A_372 = arith.constant 0 : i32
        %dma_start3A_373 = tpu.memref_slice %arg3[%add3A_368, %dma_start3A_372] : memref<4096x80xi32, #tpu.memory_space<hbm>> -> memref<1x80xi32, #tpu.memory_space<hbm>>
        %dma_start3A_374 = tpu.memref_squeeze %dma_start3A_373 : memref<1x80xi32, #tpu.memory_space<hbm>> -> memref<80xi32, #tpu.memory_space<hbm>>
        tpu.enqueue_dma source(%dma_start3A_374 : memref<80xi32, #tpu.memory_space<hbm>>) target(%arg20 : memref<80xi32, #tpu.memory_space<vmem>>) target_semaphore(%arg41 : memref<!tpu.dma_semaphore, #tpu.memory_space<semaphore_mem>>)
      } else {
      }
      %mul3A_213 = arith.constant 8 : i32
      %mul3A_214 = arith.muli %mul3A_213, %scan3A_129 : i32
      %add3A_215 = arith.constant 3 : i32
      %add3A_216 = arith.addi %mul3A_214, %add3A_215 : i32
      %ge3A_217 = arith.constant 1 : i32
      %ge3A_218 = arith.cmpi sge, %add3A_216, %ge3A_217 : i32
      %add3A_219 = arith.constant 1 : i32
      %add3A_220 = arith.addi %select_n3A, %add3A_219 : i32
      %lt3A_221 = arith.cmpi slt, %add3A_216, %add3A_220 : i32
      %and3A_222 = arith.andi %ge3A_218, %lt3A_221 : i1
      %convert_element_type3A_223 = arith.extui %and3A_222 : i1 to i32
      %cond3A_224 = arith.constant 0 : i32
      %cond3A_225 = arith.cmpi ne, %convert_element_type3A_223, %cond3A_224 : i32
      scf.if %cond3A_225 {
        %dma_wait3A_359 = arith.constant 0 : i32
        %dma_wait3A_360 = arith.constant 0 : i32
        %dma_wait3A_361 = tpu.memref_slice %arg26[%dma_wait3A_359, %dma_wait3A_360] : memref<10240x128xf32, #tpu.memory_space<vmem_shared>> -> memref<10240x128xf32, #tpu.memory_space<vmem_shared>>
        tpu.wait_indirect_dma semaphore(%arg33 : memref<!tpu.dma_semaphore, #tpu.memory_space<semaphore_mem>>) src(%arg24 : memref<80x128xf32, #tpu.memory_space<vmem>>) dst(%dma_wait3A_361 : memref<10240x128xf32, #tpu.memory_space<vmem_shared>>)
      } else {
      }
      %lt3A_226 = arith.cmpi slt, %add3A_216, %select_n3A : i32
      %convert_element_type3A_227 = arith.extui %lt3A_226 : i1 to i32
      %cond3A_228 = arith.constant 0 : i32
      %cond3A_229 = arith.cmpi ne, %convert_element_type3A_227, %cond3A_228 : i32
      scf.if %cond3A_229 {
        %dma_wait3A_359 = arith.constant 0 : i32
        %dma_wait3A_360 = arith.constant 0 : i32
        %dma_wait3A_361 = tpu.memref_slice %arg4[%dma_wait3A_359, %dma_wait3A_360] : memref<10240x128xf32, #tpu.memory_space<hbm>> -> memref<10240x128xf32, #tpu.memory_space<hbm>>
        tpu.wait_indirect_dma semaphore(%arg30 : memref<!tpu.dma_semaphore, #tpu.memory_space<semaphore_mem>>) src(%dma_wait3A_361 : memref<10240x128xf32, #tpu.memory_space<hbm>>) dst(%arg25 : memref<80x128xf32, #tpu.memory_space<vmem>>)
        %dma_start3A_362 = arith.constant 0 : i32
        %dma_start3A_363 = arith.constant 0 : i32
        %dma_start3A_364 = tpu.memref_slice %arg26[%dma_start3A_362, %dma_start3A_363] : memref<10240x128xf32, #tpu.memory_space<vmem_shared>> -> memref<10240x128xf32, #tpu.memory_space<vmem_shared>>
        tpu.enqueue_indirect_dma source(%arg25 : memref<80x128xf32, #tpu.memory_space<vmem>>) target(%dma_start3A_364 : memref<10240x128xf32, #tpu.memory_space<vmem_shared>>) offsets(%arg17 : memref<80xi32, #tpu.memory_space<vmem>>) semaphore(%arg34 : memref<!tpu.dma_semaphore, #tpu.memory_space<semaphore_mem>>) {add = true}
      } else {
      }
      %add3A_230 = arith.constant 2 : i32
      %add3A_231 = arith.addi %add3A_216, %add3A_230 : i32
      %lt3A_232 = arith.cmpi slt, %add3A_231, %select_n3A : i32
      %convert_element_type3A_233 = arith.extui %lt3A_232 : i1 to i32
      %cond3A_234 = arith.constant 0 : i32
      %cond3A_235 = arith.cmpi ne, %convert_element_type3A_233, %cond3A_234 : i32
      scf.if %cond3A_235 {
        %add3A_359 = arith.constant 2 : i32
        %add3A_360 = arith.addi %add3A_216, %add3A_359 : i32
        %add3A_361 = arith.addi %add3A, %add3A_360 : i32
        %dma_wait3A_362 = arith.constant 0 : i32
        %dma_wait3A_363 = tpu.memref_slice %arg2[%add3A_361, %dma_wait3A_362] : memref<4096x80xi32, #tpu.memory_space<hbm>> -> memref<1x80xi32, #tpu.memory_space<hbm>>
        %dma_wait3A_364 = tpu.memref_squeeze %dma_wait3A_363 : memref<1x80xi32, #tpu.memory_space<hbm>> -> memref<80xi32, #tpu.memory_space<hbm>>
        %dma_wait3A_365 = arith.constant 0 : i32
        %dma_wait3A_366 = tpu.memref_slice %arg2[%add3A_361, %dma_wait3A_365] : memref<4096x80xi32, #tpu.memory_space<hbm>> -> memref<1x80xi32, #tpu.memory_space<hbm>>
        %dma_wait3A_367 = tpu.memref_squeeze %dma_wait3A_366 : memref<1x80xi32, #tpu.memory_space<hbm>> -> memref<80xi32, #tpu.memory_space<hbm>>
        tpu.wait_dma2 semaphore(%arg40 : memref<!tpu.dma_semaphore, #tpu.memory_space<semaphore_mem>>) src(%dma_wait3A_367 : memref<80xi32, #tpu.memory_space<hbm>>) dst(%arg11 : memref<80xi32, #tpu.memory_space<vmem>>)
        %add3A_368 = arith.addi %add3A, %add3A_360 : i32
        %dma_wait3A_369 = arith.constant 0 : i32
        %dma_wait3A_370 = tpu.memref_slice %arg3[%add3A_368, %dma_wait3A_369] : memref<4096x80xi32, #tpu.memory_space<hbm>> -> memref<1x80xi32, #tpu.memory_space<hbm>>
        %dma_wait3A_371 = tpu.memref_squeeze %dma_wait3A_370 : memref<1x80xi32, #tpu.memory_space<hbm>> -> memref<80xi32, #tpu.memory_space<hbm>>
        %dma_wait3A_372 = arith.constant 0 : i32
        %dma_wait3A_373 = tpu.memref_slice %arg3[%add3A_368, %dma_wait3A_372] : memref<4096x80xi32, #tpu.memory_space<hbm>> -> memref<1x80xi32, #tpu.memory_space<hbm>>
        %dma_wait3A_374 = tpu.memref_squeeze %dma_wait3A_373 : memref<1x80xi32, #tpu.memory_space<hbm>> -> memref<80xi32, #tpu.memory_space<hbm>>
        tpu.wait_dma2 semaphore(%arg40 : memref<!tpu.dma_semaphore, #tpu.memory_space<semaphore_mem>>) src(%dma_wait3A_374 : memref<80xi32, #tpu.memory_space<hbm>>) dst(%arg19 : memref<80xi32, #tpu.memory_space<vmem>>)
        %dma_start3A_375 = arith.constant 0 : i32
        %dma_start3A_376 = arith.constant 0 : i32
        %dma_start3A_377 = tpu.memref_slice %arg4[%dma_start3A_375, %dma_start3A_376] : memref<10240x128xf32, #tpu.memory_space<hbm>> -> memref<10240x128xf32, #tpu.memory_space<hbm>>
        tpu.enqueue_indirect_dma source(%dma_start3A_377 : memref<10240x128xf32, #tpu.memory_space<hbm>>) target(%arg23 : memref<80x128xf32, #tpu.memory_space<vmem>>) offsets(%arg11 : memref<80xi32, #tpu.memory_space<vmem>>) semaphore(%arg28 : memref<!tpu.dma_semaphore, #tpu.memory_space<semaphore_mem>>)
      } else {
      }
      %add3A_236 = arith.constant 4 : i32
      %add3A_237 = arith.addi %add3A_216, %add3A_236 : i32
      %lt3A_238 = arith.cmpi slt, %add3A_237, %select_n3A : i32
      %convert_element_type3A_239 = arith.extui %lt3A_238 : i1 to i32
      %cond3A_240 = arith.constant 0 : i32
      %cond3A_241 = arith.cmpi ne, %convert_element_type3A_239, %cond3A_240 : i32
      scf.if %cond3A_241 {
        %add3A_359 = arith.constant 4 : i32
        %add3A_360 = arith.addi %add3A_216, %add3A_359 : i32
        %add3A_361 = arith.addi %add3A, %add3A_360 : i32
        %dma_start3A_362 = arith.constant 0 : i32
        %dma_start3A_363 = tpu.memref_slice %arg2[%add3A_361, %dma_start3A_362] : memref<4096x80xi32, #tpu.memory_space<hbm>> -> memref<1x80xi32, #tpu.memory_space<hbm>>
        %dma_start3A_364 = tpu.memref_squeeze %dma_start3A_363 : memref<1x80xi32, #tpu.memory_space<hbm>> -> memref<80xi32, #tpu.memory_space<hbm>>
        %dma_start3A_365 = arith.constant 0 : i32
        %dma_start3A_366 = tpu.memref_slice %arg2[%add3A_361, %dma_start3A_365] : memref<4096x80xi32, #tpu.memory_space<hbm>> -> memref<1x80xi32, #tpu.memory_space<hbm>>
        %dma_start3A_367 = tpu.memref_squeeze %dma_start3A_366 : memref<1x80xi32, #tpu.memory_space<hbm>> -> memref<80xi32, #tpu.memory_space<hbm>>
        tpu.enqueue_dma source(%dma_start3A_367 : memref<80xi32, #tpu.memory_space<hbm>>) target(%arg13 : memref<80xi32, #tpu.memory_space<vmem>>) target_semaphore(%arg42 : memref<!tpu.dma_semaphore, #tpu.memory_space<semaphore_mem>>)
        %add3A_368 = arith.addi %add3A, %add3A_360 : i32
        %dma_start3A_369 = arith.constant 0 : i32
        %dma_start3A_370 = tpu.memref_slice %arg3[%add3A_368, %dma_start3A_369] : memref<4096x80xi32, #tpu.memory_space<hbm>> -> memref<1x80xi32, #tpu.memory_space<hbm>>
        %dma_start3A_371 = tpu.memref_squeeze %dma_start3A_370 : memref<1x80xi32, #tpu.memory_space<hbm>> -> memref<80xi32, #tpu.memory_space<hbm>>
        %dma_start3A_372 = arith.constant 0 : i32
        %dma_start3A_373 = tpu.memref_slice %arg3[%add3A_368, %dma_start3A_372] : memref<4096x80xi32, #tpu.memory_space<hbm>> -> memref<1x80xi32, #tpu.memory_space<hbm>>
        %dma_start3A_374 = tpu.memref_squeeze %dma_start3A_373 : memref<1x80xi32, #tpu.memory_space<hbm>> -> memref<80xi32, #tpu.memory_space<hbm>>
        tpu.enqueue_dma source(%dma_start3A_374 : memref<80xi32, #tpu.memory_space<hbm>>) target(%arg21 : memref<80xi32, #tpu.memory_space<vmem>>) target_semaphore(%arg42 : memref<!tpu.dma_semaphore, #tpu.memory_space<semaphore_mem>>)
      } else {
      }
      %mul3A_242 = arith.constant 8 : i32
      %mul3A_243 = arith.muli %mul3A_242, %scan3A_129 : i32
      %add3A_244 = arith.constant 4 : i32
      %add3A_245 = arith.addi %mul3A_243, %add3A_244 : i32
      %ge3A_246 = arith.constant 1 : i32
      %ge3A_247 = arith.cmpi sge, %add3A_245, %ge3A_246 : i32
      %add3A_248 = arith.constant 1 : i32
      %add3A_249 = arith.addi %select_n3A, %add3A_248 : i32
      %lt3A_250 = arith.cmpi slt, %add3A_245, %add3A_249 : i32
      %and3A_251 = arith.andi %ge3A_247, %lt3A_250 : i1
      %convert_element_type3A_252 = arith.extui %and3A_251 : i1 to i32
      %cond3A_253 = arith.constant 0 : i32
      %cond3A_254 = arith.cmpi ne, %convert_element_type3A_252, %cond3A_253 : i32
      scf.if %cond3A_254 {
        %dma_wait3A_359 = arith.constant 0 : i32
        %dma_wait3A_360 = arith.constant 0 : i32
        %dma_wait3A_361 = tpu.memref_slice %arg26[%dma_wait3A_359, %dma_wait3A_360] : memref<10240x128xf32, #tpu.memory_space<vmem_shared>> -> memref<10240x128xf32, #tpu.memory_space<vmem_shared>>
        tpu.wait_indirect_dma semaphore(%arg34 : memref<!tpu.dma_semaphore, #tpu.memory_space<semaphore_mem>>) src(%arg25 : memref<80x128xf32, #tpu.memory_space<vmem>>) dst(%dma_wait3A_361 : memref<10240x128xf32, #tpu.memory_space<vmem_shared>>)
      } else {
      }
      %lt3A_255 = arith.cmpi slt, %add3A_245, %select_n3A : i32
      %convert_element_type3A_256 = arith.extui %lt3A_255 : i1 to i32
      %cond3A_257 = arith.constant 0 : i32
      %cond3A_258 = arith.cmpi ne, %convert_element_type3A_256, %cond3A_257 : i32
      scf.if %cond3A_258 {
        %dma_wait3A_359 = arith.constant 0 : i32
        %dma_wait3A_360 = arith.constant 0 : i32
        %dma_wait3A_361 = tpu.memref_slice %arg4[%dma_wait3A_359, %dma_wait3A_360] : memref<10240x128xf32, #tpu.memory_space<hbm>> -> memref<10240x128xf32, #tpu.memory_space<hbm>>
        tpu.wait_indirect_dma semaphore(%arg27 : memref<!tpu.dma_semaphore, #tpu.memory_space<semaphore_mem>>) src(%dma_wait3A_361 : memref<10240x128xf32, #tpu.memory_space<hbm>>) dst(%arg22 : memref<80x128xf32, #tpu.memory_space<vmem>>)
        %dma_start3A_362 = arith.constant 0 : i32
        %dma_start3A_363 = arith.constant 0 : i32
        %dma_start3A_364 = tpu.memref_slice %arg26[%dma_start3A_362, %dma_start3A_363] : memref<10240x128xf32, #tpu.memory_space<vmem_shared>> -> memref<10240x128xf32, #tpu.memory_space<vmem_shared>>
        tpu.enqueue_indirect_dma source(%arg22 : memref<80x128xf32, #tpu.memory_space<vmem>>) target(%dma_start3A_364 : memref<10240x128xf32, #tpu.memory_space<vmem_shared>>) offsets(%arg18 : memref<80xi32, #tpu.memory_space<vmem>>) semaphore(%arg31 : memref<!tpu.dma_semaphore, #tpu.memory_space<semaphore_mem>>) {add = true}
      } else {
      }
      %add3A_259 = arith.constant 2 : i32
      %add3A_260 = arith.addi %add3A_245, %add3A_259 : i32
      %lt3A_261 = arith.cmpi slt, %add3A_260, %select_n3A : i32
      %convert_element_type3A_262 = arith.extui %lt3A_261 : i1 to i32
      %cond3A_263 = arith.constant 0 : i32
      %cond3A_264 = arith.cmpi ne, %convert_element_type3A_262, %cond3A_263 : i32
      scf.if %cond3A_264 {
        %add3A_359 = arith.constant 2 : i32
        %add3A_360 = arith.addi %add3A_245, %add3A_359 : i32
        %add3A_361 = arith.addi %add3A, %add3A_360 : i32
        %dma_wait3A_362 = arith.constant 0 : i32
        %dma_wait3A_363 = tpu.memref_slice %arg2[%add3A_361, %dma_wait3A_362] : memref<4096x80xi32, #tpu.memory_space<hbm>> -> memref<1x80xi32, #tpu.memory_space<hbm>>
        %dma_wait3A_364 = tpu.memref_squeeze %dma_wait3A_363 : memref<1x80xi32, #tpu.memory_space<hbm>> -> memref<80xi32, #tpu.memory_space<hbm>>
        %dma_wait3A_365 = arith.constant 0 : i32
        %dma_wait3A_366 = tpu.memref_slice %arg2[%add3A_361, %dma_wait3A_365] : memref<4096x80xi32, #tpu.memory_space<hbm>> -> memref<1x80xi32, #tpu.memory_space<hbm>>
        %dma_wait3A_367 = tpu.memref_squeeze %dma_wait3A_366 : memref<1x80xi32, #tpu.memory_space<hbm>> -> memref<80xi32, #tpu.memory_space<hbm>>
        tpu.wait_dma2 semaphore(%arg41 : memref<!tpu.dma_semaphore, #tpu.memory_space<semaphore_mem>>) src(%dma_wait3A_367 : memref<80xi32, #tpu.memory_space<hbm>>) dst(%arg12 : memref<80xi32, #tpu.memory_space<vmem>>)
        %add3A_368 = arith.addi %add3A, %add3A_360 : i32
        %dma_wait3A_369 = arith.constant 0 : i32
        %dma_wait3A_370 = tpu.memref_slice %arg3[%add3A_368, %dma_wait3A_369] : memref<4096x80xi32, #tpu.memory_space<hbm>> -> memref<1x80xi32, #tpu.memory_space<hbm>>
        %dma_wait3A_371 = tpu.memref_squeeze %dma_wait3A_370 : memref<1x80xi32, #tpu.memory_space<hbm>> -> memref<80xi32, #tpu.memory_space<hbm>>
        %dma_wait3A_372 = arith.constant 0 : i32
        %dma_wait3A_373 = tpu.memref_slice %arg3[%add3A_368, %dma_wait3A_372] : memref<4096x80xi32, #tpu.memory_space<hbm>> -> memref<1x80xi32, #tpu.memory_space<hbm>>
        %dma_wait3A_374 = tpu.memref_squeeze %dma_wait3A_373 : memref<1x80xi32, #tpu.memory_space<hbm>> -> memref<80xi32, #tpu.memory_space<hbm>>
        tpu.wait_dma2 semaphore(%arg41 : memref<!tpu.dma_semaphore, #tpu.memory_space<semaphore_mem>>) src(%dma_wait3A_374 : memref<80xi32, #tpu.memory_space<hbm>>) dst(%arg20 : memref<80xi32, #tpu.memory_space<vmem>>)
        %dma_start3A_375 = arith.constant 0 : i32
        %dma_start3A_376 = arith.constant 0 : i32
        %dma_start3A_377 = tpu.memref_slice %arg4[%dma_start3A_375, %dma_start3A_376] : memref<10240x128xf32, #tpu.memory_space<hbm>> -> memref<10240x128xf32, #tpu.memory_space<hbm>>
        tpu.enqueue_indirect_dma source(%dma_start3A_377 : memref<10240x128xf32, #tpu.memory_space<hbm>>) target(%arg24 : memref<80x128xf32, #tpu.memory_space<vmem>>) offsets(%arg12 : memref<80xi32, #tpu.memory_space<vmem>>) semaphore(%arg29 : memref<!tpu.dma_semaphore, #tpu.memory_space<semaphore_mem>>)
      } else {
      }
      %add3A_265 = arith.constant 4 : i32
      %add3A_266 = arith.addi %add3A_245, %add3A_265 : i32
      %lt3A_267 = arith.cmpi slt, %add3A_266, %select_n3A : i32
      %convert_element_type3A_268 = arith.extui %lt3A_267 : i1 to i32
      %cond3A_269 = arith.constant 0 : i32
      %cond3A_270 = arith.cmpi ne, %convert_element_type3A_268, %cond3A_269 : i32
      scf.if %cond3A_270 {
        %add3A_359 = arith.constant 4 : i32
        %add3A_360 = arith.addi %add3A_245, %add3A_359 : i32
        %add3A_361 = arith.addi %add3A, %add3A_360 : i32
        %dma_start3A_362 = arith.constant 0 : i32
        %dma_start3A_363 = tpu.memref_slice %arg2[%add3A_361, %dma_start3A_362] : memref<4096x80xi32, #tpu.memory_space<hbm>> -> memref<1x80xi32, #tpu.memory_space<hbm>>
        %dma_start3A_364 = tpu.memref_squeeze %dma_start3A_363 : memref<1x80xi32, #tpu.memory_space<hbm>> -> memref<80xi32, #tpu.memory_space<hbm>>
        %dma_start3A_365 = arith.constant 0 : i32
        %dma_start3A_366 = tpu.memref_slice %arg2[%add3A_361, %dma_start3A_365] : memref<4096x80xi32, #tpu.memory_space<hbm>> -> memref<1x80xi32, #tpu.memory_space<hbm>>
        %dma_start3A_367 = tpu.memref_squeeze %dma_start3A_366 : memref<1x80xi32, #tpu.memory_space<hbm>> -> memref<80xi32, #tpu.memory_space<hbm>>
        tpu.enqueue_dma source(%dma_start3A_367 : memref<80xi32, #tpu.memory_space<hbm>>) target(%arg6 : memref<80xi32, #tpu.memory_space<vmem>>) target_semaphore(%arg35 : memref<!tpu.dma_semaphore, #tpu.memory_space<semaphore_mem>>)
        %add3A_368 = arith.addi %add3A, %add3A_360 : i32
        %dma_start3A_369 = arith.constant 0 : i32
        %dma_start3A_370 = tpu.memref_slice %arg3[%add3A_368, %dma_start3A_369] : memref<4096x80xi32, #tpu.memory_space<hbm>> -> memref<1x80xi32, #tpu.memory_space<hbm>>
        %dma_start3A_371 = tpu.memref_squeeze %dma_start3A_370 : memref<1x80xi32, #tpu.memory_space<hbm>> -> memref<80xi32, #tpu.memory_space<hbm>>
        %dma_start3A_372 = arith.constant 0 : i32
        %dma_start3A_373 = tpu.memref_slice %arg3[%add3A_368, %dma_start3A_372] : memref<4096x80xi32, #tpu.memory_space<hbm>> -> memref<1x80xi32, #tpu.memory_space<hbm>>
        %dma_start3A_374 = tpu.memref_squeeze %dma_start3A_373 : memref<1x80xi32, #tpu.memory_space<hbm>> -> memref<80xi32, #tpu.memory_space<hbm>>
        tpu.enqueue_dma source(%dma_start3A_374 : memref<80xi32, #tpu.memory_space<hbm>>) target(%arg14 : memref<80xi32, #tpu.memory_space<vmem>>) target_semaphore(%arg35 : memref<!tpu.dma_semaphore, #tpu.memory_space<semaphore_mem>>)
      } else {
      }
      %mul3A_271 = arith.constant 8 : i32
      %mul3A_272 = arith.muli %mul3A_271, %scan3A_129 : i32
      %add3A_273 = arith.constant 5 : i32
      %add3A_274 = arith.addi %mul3A_272, %add3A_273 : i32
      %ge3A_275 = arith.constant 1 : i32
      %ge3A_276 = arith.cmpi sge, %add3A_274, %ge3A_275 : i32
      %add3A_277 = arith.constant 1 : i32
      %add3A_278 = arith.addi %select_n3A, %add3A_277 : i32
      %lt3A_279 = arith.cmpi slt, %add3A_274, %add3A_278 : i32
      %and3A_280 = arith.andi %ge3A_276, %lt3A_279 : i1
      %convert_element_type3A_281 = arith.extui %and3A_280 : i1 to i32
      %cond3A_282 = arith.constant 0 : i32
      %cond3A_283 = arith.cmpi ne, %convert_element_type3A_281, %cond3A_282 : i32
      scf.if %cond3A_283 {
        %dma_wait3A_359 = arith.constant 0 : i32
        %dma_wait3A_360 = arith.constant 0 : i32
        %dma_wait3A_361 = tpu.memref_slice %arg26[%dma_wait3A_359, %dma_wait3A_360] : memref<10240x128xf32, #tpu.memory_space<vmem_shared>> -> memref<10240x128xf32, #tpu.memory_space<vmem_shared>>
        tpu.wait_indirect_dma semaphore(%arg31 : memref<!tpu.dma_semaphore, #tpu.memory_space<semaphore_mem>>) src(%arg22 : memref<80x128xf32, #tpu.memory_space<vmem>>) dst(%dma_wait3A_361 : memref<10240x128xf32, #tpu.memory_space<vmem_shared>>)
      } else {
      }
      %lt3A_284 = arith.cmpi slt, %add3A_274, %select_n3A : i32
      %convert_element_type3A_285 = arith.extui %lt3A_284 : i1 to i32
      %cond3A_286 = arith.constant 0 : i32
      %cond3A_287 = arith.cmpi ne, %convert_element_type3A_285, %cond3A_286 : i32
      scf.if %cond3A_287 {
        %dma_wait3A_359 = arith.constant 0 : i32
        %dma_wait3A_360 = arith.constant 0 : i32
        %dma_wait3A_361 = tpu.memref_slice %arg4[%dma_wait3A_359, %dma_wait3A_360] : memref<10240x128xf32, #tpu.memory_space<hbm>> -> memref<10240x128xf32, #tpu.memory_space<hbm>>
        tpu.wait_indirect_dma semaphore(%arg28 : memref<!tpu.dma_semaphore, #tpu.memory_space<semaphore_mem>>) src(%dma_wait3A_361 : memref<10240x128xf32, #tpu.memory_space<hbm>>) dst(%arg23 : memref<80x128xf32, #tpu.memory_space<vmem>>)
        %dma_start3A_362 = arith.constant 0 : i32
        %dma_start3A_363 = arith.constant 0 : i32
        %dma_start3A_364 = tpu.memref_slice %arg26[%dma_start3A_362, %dma_start3A_363] : memref<10240x128xf32, #tpu.memory_space<vmem_shared>> -> memref<10240x128xf32, #tpu.memory_space<vmem_shared>>
        tpu.enqueue_indirect_dma source(%arg23 : memref<80x128xf32, #tpu.memory_space<vmem>>) target(%dma_start3A_364 : memref<10240x128xf32, #tpu.memory_space<vmem_shared>>) offsets(%arg19 : memref<80xi32, #tpu.memory_space<vmem>>) semaphore(%arg32 : memref<!tpu.dma_semaphore, #tpu.memory_space<semaphore_mem>>) {add = true}
      } else {
      }
      %add3A_288 = arith.constant 2 : i32
      %add3A_289 = arith.addi %add3A_274, %add3A_288 : i32
      %lt3A_290 = arith.cmpi slt, %add3A_289, %select_n3A : i32
      %convert_element_type3A_291 = arith.extui %lt3A_290 : i1 to i32
      %cond3A_292 = arith.constant 0 : i32
      %cond3A_293 = arith.cmpi ne, %convert_element_type3A_291, %cond3A_292 : i32
      scf.if %cond3A_293 {
        %add3A_359 = arith.constant 2 : i32
        %add3A_360 = arith.addi %add3A_274, %add3A_359 : i32
        %add3A_361 = arith.addi %add3A, %add3A_360 : i32
        %dma_wait3A_362 = arith.constant 0 : i32
        %dma_wait3A_363 = tpu.memref_slice %arg2[%add3A_361, %dma_wait3A_362] : memref<4096x80xi32, #tpu.memory_space<hbm>> -> memref<1x80xi32, #tpu.memory_space<hbm>>
        %dma_wait3A_364 = tpu.memref_squeeze %dma_wait3A_363 : memref<1x80xi32, #tpu.memory_space<hbm>> -> memref<80xi32, #tpu.memory_space<hbm>>
        %dma_wait3A_365 = arith.constant 0 : i32
        %dma_wait3A_366 = tpu.memref_slice %arg2[%add3A_361, %dma_wait3A_365] : memref<4096x80xi32, #tpu.memory_space<hbm>> -> memref<1x80xi32, #tpu.memory_space<hbm>>
        %dma_wait3A_367 = tpu.memref_squeeze %dma_wait3A_366 : memref<1x80xi32, #tpu.memory_space<hbm>> -> memref<80xi32, #tpu.memory_space<hbm>>
        tpu.wait_dma2 semaphore(%arg42 : memref<!tpu.dma_semaphore, #tpu.memory_space<semaphore_mem>>) src(%dma_wait3A_367 : memref<80xi32, #tpu.memory_space<hbm>>) dst(%arg13 : memref<80xi32, #tpu.memory_space<vmem>>)
        %add3A_368 = arith.addi %add3A, %add3A_360 : i32
        %dma_wait3A_369 = arith.constant 0 : i32
        %dma_wait3A_370 = tpu.memref_slice %arg3[%add3A_368, %dma_wait3A_369] : memref<4096x80xi32, #tpu.memory_space<hbm>> -> memref<1x80xi32, #tpu.memory_space<hbm>>
        %dma_wait3A_371 = tpu.memref_squeeze %dma_wait3A_370 : memref<1x80xi32, #tpu.memory_space<hbm>> -> memref<80xi32, #tpu.memory_space<hbm>>
        %dma_wait3A_372 = arith.constant 0 : i32
        %dma_wait3A_373 = tpu.memref_slice %arg3[%add3A_368, %dma_wait3A_372] : memref<4096x80xi32, #tpu.memory_space<hbm>> -> memref<1x80xi32, #tpu.memory_space<hbm>>
        %dma_wait3A_374 = tpu.memref_squeeze %dma_wait3A_373 : memref<1x80xi32, #tpu.memory_space<hbm>> -> memref<80xi32, #tpu.memory_space<hbm>>
        tpu.wait_dma2 semaphore(%arg42 : memref<!tpu.dma_semaphore, #tpu.memory_space<semaphore_mem>>) src(%dma_wait3A_374 : memref<80xi32, #tpu.memory_space<hbm>>) dst(%arg21 : memref<80xi32, #tpu.memory_space<vmem>>)
        %dma_start3A_375 = arith.constant 0 : i32
        %dma_start3A_376 = arith.constant 0 : i32
        %dma_start3A_377 = tpu.memref_slice %arg4[%dma_start3A_375, %dma_start3A_376] : memref<10240x128xf32, #tpu.memory_space<hbm>> -> memref<10240x128xf32, #tpu.memory_space<hbm>>
        tpu.enqueue_indirect_dma source(%dma_start3A_377 : memref<10240x128xf32, #tpu.memory_space<hbm>>) target(%arg25 : memref<80x128xf32, #tpu.memory_space<vmem>>) offsets(%arg13 : memref<80xi32, #tpu.memory_space<vmem>>) semaphore(%arg30 : memref<!tpu.dma_semaphore, #tpu.memory_space<semaphore_mem>>)
      } else {
      }
      %add3A_294 = arith.constant 4 : i32
      %add3A_295 = arith.addi %add3A_274, %add3A_294 : i32
      %lt3A_296 = arith.cmpi slt, %add3A_295, %select_n3A : i32
      %convert_element_type3A_297 = arith.extui %lt3A_296 : i1 to i32
      %cond3A_298 = arith.constant 0 : i32
      %cond3A_299 = arith.cmpi ne, %convert_element_type3A_297, %cond3A_298 : i32
      scf.if %cond3A_299 {
        %add3A_359 = arith.constant 4 : i32
        %add3A_360 = arith.addi %add3A_274, %add3A_359 : i32
        %add3A_361 = arith.addi %add3A, %add3A_360 : i32
        %dma_start3A_362 = arith.constant 0 : i32
        %dma_start3A_363 = tpu.memref_slice %arg2[%add3A_361, %dma_start3A_362] : memref<4096x80xi32, #tpu.memory_space<hbm>> -> memref<1x80xi32, #tpu.memory_space<hbm>>
        %dma_start3A_364 = tpu.memref_squeeze %dma_start3A_363 : memref<1x80xi32, #tpu.memory_space<hbm>> -> memref<80xi32, #tpu.memory_space<hbm>>
        %dma_start3A_365 = arith.constant 0 : i32
        %dma_start3A_366 = tpu.memref_slice %arg2[%add3A_361, %dma_start3A_365] : memref<4096x80xi32, #tpu.memory_space<hbm>> -> memref<1x80xi32, #tpu.memory_space<hbm>>
        %dma_start3A_367 = tpu.memref_squeeze %dma_start3A_366 : memref<1x80xi32, #tpu.memory_space<hbm>> -> memref<80xi32, #tpu.memory_space<hbm>>
        tpu.enqueue_dma source(%dma_start3A_367 : memref<80xi32, #tpu.memory_space<hbm>>) target(%arg7 : memref<80xi32, #tpu.memory_space<vmem>>) target_semaphore(%arg36 : memref<!tpu.dma_semaphore, #tpu.memory_space<semaphore_mem>>)
        %add3A_368 = arith.addi %add3A, %add3A_360 : i32
        %dma_start3A_369 = arith.constant 0 : i32
        %dma_start3A_370 = tpu.memref_slice %arg3[%add3A_368, %dma_start3A_369] : memref<4096x80xi32, #tpu.memory_space<hbm>> -> memref<1x80xi32, #tpu.memory_space<hbm>>
        %dma_start3A_371 = tpu.memref_squeeze %dma_start3A_370 : memref<1x80xi32, #tpu.memory_space<hbm>> -> memref<80xi32, #tpu.memory_space<hbm>>
        %dma_start3A_372 = arith.constant 0 : i32
        %dma_start3A_373 = tpu.memref_slice %arg3[%add3A_368, %dma_start3A_372] : memref<4096x80xi32, #tpu.memory_space<hbm>> -> memref<1x80xi32, #tpu.memory_space<hbm>>
        %dma_start3A_374 = tpu.memref_squeeze %dma_start3A_373 : memref<1x80xi32, #tpu.memory_space<hbm>> -> memref<80xi32, #tpu.memory_space<hbm>>
        tpu.enqueue_dma source(%dma_start3A_374 : memref<80xi32, #tpu.memory_space<hbm>>) target(%arg15 : memref<80xi32, #tpu.memory_space<vmem>>) target_semaphore(%arg36 : memref<!tpu.dma_semaphore, #tpu.memory_space<semaphore_mem>>)
      } else {
      }
      %mul3A_300 = arith.constant 8 : i32
      %mul3A_301 = arith.muli %mul3A_300, %scan3A_129 : i32
      %add3A_302 = arith.constant 6 : i32
      %add3A_303 = arith.addi %mul3A_301, %add3A_302 : i32
      %ge3A_304 = arith.constant 1 : i32
      %ge3A_305 = arith.cmpi sge, %add3A_303, %ge3A_304 : i32
      %add3A_306 = arith.constant 1 : i32
      %add3A_307 = arith.addi %select_n3A, %add3A_306 : i32
      %lt3A_308 = arith.cmpi slt, %add3A_303, %add3A_307 : i32
      %and3A_309 = arith.andi %ge3A_305, %lt3A_308 : i1
      %convert_element_type3A_310 = arith.extui %and3A_309 : i1 to i32
      %cond3A_311 = arith.constant 0 : i32
      %cond3A_312 = arith.cmpi ne, %convert_element_type3A_310, %cond3A_311 : i32
      scf.if %cond3A_312 {
        %dma_wait3A_359 = arith.constant 0 : i32
        %dma_wait3A_360 = arith.constant 0 : i32
        %dma_wait3A_361 = tpu.memref_slice %arg26[%dma_wait3A_359, %dma_wait3A_360] : memref<10240x128xf32, #tpu.memory_space<vmem_shared>> -> memref<10240x128xf32, #tpu.memory_space<vmem_shared>>
        tpu.wait_indirect_dma semaphore(%arg32 : memref<!tpu.dma_semaphore, #tpu.memory_space<semaphore_mem>>) src(%arg23 : memref<80x128xf32, #tpu.memory_space<vmem>>) dst(%dma_wait3A_361 : memref<10240x128xf32, #tpu.memory_space<vmem_shared>>)
      } else {
      }
      %lt3A_313 = arith.cmpi slt, %add3A_303, %select_n3A : i32
      %convert_element_type3A_314 = arith.extui %lt3A_313 : i1 to i32
      %cond3A_315 = arith.constant 0 : i32
      %cond3A_316 = arith.cmpi ne, %convert_element_type3A_314, %cond3A_315 : i32
      scf.if %cond3A_316 {
        %dma_wait3A_359 = arith.constant 0 : i32
        %dma_wait3A_360 = arith.constant 0 : i32
        %dma_wait3A_361 = tpu.memref_slice %arg4[%dma_wait3A_359, %dma_wait3A_360] : memref<10240x128xf32, #tpu.memory_space<hbm>> -> memref<10240x128xf32, #tpu.memory_space<hbm>>
        tpu.wait_indirect_dma semaphore(%arg29 : memref<!tpu.dma_semaphore, #tpu.memory_space<semaphore_mem>>) src(%dma_wait3A_361 : memref<10240x128xf32, #tpu.memory_space<hbm>>) dst(%arg24 : memref<80x128xf32, #tpu.memory_space<vmem>>)
        %dma_start3A_362 = arith.constant 0 : i32
        %dma_start3A_363 = arith.constant 0 : i32
        %dma_start3A_364 = tpu.memref_slice %arg26[%dma_start3A_362, %dma_start3A_363] : memref<10240x128xf32, #tpu.memory_space<vmem_shared>> -> memref<10240x128xf32, #tpu.memory_space<vmem_shared>>
        tpu.enqueue_indirect_dma source(%arg24 : memref<80x128xf32, #tpu.memory_space<vmem>>) target(%dma_start3A_364 : memref<10240x128xf32, #tpu.memory_space<vmem_shared>>) offsets(%arg20 : memref<80xi32, #tpu.memory_space<vmem>>) semaphore(%arg33 : memref<!tpu.dma_semaphore, #tpu.memory_space<semaphore_mem>>) {add = true}
      } else {
      }
      %add3A_317 = arith.constant 2 : i32
      %add3A_318 = arith.addi %add3A_303, %add3A_317 : i32
      %lt3A_319 = arith.cmpi slt, %add3A_318, %select_n3A : i32
      %convert_element_type3A_320 = arith.extui %lt3A_319 : i1 to i32
      %cond3A_321 = arith.constant 0 : i32
      %cond3A_322 = arith.cmpi ne, %convert_element_type3A_320, %cond3A_321 : i32
      scf.if %cond3A_322 {
        %add3A_359 = arith.constant 2 : i32
        %add3A_360 = arith.addi %add3A_303, %add3A_359 : i32
        %add3A_361 = arith.addi %add3A, %add3A_360 : i32
        %dma_wait3A_362 = arith.constant 0 : i32
        %dma_wait3A_363 = tpu.memref_slice %arg2[%add3A_361, %dma_wait3A_362] : memref<4096x80xi32, #tpu.memory_space<hbm>> -> memref<1x80xi32, #tpu.memory_space<hbm>>
        %dma_wait3A_364 = tpu.memref_squeeze %dma_wait3A_363 : memref<1x80xi32, #tpu.memory_space<hbm>> -> memref<80xi32, #tpu.memory_space<hbm>>
        %dma_wait3A_365 = arith.constant 0 : i32
        %dma_wait3A_366 = tpu.memref_slice %arg2[%add3A_361, %dma_wait3A_365] : memref<4096x80xi32, #tpu.memory_space<hbm>> -> memref<1x80xi32, #tpu.memory_space<hbm>>
        %dma_wait3A_367 = tpu.memref_squeeze %dma_wait3A_366 : memref<1x80xi32, #tpu.memory_space<hbm>> -> memref<80xi32, #tpu.memory_space<hbm>>
        tpu.wait_dma2 semaphore(%arg35 : memref<!tpu.dma_semaphore, #tpu.memory_space<semaphore_mem>>) src(%dma_wait3A_367 : memref<80xi32, #tpu.memory_space<hbm>>) dst(%arg6 : memref<80xi32, #tpu.memory_space<vmem>>)
        %add3A_368 = arith.addi %add3A, %add3A_360 : i32
        %dma_wait3A_369 = arith.constant 0 : i32
        %dma_wait3A_370 = tpu.memref_slice %arg3[%add3A_368, %dma_wait3A_369] : memref<4096x80xi32, #tpu.memory_space<hbm>> -> memref<1x80xi32, #tpu.memory_space<hbm>>
        %dma_wait3A_371 = tpu.memref_squeeze %dma_wait3A_370 : memref<1x80xi32, #tpu.memory_space<hbm>> -> memref<80xi32, #tpu.memory_space<hbm>>
        %dma_wait3A_372 = arith.constant 0 : i32
        %dma_wait3A_373 = tpu.memref_slice %arg3[%add3A_368, %dma_wait3A_372] : memref<4096x80xi32, #tpu.memory_space<hbm>> -> memref<1x80xi32, #tpu.memory_space<hbm>>
        %dma_wait3A_374 = tpu.memref_squeeze %dma_wait3A_373 : memref<1x80xi32, #tpu.memory_space<hbm>> -> memref<80xi32, #tpu.memory_space<hbm>>
        tpu.wait_dma2 semaphore(%arg35 : memref<!tpu.dma_semaphore, #tpu.memory_space<semaphore_mem>>) src(%dma_wait3A_374 : memref<80xi32, #tpu.memory_space<hbm>>) dst(%arg14 : memref<80xi32, #tpu.memory_space<vmem>>)
        %dma_start3A_375 = arith.constant 0 : i32
        %dma_start3A_376 = arith.constant 0 : i32
        %dma_start3A_377 = tpu.memref_slice %arg4[%dma_start3A_375, %dma_start3A_376] : memref<10240x128xf32, #tpu.memory_space<hbm>> -> memref<10240x128xf32, #tpu.memory_space<hbm>>
        tpu.enqueue_indirect_dma source(%dma_start3A_377 : memref<10240x128xf32, #tpu.memory_space<hbm>>) target(%arg22 : memref<80x128xf32, #tpu.memory_space<vmem>>) offsets(%arg6 : memref<80xi32, #tpu.memory_space<vmem>>) semaphore(%arg27 : memref<!tpu.dma_semaphore, #tpu.memory_space<semaphore_mem>>)
      } else {
      }
      %add3A_323 = arith.constant 4 : i32
      %add3A_324 = arith.addi %add3A_303, %add3A_323 : i32
      %lt3A_325 = arith.cmpi slt, %add3A_324, %select_n3A : i32
      %convert_element_type3A_326 = arith.extui %lt3A_325 : i1 to i32
      %cond3A_327 = arith.constant 0 : i32
      %cond3A_328 = arith.cmpi ne, %convert_element_type3A_326, %cond3A_327 : i32
      scf.if %cond3A_328 {
        %add3A_359 = arith.constant 4 : i32
        %add3A_360 = arith.addi %add3A_303, %add3A_359 : i32
        %add3A_361 = arith.addi %add3A, %add3A_360 : i32
        %dma_start3A_362 = arith.constant 0 : i32
        %dma_start3A_363 = tpu.memref_slice %arg2[%add3A_361, %dma_start3A_362] : memref<4096x80xi32, #tpu.memory_space<hbm>> -> memref<1x80xi32, #tpu.memory_space<hbm>>
        %dma_start3A_364 = tpu.memref_squeeze %dma_start3A_363 : memref<1x80xi32, #tpu.memory_space<hbm>> -> memref<80xi32, #tpu.memory_space<hbm>>
        %dma_start3A_365 = arith.constant 0 : i32
        %dma_start3A_366 = tpu.memref_slice %arg2[%add3A_361, %dma_start3A_365] : memref<4096x80xi32, #tpu.memory_space<hbm>> -> memref<1x80xi32, #tpu.memory_space<hbm>>
        %dma_start3A_367 = tpu.memref_squeeze %dma_start3A_366 : memref<1x80xi32, #tpu.memory_space<hbm>> -> memref<80xi32, #tpu.memory_space<hbm>>
        tpu.enqueue_dma source(%dma_start3A_367 : memref<80xi32, #tpu.memory_space<hbm>>) target(%arg8 : memref<80xi32, #tpu.memory_space<vmem>>) target_semaphore(%arg37 : memref<!tpu.dma_semaphore, #tpu.memory_space<semaphore_mem>>)
        %add3A_368 = arith.addi %add3A, %add3A_360 : i32
        %dma_start3A_369 = arith.constant 0 : i32
        %dma_start3A_370 = tpu.memref_slice %arg3[%add3A_368, %dma_start3A_369] : memref<4096x80xi32, #tpu.memory_space<hbm>> -> memref<1x80xi32, #tpu.memory_space<hbm>>
        %dma_start3A_371 = tpu.memref_squeeze %dma_start3A_370 : memref<1x80xi32, #tpu.memory_space<hbm>> -> memref<80xi32, #tpu.memory_space<hbm>>
        %dma_start3A_372 = arith.constant 0 : i32
        %dma_start3A_373 = tpu.memref_slice %arg3[%add3A_368, %dma_start3A_372] : memref<4096x80xi32, #tpu.memory_space<hbm>> -> memref<1x80xi32, #tpu.memory_space<hbm>>
        %dma_start3A_374 = tpu.memref_squeeze %dma_start3A_373 : memref<1x80xi32, #tpu.memory_space<hbm>> -> memref<80xi32, #tpu.memory_space<hbm>>
        tpu.enqueue_dma source(%dma_start3A_374 : memref<80xi32, #tpu.memory_space<hbm>>) target(%arg16 : memref<80xi32, #tpu.memory_space<vmem>>) target_semaphore(%arg37 : memref<!tpu.dma_semaphore, #tpu.memory_space<semaphore_mem>>)
      } else {
      }
      %mul3A_329 = arith.constant 8 : i32
      %mul3A_330 = arith.muli %mul3A_329, %scan3A_129 : i32
      %add3A_331 = arith.constant 7 : i32
      %add3A_332 = arith.addi %mul3A_330, %add3A_331 : i32
      %ge3A_333 = arith.constant 1 : i32
      %ge3A_334 = arith.cmpi sge, %add3A_332, %ge3A_333 : i32
      %add3A_335 = arith.constant 1 : i32
      %add3A_336 = arith.addi %select_n3A, %add3A_335 : i32
      %lt3A_337 = arith.cmpi slt, %add3A_332, %add3A_336 : i32
      %and3A_338 = arith.andi %ge3A_334, %lt3A_337 : i1
      %convert_element_type3A_339 = arith.extui %and3A_338 : i1 to i32
      %cond3A_340 = arith.constant 0 : i32
      %cond3A_341 = arith.cmpi ne, %convert_element_type3A_339, %cond3A_340 : i32
      scf.if %cond3A_341 {
        %dma_wait3A_359 = arith.constant 0 : i32
        %dma_wait3A_360 = arith.constant 0 : i32
        %dma_wait3A_361 = tpu.memref_slice %arg26[%dma_wait3A_359, %dma_wait3A_360] : memref<10240x128xf32, #tpu.memory_space<vmem_shared>> -> memref<10240x128xf32, #tpu.memory_space<vmem_shared>>
        tpu.wait_indirect_dma semaphore(%arg33 : memref<!tpu.dma_semaphore, #tpu.memory_space<semaphore_mem>>) src(%arg24 : memref<80x128xf32, #tpu.memory_space<vmem>>) dst(%dma_wait3A_361 : memref<10240x128xf32, #tpu.memory_space<vmem_shared>>)
      } else {
      }
      %lt3A_342 = arith.cmpi slt, %add3A_332, %select_n3A : i32
      %convert_element_type3A_343 = arith.extui %lt3A_342 : i1 to i32
      %cond3A_344 = arith.constant 0 : i32
      %cond3A_345 = arith.cmpi ne, %convert_element_type3A_343, %cond3A_344 : i32
      scf.if %cond3A_345 {
        %dma_wait3A_359 = arith.constant 0 : i32
        %dma_wait3A_360 = arith.constant 0 : i32
        %dma_wait3A_361 = tpu.memref_slice %arg4[%dma_wait3A_359, %dma_wait3A_360] : memref<10240x128xf32, #tpu.memory_space<hbm>> -> memref<10240x128xf32, #tpu.memory_space<hbm>>
        tpu.wait_indirect_dma semaphore(%arg30 : memref<!tpu.dma_semaphore, #tpu.memory_space<semaphore_mem>>) src(%dma_wait3A_361 : memref<10240x128xf32, #tpu.memory_space<hbm>>) dst(%arg25 : memref<80x128xf32, #tpu.memory_space<vmem>>)
        %dma_start3A_362 = arith.constant 0 : i32
        %dma_start3A_363 = arith.constant 0 : i32
        %dma_start3A_364 = tpu.memref_slice %arg26[%dma_start3A_362, %dma_start3A_363] : memref<10240x128xf32, #tpu.memory_space<vmem_shared>> -> memref<10240x128xf32, #tpu.memory_space<vmem_shared>>
        tpu.enqueue_indirect_dma source(%arg25 : memref<80x128xf32, #tpu.memory_space<vmem>>) target(%dma_start3A_364 : memref<10240x128xf32, #tpu.memory_space<vmem_shared>>) offsets(%arg21 : memref<80xi32, #tpu.memory_space<vmem>>) semaphore(%arg34 : memref<!tpu.dma_semaphore, #tpu.memory_space<semaphore_mem>>) {add = true}
      } else {
      }
      %add3A_346 = arith.constant 2 : i32
      %add3A_347 = arith.addi %add3A_332, %add3A_346 : i32
      %lt3A_348 = arith.cmpi slt, %add3A_347, %select_n3A : i32
      %convert_element_type3A_349 = arith.extui %lt3A_348 : i1 to i32
      %cond3A_350 = arith.constant 0 : i32
      %cond3A_351 = arith.cmpi ne, %convert_element_type3A_349, %cond3A_350 : i32
      scf.if %cond3A_351 {
        %add3A_359 = arith.constant 2 : i32
        %add3A_360 = arith.addi %add3A_332, %add3A_359 : i32
        %add3A_361 = arith.addi %add3A, %add3A_360 : i32
        %dma_wait3A_362 = arith.constant 0 : i32
        %dma_wait3A_363 = tpu.memref_slice %arg2[%add3A_361, %dma_wait3A_362] : memref<4096x80xi32, #tpu.memory_space<hbm>> -> memref<1x80xi32, #tpu.memory_space<hbm>>
        %dma_wait3A_364 = tpu.memref_squeeze %dma_wait3A_363 : memref<1x80xi32, #tpu.memory_space<hbm>> -> memref<80xi32, #tpu.memory_space<hbm>>
        %dma_wait3A_365 = arith.constant 0 : i32
        %dma_wait3A_366 = tpu.memref_slice %arg2[%add3A_361, %dma_wait3A_365] : memref<4096x80xi32, #tpu.memory_space<hbm>> -> memref<1x80xi32, #tpu.memory_space<hbm>>
        %dma_wait3A_367 = tpu.memref_squeeze %dma_wait3A_366 : memref<1x80xi32, #tpu.memory_space<hbm>> -> memref<80xi32, #tpu.memory_space<hbm>>
        tpu.wait_dma2 semaphore(%arg36 : memref<!tpu.dma_semaphore, #tpu.memory_space<semaphore_mem>>) src(%dma_wait3A_367 : memref<80xi32, #tpu.memory_space<hbm>>) dst(%arg7 : memref<80xi32, #tpu.memory_space<vmem>>)
        %add3A_368 = arith.addi %add3A, %add3A_360 : i32
        %dma_wait3A_369 = arith.constant 0 : i32
        %dma_wait3A_370 = tpu.memref_slice %arg3[%add3A_368, %dma_wait3A_369] : memref<4096x80xi32, #tpu.memory_space<hbm>> -> memref<1x80xi32, #tpu.memory_space<hbm>>
        %dma_wait3A_371 = tpu.memref_squeeze %dma_wait3A_370 : memref<1x80xi32, #tpu.memory_space<hbm>> -> memref<80xi32, #tpu.memory_space<hbm>>
        %dma_wait3A_372 = arith.constant 0 : i32
        %dma_wait3A_373 = tpu.memref_slice %arg3[%add3A_368, %dma_wait3A_372] : memref<4096x80xi32, #tpu.memory_space<hbm>> -> memref<1x80xi32, #tpu.memory_space<hbm>>
        %dma_wait3A_374 = tpu.memref_squeeze %dma_wait3A_373 : memref<1x80xi32, #tpu.memory_space<hbm>> -> memref<80xi32, #tpu.memory_space<hbm>>
        tpu.wait_dma2 semaphore(%arg36 : memref<!tpu.dma_semaphore, #tpu.memory_space<semaphore_mem>>) src(%dma_wait3A_374 : memref<80xi32, #tpu.memory_space<hbm>>) dst(%arg15 : memref<80xi32, #tpu.memory_space<vmem>>)
        %dma_start3A_375 = arith.constant 0 : i32
        %dma_start3A_376 = arith.constant 0 : i32
        %dma_start3A_377 = tpu.memref_slice %arg4[%dma_start3A_375, %dma_start3A_376] : memref<10240x128xf32, #tpu.memory_space<hbm>> -> memref<10240x128xf32, #tpu.memory_space<hbm>>
        tpu.enqueue_indirect_dma source(%dma_start3A_377 : memref<10240x128xf32, #tpu.memory_space<hbm>>) target(%arg23 : memref<80x128xf32, #tpu.memory_space<vmem>>) offsets(%arg7 : memref<80xi32, #tpu.memory_space<vmem>>) semaphore(%arg28 : memref<!tpu.dma_semaphore, #tpu.memory_space<semaphore_mem>>)
      } else {
      }
      %add3A_352 = arith.constant 4 : i32
      %add3A_353 = arith.addi %add3A_332, %add3A_352 : i32
      %lt3A_354 = arith.cmpi slt, %add3A_353, %select_n3A : i32
      %convert_element_type3A_355 = arith.extui %lt3A_354 : i1 to i32
      %cond3A_356 = arith.constant 0 : i32
      %cond3A_357 = arith.cmpi ne, %convert_element_type3A_355, %cond3A_356 : i32
      scf.if %cond3A_357 {
        %add3A_359 = arith.constant 4 : i32
        %add3A_360 = arith.addi %add3A_332, %add3A_359 : i32
        %add3A_361 = arith.addi %add3A, %add3A_360 : i32
        %dma_start3A_362 = arith.constant 0 : i32
        %dma_start3A_363 = tpu.memref_slice %arg2[%add3A_361, %dma_start3A_362] : memref<4096x80xi32, #tpu.memory_space<hbm>> -> memref<1x80xi32, #tpu.memory_space<hbm>>
        %dma_start3A_364 = tpu.memref_squeeze %dma_start3A_363 : memref<1x80xi32, #tpu.memory_space<hbm>> -> memref<80xi32, #tpu.memory_space<hbm>>
        %dma_start3A_365 = arith.constant 0 : i32
        %dma_start3A_366 = tpu.memref_slice %arg2[%add3A_361, %dma_start3A_365] : memref<4096x80xi32, #tpu.memory_space<hbm>> -> memref<1x80xi32, #tpu.memory_space<hbm>>
        %dma_start3A_367 = tpu.memref_squeeze %dma_start3A_366 : memref<1x80xi32, #tpu.memory_space<hbm>> -> memref<80xi32, #tpu.memory_space<hbm>>
        tpu.enqueue_dma source(%dma_start3A_367 : memref<80xi32, #tpu.memory_space<hbm>>) target(%arg9 : memref<80xi32, #tpu.memory_space<vmem>>) target_semaphore(%arg38 : memref<!tpu.dma_semaphore, #tpu.memory_space<semaphore_mem>>)
        %add3A_368 = arith.addi %add3A, %add3A_360 : i32
        %dma_start3A_369 = arith.constant 0 : i32
        %dma_start3A_370 = tpu.memref_slice %arg3[%add3A_368, %dma_start3A_369] : memref<4096x80xi32, #tpu.memory_space<hbm>> -> memref<1x80xi32, #tpu.memory_space<hbm>>
        %dma_start3A_371 = tpu.memref_squeeze %dma_start3A_370 : memref<1x80xi32, #tpu.memory_space<hbm>> -> memref<80xi32, #tpu.memory_space<hbm>>
        %dma_start3A_372 = arith.constant 0 : i32
        %dma_start3A_373 = tpu.memref_slice %arg3[%add3A_368, %dma_start3A_372] : memref<4096x80xi32, #tpu.memory_space<hbm>> -> memref<1x80xi32, #tpu.memory_space<hbm>>
        %dma_start3A_374 = tpu.memref_squeeze %dma_start3A_373 : memref<1x80xi32, #tpu.memory_space<hbm>> -> memref<80xi32, #tpu.memory_space<hbm>>
        tpu.enqueue_dma source(%dma_start3A_374 : memref<80xi32, #tpu.memory_space<hbm>>) target(%arg17 : memref<80xi32, #tpu.memory_space<vmem>>) target_semaphore(%arg38 : memref<!tpu.dma_semaphore, #tpu.memory_space<semaphore_mem>>)
      } else {
      }
      %scan3A_358 = arith.constant 0 : i32
      scf.yield %scan3A_358 : i32
    }
    %scan3A_127 = arith.constant 25 : i32
    %barrier3A_128 = arith.constant 0 : index
    tpu.barrier barrier_id(%barrier3A_128)
    "tpu.region"() ({
      %run_scoped3A = tpu.sem_alloc : memref<!tpu.dma_semaphore, #tpu.memory_space<semaphore_mem>>
      %dma_start3A_129 = arith.constant 0 : i32
      %dma_start3A_130 = tpu.memref_slice %arg5[%arg0, %mul3A_13, %dma_start3A_129] : memref<2x10240x128xf32, #tpu.memory_space<hbm>> -> memref<1x640x128xf32, #tpu.memory_space<hbm>>
      %dma_start3A_131 = tpu.memref_squeeze %dma_start3A_130 : memref<1x640x128xf32, #tpu.memory_space<hbm>> -> memref<640x128xf32, #tpu.memory_space<hbm>>
      %dma_start3A_132 = arith.constant 0 : i32
      %dma_start3A_133 = tpu.memref_slice %arg26[%mul3A_13, %dma_start3A_132] : memref<10240x128xf32, #tpu.memory_space<vmem_shared>> -> memref<640x128xf32, #tpu.memory_space<vmem_shared>>
      tpu.enqueue_dma source(%dma_start3A_133 : memref<640x128xf32, #tpu.memory_space<vmem_shared>>) target(%dma_start3A_131 : memref<640x128xf32, #tpu.memory_space<hbm>>) target_semaphore(%run_scoped3A : memref<!tpu.dma_semaphore, #tpu.memory_space<semaphore_mem>>)
      %dma_wait3A_134 = arith.constant 0 : i32
      %dma_wait3A_135 = tpu.memref_slice %arg5[%arg0, %mul3A_13, %dma_wait3A_134] : memref<2x10240x128xf32, #tpu.memory_space<hbm>> -> memref<1x640x128xf32, #tpu.memory_space<hbm>>
      %dma_wait3A_136 = tpu.memref_squeeze %dma_wait3A_135 : memref<1x640x128xf32, #tpu.memory_space<hbm>> -> memref<640x128xf32, #tpu.memory_space<hbm>>
      %dma_wait3A_137 = arith.constant 0 : i32
      %dma_wait3A_138 = tpu.memref_slice %arg26[%mul3A_13, %dma_wait3A_137] : memref<10240x128xf32, #tpu.memory_space<vmem_shared>> -> memref<640x128xf32, #tpu.memory_space<vmem_shared>>
      tpu.wait_dma2 semaphore(%run_scoped3A : memref<!tpu.dma_semaphore, #tpu.memory_space<semaphore_mem>>) src(%dma_wait3A_138 : memref<640x128xf32, #tpu.memory_space<vmem_shared>>) dst(%dma_wait3A_136 : memref<640x128xf32, #tpu.memory_space<hbm>>)
      tpu.yield
    }) : () -> ()
    return
  }
}

module attributes {stable_mosaic.version = 14 : i64} {
  func.func @_mm1_body(%arg0: i32, %arg1: memref<512x128xf32, #tpu.memory_space<vmem>>, %arg2: memref<128x128xf32, #tpu.memory_space<vmem>>, %arg3: memref<2x512xf32, #tpu.memory_space<vmem>>, %arg4: memref<512x128xf32, #tpu.memory_space<vmem>>, %arg5: memref<512xf32, #tpu.memory_space<vmem>>) attributes {dimension_semantics = [#tpu.dimension_semantics<arbitrary>], iteration_bounds = array<i64: 20>, scalar_prefetch = 0 : i64, scratch_operands = 0 : i64, tpu.core_type = #tpu.core_type<tc>, window_params = [{transform_indices = @transform_0, window_bounds = array<i64: 512, 128>}, {pipeline_mode = #tpu.pipeline_mode<synchronous>, transform_indices = @transform_1, window_bounds = array<i64: 128, 128>}, {transform_indices = @transform_2, window_bounds = array<i64: 2, 512>}, {transform_indices = @transform_3, window_bounds = array<i64: 512, 128>}, {transform_indices = @transform_4, window_bounds = array<i64: 512>}]} {
    %get3A = arith.constant 0 : index
    %get3A_0 = arith.constant 0 : index
    %get3A_1 = vector.load %arg3[%get3A, %get3A_0] : memref<2x512xf32, #tpu.memory_space<vmem>>, vector<1x512xf32>
    %get3A_2 = vector.shape_cast %get3A_1 : vector<1x512xf32> to vector<512xf32>
    %get3A_3 = arith.constant 1 : index
    %get3A_4 = arith.constant 0 : index
    %get3A_5 = vector.load %arg3[%get3A_3, %get3A_4] : memref<2x512xf32, #tpu.memory_space<vmem>>, vector<1x512xf32>
    %get3A_6 = vector.shape_cast %get3A_5 : vector<1x512xf32> to vector<512xf32>
    %add3A = arith.addf %get3A_2, %get3A_6 : vector<512xf32>
    %add3A_7 = arith.constant 1.000000e+00 : f32
    %add3A_8 = vector.broadcast %add3A_7 : f32 to vector<512xf32>
    %add3A_9 = arith.addf %add3A, %add3A_8 : vector<512xf32>
    %rsqrt3A = math.rsqrt %add3A_9 : vector<512xf32>
    %get3A_10 = arith.constant 0 : index
    %get3A_11 = arith.constant 0 : index
    %get3A_12 = vector.load %arg1[%get3A_10, %get3A_11] : memref<512x128xf32, #tpu.memory_space<vmem>>, vector<512x128xf32>
    %get3A_13 = arith.constant 0 : index
    %get3A_14 = arith.constant 0 : index
    %get3A_15 = vector.load %arg2[%get3A_13, %get3A_14] : memref<128x128xf32, #tpu.memory_space<vmem>>, vector<128x128xf32>
    %dot_general3A = arith.constant dense<0.000000e+00> : vector<512x128xf32>
    %dot_general3A_16 = tpu.matmul %get3A_12, %get3A_15, %dot_general3A {dimension_numbers = #tpu.dot_dimension_numbers<[1], [0], [0], [1], [0, 0, 1, 1], [], []>, transpose_lhs_hint = false} : vector<512x128xf32>, vector<128x128xf32>, vector<512x128xf32> -> vector<512x128xf32>
    %broadcast_in_dim3A = vector.shape_cast %rsqrt3A : vector<512xf32> to vector<512x1xf32>
    %mul3A = vector.broadcast %broadcast_in_dim3A : vector<512x1xf32> to vector<512x128xf32>
    %mul3A_17 = arith.mulf %dot_general3A_16, %mul3A : vector<512x128xf32>
    %swap3A = arith.constant 0 : index
    %swap3A_18 = arith.constant 0 : index
    %swap3A_19 = vector.load %arg4[%swap3A, %swap3A_18] : memref<512x128xf32, #tpu.memory_space<vmem>>, vector<512x128xf32>
    tpu.vector_store %arg4[%swap3A, %swap3A_18], %mul3A_17 {strides = array<i32>} : memref<512x128xf32, #tpu.memory_space<vmem>>, vector<512x128xf32>,
    %swap3A_20 = arith.constant 0 : index
    %swap3A_21 = vector.load %arg5[%swap3A_20] : memref<512xf32, #tpu.memory_space<vmem>>, vector<512xf32>
    tpu.vector_store %arg5[%swap3A_20], %rsqrt3A {strides = array<i32>} : memref<512xf32, #tpu.memory_space<vmem>>, vector<512xf32>,
    return
  }
  func.func @transform_0(%arg0: i32) -> (i32, i32) {
    %c0_i32 = arith.constant 0 : i32
    %c0_i32_0 = arith.constant 0 : i32
    return %arg0, %c0_i32 : i32, i32
  }
  func.func @transform_1(%arg0: i32) -> (i32, i32) {
    %c0_i32 = arith.constant 0 : i32
    %c0_i32_0 = arith.constant 0 : i32
    %c0_i32_1 = arith.constant 0 : i32
    return %c0_i32, %c0_i32_0 : i32, i32
  }
  func.func @transform_2(%arg0: i32) -> (i32, i32) {
    %c0_i32 = arith.constant 0 : i32
    %c0_i32_0 = arith.constant 0 : i32
    return %c0_i32, %arg0 : i32, i32
  }
  func.func @transform_3(%arg0: i32) -> (i32, i32) {
    %c0_i32 = arith.constant 0 : i32
    %c0_i32_0 = arith.constant 0 : i32
    return %arg0, %c0_i32 : i32, i32
  }
  func.func @transform_4(%arg0: i32) -> i32 {
    %c0_i32 = arith.constant 0 : i32
    return %arg0 : i32
  }
}

module attributes {stable_mosaic.version = 14 : i64} {
  func.func @_mm2_body(%arg0: i32, %arg1: memref<2x512x128xf32, #tpu.memory_space<vmem>>, %arg2: memref<512x128xf32, #tpu.memory_space<vmem>>, %arg3: memref<512xf32, #tpu.memory_space<vmem>>, %arg4: memref<1x128xf32, #tpu.memory_space<vmem>>, %arg5: memref<128x48xf32, #tpu.memory_space<vmem>>, %arg6: memref<512x128xf32, #tpu.memory_space<vmem>>, %arg7: memref<512x48xf32, #tpu.memory_space<vmem>>) attributes {dimension_semantics = [#tpu.dimension_semantics<arbitrary>], iteration_bounds = array<i64: 20>, scalar_prefetch = 0 : i64, scratch_operands = 0 : i64, tpu.core_type = #tpu.core_type<tc>, window_params = [{transform_indices = @transform_0, window_bounds = array<i64: 2, 512, 128>}, {transform_indices = @transform_1, window_bounds = array<i64: 512, 128>}, {transform_indices = @transform_2, window_bounds = array<i64: 512>}, {pipeline_mode = #tpu.pipeline_mode<synchronous>, transform_indices = @transform_3, window_bounds = array<i64: 1, 128>}, {pipeline_mode = #tpu.pipeline_mode<synchronous>, transform_indices = @transform_4, window_bounds = array<i64: 128, 48>}, {transform_indices = @transform_5, window_bounds = array<i64: 512, 128>}, {transform_indices = @transform_6, window_bounds = array<i64: 512, 48>}]} {
    %get3A = arith.constant 0 : index
    %get3A_0 = vector.load %arg3[%get3A] : memref<512xf32, #tpu.memory_space<vmem>>, vector<512xf32>
    %get3A_1 = arith.constant 0 : index
    %get3A_2 = arith.constant 0 : index
    %get3A_3 = arith.constant 0 : index
    %get3A_4 = vector.load %arg1[%get3A_1, %get3A_2, %get3A_3] : memref<2x512x128xf32, #tpu.memory_space<vmem>>, vector<1x512x128xf32>
    %get3A_5 = vector.shape_cast %get3A_4 : vector<1x512x128xf32> to vector<512x128xf32>
    %get3A_6 = arith.constant 1 : index
    %get3A_7 = arith.constant 0 : index
    %get3A_8 = arith.constant 0 : index
    %get3A_9 = vector.load %arg1[%get3A_6, %get3A_7, %get3A_8] : memref<2x512x128xf32, #tpu.memory_space<vmem>>, vector<1x512x128xf32>
    %get3A_10 = vector.shape_cast %get3A_9 : vector<1x512x128xf32> to vector<512x128xf32>
    %add3A = arith.addf %get3A_5, %get3A_10 : vector<512x128xf32>
    %get3A_11 = arith.constant 0 : index
    %get3A_12 = arith.constant 0 : index
    %get3A_13 = vector.load %arg2[%get3A_11, %get3A_12] : memref<512x128xf32, #tpu.memory_space<vmem>>, vector<512x128xf32>
    %add3A_14 = arith.addf %add3A, %get3A_13 : vector<512x128xf32>
    %broadcast_in_dim3A = vector.shape_cast %get3A_0 : vector<512xf32> to vector<512x1xf32>
    %mul3A = vector.broadcast %broadcast_in_dim3A : vector<512x1xf32> to vector<512x128xf32>
    %mul3A_15 = arith.mulf %add3A_14, %mul3A : vector<512x128xf32>
    %get3A_16 = arith.constant 0 : index
    %get3A_17 = arith.constant 0 : index
    %get3A_18 = vector.load %arg4[%get3A_16, %get3A_17] : memref<1x128xf32, #tpu.memory_space<vmem>>, vector<1x128xf32>
    %add3A_19 = vector.broadcast %get3A_18 : vector<1x128xf32> to vector<512x128xf32>
    %add3A_20 = arith.addf %mul3A_15, %add3A_19 : vector<512x128xf32>
    %swap3A = arith.constant 0 : index
    %swap3A_21 = arith.constant 0 : index
    %swap3A_22 = vector.load %arg6[%swap3A, %swap3A_21] : memref<512x128xf32, #tpu.memory_space<vmem>>, vector<512x128xf32>
    tpu.vector_store %arg6[%swap3A, %swap3A_21], %add3A_20 {strides = array<i32>} : memref<512x128xf32, #tpu.memory_space<vmem>>, vector<512x128xf32>,
    %max3A = arith.constant 0.000000e+00 : f32
    %max3A_23 = vector.broadcast %max3A : f32 to vector<512x128xf32>
    %max3A_24 = arith.maximumf %add3A_20, %max3A_23 : vector<512x128xf32>
    %get3A_25 = arith.constant 0 : index
    %get3A_26 = arith.constant 0 : index
    %get3A_27 = vector.load %arg5[%get3A_25, %get3A_26] : memref<128x48xf32, #tpu.memory_space<vmem>>, vector<128x48xf32>
    %dot_general3A = arith.constant dense<0.000000e+00> : vector<512x48xf32>
    %dot_general3A_28 = tpu.matmul %max3A_24, %get3A_27, %dot_general3A {dimension_numbers = #tpu.dot_dimension_numbers<[1], [0], [0], [1], [0, 0, 1, 1], [], []>, transpose_lhs_hint = false} : vector<512x128xf32>, vector<128x48xf32>, vector<512x48xf32> -> vector<512x48xf32>
    %broadcast_in_dim3A_29 = vector.shape_cast %get3A_0 : vector<512xf32> to vector<512x1xf32>
    %mul3A_30 = vector.broadcast %broadcast_in_dim3A_29 : vector<512x1xf32> to vector<512x48xf32>
    %mul3A_31 = arith.mulf %dot_general3A_28, %mul3A_30 : vector<512x48xf32>
    %swap3A_32 = arith.constant 0 : index
    %swap3A_33 = arith.constant 0 : index
    %swap3A_34 = vector.load %arg7[%swap3A_32, %swap3A_33] : memref<512x48xf32, #tpu.memory_space<vmem>>, vector<512x48xf32>
    tpu.vector_store %arg7[%swap3A_32, %swap3A_33], %mul3A_31 {strides = array<i32>} : memref<512x48xf32, #tpu.memory_space<vmem>>, vector<512x48xf32>,
    return
  }
  func.func @transform_0(%arg0: i32) -> (i32, i32, i32) {
    %c0_i32 = arith.constant 0 : i32
    %c0_i32_0 = arith.constant 0 : i32
    %c0_i32_1 = arith.constant 0 : i32
    return %c0_i32, %arg0, %c0_i32_0 : i32, i32, i32
  }
  func.func @transform_1(%arg0: i32) -> (i32, i32) {
    %c0_i32 = arith.constant 0 : i32
    %c0_i32_0 = arith.constant 0 : i32
    return %arg0, %c0_i32 : i32, i32
  }
  func.func @transform_2(%arg0: i32) -> i32 {
    %c0_i32 = arith.constant 0 : i32
    return %arg0 : i32
  }
  func.func @transform_3(%arg0: i32) -> (i32, i32) {
    %c0_i32 = arith.constant 0 : i32
    %c0_i32_0 = arith.constant 0 : i32
    %c0_i32_1 = arith.constant 0 : i32
    return %c0_i32, %c0_i32_0 : i32, i32
  }
  func.func @transform_4(%arg0: i32) -> (i32, i32) {
    %c0_i32 = arith.constant 0 : i32
    %c0_i32_0 = arith.constant 0 : i32
    %c0_i32_1 = arith.constant 0 : i32
    return %c0_i32, %c0_i32_0 : i32, i32
  }
  func.func @transform_5(%arg0: i32) -> (i32, i32) {
    %c0_i32 = arith.constant 0 : i32
    %c0_i32_0 = arith.constant 0 : i32
    return %arg0, %c0_i32 : i32, i32
  }
  func.func @transform_6(%arg0: i32) -> (i32, i32) {
    %c0_i32 = arith.constant 0 : i32
    %c0_i32_0 = arith.constant 0 : i32
    return %arg0, %c0_i32 : i32, i32
  }
}

module attributes {stable_mosaic.version = 14 : i64} {
  func.func @_fin_body(%arg0: i32, %arg1: memref<2x512x48xf32, #tpu.memory_space<vmem>>, %arg2: memref<512x48xf32, #tpu.memory_space<vmem>>, %arg3: memref<512xf32, #tpu.memory_space<vmem>>, %arg4: memref<1x48xf32, #tpu.memory_space<vmem>>, %arg5: memref<512x48xf32, #tpu.memory_space<vmem>>) attributes {dimension_semantics = [#tpu.dimension_semantics<arbitrary>], iteration_bounds = array<i64: 20>, scalar_prefetch = 0 : i64, scratch_operands = 0 : i64, tpu.core_type = #tpu.core_type<tc>, window_params = [{transform_indices = @transform_0, window_bounds = array<i64: 2, 512, 48>}, {transform_indices = @transform_1, window_bounds = array<i64: 512, 48>}, {transform_indices = @transform_2, window_bounds = array<i64: 512>}, {pipeline_mode = #tpu.pipeline_mode<synchronous>, transform_indices = @transform_3, window_bounds = array<i64: 1, 48>}, {transform_indices = @transform_4, window_bounds = array<i64: 512, 48>}]} {
    %get3A = arith.constant 0 : index
    %get3A_0 = vector.load %arg3[%get3A] : memref<512xf32, #tpu.memory_space<vmem>>, vector<512xf32>
    %get3A_1 = arith.constant 0 : index
    %get3A_2 = arith.constant 0 : index
    %get3A_3 = arith.constant 0 : index
    %get3A_4 = vector.load %arg1[%get3A_1, %get3A_2, %get3A_3] : memref<2x512x48xf32, #tpu.memory_space<vmem>>, vector<1x512x48xf32>
    %get3A_5 = vector.shape_cast %get3A_4 : vector<1x512x48xf32> to vector<512x48xf32>
    %get3A_6 = arith.constant 1 : index
    %get3A_7 = arith.constant 0 : index
    %get3A_8 = arith.constant 0 : index
    %get3A_9 = vector.load %arg1[%get3A_6, %get3A_7, %get3A_8] : memref<2x512x48xf32, #tpu.memory_space<vmem>>, vector<1x512x48xf32>
    %get3A_10 = vector.shape_cast %get3A_9 : vector<1x512x48xf32> to vector<512x48xf32>
    %add3A = arith.addf %get3A_5, %get3A_10 : vector<512x48xf32>
    %get3A_11 = arith.constant 0 : index
    %get3A_12 = arith.constant 0 : index
    %get3A_13 = vector.load %arg2[%get3A_11, %get3A_12] : memref<512x48xf32, #tpu.memory_space<vmem>>, vector<512x48xf32>
    %add3A_14 = arith.addf %add3A, %get3A_13 : vector<512x48xf32>
    %broadcast_in_dim3A = vector.shape_cast %get3A_0 : vector<512xf32> to vector<512x1xf32>
    %mul3A = vector.broadcast %broadcast_in_dim3A : vector<512x1xf32> to vector<512x48xf32>
    %mul3A_15 = arith.mulf %add3A_14, %mul3A : vector<512x48xf32>
    %get3A_16 = arith.constant 0 : index
    %get3A_17 = arith.constant 0 : index
    %get3A_18 = vector.load %arg4[%get3A_16, %get3A_17] : memref<1x48xf32, #tpu.memory_space<vmem>>, vector<1x48xf32>
    %add3A_19 = vector.broadcast %get3A_18 : vector<1x48xf32> to vector<512x48xf32>
    %add3A_20 = arith.addf %mul3A_15, %add3A_19 : vector<512x48xf32>
    %swap3A = arith.constant 0 : index
    %swap3A_21 = arith.constant 0 : index
    %swap3A_22 = vector.load %arg5[%swap3A, %swap3A_21] : memref<512x48xf32, #tpu.memory_space<vmem>>, vector<512x48xf32>
    tpu.vector_store %arg5[%swap3A, %swap3A_21], %add3A_20 {strides = array<i32>} : memref<512x48xf32, #tpu.memory_space<vmem>>, vector<512x48xf32>,
    return
  }
  func.func @transform_0(%arg0: i32) -> (i32, i32, i32) {
    %c0_i32 = arith.constant 0 : i32
    %c0_i32_0 = arith.constant 0 : i32
    %c0_i32_1 = arith.constant 0 : i32
    return %c0_i32, %arg0, %c0_i32_0 : i32, i32, i32
  }
  func.func @transform_1(%arg0: i32) -> (i32, i32) {
    %c0_i32 = arith.constant 0 : i32
    %c0_i32_0 = arith.constant 0 : i32
    return %arg0, %c0_i32 : i32, i32
  }
  func.func @transform_2(%arg0: i32) -> i32 {
    %c0_i32 = arith.constant 0 : i32
    return %arg0 : i32
  }
  func.func @transform_3(%arg0: i32) -> (i32, i32) {
    %c0_i32 = arith.constant 0 : i32
    %c0_i32_0 = arith.constant 0 : i32
    %c0_i32_1 = arith.constant 0 : i32
    return %c0_i32, %c0_i32_0 : i32, i32
  }
  func.func @transform_4(%arg0: i32) -> (i32, i32) {
    %c0_i32 = arith.constant 0 : i32
    %c0_i32_0 = arith.constant 0 : i32
    return %arg0, %c0_i32 : i32, i32
  }
}

</mosaic_0001>

<sc_bundles>
// kernel: kernel.11.cloned.1.call-start
scs
__scs_entry_jumppad:
0x0: {  	(pc) =	sbr.rel $0x88, $3  }
0x1: {  	(tag) =	ssettag $0x0;
	lr =	simm.s32 $0x1  }
0x2: {  	[smem:$0x3F9B] =	sst lr;
	_ =	strace $0xD0000000  }
0x3: {  	_ = 	snop  }
0x4: {  	_ = 	snop  }
0x5: {  	_ = 	snop  }
0x6: {  	_ = 	snop  }
0x7: {  	_ = 	snop  }
__scs_overlays_trampoline_lowered:
0x8: {  	[smem:$0x3FAA] =	sst s0  }
0x9: {  	[smem:$0x3FAB] =	sst s1  }
0xa: {  	[smem:$0x3FAC] =	sst s2  }
0xb: {  	[smem:$0x3FAD] =	sst s3  }
0xc: {  	[smem:$0x3FAE] =	sst s4  }
0xd: {  	[smem:$0x3FAF] =	sst s5  }
0xe: {  	[smem:$0x3FB0] =	sst s6  }
0xf: {  	[smem:$0x3FB1] =	sst s7  }
0x10: {  	[smem:$0x3FB2] =	sst s8  }
0x11: {  	[smem:$0x3FB3] =	sst s9;
	s0 =	simm.s32 @!p0 $0x0  }
0x12: {  	s1 =	sld [smem:$0x3F99];
	s0 =	simm.s32 @p0 $0x1  }
0x13: {  	[smem:$0x3FB4] =	sst s0;
	s0 =	simm.s32 @!p1 $0x0  }
0x14: {  	s2 =	sld [smem:$0x3F98];
	s0 =	simm.s32 @p1 $0x1  }
0x15: {  	[smem:$0x3FB5] =	sst s0;
	s0 =	simm.s32 @!p2 $0x0  }
0x16: {  	s3 =	sld [smem:$0x3FDB];
	s0 =	simm.s32 @p2 $0x1  }
0x17: {  	s4 =	simm.s32 $0x1BF5;
	[smem:$0x3FB7] =	sst s0  }
0x18: {  	s0 =	sld [smem:$0x3F9A];
	_ =	swait.ge [sflag:s4], $0x0  }
0x19: {  	s7 =	sld [smem:$0x3F9B]  }
0x1a: {  	s8 =	sadd.s32 $0xFFFFE003, lr  }
0x1b: {  	s9 =	sadd.s32 $0xFFFFFEF7, lr;
	s5 =	simm.s32 $0xFFFFFFFF;
	p2 =	slt.u32 s8, $0xFFFFF086  }
0x1c: {  	p1 =	slt.u32 s9, $0xF7A;
	s5 =	simm.s32 @!p2 $0x0  }
0x1d: {  	s5 =	simm.s32 @p1 $0x1;
	p0 =	seq.s32 s7, s2  }
0x1e: {  	s7 =	smul.u32 @!p0 $0xF7A, s2;
	p2 =	seq.s32 @!p0 s5, $0x0  }
0x1f: {  	s9 =	smul.u32 $0xF7A, s1;
	s8 =	simm.s32 @!p0 $0x1BF5;
	p2 =	por !p2, p0  }
0x20: {  	[sflag:s8] =	ssyncset.s32 @!p0 $0xFFFFF086;
	s6 =	sadd.s32 @!p0 s3, s7;
	s7 =	simm.s32 @!p0 $0x108  }
0x21: {  	s3 =	sadd.s32 s3, s9;
	s6 =	sadd.s32 @!p0 $0x88, s6;
	s7 =	simm.s32 @p2 $0x1082  }
0x22: {  	[simem:s7], [sflag:s8] =	dma.local @!p0 [hbm:s6], $0xF7A  }
0x23: {  	s9 =	sor.u32 $0xD0000000, s2;
	s6 =	simm.s32 $0x108;
	_ =	swait.ge @!p0 [sflag:s8], $0x0  }
0x24: {  	s3 =	sadd.s32 $0x88, s3;
	s6 =	simm.s32 @!p1 $0x1082;
	[sflag:s4] =	ssyncset.s32 $0xFFFFF086  }
0x25: {  	[simem:s6], [sflag:s4] =	dma.local [hbm:s3], $0xF7A  }
0x26: {  	[smem:$0x3F9B] =	sst s1;
	(tag) =	ssettag s2;
	_ =	strace s9  }
0x27: {  	s1 =	sld [smem:$0x3FAB]  }
0x28: {  	s2 =	sld [smem:$0x3FAC]  }
0x29: {  	s4 =	sld [smem:$0x3FAE]  }
0x2a: {  	p0 =	seq.s32 s5, $0x0;
	s5 =	sld [smem:$0x3FAF]  }
0x2b: {  	s6 =	sld [smem:$0x3FB0]  }
0x2c: {  	s7 =	sld [smem:$0x3FB1]  }
0x2d: {  	s3 =	simm.s32 $0x108;
	s8 =	sld [smem:$0x3FB2]  }
0x2e: {  	s3 =	simm.s32 @!p0 $0x1082;
	s9 =	sld [smem:$0x3FB3]  }
0x2f: {  	lr =	sadd.s32 s0, s3;
	s0 =	sld [smem:$0x3FAA]  }
0x30: {  	s3 =	sld [smem:$0x3FAD]  }
0x31: {  	[smem:$0x3FB6] =	sst s10  }
0x32: {  	s10 =	sld [smem:$0x3FB4];
	_ =	sdelay $0x3  }
0x33: {  	p0 =	seq.s32 s10, $0x1;
	s10 =	sld [smem:$0x3FB6];
	_ =	sdelay $0x3  }
0x34: {  	[smem:$0x3FB6] =	sst s10  }
0x35: {  	s10 =	sld [smem:$0x3FB5];
	_ =	sdelay $0x3  }
0x36: {  	p1 =	seq.s32 s10, $0x1;
	s10 =	sld [smem:$0x3FB6];
	_ =	sdelay $0x3  }
0x37: {  	[smem:$0x3FB6] =	sst s10  }
0x38: {  	s10 =	sld [smem:$0x3FB7]  }
0x39: {  	_ = 	snop;
	(pc) =	sbr.ind lr, $3  }
0x3a: {  	_ = 	snop  }
0x3b: {  	_ = 	snop  }
0x3c: {  	p2 =	seq.s32 s10, $0x1;
	s10 =	sld [smem:$0x3FB6]  }
0x3d: {  	_ =	shalt  }
0x3e: {  	_ =	shalt  }
0x3f: {  	_ =	shalt  }
0x40: {  	_ =	shalt  }
0x41: {  	_ =	shalt  }
0x42: {  	_ =	shalt  }
0x43: {  	_ =	shalt  }
0x44: {  	_ =	shalt  }
0x45: {  	_ =	shalt  }
0x46: {  	_ =	shalt  }
0x47: {  	_ =	shalt  }
0x48: {  	_ =	shalt  }
0x49: {  	_ =	shalt  }
0x4a: {  	_ =	shalt  }
0x4b: {  	_ =	shalt  }
0x4c: {  	_ =	shalt  }
0x4d: {  	_ =	shalt  }
0x4e: {  	_ =	shalt  }
0x4f: {  	_ =	shalt  }
0x50: {  	_ =	shalt  }
0x51: {  	_ =	shalt  }
0x52: {  	_ =	shalt  }
0x53: {  	_ =	shalt  }
0x54: {  	_ =	shalt  }
0x55: {  	_ =	shalt  }
0x56: {  	_ =	shalt  }
0x57: {  	_ =	shalt  }
0x58: {  	_ =	shalt  }
0x59: {  	_ =	shalt  }
0x5a: {  	_ =	shalt  }
0x5b: {  	_ =	shalt  }
0x5c: {  	_ =	shalt  }
0x5d: {  	_ =	shalt  }
0x5e: {  	_ =	shalt  }
0x5f: {  	_ =	shalt  }
0x60: {  	_ =	shalt  }
0x61: {  	_ =	shalt  }
0x62: {  	_ =	shalt  }
0x63: {  	_ =	shalt  }
0x64: {  	_ =	shalt  }
0x65: {  	_ =	shalt  }
0x66: {  	_ =	shalt  }
0x67: {  	_ =	shalt  }
0x68: {  	_ =	shalt  }
0x69: {  	_ =	shalt  }
0x6a: {  	_ =	shalt  }
0x6b: {  	_ =	shalt  }
0x6c: {  	_ =	shalt  }
0x6d: {  	_ =	shalt  }
0x6e: {  	_ =	shalt  }
0x6f: {  	_ =	shalt  }
0x70: {  	_ =	shalt  }
0x71: {  	_ =	shalt  }
0x72: {  	_ =	shalt  }
0x73: {  	_ =	shalt  }
0x74: {  	_ =	shalt  }
0x75: {  	_ =	shalt  }
0x76: {  	_ =	shalt  }
0x77: {  	_ =	shalt  }
0x78: {  	_ =	shalt  }
0x79: {  	_ =	shalt  }
0x7a: {  	_ =	shalt  }
0x7b: {  	_ =	shalt  }
0x7c: {  	_ =	shalt  }
0x7d: {  	_ =	shalt  }
0x7e: {  	_ =	shalt  }
0x7f: {  	_ =	shalt  }
0x80: {  	_ =	shalt  }
0x81: {  	_ =	shalt  }
0x82: {  	_ =	shalt  }
0x83: {  	_ =	shalt  }
0x84: {  	_ =	shalt  }
0x85: {  	_ =	shalt  }
0x86: {  	_ =	shalt  }
0x87: {  	_ =	shalt  }
.Lfunc_end0:
.L_simem_size_0:
called_computation.1_lowered:
.L_overlay_start_0:
0x88: {  	s2 =	sld [smem:$0x3FD9]  }
0x89: {  	s3 =	sld [smem:$0x3FFE];
	_ =	sdelay $0x1  }
0x8a: {  	s1 =	srdreg.scid  }
0x8b: {  	s0 =	sand.u32 $0x1, s1  }
0x8c: {  	s14 =	sshll.u32 s0, $0xA;
	s2 =	sadd.s32 s3, s2  }
0x8d: {  	s2 =	sadd.s32 s2, s14  }
0x8e: {  	[smem:$0x3FC2] =	sst s2  }
0x8f: {  	_ = 	snop  }
0x90: {  	s2 =	sld [smem:$0x3FD0];
	_ =	sdelay $0x2  }
0x91: {  	s15 =	simm.s32 $0xA;
	s4 =	simm.s32 $0x10  }
0x92: {  	[smem:s4], [sflag:s15] =	dma.local [hbm:s2], $0x1  }
0x93: {  	_ =	swait.eq [sflag:s15], $0x1  }
0x94: {  	[sflag:s15] =	ssyncset.done $0x0  }
0x95: {  	[sflag:s15] =	ssyncadd.s32 $0xFFFFFFFF  }
0x96: {  	s16 =	sld [smem:$0x11];
	(tm) =	ssettm $0x1  }
0x97: {  	s17 =	sld [smem:$0x3FFB];
	_ =	sdelay $0x3  }
0x98: {  	_ =	strace s17  }
0x99: {  	s3 =	sld [smem:$0x3FFC];
	_ =	sdelay $0x3  }
0x9a: {  	_ =	strace s3  }
0x9b: {  	s3 =	sld [smem:$0x3FFD];
	_ =	sdelay $0x3  }
0x9c: {  	_ =	strace s3  }
0x9d: {  	_ =	strace $0x8FFFFFFF  }
0x9e: {  	s18 =	sld [smem:$0x3FDB];
	_ =	sdelay $0x1  }
0x9f: {  	s19 =	simm.s32 $_scs_section_size  }
0xa0: {  	s5 =	simm.s32 $_size__tile_overlayer_lowered;
	s6 =	simm.s32 $_tile_overlayer_lowered  }
0xa1: {  	s22 =	simm.s32 $0x1BFF;
	s21 =	sshll.u32 s6, $0x1;
	s3 =	sadd.s32 s19, s18  }
0xa2: {  	s7 =	simm.s32 $0x0;
	s20 =	sshll.u32 s5, $0x1;
	s5 =	sadd.s32 s21, s3  }
0xa3: {  	[timem:s7], [sflag:s22] =	dma.local [hbm:s5], s20  }
0xa4: {  	_ =	swait.ge [sflag:s22], s20  }
0xa5: {  	s4 =	ssub.s32 $0x0, s20;
	[sflag:s22] =	ssyncset.done $0x0  }
0xa6: {  	[sflag:s22] =	ssyncadd.s32 s4;
	_ =	sdelay $0x1  }
0xa7: {  	s23 =	simm.s32 $0x1B8B  }
0xa8: {  	_ =	swait.ge [sflag:s23], $0x1  }
0xa9: {  	[sflag:s23] =	ssyncset.done $0x0  }
0xaa: {  	s25 =	simm.s32 $0x1B8E;
	s24 =	sld [smem:$0x3FFE];
	[sflag:s23] =	ssyncadd.s32 $0xFFFFFFFF  }
0xab: {  	s26 =	simm.s32 $execute0_lowered;
	[smem:$0x3FD2] =	sst s25  }
0xac: {  	s5 =	sshll.u32 s26, $0x1;
	_ =	strace $0x80000049;
	[dreg:$0x1] =	wrdreg $0xFFFFFFFF  }
0xad: {  	s28 =	simm.s32 $_size_execute0_lowered;
	s3 =	sadd.s32 s3, s5;
	[dreg:$0x0] =	wrdreg $0x0  }
0xae: {  	s5 =	sshll.u32 s28, $0x1;
	[dreg:$0x2] =	wrdreg s3  }
0xaf: {  	[dreg:$0x3] =	wrdreg s5  }
0xb0: {  	[dreg:$0x4] =	wrdreg $0xC0  }
0xb1: {  	_ =	task [dreg:s7], $0x5FFFF  }
0xb2: {  	[dreg:$0x1] =	wrdreg $0xFFFFFFFF  }
0xb3: {  	[dreg:$0x0] =	wrdreg $0x60  }
0xb4: {  	[dreg:$0x2] =	wrdreg s16  }
0xb5: {  	[dreg:$0x3] =	wrdreg s24  }
0xb6: {  	[dreg:$0x4] =	wrdreg $0xA5000  }
0xb7: {  	[dreg:$0x5] =	wrdreg $0x9  }
0xb8: {  	_ =	task.clear_ibuf [dreg:s7], $0x6FFFF;
	_ =	strace $0x90000049  }
0xb9: {  	s29 =	simm.s32 $0x9;
	_ =	strace $0x8000004B  }
0xba: {  	_ =	swait.ge [sflag:s29], $0x1  }
0xbb: {  	[sflag:s29] =	ssyncadd.s32 $0xFFFFFFFF  }
0xbc: {  	_ =	strace $0x9000004B  }
0xbd: {  	_ =	sfence  }
0xbe: {  	s30 =	sld [smem:$0x0];
	_ =	sdelay $0x2  }
0xbf: {  	s31 =	sshll.u32 s1, $0xD;
	s1 =	sshrl.u32 s1, $0x2  }
0xc0: {  	s3 =	sand.u32 $0x4000, s31;
	s1 =	sadd.s32 s1, s30  }
0xc1: {  	s0 =	sor.u32 s3, s0;
	s1 =	sshll.u32 s1, $0x11  }
0xc2: {  	s0 =	sor.u32 s1, s0  }
0xc3: {  	s0 =	sadd.s32 $0x8F2B, s0  }
0xc4: {  	[sflag:s0] =	ssyncadd.remote.s32 $0x1  }
0xc5: {  	_ =	sfence.sel $0xFFFF  }
0xc6: {  	[dreg:$0x0] =	wrdreg $0xFFFFFFFF;
	(pc) =	sbr.abs _section_cstart, $3  }
0xc7: {  	[dreg:$0x1] =	wrdreg $0xFFFFFFFF  }
0xc8: {  	_ =	task.clear_ibuf [dreg:s7], $0x2FFFF;
	_ =	strace $0x9FFFFFFF  }
0xc9: {  	(tm) =	ssettm $0x7FFFFFFF  }
tec
execute0_lowered:
.L_overlay_start_1:
0x0: {  	(tag) =	ssettag $0x1  }
0x1: {  	s0 =	rddreg [dreg:$0x0]  }
0x2: {  	s2 =	rddreg [dreg:$0x1]  }
0x3: {  	s1 =	rddreg [dreg:$0x2]  }
0x4: {  	s3 =	srdreg.scid;
	s12 =	stileid.u32  }
0x5: {  	s13 =	simm.s32 $0x0;
	s3 =	sand.u32 $0x1, s3;
	s6 =	smul.u32 $0x14000, s12  }
0x6: {  	[smem:$0x7FF] =	sst s13;
	s7 =	smul.u32 $0xC4, s3  }
0x7: {  	s8 =	sadd.s32 $0x2A00, s2;
	s4 =	sadd.s32 $0xCA00, s2;
	s9 =	sshll.u32 s12, $0x8  }
0x8: {  	s5 =	smul.u32 $0x140000, s3;
	s10 =	ssub.s32 $0x2, s3;
	s7 =	sor.u32 s7, s9  }
0x9: {  	_ =	strace $0x8000004A;
	s25 =	sshrl.u32 s10, $0x1;
	s11 =	smul.u32 $0x50, s7  }
0xa: {  	s5 =	sadd.s32 s6, s5;
	s9 =	ssub.s32 s10, s25;
	s7 =	smul.u32 $0xA, s7  }
0xb: {  	p0 =	seq.s32 s3, $0x0;
	s5 =	sshrl.u32 s5, $0x3;
	s21 =	smax.u32 s9, $0x1  }
0xc: {  	s2 =	sadd.s32 s5, s2;
	[dreg:$0x11] =	wrdreg s21;
	s28 =	sadd.s32 s0, s7  }
0xd: {  	s5 =	simm.s32 $0xC4;
	s7 =	sadd.s32 s8, s7;
	[dreg:$0x7] =	wrdreg s28  }
0xe: {  	s5 =	simm.s32 @!p0 $0x3C;
	s2 =	sadd.s32 $0x34A00, s2;
	[dreg:$0x8] =	wrdreg s7  }
0xf: {  	s26 =	sshrl.u32 s11, $0x3;
	s16 =	sadd.s32 $0xFFFFFFFE, s5;
	[dreg:$0xf] =	wrdreg s2  }
0x10: {  	s29 =	sadd.s32 $0xA, s26;
	s18 =	sadd.s32 $0xFFFFFFFF, s5;
	[dreg:$0x4] =	wrdreg s16  }
0x11: {  	s30 =	sadd.s32 s0, s29;
	[dreg:$0x5] =	wrdreg s18  }
0x12: {  	s31 =	sadd.s32 $0x14, s26;
	s11 =	sadd.s32 s8, s29;
	[dreg:$0x9] =	wrdreg s30  }
0x13: {  	s14 =	sadd.s32 s0, s31;
	[dreg:$0xa] =	wrdreg s11  }
0x14: {  	s15 =	sadd.s32 $0x1E, s26;
	s7 =	sadd.s32 s8, s31;
	[dreg:$0xb] =	wrdreg s14  }
0x15: {  	s17 =	smul.u32 $0x50000, s12;
	[dreg:$0xc] =	wrdreg s7;
	s14 =	sadd.s32 s0, s15  }
0x16: {  	s20 =	sadd.s32 s6, s1;
	s7 =	sadd.s32 s8, s15;
	[dreg:$0xd] =	wrdreg s14  }
0x17: {  	s19 =	sshrl.u32 s17, $0x2;
	s30 =	sshrl.u32 s20, $0x3;
	[dreg:$0xe] =	wrdreg s7  }
0x18: {  	s7 =	sadd.s32 s19, s1;
	[dreg:$0x18] =	wrdreg s30  }
0x19: {  	s22 =	sadd.s32 $0x2800, s7;
	[dreg:$0x10] =	wrdreg s7  }
0x1a: {  	s24 =	sadd.s32 $0x5000, s7;
	[dreg:$0x12] =	wrdreg s22  }
0x1b: {  	s23 =	smul.u32 $0xA00, s12;
	s25 =	sadd.s32 $0x7800, s7;
	[dreg:$0x13] =	wrdreg s24  }
0x1c: {  	s3 =	smul.u32 $0x7A8, s3;
	s26 =	sadd.s32 $0xA000, s7;
	[dreg:$0x14] =	wrdreg s25  }
0x1d: {  	s6 =	sadd.s32 s23, s8;
	s28 =	sadd.s32 $0xC800, s7;
	[dreg:$0x15] =	wrdreg s26  }
0x1e: {  	s0 =	sadd.s32 s23, s0;
	s29 =	sadd.s32 $0xF000, s7;
	[dreg:$0x16] =	wrdreg s28  }
0x1f: {  	s23 =	sadd.s32 s3, s6;
	s31 =	sadd.s32 $0x11800, s7;
	[dreg:$0x17] =	wrdreg s29  }
0x20: {  	v0 =	vimm.f32 $0.0e+00;
	s22 =	sadd.s32 s3, s0;
	[dreg:$0x19] =	wrdreg s31;
	s3 =	simm.s32 $0x11  }
.LBB2_1:
0x21: {  	[dreg:$0x6] =	wrdreg s13;
	s0 =	simm.s32 $0x70;
	s2 =	simm.s32 $0x3C0  }
.LBB2_2:
0x22: {  	p0 =	sne.s32 s2, $0x9FC0;
	[tilespmem:s0+$0x500] =	vst v0  }
0x23: {  	[tilespmem:s0+$0x490] =	vst v0  }
0x24: {  	[tilespmem:s0+$0x4A0] =	vst v0  }
.Ltmp0:
0x25: {  	[tilespmem:s0+$0x4B0] =	vst v0;
	(pc) =	sbr.rel @p0 .LBB2_2-.Ltmp0, $4  }
0x26: {  	[tilespmem:s0+$0x4C0] =	vst v0  }
0x27: {  	[tilespmem:s0+$0x4D0] =	vst v0  }
0x28: {  	[tilespmem:s0+$0x4E0] =	vst v0  }
0x29: {  	[tilespmem:s0+$0x4F0] =	vst v0;
	s0 =	sshra.s32 s2, $0x2;
	s2 =	sadd.s32 $0x200, s2  }
0x2a: {  	[tilespmem:s0+$0x500] =	vst v0  }
0x2b: {  	[tilespmem:s0+$0x490] =	vst v0  }
0x2c: {  	[tilespmem:s0+$0x4A0] =	vst v0  }
0x2d: {  	[tilespmem:s0+$0x4B0] =	vst v0  }
0x2e: {  	[tilespmem:s0+$0x4C0] =	vst v0  }
0x2f: {  	[tilespmem:s0+$0x4D0] =	vst v0  }
0x30: {  	[tilespmem:s0+$0x4E0] =	vst v0  }
0x31: {  	[tilespmem:s0+$0x4F0] =	vst v0;
	s18 =	rddreg [dreg:$0x10];
	s2 =	simm.s32 $0x500  }
0x32: {  	[spmem:s18] =	stream.linear.scatter [tilespmem:s2], [sflag:$0x11], $0x2800, $0x38;
	[tilespmem:$0x1E500] =	vst v63  }
0x33: {  	_ =	swait.ge [sflag:s3], $0x2800  }
0x34: {  	[sflag:s3] =	ssyncset.done $0x0  }
0x35: {  	s19 =	rddreg [dreg:$0x12];
	[sflag:s3] =	ssyncadd.s32 $0xFFFFD800  }
0x36: {  	[spmem:s19] =	stream.linear.scatter [tilespmem:s2], [sflag:$0x11], $0x2800, $0x38;
	[tilespmem:$0x1E500] =	vst v63  }
0x37: {  	_ =	swait.ge [sflag:s3], $0x2800  }
0x38: {  	[sflag:s3] =	ssyncset.done $0x0  }
0x39: {  	s20 =	rddreg [dreg:$0x13];
	[sflag:s3] =	ssyncadd.s32 $0xFFFFD800  }
0x3a: {  	[spmem:s20] =	stream.linear.scatter [tilespmem:s2], [sflag:$0x11], $0x2800, $0x38;
	[tilespmem:$0x1E500] =	vst v63  }
0x3b: {  	_ =	swait.ge [sflag:s3], $0x2800  }
0x3c: {  	[sflag:s3] =	ssyncset.done $0x0  }
0x3d: {  	s21 =	rddreg [dreg:$0x14];
	[sflag:s3] =	ssyncadd.s32 $0xFFFFD800  }
0x3e: {  	[spmem:s21] =	stream.linear.scatter [tilespmem:s2], [sflag:$0x11], $0x2800, $0x38;
	[tilespmem:$0x1E500] =	vst v63  }
0x3f: {  	_ =	swait.ge [sflag:s3], $0x2800  }
0x40: {  	[sflag:s3] =	ssyncset.done $0x0  }
0x41: {  	s24 =	rddreg [dreg:$0x15];
	[sflag:s3] =	ssyncadd.s32 $0xFFFFD800  }
0x42: {  	[spmem:s24] =	stream.linear.scatter [tilespmem:s2], [sflag:$0x11], $0x2800, $0x38;
	[tilespmem:$0x1E500] =	vst v63  }
0x43: {  	_ =	swait.ge [sflag:s3], $0x2800  }
0x44: {  	[sflag:s3] =	ssyncset.done $0x0  }
0x45: {  	s25 =	rddreg [dreg:$0x16];
	[sflag:s3] =	ssyncadd.s32 $0xFFFFD800  }
0x46: {  	[spmem:s25] =	stream.linear.scatter [tilespmem:s2], [sflag:$0x11], $0x2800, $0x38;
	[tilespmem:$0x1E500] =	vst v63  }
0x47: {  	_ =	swait.ge [sflag:s3], $0x2800  }
0x48: {  	[sflag:s3] =	ssyncset.done $0x0  }
0x49: {  	s26 =	rddreg [dreg:$0x17];
	[sflag:s3] =	ssyncadd.s32 $0xFFFFD800  }
0x4a: {  	[spmem:s26] =	stream.linear.scatter [tilespmem:s2], [sflag:$0x11], $0x2800, $0x38;
	[tilespmem:$0x1E500] =	vst v63  }
0x4b: {  	_ =	swait.ge [sflag:s3], $0x2800  }
0x4c: {  	[sflag:s3] =	ssyncset.done $0x0  }
0x4d: {  	s29 =	rddreg [dreg:$0x19];
	[sflag:s3] =	ssyncadd.s32 $0xFFFFD800  }
0x4e: {  	[spmem:s29] =	stream.linear.scatter [tilespmem:s2], [sflag:$0x11], $0x2800, $0x38;
	[tilespmem:$0x1E500] =	vst v63  }
0x4f: {  	_ =	swait.ge [sflag:s3], $0x2800  }
0x50: {  	[sflag:s3] =	ssyncset.done $0x0  }
0x51: {  	[sflag:s3] =	ssyncadd.s32 $0xFFFFD800  }
0x52: {  	[bflag:$0x0] =	sbarrier.arrive $0xFFFF  }
0x53: {  	s8 =	simm.s32 $0x0;
	s6 =	rddreg [dreg:$0x7]  }
0x54: {  	[tilespmem:s8], [sflag:$0x9] =	stream.linear.gather [hbm4b:s6+s8], $0x50, $0x38;
	[tilespmem:$0x1E500] =	vst v63  }
0x55: {  	s9 =	simm.s32 $0x280;
	s7 =	rddreg [dreg:$0x8]  }
0x56: {  	[tilespmem:s9], [sflag:$0x9] =	stream.linear.gather [hbm4b:s7+s8], $0x50, $0x38;
	[tilespmem:$0x1E500] =	vst v63  }
0x57: {  	s11 =	simm.s32 $0x50;
	s10 =	rddreg [dreg:$0x9]  }
0x58: {  	[tilespmem:s11], [sflag:$0xA] =	stream.linear.gather [hbm4b:s10+s8], $0x50, $0x38;
	[tilespmem:$0x1E500] =	vst v63  }
0x59: {  	s12 =	rddreg [dreg:$0xa];
	s6 =	simm.s32 $0x2D0  }
0x5a: {  	[tilespmem:s6], [sflag:$0xA] =	stream.linear.gather [hbm4b:s12+s8], $0x50, $0x38;
	[tilespmem:$0x1E500] =	vst v63  }
0x5b: {  	s14 =	simm.s32 $0xA0;
	s13 =	rddreg [dreg:$0xb]  }
0x5c: {  	[tilespmem:s14], [sflag:$0xB] =	stream.linear.gather [hbm4b:s13+s8], $0x50, $0x38;
	[tilespmem:$0x1E500] =	vst v63  }
0x5d: {  	s16 =	simm.s32 $0x320;
	s15 =	rddreg [dreg:$0xc]  }
0x5e: {  	[tilespmem:s16], [sflag:$0xB] =	stream.linear.gather [hbm4b:s15+s8], $0x50, $0x38;
	[tilespmem:$0x1E500] =	vst v63  }
0x5f: {  	s18 =	simm.s32 $0xF0;
	s17 =	rddreg [dreg:$0xd]  }
0x60: {  	[tilespmem:s18], [sflag:$0xC] =	stream.linear.gather [hbm4b:s17+s8], $0x50, $0x38;
	[tilespmem:$0x1E500] =	vst v63  }
0x61: {  	s20 =	simm.s32 $0x370;
	s21 =	simm.s32 $0x9;
	s19 =	rddreg [dreg:$0xe]  }
0x62: {  	[tilespmem:s20], [sflag:$0xC] =	stream.linear.gather [hbm4b:s19+s8], $0x50, $0x38;
	[tilespmem:$0x1E500] =	vst v63  }
0x63: {  	_ =	swait.ge [sflag:s21], $0x50  }
0x64: {  	[sflag:s21] =	ssyncset.done $0x0  }
0x65: {  	[sflag:s21] =	ssyncadd.s32 $0xFFFFFFB0  }
0x66: {  	_ =	swait.ge [sflag:s21], $0x50  }
0x67: {  	[sflag:s21] =	ssyncset.done $0x0  }
0x68: {  	s24 =	simm.s32 $0xA;
	[sflag:s21] =	ssyncadd.s32 $0xFFFFFFB0  }
0x69: {  	[tilespmem:s2], [sflag:$0x1] =	stream.indirect.gather [hbm4b:s4+s11], $0x80, s8, s11, $0xb8;
	[tilespmem:$0x1E500] =	vst v63  }
0x6a: {  	_ =	swait.ge [sflag:s24], $0x50  }
0x6b: {  	[sflag:s24] =	ssyncset.done $0x0  }
0x6c: {  	p0 =	por $0x1, $0x1;
	[sflag:s24] =	ssyncadd.s32 $0xFFFFFFB0  }
0x6d: {  	p1 =	slt.u32 @!p0 s5, $0x0;
	_ =	swait.ge [sflag:s24], $0x50  }
0x6e: {  	p1 =	por p1, p0;
	[sflag:s24] =	ssyncset.done $0x0  }
0x6f: {  	s0 =	simm.s32 @!p1 $0x8;
	s25 =	simm.s32 $0x2D00;
	[sflag:s24] =	ssyncadd.s32 $0xFFFFFFB0  }
0x70: {  	[tilespmem:s25], [sflag:$0x2] =	stream.indirect.gather [hbm4b:s4+s11], $0x80, s11, s11, $0xb8;
	[tilespmem:$0x1E500] =	vst v63  }
0x71: {  	_ =	swait.ge @!p1 [sflag:s0], $0x2800  }
0x72: {  	p0 =	sle.u32 s5, $0x0;
	[sflag:s0] =	ssyncset.done @!p1 $0x0  }
0x73: {  	[sflag:s0] =	ssyncadd.s32 @!p1 $0xFFFFD800;
	s0 =	simm.s32 @!p0 $0x1  }
0x74: {  	s7 =	simm.s32 @!p0 $0x280;
	_ =	swait.ge @!p0 [sflag:s0], $0x2800  }
0x75: {  	s6 =	simm.s32 @!p0 $0x500;
	[sflag:s0] =	ssyncset.done @!p0 $0x0;
	s26 =	rddreg [dreg:$0x4]  }
0x76: {  	s2 =	simm.s32 @!p0 $0x50;
	[sflag:s0] =	ssyncadd.s32 @!p0 $0xFFFFD800;
	p2 =	sle.u32 s26, $0x0  }
0x77: {  	[spmem:s1] =	stream.indirect.scatter.add.f32 @!p0 [tilespmem:s6], [sflag:$0x5], $0x80, s7, s2, $0xb8;
	[tilespmem:$0x1E500] =	vst v63  }
0x78: {  	s0 =	simm.s32 @!p2 $0xB  }
0x79: {  	_ =	swait.ge @!p2 [sflag:s0], $0x50  }
0x7a: {  	[sflag:s0] =	ssyncset.done @!p2 $0x0  }
0x7b: {  	p1 =	sle.u32 s5, $0x4;
	[sflag:s0] =	ssyncadd.s32 @!p2 $0xFFFFFFB0  }
0x7c: {  	s3 =	sadd.s32 @!p1 $0x0, s23;
	_ =	swait.ge @!p2 [sflag:s0], $0x50  }
0x7d: {  	s2 =	sadd.s32 @!p1 $0x0, s22;
	s6 =	simm.s32 @!p2 $0x5500;
	[sflag:s0] =	ssyncset.done @!p2 $0x0  }
0x7e: {  	s7 =	simm.s32 @!p2 $0x50;
	[sflag:s0] =	ssyncadd.s32 @!p2 $0xFFFFFFB0;
	s0 =	simm.s32 @!p2 $0xA0  }
0x7f: {  	[tilespmem:s6], [sflag:$0x3] =	stream.indirect.gather @!p2 [hbm4b:s4+s7], $0x80, s0, s7, $0xb8;
	[tilespmem:$0x1E500] =	vst v63  }
0x80: {  	s9 =	simm.s32 @!p1 $0x0;
	s2 =	sadd.s32 @!p1 $0x28, s2;
	s0 =	simm.s32 @!p1 $0x140  }
0x81: {  	[tilespmem:s0], [sflag:$0xD] =	stream.linear.gather @!p1 [hbm4b:s2+s9], $0x50, $0x38;
	[tilespmem:$0x1E500] =	vst v63  }
0x82: {  	s10 =	simm.s32 @!p0 $0x5;
	s3 =	sadd.s32 @!p1 $0x28, s3;
	s2 =	simm.s32 @!p1 $0x3C0  }
0x83: {  	[tilespmem:s2], [sflag:$0xD] =	stream.linear.gather @!p1 [hbm4b:s3+s9], $0x50, $0x38;
	[tilespmem:$0x1E500] =	vst v63  }
0x84: {  	_ =	swait.ge @!p0 [sflag:s10], $0x2800  }
0x85: {  	s29 =	rddreg [dreg:$0x5]  }
0x86: {  	[sflag:s10] =	ssyncset.done @!p0 $0x0;
	p4 =	sle.u32 s29, $0x0  }
0x87: {  	[sflag:s10] =	ssyncadd.s32 @!p0 $0xFFFFD800;
	s3 =	simm.s32 @!p4 $0x2  }
0x88: {  	p3 =	sle.u32 s5, $0x3;
	_ =	swait.ge @!p4 [sflag:s3], $0x2800  }
0x89: {  	s9 =	simm.s32 @!p4 $0x2D00;
	s10 =	simm.s32 @!p4 $0x50;
	[sflag:s3] =	ssyncset.done @!p4 $0x0  }
0x8a: {  	s11 =	simm.s32 @!p4 $0x2D0;
	[sflag:s3] =	ssyncadd.s32 @!p4 $0xFFFFD800;
	s3 =	simm.s32 @!p3 $0xC  }
0x8b: {  	[spmem:s1] =	stream.indirect.scatter.add.f32 @!p4 [tilespmem:s9], [sflag:$0x6], $0x80, s11, s10, $0xb8;
	[tilespmem:$0x1E500] =	vst v63  }
0x8c: {  	_ =	swait.ge @!p3 [sflag:s3], $0x50  }
0x8d: {  	[sflag:s3] =	ssyncset.done @!p3 $0x0  }
0x8e: {  	[sflag:s3] =	ssyncadd.s32 @!p3 $0xFFFFFFB0  }
0x8f: {  	s13 =	simm.s32 @!p3 $0x7D00;
	p4 =	sle.u32 s5, $0x5;
	_ =	swait.ge @!p3 [sflag:s3], $0x50  }
0x90: {  	s11 =	simm.s32 @!p3 $0xF0;
	s9 =	sadd.s32 @!p4 $0x0, s22;
	[sflag:s3] =	ssyncset.done @!p3 $0x0  }
0x91: {  	s10 =	sadd.s32 @!p4 $0x0, s23;
	[sflag:s3] =	ssyncadd.s32 @!p3 $0xFFFFFFB0;
	s3 =	simm.s32 @!p3 $0x50  }
0x92: {  	[tilespmem:s13], [sflag:$0x4] =	stream.indirect.gather @!p3 [hbm4b:s4+s3], $0x80, s11, s3, $0xb8;
	[tilespmem:$0x1E500] =	vst v63  }
0x93: {  	s14 =	simm.s32 @!p4 $0x0;
	s9 =	sadd.s32 @!p4 $0x32, s9;
	s11 =	simm.s32 @!p4 $0x190  }
0x94: {  	[tilespmem:s11], [sflag:$0xE] =	stream.linear.gather @!p4 [hbm4b:s9+s14], $0x50, $0x38;
	[tilespmem:$0x1E500] =	vst v63  }
0x95: {  	s12 =	simm.s32 @!p4 $0x410;
	s9 =	sadd.s32 @!p4 $0x32, s10;
	s10 =	simm.s32 @!p0 $0x6  }
0x96: {  	[tilespmem:s12], [sflag:$0xE] =	stream.linear.gather @!p4 [hbm4b:s9+s14], $0x50, $0x38;
	[tilespmem:$0x1E500] =	vst v63  }
0x97: {  	_ =	swait.ge @!p0 [sflag:s10], $0x2800  }
0x98: {  	[sflag:s10] =	ssyncset.done @!p0 $0x0  }
0x99: {  	s9 =	simm.s32 @!p2 $0x3;
	[sflag:s10] =	ssyncadd.s32 @!p0 $0xFFFFD800  }
0x9a: {  	_ =	swait.ge @!p2 [sflag:s9], $0x2800  }
0x9b: {  	[sflag:s9] =	ssyncset.done @!p2 $0x0  }
0x9c: {  	s10 =	simm.s32 @!p1 $0xD;
	[sflag:s9] =	ssyncadd.s32 @!p2 $0xFFFFD800;
	s9 =	simm.s32 @!p2 $0x320  }
0x9d: {  	[spmem:s1] =	stream.indirect.scatter.add.f32 @!p2 [tilespmem:s6], [sflag:$0x7], $0x80, s9, s7, $0xb8;
	[tilespmem:$0x1E500] =	vst v63  }
0x9e: {  	_ =	swait.ge @!p1 [sflag:s10], $0x50  }
0x9f: {  	[sflag:s10] =	ssyncset.done @!p1 $0x0  }
0xa0: {  	[sflag:s10] =	ssyncadd.s32 @!p1 $0xFFFFFFB0  }
0xa1: {  	p5 =	slt.u32 s5, $0x3;
	s14 =	simm.s32 @!p1 $0x500;
	_ =	swait.ge @!p1 [sflag:s10], $0x50  }
0xa2: {  	p2 =	sle.u32 s5, $0x6;
	s9 =	simm.s32 @!p1 $0x50;
	[sflag:s10] =	ssyncset.done @!p1 $0x0  }
0xa3: {  	s6 =	sadd.s32 @!p2 $0x0, s22;
	s7 =	sadd.s32 @!p2 $0x0, s23;
	[sflag:s10] =	ssyncadd.s32 @!p1 $0xFFFFFFB0  }
0xa4: {  	[tilespmem:s14], [sflag:$0x1] =	stream.indirect.gather @!p1 [hbm4b:s4+s9], $0x80, s0, s9, $0xb8;
	[tilespmem:$0x1E500] =	vst v63  }
0xa5: {  	s6 =	sadd.s32 @!p2 $0x3C, s6;
	s10 =	simm.s32 @!p2 $0x1E0;
	s0 =	simm.s32 @!p2 $0x0  }
0xa6: {  	[tilespmem:s10], [sflag:$0xF] =	stream.linear.gather @!p2 [hbm4b:s6+s0], $0x50, $0x38;
	[tilespmem:$0x1E500] =	vst v63  }
0xa7: {  	s17 =	simm.s32 @!p2 $0x460;
	s6 =	sadd.s32 @!p2 $0x3C, s7;
	s7 =	simm.s32 @!p5 $0x7  }
0xa8: {  	[tilespmem:s17], [sflag:$0xF] =	stream.linear.gather @!p2 [hbm4b:s6+s0], $0x50, $0x38;
	[tilespmem:$0x1E500] =	vst v63  }
0xa9: {  	_ =	swait.ge @!p5 [sflag:s7], $0x2800  }
0xaa: {  	[sflag:s7] =	ssyncset.done @!p5 $0x0  }
0xab: {  	s0 =	simm.s32 @!p3 $0x4;
	[sflag:s7] =	ssyncadd.s32 @!p5 $0xFFFFD800  }
0xac: {  	_ =	swait.ge @!p3 [sflag:s0], $0x2800  }
0xad: {  	[sflag:s0] =	ssyncset.done @!p3 $0x0  }
0xae: {  	s6 =	simm.s32 @!p4 $0xE;
	[sflag:s0] =	ssyncadd.s32 @!p3 $0xFFFFD800;
	s0 =	simm.s32 @!p3 $0x370  }
0xaf: {  	[spmem:s1] =	stream.indirect.scatter.add.f32 @!p3 [tilespmem:s13], [sflag:$0x8], $0x80, s0, s3, $0xb8;
	[tilespmem:$0x1E500] =	vst v63  }
0xb0: {  	_ =	swait.ge @!p4 [sflag:s6], $0x50  }
0xb1: {  	[sflag:s6] =	ssyncset.done @!p4 $0x0  }
0xb2: {  	[sflag:s6] =	ssyncadd.s32 @!p4 $0xFFFFFFB0  }
0xb3: {  	s15 =	simm.s32 @!p4 $0x2D00;
	_ =	swait.ge @!p4 [sflag:s6], $0x50  }
0xb4: {  	p3 =	sle.u32 s5, $0x7;
	s3 =	simm.s32 @!p4 $0x50;
	[sflag:s6] =	ssyncset.done @!p4 $0x0  }
0xb5: {  	s0 =	sadd.s32 @!p3 $0x0, s22;
	s19 =	simm.s32 @!p3 $0x230;
	[sflag:s6] =	ssyncadd.s32 @!p4 $0xFFFFFFB0  }
0xb6: {  	[tilespmem:s15], [sflag:$0x2] =	stream.indirect.gather @!p4 [hbm4b:s4+s3], $0x80, s11, s3, $0xb8;
	[tilespmem:$0x1E500] =	vst v63  }
0xb7: {  	s7 =	simm.s32 @!p3 $0x0;
	s0 =	sadd.s32 @!p3 $0x46, s0;
	s6 =	sadd.s32 @!p3 $0x0, s23  }
0xb8: {  	[tilespmem:s19], [sflag:$0x10] =	stream.linear.gather @!p3 [hbm4b:s0+s7], $0x50, $0x38;
	[tilespmem:$0x1E500] =	vst v63  }
0xb9: {  	s16 =	simm.s32 @!p3 $0x4B0;
	s0 =	sadd.s32 @!p3 $0x46, s6;
	s6 =	simm.s32 @!p0 $0x8  }
0xba: {  	[tilespmem:s16], [sflag:$0x10] =	stream.linear.gather @!p3 [hbm4b:s0+s7], $0x50, $0x38;
	[tilespmem:$0x1E500] =	vst v63  }
0xbb: {  	_ =	swait.ge @!p0 [sflag:s6], $0x2800  }
0xbc: {  	[sflag:s6] =	ssyncset.done @!p0 $0x0  }
0xbd: {  	s0 =	simm.s32 @!p1 $0x1;
	[sflag:s6] =	ssyncadd.s32 @!p0 $0xFFFFD800  }
0xbe: {  	_ =	swait.ge @!p1 [sflag:s0], $0x2800  }
0xbf: {  	[sflag:s0] =	ssyncset.done @!p1 $0x0  }
0xc0: {  	[sflag:s0] =	ssyncadd.s32 @!p1 $0xFFFFD800;
	s0 =	simm.s32 @!p2 $0xF  }
0xc1: {  	[spmem:s1] =	stream.indirect.scatter.add.f32 @!p1 [tilespmem:s14], [sflag:$0x5], $0x80, s2, s9, $0xb8;
	[tilespmem:$0x1E500] =	vst v63  }
0xc2: {  	_ =	swait.ge @!p2 [sflag:s0], $0x50  }
0xc3: {  	[sflag:s0] =	ssyncset.done @!p2 $0x0  }
0xc4: {  	[sflag:s0] =	ssyncadd.s32 @!p2 $0xFFFFFFB0  }
0xc5: {  	s24 =	simm.s32 @!p2 $0x50;
	_ =	swait.ge @!p2 [sflag:s0], $0x50  }
0xc6: {  	s25 =	simm.s32 @!p2 $0x5500;
	p1 =	sle.u32 s5, $0x8;
	[sflag:s0] =	ssyncset.done @!p2 $0x0  }
0xc7: {  	p0 =	slt.u32 s5, $0x5;
	s2 =	sadd.s32 @!p1 $0x0, s22;
	[sflag:s0] =	ssyncadd.s32 @!p2 $0xFFFFFFB0  }
0xc8: {  	[tilespmem:s25], [sflag:$0x3] =	stream.indirect.gather @!p2 [hbm4b:s4+s24], $0x80, s10, s24, $0xb8;
	[tilespmem:$0x1E500] =	vst v63  }
0xc9: {  	s20 =	simm.s32 @!p1 $0x0;
	s2 =	sadd.s32 @!p1 $0x50, s2;
	s0 =	sadd.s32 @!p1 $0x0, s23  }
0xca: {  	[tilespmem:s20], [sflag:$0x9] =	stream.linear.gather @!p1 [hbm4b:s2+s20], $0x50, $0x38;
	[tilespmem:$0x1E500] =	vst v63  }
0xcb: {  	s6 =	simm.s32 @!p0 $0x5;
	s0 =	sadd.s32 @!p1 $0x50, s0;
	s2 =	simm.s32 @!p1 $0x280  }
0xcc: {  	[tilespmem:s2], [sflag:$0x9] =	stream.linear.gather @!p1 [hbm4b:s0+s20], $0x50, $0x38;
	[tilespmem:$0x1E500] =	vst v63  }
0xcd: {  	p5 =	slt.u32 s5, $0x6;
	_ =	swait.ge @!p0 [sflag:s6], $0x2800  }
0xce: {  	s30 =	simm.s32 @!p5 $0x6;
	[sflag:s6] =	ssyncset.done @!p0 $0x0  }
0xcf: {  	s13 =	simm.s32 $0xA0;
	s0 =	simm.s32 @!p4 $0x2;
	[sflag:s6] =	ssyncadd.s32 @!p0 $0xFFFFD800  }
0xd0: {  	s18 =	simm.s32 @!p3 $0x50;
	s26 =	simm.s32 @!p3 $0x7D00;
	_ =	swait.ge @!p4 [sflag:s0], $0x2800  }
0xd1: {  	s11 =	simm.s32 $0x7;
	s7 =	simm.s32 $0x11;
	[sflag:s0] =	ssyncset.done @!p4 $0x0  }
0xd2: {  	s9 =	simm.s32 $0xB;
	[sflag:s0] =	ssyncadd.s32 @!p4 $0xFFFFD800;
	s0 =	simm.s32 @!p3 $0x10  }
0xd3: {  	[spmem:s1] =	stream.indirect.scatter.add.f32 @!p4 [tilespmem:s15], [sflag:$0x6], $0x80, s12, s3, $0xb8;
	[tilespmem:$0x1E500] =	vst v63  }
0xd4: {  	s14 =	simm.s32 $0xF;
	s10 =	simm.s32 $0x13;
	_ =	swait.ge @!p3 [sflag:s0], $0x50  }
0xd5: {  	s2 =	simm.s32 $0x50;
	p4 =	sle.u32 s5, $0x9;
	[sflag:s0] =	ssyncset.done @!p3 $0x0  }
0xd6: {  	s6 =	simm.s32 $0x8;
	s3 =	sadd.s32 @!p4 $0x0, s22;
	[sflag:s0] =	ssyncadd.s32 @!p3 $0xFFFFFFB0  }
0xd7: {  	s12 =	sadd.s32 @!p4 $0x0, s23;
	s21 =	simm.s32 @!p4 $0x50;
	_ =	swait.ge @!p3 [sflag:s0], $0x50  }
0xd8: {  	s28 =	sadd.s32 @!p4 $0x5A, s3;
	s31 =	sadd.s32 @!p4 $0x5A, s12;
	[sflag:s0] =	ssyncset.done @!p3 $0x0  }
0xd9: {  	s3 =	simm.s32 @!p4 $0x0;
	s12 =	simm.s32 $0x0;
	[sflag:s0] =	ssyncadd.s32 @!p3 $0xFFFFFFB0  }
.LBB2_4:
0xda: {  	[tilespmem:s26], [sflag:$0x4] =	stream.indirect.gather @!p3 [hbm4b:s4+s18], $0x80, s19, s18, $0xb8;
	[tilespmem:$0x1E500] =	vst v63  }
0xdb: {  	_ = 	snop  }
0xdc: {  	[tilespmem:s21], [sflag:$0xA] =	stream.linear.gather @!p4 [hbm4b:s28+s3], $0x50, $0x38;
	[tilespmem:$0x1E500] =	vst v63  }
0xdd: {  	s0 =	simm.s32 @!p4 $0x2D0  }
0xde: {  	[tilespmem:s0], [sflag:$0xA] =	stream.linear.gather @!p4 [hbm4b:s31+s3], $0x50, $0x38;
	[tilespmem:$0x1E500] =	vst v63  }
0xdf: {  	_ =	swait.ge @!p5 [sflag:s30], $0x2800  }
0xe0: {  	[sflag:s30] =	ssyncset.done @!p5 $0x0  }
0xe1: {  	s0 =	simm.s32 @!p2 $0x3;
	[sflag:s30] =	ssyncadd.s32 @!p5 $0xFFFFD800  }
0xe2: {  	_ =	swait.ge @!p2 [sflag:s0], $0x2800  }
0xe3: {  	[sflag:s0] =	ssyncset.done @!p2 $0x0  }
0xe4: {  	s3 =	simm.s32 @!p1 $0x9;
	[sflag:s0] =	ssyncadd.s32 @!p2 $0xFFFFD800  }
0xe5: {  	[spmem:s1] =	stream.indirect.scatter.add.f32 @!p2 [tilespmem:s25], [sflag:$0x7], $0x80, s17, s24, $0xb8;
	[tilespmem:$0x1E500] =	vst v63  }
0xe6: {  	_ =	swait.ge @!p1 [sflag:s3], $0x50  }
0xe7: {  	[sflag:s3] =	ssyncset.done @!p1 $0x0  }
0xe8: {  	s24 =	sadd.s32 $0xA, s8;
	[sflag:s3] =	ssyncadd.s32 @!p1 $0xFFFFFFB0  }
0xe9: {  	s15 =	simm.s32 @!p1 $0x500;
	p2 =	sge.u32 s24, s5;
	_ =	swait.ge @!p1 [sflag:s3], $0x50  }
0xea: {  	s0 =	simm.s32 @!p1 $0x50;
	s17 =	sadd.s32 @!p2 s12, s22;
	[sflag:s3] =	ssyncset.done @!p1 $0x0  }
0xeb: {  	s24 =	sadd.s32 @!p2 s12, s23;
	s17 =	sadd.s32 @!p2 $0x64, s17;
	[sflag:s3] =	ssyncadd.s32 @!p1 $0xFFFFFFB0  }
0xec: {  	[tilespmem:s15], [sflag:$0x1] =	stream.indirect.gather @!p1 [hbm4b:s4+s0], $0x80, s20, s0, $0xb8;
	[tilespmem:$0x1E500] =	vst v63  }
0xed: {  	s3 =	simm.s32 @!p2 $0xA0;
	s0 =	simm.s32 @!p2 $0x0;
	p1 =	sgt.u32 s11, s5  }
0xee: {  	[tilespmem:s3], [sflag:$0xB] =	stream.linear.gather @!p2 [hbm4b:s17+s0], $0x50, $0x38;
	[tilespmem:$0x1E500] =	vst v63  }
0xef: {  	s24 =	sadd.s32 @!p2 $0x64, s24;
	s15 =	simm.s32 @!p1 $0x7;
	s3 =	simm.s32 @!p2 $0x320  }
0xf0: {  	[tilespmem:s3], [sflag:$0xB] =	stream.linear.gather @!p2 [hbm4b:s24+s0], $0x50, $0x38;
	[tilespmem:$0x1E500] =	vst v63  }
0xf1: {  	_ =	swait.ge @!p1 [sflag:s15], $0x2800  }
0xf2: {  	[sflag:s15] =	ssyncset.done @!p1 $0x0  }
0xf3: {  	s0 =	simm.s32 @!p3 $0x4;
	[sflag:s15] =	ssyncadd.s32 @!p1 $0xFFFFD800  }
0xf4: {  	_ =	swait.ge @!p3 [sflag:s0], $0x2800  }
0xf5: {  	[sflag:s0] =	ssyncset.done @!p3 $0x0  }
0xf6: {  	s3 =	simm.s32 @!p4 $0xA;
	[sflag:s0] =	ssyncadd.s32 @!p3 $0xFFFFD800  }
0xf7: {  	[spmem:s1] =	stream.indirect.scatter.add.f32 @!p3 [tilespmem:s26], [sflag:$0x8], $0x80, s16, s18, $0xb8;
	[tilespmem:$0x1E500] =	vst v63  }
0xf8: {  	_ =	swait.ge @!p4 [sflag:s3], $0x50  }
0xf9: {  	p2 =	seq.s32 s2, $0x0;
	[sflag:s3] =	ssyncset.done @!p4 $0x0  }
0xfa: {  	s11 =	smov.u32 s14;
	p1 =	sgt.u32 @!p2 s6, s5;
	[sflag:s3] =	ssyncadd.s32 @!p4 $0xFFFFFFB0  }
0xfb: {  	s15 =	simm.s32 @!p4 $0x2D00;
	p2 =	por p1, p2;
	_ =	swait.ge @!p4 [sflag:s3], $0x50  }
0xfc: {  	p1 =	sge.u32 s9, s5;
	s9 =	smov.u32 s10;
	[sflag:s3] =	ssyncset.done @!p4 $0x0  }
0xfd: {  	s10 =	simm.s32 @!p1 $0xF0;
	[sflag:s3] =	ssyncadd.s32 @!p4 $0xFFFFFFB0;
	s3 =	sadd.s32 @!p1 s12, s22  }
0xfe: {  	[tilespmem:s15], [sflag:$0x2] =	stream.indirect.gather @!p4 [hbm4b:s4+s21], $0x80, s21, s21, $0xb8;
	[tilespmem:$0x1E500] =	vst v63  }
0xff: {  	s12 =	sadd.s32 @!p1 s12, s23;
	s15 =	simm.s32 @!p1 $0x0;
	s3 =	sadd.s32 @!p1 $0x6E, s3  }
0x100: {  	[tilespmem:s10], [sflag:$0xC] =	stream.linear.gather @!p1 [hbm4b:s3+s15], $0x50, $0x38;
	[tilespmem:$0x1E500] =	vst v63  }
0x101: {  	s14 =	simm.s32 @!p2 $0x8;
	s16 =	simm.s32 @!p1 $0x370;
	s3 =	sadd.s32 @!p1 $0x6E, s12  }
0x102: {  	[tilespmem:s16], [sflag:$0xC] =	stream.linear.gather @!p1 [hbm4b:s3+s15], $0x50, $0x38;
	[tilespmem:$0x1E500] =	vst v63  }
0x103: {  	_ =	swait.ge @!p2 [sflag:s14], $0x2800  }
0x104: {  	p1 =	sge.u32 s6, s5;
	[sflag:s14] =	ssyncset.done @!p2 $0x0  }
0x105: {  	[sflag:s14] =	ssyncadd.s32 @!p2 $0xFFFFD800;
	s14 =	simm.s32 @!p1 $0x1  }
0x106: {  	s25 =	sadd.s32 $0x4, s6;
	s3 =	simm.s32 @!p1 $0x50;
	_ =	swait.ge @!p1 [sflag:s14], $0x2800  }
0x107: {  	s16 =	simm.s32 @!p1 $0x500;
	[sflag:s14] =	ssyncset.done @!p1 $0x0;
	s26 =	rddreg [dreg:$0x4]  }
0x108: {  	s17 =	simm.s32 @!p1 $0x280;
	[sflag:s14] =	ssyncadd.s32 @!p1 $0xFFFFD800;
	p3 =	sge.u32 s6, s26  }
0x109: {  	[spmem:s1] =	stream.indirect.scatter.add.f32 @!p1 [tilespmem:s16], [sflag:$0x5], $0x80, s17, s3, $0xb8;
	[tilespmem:$0x1E500] =	vst v63  }
0x10a: {  	p5 =	sge.u32 s25, s5;
	s3 =	simm.s32 @!p3 $0xB  }
0x10b: {  	s10 =	sadd.s32 $0x5, s6;
	s12 =	smov.u32 s2;
	_ =	swait.ge @!p3 [sflag:s3], $0x50  }
0x10c: {  	p4 =	sge.u32 s10, s5;
	s0 =	sadd.s32 @!p5 s12, s22;
	[sflag:s3] =	ssyncset.done @!p3 $0x0  }
0x10d: {  	s15 =	sadd.s32 @!p4 s12, s22;
	s18 =	sadd.s32 @!p4 s12, s23;
	[sflag:s3] =	ssyncadd.s32 @!p3 $0xFFFFFFB0  }
0x10e: {  	s0 =	sadd.s32 @!p5 $0x28, s0;
	s21 =	sadd.s32 @!p4 $0x32, s15;
	_ =	swait.ge @!p3 [sflag:s3], $0x50  }
0x10f: {  	s15 =	sadd.s32 @!p4 $0x32, s18;
	s19 =	simm.s32 @!p3 $0x5500;
	[sflag:s3] =	ssyncset.done @!p3 $0x0  }
0x110: {  	s25 =	simm.s32 @!p3 $0x50;
	[sflag:s3] =	ssyncadd.s32 @!p3 $0xFFFFFFB0;
	s3 =	simm.s32 @!p3 $0xA0  }
0x111: {  	[tilespmem:s19], [sflag:$0x3] =	stream.indirect.gather @!p3 [hbm4b:s4+s25], $0x80, s3, s25, $0xb8;
	[tilespmem:$0x1E500] =	vst v63  }
0x112: {  	s14 =	sadd.s32 @!p5 s12, s23;
	s16 =	simm.s32 @!p5 $0x140;
	s3 =	simm.s32 @!p5 $0x0  }
0x113: {  	[tilespmem:s16], [sflag:$0xD] =	stream.linear.gather @!p5 [hbm4b:s0+s3], $0x50, $0x38;
	[tilespmem:$0x1E500] =	vst v63  }
0x114: {  	s18 =	sadd.s32 @!p5 $0x28, s14;
	s14 =	simm.s32 @!p5 $0x3C0;
	s0 =	simm.s32 @!p1 $0x5  }
0x115: {  	[tilespmem:s14], [sflag:$0xD] =	stream.linear.gather @!p5 [hbm4b:s18+s3], $0x50, $0x38;
	[tilespmem:$0x1E500] =	vst v63  }
0x116: {  	s29 =	smov.u32 s13;
	_ =	swait.ge @!p1 [sflag:s0], $0x2800  }
0x117: {  	s2 =	smov.u32 s29;
	s29 =	rddreg [dreg:$0x5]  }
0x118: {  	[sflag:s0] =	ssyncset.done @!p1 $0x0;
	p2 =	sge.u32 s6, s29  }
0x119: {  	s17 =	sadd.s32 $0x3, s6;
	[sflag:s0] =	ssyncadd.s32 @!p1 $0xFFFFD800;
	s0 =	simm.s32 @!p2 $0x2  }
0x11a: {  	p6 =	sge.u32 s17, s5;
	_ =	swait.ge @!p2 [sflag:s0], $0x2800  }
0x11b: {  	s3 =	simm.s32 @!p2 $0x2D00;
	s18 =	simm.s32 @!p2 $0x50;
	[sflag:s0] =	ssyncset.done @!p2 $0x0  }
0x11c: {  	s20 =	simm.s32 @!p2 $0x2D0;
	[sflag:s0] =	ssyncadd.s32 @!p2 $0xFFFFD800;
	s0 =	simm.s32 @!p6 $0xC  }
0x11d: {  	[spmem:s1] =	stream.indirect.scatter.add.f32 @!p2 [tilespmem:s3], [sflag:$0x6], $0x80, s20, s18, $0xb8;
	[tilespmem:$0x1E500] =	vst v63  }
0x11e: {  	_ =	swait.ge @!p6 [sflag:s0], $0x50  }
0x11f: {  	[sflag:s0] =	ssyncset.done @!p6 $0x0  }
0x120: {  	[sflag:s0] =	ssyncadd.s32 @!p6 $0xFFFFFFB0  }
0x121: {  	_ =	swait.ge @!p6 [sflag:s0], $0x50  }
0x122: {  	s31 =	simm.s32 @!p6 $0x7D00;
	[sflag:s0] =	ssyncset.done @!p6 $0x0  }
0x123: {  	s30 =	simm.s32 @!p6 $0x50;
	s3 =	simm.s32 @!p6 $0xF0;
	[sflag:s0] =	ssyncadd.s32 @!p6 $0xFFFFFFB0  }
0x124: {  	[tilespmem:s31], [sflag:$0x4] =	stream.indirect.gather @!p6 [hbm4b:s4+s30], $0x80, s3, s30, $0xb8;
	[tilespmem:$0x1E500] =	vst v63  }
0x125: {  	s20 =	simm.s32 @!p4 $0x190;
	s0 =	simm.s32 @!p4 $0x0  }
0x126: {  	[tilespmem:s20], [sflag:$0xE] =	stream.linear.gather @!p4 [hbm4b:s21+s0], $0x50, $0x38;
	[tilespmem:$0x1E500] =	vst v63  }
0x127: {  	s18 =	simm.s32 @!p4 $0x410;
	s3 =	simm.s32 @!p1 $0x6  }
0x128: {  	[tilespmem:s18], [sflag:$0xE] =	stream.linear.gather @!p4 [hbm4b:s15+s0], $0x50, $0x38;
	[tilespmem:$0x1E500] =	vst v63  }
0x129: {  	_ =	swait.ge @!p1 [sflag:s3], $0x2800  }
0x12a: {  	[sflag:s3] =	ssyncset.done @!p1 $0x0  }
0x12b: {  	[sflag:s3] =	ssyncadd.s32 @!p1 $0xFFFFD800;
	s3 =	simm.s32 @!p3 $0x3  }
0x12c: {  	_ =	swait.ge @!p3 [sflag:s3], $0x2800  }
0x12d: {  	[sflag:s3] =	ssyncset.done @!p3 $0x0  }
0x12e: {  	s26 =	simm.s32 @!p5 $0xD;
	[sflag:s3] =	ssyncadd.s32 @!p3 $0xFFFFD800;
	s3 =	simm.s32 @!p3 $0x320  }
0x12f: {  	[spmem:s1] =	stream.indirect.scatter.add.f32 @!p3 [tilespmem:s19], [sflag:$0x7], $0x80, s3, s25, $0xb8;
	[tilespmem:$0x1E500] =	vst v63  }
0x130: {  	_ =	swait.ge @!p5 [sflag:s26], $0x50  }
0x131: {  	[sflag:s26] =	ssyncset.done @!p5 $0x0  }
0x132: {  	s21 =	sadd.s32 $0x6, s6;
	[sflag:s26] =	ssyncadd.s32 @!p5 $0xFFFFFFB0  }
0x133: {  	s24 =	simm.s32 @!p5 $0x500;
	p2 =	sge.u32 s21, s5;
	_ =	swait.ge @!p5 [sflag:s26], $0x50  }
0x134: {  	s0 =	sadd.s32 @!p2 s12, s22;
	s28 =	sadd.s32 @!p2 s12, s23;
	[sflag:s26] =	ssyncset.done @!p5 $0x0  }
0x135: {  	s15 =	simm.s32 @!p5 $0x50;
	s0 =	sadd.s32 @!p2 $0x3C, s0;
	[sflag:s26] =	ssyncadd.s32 @!p5 $0xFFFFFFB0  }
0x136: {  	[tilespmem:s24], [sflag:$0x1] =	stream.indirect.gather @!p5 [hbm4b:s4+s15], $0x80, s16, s15, $0xb8;
	[tilespmem:$0x1E500] =	vst v63  }
0x137: {  	s3 =	simm.s32 @!p2 $0x0;
	p3 =	sgt.u32 s17, s5;
	s26 =	simm.s32 @!p2 $0x1E0  }
0x138: {  	[tilespmem:s26], [sflag:$0xF] =	stream.linear.gather @!p2 [hbm4b:s0+s3], $0x50, $0x38;
	[tilespmem:$0x1E500] =	vst v63  }
0x139: {  	s28 =	sadd.s32 @!p2 $0x3C, s28;
	s17 =	simm.s32 @!p2 $0x460;
	s0 =	simm.s32 @!p3 $0x7  }
0x13a: {  	[tilespmem:s17], [sflag:$0xF] =	stream.linear.gather @!p2 [hbm4b:s28+s3], $0x50, $0x38;
	[tilespmem:$0x1E500] =	vst v63  }
0x13b: {  	_ =	swait.ge @!p3 [sflag:s0], $0x2800  }
0x13c: {  	[sflag:s0] =	ssyncset.done @!p3 $0x0  }
0x13d: {  	[sflag:s0] =	ssyncadd.s32 @!p3 $0xFFFFD800;
	s0 =	simm.s32 @!p6 $0x4  }
0x13e: {  	_ =	swait.ge @!p6 [sflag:s0], $0x2800  }
0x13f: {  	[sflag:s0] =	ssyncset.done @!p6 $0x0  }
0x140: {  	s3 =	simm.s32 @!p4 $0xE;
	[sflag:s0] =	ssyncadd.s32 @!p6 $0xFFFFD800;
	s0 =	simm.s32 @!p6 $0x370  }
0x141: {  	[spmem:s1] =	stream.indirect.scatter.add.f32 @!p6 [tilespmem:s31], [sflag:$0x8], $0x80, s0, s30, $0xb8;
	[tilespmem:$0x1E500] =	vst v63  }
0x142: {  	_ =	swait.ge @!p4 [sflag:s3], $0x50  }
0x143: {  	[sflag:s3] =	ssyncset.done @!p4 $0x0  }
0x144: {  	[sflag:s3] =	ssyncadd.s32 @!p4 $0xFFFFFFB0  }
0x145: {  	p3 =	sge.u32 s11, s5;
	_ =	swait.ge @!p4 [sflag:s3], $0x50  }
0x146: {  	s16 =	sadd.s32 @!p3 s12, s22;
	s19 =	simm.s32 @!p3 $0x230;
	[sflag:s3] =	ssyncset.done @!p4 $0x0  }
0x147: {  	s30 =	simm.s32 @!p4 $0x50;
	s31 =	simm.s32 @!p4 $0x2D00;
	[sflag:s3] =	ssyncadd.s32 @!p4 $0xFFFFFFB0  }
0x148: {  	[tilespmem:s31], [sflag:$0x2] =	stream.indirect.gather @!p4 [hbm4b:s4+s30], $0x80, s20, s30, $0xb8;
	[tilespmem:$0x1E500] =	vst v63  }
0x149: {  	s0 =	sadd.s32 @!p3 $0x46, s16;
	s16 =	sadd.s32 @!p3 s12, s23;
	s3 =	simm.s32 @!p3 $0x0  }
0x14a: {  	[tilespmem:s19], [sflag:$0x10] =	stream.linear.gather @!p3 [hbm4b:s0+s3], $0x50, $0x38;
	[tilespmem:$0x1E500] =	vst v63  }
0x14b: {  	s25 =	sadd.s32 @!p3 $0x46, s16;
	s16 =	simm.s32 @!p3 $0x4B0;
	s0 =	simm.s32 @!p1 $0x8  }
0x14c: {  	[tilespmem:s16], [sflag:$0x10] =	stream.linear.gather @!p3 [hbm4b:s25+s3], $0x50, $0x38;
	[tilespmem:$0x1E500] =	vst v63  }
0x14d: {  	_ =	swait.ge @!p1 [sflag:s0], $0x2800  }
0x14e: {  	[sflag:s0] =	ssyncset.done @!p1 $0x0  }
0x14f: {  	s3 =	simm.s32 @!p5 $0x1;
	[sflag:s0] =	ssyncadd.s32 @!p1 $0xFFFFD800  }
0x150: {  	_ =	swait.ge @!p5 [sflag:s3], $0x2800  }
0x151: {  	[sflag:s3] =	ssyncset.done @!p5 $0x0  }
0x152: {  	[sflag:s3] =	ssyncadd.s32 @!p5 $0xFFFFD800;
	s3 =	simm.s32 @!p2 $0xF  }
0x153: {  	[spmem:s1] =	stream.indirect.scatter.add.f32 @!p5 [tilespmem:s24], [sflag:$0x5], $0x80, s14, s15, $0xb8;
	[tilespmem:$0x1E500] =	vst v63  }
0x154: {  	_ =	swait.ge @!p2 [sflag:s3], $0x50  }
0x155: {  	[sflag:s3] =	ssyncset.done @!p2 $0x0  }
0x156: {  	s8 =	smov.u32 s6;
	[sflag:s3] =	ssyncadd.s32 @!p2 $0xFFFFFFB0  }
0x157: {  	s6 =	sadd.s32 $0x8, s6;
	p6 =	sgt.u32 s10, s5;
	_ =	swait.ge @!p2 [sflag:s3], $0x50  }
0x158: {  	s25 =	simm.s32 @!p2 $0x5500;
	p1 =	sge.u32 s6, s5;
	[sflag:s3] =	ssyncset.done @!p2 $0x0  }
0x159: {  	s10 =	sadd.s32 @!p1 s12, s22;
	s24 =	simm.s32 @!p2 $0x50;
	[sflag:s3] =	ssyncadd.s32 @!p2 $0xFFFFFFB0  }
0x15a: {  	[tilespmem:s25], [sflag:$0x3] =	stream.indirect.gather @!p2 [hbm4b:s4+s24], $0x80, s26, s24, $0xb8;
	[tilespmem:$0x1E500] =	vst v63  }
0x15b: {  	s20 =	simm.s32 @!p1 $0x0;
	s14 =	sadd.s32 @!p1 s12, s23;
	s15 =	sadd.s32 @!p1 $0x50, s10  }
0x15c: {  	[tilespmem:s20], [sflag:$0x9] =	stream.linear.gather @!p1 [hbm4b:s15+s20], $0x50, $0x38;
	[tilespmem:$0x1E500] =	vst v63  }
0x15d: {  	s29 =	simm.s32 @!p6 $0x5;
	s28 =	sadd.s32 @!p1 $0x50, s14;
	s15 =	simm.s32 @!p1 $0x280  }
0x15e: {  	[tilespmem:s15], [sflag:$0x9] =	stream.linear.gather @!p1 [hbm4b:s28+s20], $0x50, $0x38;
	[tilespmem:$0x1E500] =	vst v63  }
0x15f: {  	_ =	swait.ge @!p6 [sflag:s29], $0x2800  }
0x160: {  	[sflag:s29] =	ssyncset.done @!p6 $0x0  }
0x161: {  	s13 =	sadd.s32 $0x50, s13;
	s3 =	simm.s32 @!p4 $0x2;
	[sflag:s29] =	ssyncadd.s32 @!p6 $0xFFFFD800  }
0x162: {  	p0 =	sne.s32 s13, $0x7D0;
	s0 =	sadd.s32 $0x9, s6;
	_ =	swait.ge @!p4 [sflag:s3], $0x2800  }
0x163: {  	s10 =	sadd.s32 $0xB, s6;
	p5 =	sgt.u32 s21, s5;
	[sflag:s3] =	ssyncset.done @!p4 $0x0  }
0x164: {  	s14 =	sadd.s32 $0x7, s6;
	s26 =	simm.s32 @!p3 $0x10;
	[sflag:s3] =	ssyncadd.s32 @!p4 $0xFFFFD800  }
0x165: {  	[spmem:s1] =	stream.indirect.scatter.add.f32 @!p4 [tilespmem:s31], [sflag:$0x6], $0x80, s18, s30, $0xb8;
	[tilespmem:$0x1E500] =	vst v63  }
0x166: {  	s18 =	simm.s32 @!p3 $0x50;
	p4 =	sge.u32 s7, s5;
	_ =	swait.ge @!p3 [sflag:s26], $0x50  }
.Ltmp1:
0x167: {  	s30 =	simm.s32 @!p5 $0x6;
	[sflag:s26] =	ssyncset.done @!p3 $0x0;
	(pc) =	sbr.rel @p0 .LBB2_4-.Ltmp1, $4  }
0x168: {  	s3 =	sadd.s32 @!p4 s12, s22;
	s7 =	sadd.s32 @!p4 s12, s23;
	[sflag:s26] =	ssyncadd.s32 @!p3 $0xFFFFFFB0  }
0x169: {  	s21 =	simm.s32 @!p4 $0x50;
	s28 =	sadd.s32 @!p4 $0x5A, s3;
	_ =	swait.ge @!p3 [sflag:s26], $0x50  }
0x16a: {  	s31 =	sadd.s32 @!p4 $0x5A, s7;
	s3 =	simm.s32 @!p4 $0x0;
	[sflag:s26] =	ssyncset.done @!p3 $0x0  }
0x16b: {  	s7 =	smov.u32 s0;
	[sflag:s26] =	ssyncadd.s32 @!p3 $0xFFFFFFB0;
	s26 =	simm.s32 @!p3 $0x7D00  }
0x16c: {  	[tilespmem:s26], [sflag:$0x4] =	stream.indirect.gather @!p3 [hbm4b:s4+s18], $0x80, s19, s18, $0xb8;
	[tilespmem:$0x1E500] =	vst v63  }
0x16d: {  	_ = 	snop  }
0x16e: {  	[tilespmem:s21], [sflag:$0xA] =	stream.linear.gather @!p4 [hbm4b:s28+s3], $0x50, $0x38;
	[tilespmem:$0x1E500] =	vst v63  }
0x16f: {  	s0 =	simm.s32 @!p4 $0x2D0  }
0x170: {  	[tilespmem:s0], [sflag:$0xA] =	stream.linear.gather @!p4 [hbm4b:s31+s3], $0x50, $0x38;
	[tilespmem:$0x1E500] =	vst v63  }
0x171: {  	_ =	swait.ge @!p5 [sflag:s30], $0x2800  }
0x172: {  	[sflag:s30] =	ssyncset.done @!p5 $0x0  }
0x173: {  	s0 =	simm.s32 @!p2 $0x3;
	[sflag:s30] =	ssyncadd.s32 @!p5 $0xFFFFD800  }
0x174: {  	_ =	swait.ge @!p2 [sflag:s0], $0x2800  }
0x175: {  	[sflag:s0] =	ssyncset.done @!p2 $0x0  }
0x176: {  	[sflag:s0] =	ssyncadd.s32 @!p2 $0xFFFFD800;
	s0 =	simm.s32 @!p1 $0x9  }
0x177: {  	[spmem:s1] =	stream.indirect.scatter.add.f32 @!p2 [tilespmem:s25], [sflag:$0x7], $0x80, s17, s24, $0xb8;
	[tilespmem:$0x1E500] =	vst v63  }
0x178: {  	_ =	swait.ge @!p1 [sflag:s0], $0x50  }
0x179: {  	[sflag:s0] =	ssyncset.done @!p1 $0x0  }
0x17a: {  	s3 =	simm.s32 @!p1 $0x50;
	[sflag:s0] =	ssyncadd.s32 @!p1 $0xFFFFFFB0  }
0x17b: {  	s24 =	sadd.s32 $0xA, s8;
	s8 =	simm.s32 @!p1 $0x500;
	_ =	swait.ge @!p1 [sflag:s0], $0x50  }
0x17c: {  	p2 =	sgt.u32 s11, s5;
	p0 =	sge.u32 s24, s5;
	[sflag:s0] =	ssyncset.done @!p1 $0x0  }
0x17d: {  	s13 =	sadd.s32 @!p0 s12, s22;
	s17 =	sadd.s32 @!p0 s12, s23;
	[sflag:s0] =	ssyncadd.s32 @!p1 $0xFFFFFFB0  }
0x17e: {  	[tilespmem:s8], [sflag:$0x1] =	stream.indirect.gather @!p1 [hbm4b:s4+s3], $0x80, s20, s3, $0xb8;
	[tilespmem:$0x1E500] =	vst v63  }
0x17f: {  	s19 =	simm.s32 @!p0 $0xA0;
	s13 =	sadd.s32 @!p0 $0x64, s13;
	s0 =	simm.s32 @!p0 $0x0  }
0x180: {  	[tilespmem:s19], [sflag:$0xB] =	stream.linear.gather @!p0 [hbm4b:s13+s0], $0x50, $0x38;
	[tilespmem:$0x1E500] =	vst v63  }
0x181: {  	s11 =	sadd.s32 @!p0 $0x64, s17;
	s17 =	simm.s32 @!p2 $0x7;
	s13 =	simm.s32 @!p0 $0x320  }
0x182: {  	[tilespmem:s13], [sflag:$0xB] =	stream.linear.gather @!p0 [hbm4b:s11+s0], $0x50, $0x38;
	[tilespmem:$0x1E500] =	vst v63  }
0x183: {  	_ =	swait.ge @!p2 [sflag:s17], $0x2800  }
0x184: {  	[sflag:s17] =	ssyncset.done @!p2 $0x0  }
0x185: {  	s0 =	simm.s32 @!p3 $0x4;
	[sflag:s17] =	ssyncadd.s32 @!p2 $0xFFFFD800  }
0x186: {  	_ =	swait.ge @!p3 [sflag:s0], $0x2800  }
0x187: {  	[sflag:s0] =	ssyncset.done @!p3 $0x0  }
0x188: {  	s11 =	simm.s32 @!p4 $0xA;
	[sflag:s0] =	ssyncadd.s32 @!p3 $0xFFFFD800  }
0x189: {  	[spmem:s1] =	stream.indirect.scatter.add.f32 @!p3 [tilespmem:s26], [sflag:$0x8], $0x80, s16, s18, $0xb8;
	[tilespmem:$0x1E500] =	vst v63  }
0x18a: {  	_ =	swait.ge @!p4 [sflag:s11], $0x50  }
0x18b: {  	[sflag:s11] =	ssyncset.done @!p4 $0x0  }
0x18c: {  	[sflag:s11] =	ssyncadd.s32 @!p4 $0xFFFFFFB0  }
0x18d: {  	p0 =	seq.s32 s2, $0x0;
	_ =	swait.ge @!p4 [sflag:s11], $0x50  }
0x18e: {  	p2 =	sgt.u32 @!p0 s6, s5;
	[sflag:s11] =	ssyncset.done @!p4 $0x0  }
0x18f: {  	s0 =	simm.s32 @!p4 $0x2D00;
	p3 =	sge.u32 s9, s5;
	[sflag:s11] =	ssyncadd.s32 @!p4 $0xFFFFFFB0  }
0x190: {  	[tilespmem:s0], [sflag:$0x2] =	stream.indirect.gather @!p4 [hbm4b:s4+s21], $0x80, s21, s21, $0xb8;
	[tilespmem:$0x1E500] =	vst v63  }
0x191: {  	p0 =	por p2, p0;
	s9 =	simm.s32 @!p3 $0x0;
	s0 =	sadd.s32 @!p3 s12, s22  }
0x192: {  	s11 =	simm.s32 @!p3 $0xF0;
	s12 =	sadd.s32 @!p3 s12, s23;
	s0 =	sadd.s32 @!p3 $0x6E, s0  }
0x193: {  	[tilespmem:s11], [sflag:$0xC] =	stream.linear.gather @!p3 [hbm4b:s0+s9], $0x50, $0x38;
	[tilespmem:$0x1E500] =	vst v63  }
0x194: {  	s12 =	sadd.s32 @!p3 $0x6E, s12;
	s0 =	simm.s32 @!p0 $0x8;
	s11 =	simm.s32 @!p3 $0x370  }
0x195: {  	[tilespmem:s11], [sflag:$0xC] =	stream.linear.gather @!p3 [hbm4b:s12+s9], $0x50, $0x38;
	[tilespmem:$0x1E500] =	vst v63  }
0x196: {  	_ =	swait.ge @!p0 [sflag:s0], $0x2800  }
0x197: {  	[sflag:s0] =	ssyncset.done @!p0 $0x0  }
0x198: {  	[sflag:s0] =	ssyncadd.s32 @!p0 $0xFFFFD800;
	s0 =	simm.s32 @!p1 $0x1  }
0x199: {  	_ =	swait.ge @!p1 [sflag:s0], $0x2800  }
0x19a: {  	[sflag:s0] =	ssyncset.done @!p1 $0x0;
	s25 =	rddreg [dreg:$0x4]  }
0x19b: {  	[sflag:s0] =	ssyncadd.s32 @!p1 $0xFFFFD800;
	p3 =	sge.u32 s6, s25  }
0x19c: {  	[spmem:s1] =	stream.indirect.scatter.add.f32 @!p1 [tilespmem:s8], [sflag:$0x5], $0x80, s15, s3, $0xb8;
	[tilespmem:$0x1E500] =	vst v63  }
0x19d: {  	s0 =	simm.s32 @!p3 $0xB  }
0x19e: {  	_ =	swait.ge @!p3 [sflag:s0], $0x50  }
0x19f: {  	s26 =	sadd.s32 $0x4, s6;
	[sflag:s0] =	ssyncset.done @!p3 $0x0  }
0x1a0: {  	p0 =	sge.u32 s26, s5;
	[sflag:s0] =	ssyncadd.s32 @!p3 $0xFFFFFFB0  }
0x1a1: {  	s12 =	simm.s32 @!p0 $0x0;
	_ =	swait.ge @!p3 [sflag:s0], $0x50  }
0x1a2: {  	s3 =	sadd.s32 @!p0 s2, s22;
	s11 =	simm.s32 @!p3 $0x5500;
	[sflag:s0] =	ssyncset.done @!p3 $0x0  }
0x1a3: {  	s13 =	simm.s32 @!p3 $0x50;
	[sflag:s0] =	ssyncadd.s32 @!p3 $0xFFFFFFB0;
	s0 =	simm.s32 @!p3 $0xA0  }
0x1a4: {  	[tilespmem:s11], [sflag:$0x3] =	stream.indirect.gather @!p3 [hbm4b:s4+s13], $0x80, s0, s13, $0xb8;
	[tilespmem:$0x1E500] =	vst v63  }
0x1a5: {  	s8 =	sadd.s32 @!p0 s2, s23;
	s3 =	sadd.s32 @!p0 $0x28, s3;
	s0 =	simm.s32 @!p0 $0x140  }
0x1a6: {  	[tilespmem:s0], [sflag:$0xD] =	stream.linear.gather @!p0 [hbm4b:s3+s12], $0x50, $0x38;
	[tilespmem:$0x1E500] =	vst v63  }
0x1a7: {  	s9 =	simm.s32 @!p0 $0x3C0;
	s3 =	sadd.s32 @!p0 $0x28, s8;
	s8 =	simm.s32 @!p1 $0x5  }
0x1a8: {  	[tilespmem:s9], [sflag:$0xD] =	stream.linear.gather @!p0 [hbm4b:s3+s12], $0x50, $0x38;
	[tilespmem:$0x1E500] =	vst v63  }
0x1a9: {  	_ =	swait.ge @!p1 [sflag:s8], $0x2800  }
0x1aa: {  	s28 =	rddreg [dreg:$0x5]  }
0x1ab: {  	[sflag:s8] =	ssyncset.done @!p1 $0x0;
	p2 =	sge.u32 s6, s28  }
0x1ac: {  	s29 =	sadd.s32 $0x3, s6;
	[sflag:s8] =	ssyncadd.s32 @!p1 $0xFFFFD800;
	s8 =	simm.s32 @!p2 $0x2  }
0x1ad: {  	p4 =	sge.u32 s29, s5;
	_ =	swait.ge @!p2 [sflag:s8], $0x2800  }
0x1ae: {  	s17 =	simm.s32 @!p4 $0xC;
	s12 =	simm.s32 @!p2 $0x2D00;
	[sflag:s8] =	ssyncset.done @!p2 $0x0  }
0x1af: {  	s15 =	simm.s32 @!p2 $0x50;
	s16 =	simm.s32 @!p2 $0x2D0;
	[sflag:s8] =	ssyncadd.s32 @!p2 $0xFFFFD800  }
0x1b0: {  	[spmem:s1] =	stream.indirect.scatter.add.f32 @!p2 [tilespmem:s12], [sflag:$0x6], $0x80, s16, s15, $0xb8;
	[tilespmem:$0x1E500] =	vst v63  }
0x1b1: {  	_ =	swait.ge @!p4 [sflag:s17], $0x50  }
0x1b2: {  	[sflag:s17] =	ssyncset.done @!p4 $0x0  }
0x1b3: {  	s30 =	sadd.s32 $0x5, s6;
	[sflag:s17] =	ssyncadd.s32 @!p4 $0xFFFFFFB0  }
0x1b4: {  	s18 =	simm.s32 @!p4 $0x7D00;
	p2 =	sge.u32 s30, s5;
	_ =	swait.ge @!p4 [sflag:s17], $0x50  }
0x1b5: {  	s16 =	simm.s32 @!p4 $0xF0;
	s12 =	sadd.s32 @!p2 s2, s22;
	[sflag:s17] =	ssyncset.done @!p4 $0x0  }
0x1b6: {  	s15 =	sadd.s32 @!p2 s2, s23;
	[sflag:s17] =	ssyncadd.s32 @!p4 $0xFFFFFFB0;
	s17 =	simm.s32 @!p4 $0x50  }
0x1b7: {  	[tilespmem:s18], [sflag:$0x4] =	stream.indirect.gather @!p4 [hbm4b:s4+s17], $0x80, s16, s17, $0xb8;
	[tilespmem:$0x1E500] =	vst v63  }
0x1b8: {  	s19 =	simm.s32 @!p2 $0x0;
	s12 =	sadd.s32 @!p2 $0x32, s12;
	s16 =	simm.s32 @!p2 $0x190  }
0x1b9: {  	[tilespmem:s16], [sflag:$0xE] =	stream.linear.gather @!p2 [hbm4b:s12+s19], $0x50, $0x38;
	[tilespmem:$0x1E500] =	vst v63  }
0x1ba: {  	s20 =	simm.s32 @!p1 $0x6;
	s15 =	sadd.s32 @!p2 $0x32, s15;
	s12 =	simm.s32 @!p2 $0x410  }
0x1bb: {  	[tilespmem:s12], [sflag:$0xE] =	stream.linear.gather @!p2 [hbm4b:s15+s19], $0x50, $0x38;
	[tilespmem:$0x1E500] =	vst v63  }
0x1bc: {  	_ =	swait.ge @!p1 [sflag:s20], $0x2800  }
0x1bd: {  	[sflag:s20] =	ssyncset.done @!p1 $0x0  }
0x1be: {  	s15 =	simm.s32 @!p3 $0x3;
	[sflag:s20] =	ssyncadd.s32 @!p1 $0xFFFFD800  }
0x1bf: {  	_ =	swait.ge @!p3 [sflag:s15], $0x2800  }
0x1c0: {  	[sflag:s15] =	ssyncset.done @!p3 $0x0  }
0x1c1: {  	s19 =	simm.s32 @!p0 $0xD;
	[sflag:s15] =	ssyncadd.s32 @!p3 $0xFFFFD800;
	s15 =	simm.s32 @!p3 $0x320  }
0x1c2: {  	[spmem:s1] =	stream.indirect.scatter.add.f32 @!p3 [tilespmem:s11], [sflag:$0x7], $0x80, s15, s13, $0xb8;
	[tilespmem:$0x1E500] =	vst v63  }
0x1c3: {  	_ =	swait.ge @!p0 [sflag:s19], $0x50  }
0x1c4: {  	[sflag:s19] =	ssyncset.done @!p0 $0x0  }
0x1c5: {  	s31 =	sadd.s32 $0x6, s6;
	[sflag:s19] =	ssyncadd.s32 @!p0 $0xFFFFFFB0  }
0x1c6: {  	p5 =	sgt.u32 s29, s5;
	s21 =	simm.s32 @!p0 $0x500;
	_ =	swait.ge @!p0 [sflag:s19], $0x50  }
0x1c7: {  	s20 =	simm.s32 @!p0 $0x50;
	p3 =	sge.u32 s31, s5;
	[sflag:s19] =	ssyncset.done @!p0 $0x0  }
0x1c8: {  	s13 =	sadd.s32 @!p3 s2, s22;
	s15 =	sadd.s32 @!p3 s2, s23;
	[sflag:s19] =	ssyncadd.s32 @!p0 $0xFFFFFFB0  }
0x1c9: {  	[tilespmem:s21], [sflag:$0x1] =	stream.indirect.gather @!p0 [hbm4b:s4+s20], $0x80, s0, s20, $0xb8;
	[tilespmem:$0x1E500] =	vst v63  }
0x1ca: {  	s13 =	sadd.s32 @!p3 $0x3C, s13;
	s19 =	simm.s32 @!p3 $0x1E0;
	s0 =	simm.s32 @!p3 $0x0  }
0x1cb: {  	[tilespmem:s19], [sflag:$0xF] =	stream.linear.gather @!p3 [hbm4b:s13+s0], $0x50, $0x38;
	[tilespmem:$0x1E500] =	vst v63  }
0x1cc: {  	s3 =	sadd.s32 @!p3 $0x3C, s15;
	s15 =	simm.s32 @!p3 $0x460;
	s13 =	simm.s32 @!p5 $0x7  }
0x1cd: {  	[tilespmem:s15], [sflag:$0xF] =	stream.linear.gather @!p3 [hbm4b:s3+s0], $0x50, $0x38;
	[tilespmem:$0x1E500] =	vst v63  }
0x1ce: {  	_ =	swait.ge @!p5 [sflag:s13], $0x2800  }
0x1cf: {  	[sflag:s13] =	ssyncset.done @!p5 $0x0  }
0x1d0: {  	s0 =	simm.s32 @!p4 $0x4;
	[sflag:s13] =	ssyncadd.s32 @!p5 $0xFFFFD800  }
0x1d1: {  	_ =	swait.ge @!p4 [sflag:s0], $0x2800  }
0x1d2: {  	[sflag:s0] =	ssyncset.done @!p4 $0x0  }
0x1d3: {  	s3 =	simm.s32 @!p2 $0xE;
	[sflag:s0] =	ssyncadd.s32 @!p4 $0xFFFFD800;
	s0 =	simm.s32 @!p4 $0x370  }
0x1d4: {  	[spmem:s1] =	stream.indirect.scatter.add.f32 @!p4 [tilespmem:s18], [sflag:$0x8], $0x80, s0, s17, $0xb8;
	[tilespmem:$0x1E500] =	vst v63  }
0x1d5: {  	_ =	swait.ge @!p2 [sflag:s3], $0x50  }
0x1d6: {  	[sflag:s3] =	ssyncset.done @!p2 $0x0  }
0x1d7: {  	[sflag:s3] =	ssyncadd.s32 @!p2 $0xFFFFFFB0  }
0x1d8: {  	p4 =	sge.u32 s14, s5;
	_ =	swait.ge @!p2 [sflag:s3], $0x50  }
0x1d9: {  	s17 =	simm.s32 @!p2 $0x2D00;
	s0 =	sadd.s32 @!p4 s2, s22;
	[sflag:s3] =	ssyncset.done @!p2 $0x0  }
0x1da: {  	s13 =	sadd.s32 @!p4 s2, s23;
	[sflag:s3] =	ssyncadd.s32 @!p2 $0xFFFFFFB0;
	s3 =	simm.s32 @!p2 $0x50  }
0x1db: {  	[tilespmem:s17], [sflag:$0x2] =	stream.indirect.gather @!p2 [hbm4b:s4+s3], $0x80, s16, s3, $0xb8;
	[tilespmem:$0x1E500] =	vst v63  }
0x1dc: {  	s18 =	simm.s32 @!p4 $0x0;
	s0 =	sadd.s32 @!p4 $0x46, s0;
	s16 =	simm.s32 @!p4 $0x230  }
0x1dd: {  	[tilespmem:s16], [sflag:$0x10] =	stream.linear.gather @!p4 [hbm4b:s0+s18], $0x50, $0x38;
	[tilespmem:$0x1E500] =	vst v63  }
0x1de: {  	s0 =	sadd.s32 @!p4 $0x46, s13;
	s13 =	simm.s32 @!p4 $0x4B0  }
0x1df: {  	[tilespmem:s13], [sflag:$0x10] =	stream.linear.gather @!p4 [hbm4b:s0+s18], $0x50, $0x38;
	[tilespmem:$0x1E500] =	vst v63  }
0x1e0: {  	s0 =	simm.s32 @!p1 $0x8  }
0x1e1: {  	_ =	swait.ge @!p1 [sflag:s0], $0x2800  }
0x1e2: {  	[sflag:s0] =	ssyncset.done @!p1 $0x0  }
0x1e3: {  	[sflag:s0] =	ssyncadd.s32 @!p1 $0xFFFFD800;
	s0 =	simm.s32 @!p0 $0x1  }
0x1e4: {  	_ =	swait.ge @!p0 [sflag:s0], $0x2800  }
0x1e5: {  	[sflag:s0] =	ssyncset.done @!p0 $0x0  }
0x1e6: {  	[sflag:s0] =	ssyncadd.s32 @!p0 $0xFFFFD800;
	s0 =	simm.s32 @!p3 $0xF  }
0x1e7: {  	[spmem:s1] =	stream.indirect.scatter.add.f32 @!p0 [tilespmem:s21], [sflag:$0x5], $0x80, s9, s20, $0xb8;
	[tilespmem:$0x1E500] =	vst v63  }
0x1e8: {  	_ =	swait.ge @!p3 [sflag:s0], $0x50  }
0x1e9: {  	[sflag:s0] =	ssyncset.done @!p3 $0x0  }
0x1ea: {  	[sflag:s0] =	ssyncadd.s32 @!p3 $0xFFFFFFB0  }
0x1eb: {  	s24 =	sadd.s32 $0x8, s6;
	s18 =	simm.s32 @!p3 $0x5500;
	_ =	swait.ge @!p3 [sflag:s0], $0x50  }
0x1ec: {  	p1 =	sgt.u32 s30, s5;
	p0 =	sge.u32 s24, s5;
	[sflag:s0] =	ssyncset.done @!p3 $0x0  }
0x1ed: {  	s9 =	sadd.s32 @!p0 s2, s22;
	[sflag:s0] =	ssyncadd.s32 @!p3 $0xFFFFFFB0;
	s0 =	simm.s32 @!p3 $0x50  }
0x1ee: {  	[tilespmem:s18], [sflag:$0x3] =	stream.indirect.gather @!p3 [hbm4b:s4+s0], $0x80, s19, s0, $0xb8;
	[tilespmem:$0x1E500] =	vst v63  }
0x1ef: {  	s20 =	simm.s32 @!p0 $0x0;
	s9 =	sadd.s32 @!p0 $0x50, s9;
	s19 =	sadd.s32 @!p0 s2, s23  }
0x1f0: {  	[tilespmem:s20], [sflag:$0x9] =	stream.linear.gather @!p0 [hbm4b:s9+s20], $0x50, $0x38;
	[tilespmem:$0x1E500] =	vst v63  }
0x1f1: {  	s8 =	simm.s32 @!p1 $0x5;
	s9 =	sadd.s32 @!p0 $0x50, s19;
	s19 =	simm.s32 @!p0 $0x280  }
0x1f2: {  	[tilespmem:s19], [sflag:$0x9] =	stream.linear.gather @!p0 [hbm4b:s9+s20], $0x50, $0x38;
	[tilespmem:$0x1E500] =	vst v63  }
0x1f3: {  	_ =	swait.ge @!p1 [sflag:s8], $0x2800  }
0x1f4: {  	[sflag:s8] =	ssyncset.done @!p1 $0x0  }
0x1f5: {  	[sflag:s8] =	ssyncadd.s32 @!p1 $0xFFFFD800;
	s8 =	simm.s32 @!p2 $0x2  }
0x1f6: {  	_ =	swait.ge @!p2 [sflag:s8], $0x2800  }
0x1f7: {  	[sflag:s8] =	ssyncset.done @!p2 $0x0  }
0x1f8: {  	[sflag:s8] =	ssyncadd.s32 @!p2 $0xFFFFD800;
	s8 =	simm.s32 @!p4 $0x10  }
0x1f9: {  	[spmem:s1] =	stream.indirect.scatter.add.f32 @!p2 [tilespmem:s17], [sflag:$0x6], $0x80, s12, s3, $0xb8;
	[tilespmem:$0x1E500] =	vst v63  }
0x1fa: {  	_ =	swait.ge @!p4 [sflag:s8], $0x50  }
0x1fb: {  	[sflag:s8] =	ssyncset.done @!p4 $0x0  }
0x1fc: {  	[sflag:s8] =	ssyncadd.s32 @!p4 $0xFFFFFFB0  }
0x1fd: {  	p1 =	sge.u32 s7, s5;
	_ =	swait.ge @!p4 [sflag:s8], $0x50  }
0x1fe: {  	s7 =	sadd.s32 @!p1 s2, s22;
	s9 =	sadd.s32 @!p1 s2, s23;
	[sflag:s8] =	ssyncset.done @!p4 $0x0  }
0x1ff: {  	s3 =	simm.s32 @!p4 $0x50;
	[sflag:s8] =	ssyncadd.s32 @!p4 $0xFFFFFFB0;
	s8 =	simm.s32 @!p4 $0x7D00  }
0x200: {  	[tilespmem:s8], [sflag:$0x4] =	stream.indirect.gather @!p4 [hbm4b:s4+s3], $0x80, s16, s3, $0xb8;
	[tilespmem:$0x1E500] =	vst v63  }
0x201: {  	s7 =	sadd.s32 @!p1 $0x5A, s7;
	s12 =	simm.s32 @!p1 $0x0;
	s16 =	simm.s32 @!p1 $0x50  }
0x202: {  	[tilespmem:s16], [sflag:$0xA] =	stream.linear.gather @!p1 [hbm4b:s7+s12], $0x50, $0x38;
	[tilespmem:$0x1E500] =	vst v63  }
0x203: {  	p2 =	sgt.u32 s31, s5;
	s7 =	sadd.s32 @!p1 $0x5A, s9;
	s9 =	simm.s32 @!p1 $0x2D0  }
0x204: {  	[tilespmem:s9], [sflag:$0xA] =	stream.linear.gather @!p1 [hbm4b:s7+s12], $0x50, $0x38;
	[tilespmem:$0x1E500] =	vst v63  }
0x205: {  	s7 =	simm.s32 @!p2 $0x6  }
0x206: {  	_ =	swait.ge @!p2 [sflag:s7], $0x2800  }
0x207: {  	[sflag:s7] =	ssyncset.done @!p2 $0x0  }
0x208: {  	[sflag:s7] =	ssyncadd.s32 @!p2 $0xFFFFD800;
	s7 =	simm.s32 @!p3 $0x3  }
0x209: {  	_ =	swait.ge @!p3 [sflag:s7], $0x2800  }
0x20a: {  	[sflag:s7] =	ssyncset.done @!p3 $0x0  }
0x20b: {  	[sflag:s7] =	ssyncadd.s32 @!p3 $0xFFFFD800  }
0x20c: {  	[spmem:s1] =	stream.indirect.scatter.add.f32 @!p3 [tilespmem:s18], [sflag:$0x7], $0x80, s15, s0, $0xb8;
	[tilespmem:$0x1E500] =	vst v63  }
0x20d: {  	s0 =	simm.s32 @!p0 $0x9  }
0x20e: {  	_ =	swait.ge @!p0 [sflag:s0], $0x50  }
0x20f: {  	[sflag:s0] =	ssyncset.done @!p0 $0x0  }
0x210: {  	[sflag:s0] =	ssyncadd.s32 @!p0 $0xFFFFFFB0  }
0x211: {  	_ =	swait.ge @!p0 [sflag:s0], $0x50  }
0x212: {  	s25 =	sadd.s32 $0xA, s6;
	s6 =	simm.s32 @!p0 $0x50;
	[sflag:s0] =	ssyncset.done @!p0 $0x0  }
0x213: {  	p2 =	sge.u32 s25, s5;
	[sflag:s0] =	ssyncadd.s32 @!p0 $0xFFFFFFB0;
	s0 =	simm.s32 @!p0 $0x500  }
0x214: {  	[tilespmem:s0], [sflag:$0x1] =	stream.indirect.gather @!p0 [hbm4b:s4+s6], $0x80, s20, s6, $0xb8;
	[tilespmem:$0x1E500] =	vst v63  }
0x215: {  	s0 =	sadd.s32 @!p2 s2, s22  }
0x216: {  	s7 =	simm.s32 @!p2 $0xA0;
	s6 =	simm.s32 @!p2 $0x0;
	s0 =	sadd.s32 @!p2 $0x64, s0  }
0x217: {  	[tilespmem:s7], [sflag:$0xB] =	stream.linear.gather @!p2 [hbm4b:s0+s6], $0x50, $0x38;
	[tilespmem:$0x1E500] =	vst v63  }
0x218: {  	s0 =	sadd.s32 @!p2 s2, s23  }
0x219: {  	p0 =	sgt.u32 s14, s5;
	s7 =	simm.s32 @!p2 $0x320;
	s0 =	sadd.s32 @!p2 $0x64, s0  }
0x21a: {  	[tilespmem:s7], [sflag:$0xB] =	stream.linear.gather @!p2 [hbm4b:s0+s6], $0x50, $0x38;
	[tilespmem:$0x1E500] =	vst v63  }
0x21b: {  	s0 =	simm.s32 @!p0 $0x7  }
0x21c: {  	_ =	swait.ge @!p0 [sflag:s0], $0x2800  }
0x21d: {  	[sflag:s0] =	ssyncset.done @!p0 $0x0  }
0x21e: {  	[sflag:s0] =	ssyncadd.s32 @!p0 $0xFFFFD800;
	s0 =	simm.s32 @!p4 $0x4  }
0x21f: {  	_ =	swait.ge @!p4 [sflag:s0], $0x2800  }
0x220: {  	[sflag:s0] =	ssyncset.done @!p4 $0x0  }
0x221: {  	[sflag:s0] =	ssyncadd.s32 @!p4 $0xFFFFD800;
	s0 =	simm.s32 @!p1 $0xA  }
0x222: {  	[spmem:s1] =	stream.indirect.scatter.add.f32 @!p4 [tilespmem:s8], [sflag:$0x8], $0x80, s13, s3, $0xb8;
	[tilespmem:$0x1E500] =	vst v63  }
0x223: {  	_ =	swait.ge @!p1 [sflag:s0], $0x50  }
0x224: {  	[sflag:s0] =	ssyncset.done @!p1 $0x0  }
0x225: {  	[sflag:s0] =	ssyncadd.s32 @!p1 $0xFFFFFFB0  }
0x226: {  	_ =	swait.ge @!p1 [sflag:s0], $0x50  }
0x227: {  	[sflag:s0] =	ssyncset.done @!p1 $0x0  }
0x228: {  	p0 =	sge.u32 s10, s5;
	[sflag:s0] =	ssyncadd.s32 @!p1 $0xFFFFFFB0;
	s0 =	simm.s32 @!p1 $0x2D00  }
0x229: {  	[tilespmem:s0], [sflag:$0x2] =	stream.indirect.gather @!p1 [hbm4b:s4+s16], $0x80, s16, s16, $0xb8;
	[tilespmem:$0x1E500] =	vst v63  }
0x22a: {  	s0 =	sadd.s32 @!p0 s2, s22  }
0x22b: {  	s6 =	simm.s32 @!p0 $0xF0;
	s3 =	simm.s32 @!p0 $0x0;
	s0 =	sadd.s32 @!p0 $0x6E, s0  }
0x22c: {  	[tilespmem:s6], [sflag:$0xC] =	stream.linear.gather @!p0 [hbm4b:s0+s3], $0x50, $0x38;
	[tilespmem:$0x1E500] =	vst v63  }
0x22d: {  	s0 =	sadd.s32 @!p0 s2, s23  }
0x22e: {  	s2 =	simm.s32 @!p0 $0x370;
	s0 =	sadd.s32 @!p0 $0x6E, s0  }
0x22f: {  	[tilespmem:s2], [sflag:$0xC] =	stream.linear.gather @!p0 [hbm4b:s0+s3], $0x50, $0x38;
	[tilespmem:$0x1E500] =	vst v63  }
0x230: {  	s26 =	stileid.u32;
	[bflag:$0x0] =	sbarrier.arrive $0xFFFF  }
0x231: {  	s0 =	sshll.u32 s26, $0x6;
	s28 =	rddreg [dreg:$0xf]  }
0x232: {  	s3 =	simm.s32 $0x11;
	s0 =	sor.u32 $0x1C11, s0;
	s29 =	rddreg [dreg:$0x18]  }
0x233: {  	[hbm:s28], [sflag:s0] =	dma.local [spmem:s29], $0x2800  }
0x234: {  	_ =	swait.ge [sflag:s3], $0x2800  }
0x235: {  	s30 =	rddreg [dreg:$0x6]  }
0x236: {  	s31 =	rddreg [dreg:$0x11];
	s13 =	sadd.s32 $0x1, s30  }
0x237: {  	p0 =	sne.s32 s13, s31  }
.Ltmp2:
0x238: {  	_ = 	snop;
	(pc) =	sbr.rel @p0 .LBB2_1-.Ltmp2, $3  }
0x239: {  	_ =	sdelay $0x1  }
0x23a: {  	[sflag:s3] =	ssyncset.done $0x0  }
0x23b: {  	[sflag:s3] =	ssyncadd.s32 $0xFFFFD800  }
0x23c: {  	_ =	sfence.sel $0x180000  }
0x23d: {  	[bflag:$0x0] =	sbarrier.arrive $0xFFFF  }
0x23e: {  	_ =	strace $0x9000004A  }
0x23f: {  	s0 =	stileid.u32;
	[bflag:$0x2] =	sbarrier.arrive $0xFFFF  }
0x240: {  	p0 =	sne.s32 s0, $0x0;
	s0 =	rddreg [dreg:$0x3]  }
0x241: {  	s0 =	sadd.s32 @!p0 $0x100000, s0  }
0x242: {  	[sflag:s0] =	ssyncadd.tile.s32 @!p0 $0x1;
	_ =	shalt  }
.Lfunc_end2:
_tile_overlayer_lowered:
.L_overlay_start_2:
0x243: {  	(tag) =	ssettag $0x2  }
0x244: {  	s0 =	rddreg [dreg:$0x0];
	s2 =	stileid.u32  }
0x245: {  	s1 =	rddreg [dreg:$0x1];
	p0 =	sne.s32 s2, $0x0  }
0x246: {  	s3 =	rddreg [dreg:$0x2];
	[bflag:$0x3] =	sbarrier.arrive $0xFFFF;
	s2 =	simm.s32 @!p0 $0x1C11  }
0x247: {  	[timem:s3], [sflag:s2] =	dma.local @!p0 [hbm:s0], s1  }
0x248: {  	s0 =	simm.s32 @!p0 $0x11  }
0x249: {  	_ =	swait.ge @!p0 [sflag:s0], s1  }
0x24a: {  	s1 =	ssub.s32 @!p0 $0x0, s1;
	[sflag:s0] =	ssyncset.done @!p0 $0x0  }
0x24b: {  	[sflag:s0] =	ssyncadd.s32 @!p0 s1  }
0x24c: {  	[bflag:$0x3] =	sbarrier.arrive $0xFFFF  }
0x24d: {  	_ =	shalt  }

// kernel: kernel.14.cloned.1.call-start
scs
__scs_entry_jumppad:
0x0: {  	(pc) =	sbr.rel $0x88, $3  }
0x1: {  	(tag) =	ssettag $0x0;
	lr =	simm.s32 $0x1  }
0x2: {  	[smem:$0x3F9B] =	sst lr;
	_ =	strace $0xD0000000  }
0x3: {  	_ = 	snop  }
0x4: {  	_ = 	snop  }
0x5: {  	_ = 	snop  }
0x6: {  	_ = 	snop  }
0x7: {  	_ = 	snop  }
__scs_overlays_trampoline_lowered:
0x8: {  	[smem:$0x3FAA] =	sst s0  }
0x9: {  	[smem:$0x3FAB] =	sst s1  }
0xa: {  	[smem:$0x3FAC] =	sst s2  }
0xb: {  	[smem:$0x3FAD] =	sst s3  }
0xc: {  	[smem:$0x3FAE] =	sst s4  }
0xd: {  	[smem:$0x3FAF] =	sst s5  }
0xe: {  	[smem:$0x3FB0] =	sst s6  }
0xf: {  	[smem:$0x3FB1] =	sst s7  }
0x10: {  	[smem:$0x3FB2] =	sst s8  }
0x11: {  	[smem:$0x3FB3] =	sst s9;
	s0 =	simm.s32 @!p0 $0x0  }
0x12: {  	s1 =	sld [smem:$0x3F99];
	s0 =	simm.s32 @p0 $0x1  }
0x13: {  	[smem:$0x3FB4] =	sst s0;
	s0 =	simm.s32 @!p1 $0x0  }
0x14: {  	s2 =	sld [smem:$0x3F98];
	s0 =	simm.s32 @p1 $0x1  }
0x15: {  	[smem:$0x3FB5] =	sst s0;
	s0 =	simm.s32 @!p2 $0x0  }
0x16: {  	s3 =	sld [smem:$0x3FDB];
	s0 =	simm.s32 @p2 $0x1  }
0x17: {  	s4 =	simm.s32 $0x1BF5;
	[smem:$0x3FB7] =	sst s0  }
0x18: {  	s0 =	sld [smem:$0x3F9A];
	_ =	swait.ge [sflag:s4], $0x0  }
0x19: {  	s7 =	sld [smem:$0x3F9B]  }
0x1a: {  	s8 =	sadd.s32 $0xFFFFE003, lr  }
0x1b: {  	s9 =	sadd.s32 $0xFFFFFEF7, lr;
	s5 =	simm.s32 $0xFFFFFFFF;
	p2 =	slt.u32 s8, $0xFFFFF086  }
0x1c: {  	p1 =	slt.u32 s9, $0xF7A;
	s5 =	simm.s32 @!p2 $0x0  }
0x1d: {  	s5 =	simm.s32 @p1 $0x1;
	p0 =	seq.s32 s7, s2  }
0x1e: {  	s7 =	smul.u32 @!p0 $0xF7A, s2;
	p2 =	seq.s32 @!p0 s5, $0x0  }
0x1f: {  	s9 =	smul.u32 $0xF7A, s1;
	s8 =	simm.s32 @!p0 $0x1BF5;
	p2 =	por !p2, p0  }
0x20: {  	[sflag:s8] =	ssyncset.s32 @!p0 $0xFFFFF086;
	s6 =	sadd.s32 @!p0 s3, s7;
	s7 =	simm.s32 @!p0 $0x108  }
0x21: {  	s3 =	sadd.s32 s3, s9;
	s6 =	sadd.s32 @!p0 $0x88, s6;
	s7 =	simm.s32 @p2 $0x1082  }
0x22: {  	[simem:s7], [sflag:s8] =	dma.local @!p0 [hbm:s6], $0xF7A  }
0x23: {  	s9 =	sor.u32 $0xD0000000, s2;
	s6 =	simm.s32 $0x108;
	_ =	swait.ge @!p0 [sflag:s8], $0x0  }
0x24: {  	s3 =	sadd.s32 $0x88, s3;
	s6 =	simm.s32 @!p1 $0x1082;
	[sflag:s4] =	ssyncset.s32 $0xFFFFF086  }
0x25: {  	[simem:s6], [sflag:s4] =	dma.local [hbm:s3], $0xF7A  }
0x26: {  	[smem:$0x3F9B] =	sst s1;
	(tag) =	ssettag s2;
	_ =	strace s9  }
0x27: {  	s1 =	sld [smem:$0x3FAB]  }
0x28: {  	s2 =	sld [smem:$0x3FAC]  }
0x29: {  	s4 =	sld [smem:$0x3FAE]  }
0x2a: {  	p0 =	seq.s32 s5, $0x0;
	s5 =	sld [smem:$0x3FAF]  }
0x2b: {  	s6 =	sld [smem:$0x3FB0]  }
0x2c: {  	s7 =	sld [smem:$0x3FB1]  }
0x2d: {  	s3 =	simm.s32 $0x108;
	s8 =	sld [smem:$0x3FB2]  }
0x2e: {  	s3 =	simm.s32 @!p0 $0x1082;
	s9 =	sld [smem:$0x3FB3]  }
0x2f: {  	lr =	sadd.s32 s0, s3;
	s0 =	sld [smem:$0x3FAA]  }
0x30: {  	s3 =	sld [smem:$0x3FAD]  }
0x31: {  	[smem:$0x3FB6] =	sst s10  }
0x32: {  	s10 =	sld [smem:$0x3FB4];
	_ =	sdelay $0x3  }
0x33: {  	p0 =	seq.s32 s10, $0x1;
	s10 =	sld [smem:$0x3FB6];
	_ =	sdelay $0x3  }
0x34: {  	[smem:$0x3FB6] =	sst s10  }
0x35: {  	s10 =	sld [smem:$0x3FB5];
	_ =	sdelay $0x3  }
0x36: {  	p1 =	seq.s32 s10, $0x1;
	s10 =	sld [smem:$0x3FB6];
	_ =	sdelay $0x3  }
0x37: {  	[smem:$0x3FB6] =	sst s10  }
0x38: {  	s10 =	sld [smem:$0x3FB7]  }
0x39: {  	_ = 	snop;
	(pc) =	sbr.ind lr, $3  }
0x3a: {  	_ = 	snop  }
0x3b: {  	_ = 	snop  }
0x3c: {  	p2 =	seq.s32 s10, $0x1;
	s10 =	sld [smem:$0x3FB6]  }
0x3d: {  	_ =	shalt  }
0x3e: {  	_ =	shalt  }
0x3f: {  	_ =	shalt  }
0x40: {  	_ =	shalt  }
0x41: {  	_ =	shalt  }
0x42: {  	_ =	shalt  }
0x43: {  	_ =	shalt  }
0x44: {  	_ =	shalt  }
0x45: {  	_ =	shalt  }
0x46: {  	_ =	shalt  }
0x47: {  	_ =	shalt  }
0x48: {  	_ =	shalt  }
0x49: {  	_ =	shalt  }
0x4a: {  	_ =	shalt  }
0x4b: {  	_ =	shalt  }
0x4c: {  	_ =	shalt  }
0x4d: {  	_ =	shalt  }
0x4e: {  	_ =	shalt  }
0x4f: {  	_ =	shalt  }
0x50: {  	_ =	shalt  }
0x51: {  	_ =	shalt  }
0x52: {  	_ =	shalt  }
0x53: {  	_ =	shalt  }
0x54: {  	_ =	shalt  }
0x55: {  	_ =	shalt  }
0x56: {  	_ =	shalt  }
0x57: {  	_ =	shalt  }
0x58: {  	_ =	shalt  }
0x59: {  	_ =	shalt  }
0x5a: {  	_ =	shalt  }
0x5b: {  	_ =	shalt  }
0x5c: {  	_ =	shalt  }
0x5d: {  	_ =	shalt  }
0x5e: {  	_ =	shalt  }
0x5f: {  	_ =	shalt  }
0x60: {  	_ =	shalt  }
0x61: {  	_ =	shalt  }
0x62: {  	_ =	shalt  }
0x63: {  	_ =	shalt  }
0x64: {  	_ =	shalt  }
0x65: {  	_ =	shalt  }
0x66: {  	_ =	shalt  }
0x67: {  	_ =	shalt  }
0x68: {  	_ =	shalt  }
0x69: {  	_ =	shalt  }
0x6a: {  	_ =	shalt  }
0x6b: {  	_ =	shalt  }
0x6c: {  	_ =	shalt  }
0x6d: {  	_ =	shalt  }
0x6e: {  	_ =	shalt  }
0x6f: {  	_ =	shalt  }
0x70: {  	_ =	shalt  }
0x71: {  	_ =	shalt  }
0x72: {  	_ =	shalt  }
0x73: {  	_ =	shalt  }
0x74: {  	_ =	shalt  }
0x75: {  	_ =	shalt  }
0x76: {  	_ =	shalt  }
0x77: {  	_ =	shalt  }
0x78: {  	_ =	shalt  }
0x79: {  	_ =	shalt  }
0x7a: {  	_ =	shalt  }
0x7b: {  	_ =	shalt  }
0x7c: {  	_ =	shalt  }
0x7d: {  	_ =	shalt  }
0x7e: {  	_ =	shalt  }
0x7f: {  	_ =	shalt  }
0x80: {  	_ =	shalt  }
0x81: {  	_ =	shalt  }
0x82: {  	_ =	shalt  }
0x83: {  	_ =	shalt  }
0x84: {  	_ =	shalt  }
0x85: {  	_ =	shalt  }
0x86: {  	_ =	shalt  }
0x87: {  	_ =	shalt  }
.Lfunc_end0:
.L_simem_size_0:
called_computation.2_lowered:
.L_overlay_start_0:
0x88: {  	s2 =	sld [smem:$0x3FD9]  }
0x89: {  	s3 =	sld [smem:$0x3FFE];
	_ =	sdelay $0x1  }
0x8a: {  	s1 =	srdreg.scid  }
0x8b: {  	s0 =	sand.u32 $0x1, s1  }
0x8c: {  	s14 =	sshll.u32 s0, $0xA;
	s2 =	sadd.s32 s3, s2  }
0x8d: {  	s2 =	sadd.s32 s2, s14  }
0x8e: {  	[smem:$0x3FC2] =	sst s2  }
0x8f: {  	_ = 	snop  }
0x90: {  	s2 =	sld [smem:$0x3FD0];
	_ =	sdelay $0x2  }
0x91: {  	s15 =	simm.s32 $0xA;
	s4 =	simm.s32 $0x10  }
0x92: {  	[smem:s4], [sflag:s15] =	dma.local [hbm:s2], $0x1  }
0x93: {  	_ =	swait.eq [sflag:s15], $0x1  }
0x94: {  	[sflag:s15] =	ssyncset.done $0x0  }
0x95: {  	[sflag:s15] =	ssyncadd.s32 $0xFFFFFFFF  }
0x96: {  	s16 =	sld [smem:$0x11];
	(tm) =	ssettm $0x1  }
0x97: {  	s17 =	sld [smem:$0x3FFB];
	_ =	sdelay $0x3  }
0x98: {  	_ =	strace s17  }
0x99: {  	s3 =	sld [smem:$0x3FFC];
	_ =	sdelay $0x3  }
0x9a: {  	_ =	strace s3  }
0x9b: {  	s3 =	sld [smem:$0x3FFD];
	_ =	sdelay $0x3  }
0x9c: {  	_ =	strace s3  }
0x9d: {  	_ =	strace $0x8FFFFFFF  }
0x9e: {  	s18 =	sld [smem:$0x3FDB];
	_ =	sdelay $0x1  }
0x9f: {  	s19 =	simm.s32 $_scs_section_size  }
0xa0: {  	s5 =	simm.s32 $_size__tile_overlayer_lowered;
	s6 =	simm.s32 $_tile_overlayer_lowered  }
0xa1: {  	s22 =	simm.s32 $0x1BFF;
	s21 =	sshll.u32 s6, $0x1;
	s3 =	sadd.s32 s19, s18  }
0xa2: {  	s7 =	simm.s32 $0x0;
	s20 =	sshll.u32 s5, $0x1;
	s5 =	sadd.s32 s21, s3  }
0xa3: {  	[timem:s7], [sflag:s22] =	dma.local [hbm:s5], s20  }
0xa4: {  	_ =	swait.ge [sflag:s22], s20  }
0xa5: {  	s4 =	ssub.s32 $0x0, s20;
	[sflag:s22] =	ssyncset.done $0x0  }
0xa6: {  	[sflag:s22] =	ssyncadd.s32 s4;
	_ =	sdelay $0x1  }
0xa7: {  	s23 =	simm.s32 $0x1B8B  }
0xa8: {  	_ =	swait.ge [sflag:s23], $0x1  }
0xa9: {  	[sflag:s23] =	ssyncset.done $0x0  }
0xaa: {  	s25 =	simm.s32 $0x1B8E;
	s24 =	sld [smem:$0x3FFE];
	[sflag:s23] =	ssyncadd.s32 $0xFFFFFFFF  }
0xab: {  	s26 =	simm.s32 $execute0_lowered;
	[smem:$0x3FD2] =	sst s25  }
0xac: {  	s5 =	sshll.u32 s26, $0x1;
	_ =	strace $0x8000004C;
	[dreg:$0x1] =	wrdreg $0xFFFFFFFF  }
0xad: {  	s28 =	simm.s32 $_size_execute0_lowered;
	s3 =	sadd.s32 s3, s5;
	[dreg:$0x0] =	wrdreg $0x0  }
0xae: {  	s5 =	sshll.u32 s28, $0x1;
	[dreg:$0x2] =	wrdreg s3  }
0xaf: {  	[dreg:$0x3] =	wrdreg s5  }
0xb0: {  	[dreg:$0x4] =	wrdreg $0xC0  }
0xb1: {  	_ =	task [dreg:s7], $0x5FFFF  }
0xb2: {  	[dreg:$0x1] =	wrdreg $0xFFFFFFFF  }
0xb3: {  	[dreg:$0x0] =	wrdreg $0x60  }
0xb4: {  	[dreg:$0x2] =	wrdreg s16  }
0xb5: {  	[dreg:$0x3] =	wrdreg s24  }
0xb6: {  	[dreg:$0x4] =	wrdreg $0x68000  }
0xb7: {  	[dreg:$0x5] =	wrdreg $0x9  }
0xb8: {  	_ =	task.clear_ibuf [dreg:s7], $0x6FFFF;
	_ =	strace $0x9000004C  }
0xb9: {  	s29 =	simm.s32 $0x9;
	_ =	strace $0x8000004E  }
0xba: {  	_ =	swait.ge [sflag:s29], $0x1  }
0xbb: {  	[sflag:s29] =	ssyncadd.s32 $0xFFFFFFFF  }
0xbc: {  	_ =	strace $0x9000004E  }
0xbd: {  	_ =	sfence  }
0xbe: {  	s30 =	sld [smem:$0x0];
	_ =	sdelay $0x2  }
0xbf: {  	s31 =	sshll.u32 s1, $0xD;
	s1 =	sshrl.u32 s1, $0x2  }
0xc0: {  	s3 =	sand.u32 $0x4000, s31;
	s1 =	sadd.s32 s1, s30  }
0xc1: {  	s0 =	sor.u32 s3, s0;
	s1 =	sshll.u32 s1, $0x11  }
0xc2: {  	s0 =	sor.u32 s1, s0  }
0xc3: {  	s0 =	sadd.s32 $0x8F2B, s0  }
0xc4: {  	[sflag:s0] =	ssyncadd.remote.s32 $0x1  }
0xc5: {  	_ =	sfence.sel $0xFFFF  }
0xc6: {  	[dreg:$0x0] =	wrdreg $0xFFFFFFFF;
	(pc) =	sbr.abs _section_cstart, $3  }
0xc7: {  	[dreg:$0x1] =	wrdreg $0xFFFFFFFF  }
0xc8: {  	_ =	task.clear_ibuf [dreg:s7], $0x2FFFF;
	_ =	strace $0x9FFFFFFF  }
0xc9: {  	(tm) =	ssettm $0x7FFFFFFF  }
tec
execute0_lowered:
.L_overlay_start_1:
0x0: {  	(tag) =	ssettag $0x1  }
0x1: {  	s0 =	rddreg [dreg:$0x0]  }
0x2: {  	s2 =	rddreg [dreg:$0x1]  }
0x3: {  	s1 =	rddreg [dreg:$0x2];
	s12 =	stileid.u32  }
0x4: {  	s3 =	srdreg.scid;
	s6 =	smul.u32 $0x7800, s12  }
0x5: {  	s13 =	simm.s32 $0x0;
	s3 =	sand.u32 $0x1, s3;
	s5 =	smul.u32 $0xA0, s12  }
0x6: {  	[smem:$0x7FF] =	sst s13;
	s9 =	ssub.s32 $0x2, s3;
	s10 =	smul.u32 $0x78, s3  }
0x7: {  	s7 =	sadd.s32 $0x2A00, s2;
	s20 =	smul.u32 $0x1E000, s12;
	s11 =	sshrl.u32 s9, $0x1  }
0x8: {  	_ =	strace $0x8000004D;
	s28 =	ssub.s32 s9, s11;
	s29 =	sadd.s32 s10, s5  }
0x9: {  	p0 =	seq.s32 s3, $0x0;
	s9 =	sshll.u32 s29, $0x4;
	s24 =	smax.u32 s28, $0x1  }
0xa: {  	s5 =	simm.s32 $0x78;
	s30 =	sadd.s32 s0, s9;
	[dreg:$0x11] =	wrdreg s24  }
0xb: {  	s5 =	simm.s32 @!p0 $0x28;
	s14 =	sadd.s32 s7, s9;
	[dreg:$0x7] =	wrdreg s30  }
0xc: {  	s4 =	smul.u32 $0x78000, s3;
	s19 =	sadd.s32 $0xFFFFFFFE, s5;
	[dreg:$0x8] =	wrdreg s14  }
0xd: {  	s31 =	sor.u32 $0x10, s9;
	s21 =	sadd.s32 $0xFFFFFFFF, s5;
	[dreg:$0x4] =	wrdreg s19  }
0xe: {  	s8 =	sadd.s32 s6, s4;
	s15 =	sadd.s32 s0, s31;
	[dreg:$0x5] =	wrdreg s21  }
0xf: {  	s16 =	sor.u32 $0x20, s9;
	s10 =	sadd.s32 s7, s31;
	[dreg:$0x9] =	wrdreg s15  }
0x10: {  	s4 =	sadd.s32 $0xCA00, s2;
	s17 =	sadd.s32 s0, s16;
	[dreg:$0xa] =	wrdreg s10  }
0x11: {  	s9 =	sor.u32 $0x30, s9;
	s18 =	sadd.s32 s7, s16;
	[dreg:$0xb] =	wrdreg s17  }
0x12: {  	s8 =	sshrl.u32 s8, $0x3;
	s14 =	sadd.s32 s0, s9;
	[dreg:$0xc] =	wrdreg s18  }
0x13: {  	s2 =	sadd.s32 s8, s2;
	s9 =	sadd.s32 s7, s9;
	[dreg:$0xd] =	wrdreg s14  }
0x14: {  	s23 =	sadd.s32 s6, s1;
	s2 =	sadd.s32 $0x1BA00, s2;
	[dreg:$0xe] =	wrdreg s9  }
0x15: {  	s22 =	sshrl.u32 s20, $0x2;
	s31 =	sshrl.u32 s23, $0x3;
	[dreg:$0xf] =	wrdreg s2  }
0x16: {  	s26 =	smul.u32 $0xA00, s12;
	s9 =	sadd.s32 s22, s1;
	[dreg:$0x16] =	wrdreg s31  }
0x17: {  	s3 =	smul.u32 $0x780, s3;
	s25 =	sadd.s32 $0x1800, s9;
	[dreg:$0x10] =	wrdreg s9  }
0x18: {  	s6 =	simm.s32 $0x11;
	s28 =	sadd.s32 $0x3000, s9;
	[dreg:$0x12] =	wrdreg s25  }
0x19: {  	s7 =	sadd.s32 s26, s7;
	s29 =	sadd.s32 $0x4800, s9;
	[dreg:$0x13] =	wrdreg s28  }
0x1a: {  	s0 =	sadd.s32 s26, s0;
	s30 =	sadd.s32 $0x6000, s9;
	[dreg:$0x14] =	wrdreg s29  }
0x1b: {  	v0 =	vimm.f32 $0.0e+00;
	s21 =	sadd.s32 s3, s7;
	s22 =	sadd.s32 s3, s0;
	[dreg:$0x15] =	wrdreg s30  }
.LBB2_1:
0x1c: {  	[dreg:$0x6] =	wrdreg s13;
	s0 =	simm.s32 $0xC0;
	s2 =	simm.s32 $0x0  }
.LBB2_2:
0x1d: {  	p0 =	sne.s32 s0, $0x5F40;
	[tilespmem:s2+$0x820] =	vst v0;
	s3 =	smov.u32 s0;
	s0 =	sadd.s32 $0xC0, s0  }
.Ltmp0:
0x1e: {  	[tilespmem:s2+$0x800] =	vst v0;
	(pc) =	sbr.rel @p0 .LBB2_2-.Ltmp0, $2  }
0x1f: {  	[tilespmem:s2+$0x810] =	vst v0;
	_ =	sdelay $0x2  }
0x20: {  	s2 =	sshra.s32 s3, $0x2  }
0x21: {  	[tilespmem:s2+$0x820] =	vst v0  }
0x22: {  	[tilespmem:s2+$0x800] =	vst v0  }
0x23: {  	[tilespmem:s2+$0x810] =	vst v0;
	s0 =	rddreg [dreg:$0x10];
	s3 =	simm.s32 $0x800  }
0x24: {  	[spmem:s0] =	stream.linear.scatter [tilespmem:s3], [sflag:$0x11], $0x1800, $0x38;
	[tilespmem:$0xE000] =	vst v63  }
0x25: {  	_ =	swait.ge [sflag:s6], $0x1800  }
0x26: {  	[sflag:s6] =	ssyncset.done $0x0  }
0x27: {  	s25 =	rddreg [dreg:$0x12];
	[sflag:s6] =	ssyncadd.s32 $0xFFFFE800  }
0x28: {  	[spmem:s25] =	stream.linear.scatter [tilespmem:s3], [sflag:$0x11], $0x1800, $0x38;
	[tilespmem:$0xE000] =	vst v63  }
0x29: {  	_ =	swait.ge [sflag:s6], $0x1800  }
0x2a: {  	[sflag:s6] =	ssyncset.done $0x0  }
0x2b: {  	s26 =	rddreg [dreg:$0x13];
	[sflag:s6] =	ssyncadd.s32 $0xFFFFE800  }
0x2c: {  	[spmem:s26] =	stream.linear.scatter [tilespmem:s3], [sflag:$0x11], $0x1800, $0x38;
	[tilespmem:$0xE000] =	vst v63  }
0x2d: {  	_ =	swait.ge [sflag:s6], $0x1800  }
0x2e: {  	[sflag:s6] =	ssyncset.done $0x0  }
0x2f: {  	s29 =	rddreg [dreg:$0x14];
	[sflag:s6] =	ssyncadd.s32 $0xFFFFE800  }
0x30: {  	[spmem:s29] =	stream.linear.scatter [tilespmem:s3], [sflag:$0x11], $0x1800, $0x38;
	[tilespmem:$0xE000] =	vst v63  }
0x31: {  	_ =	swait.ge [sflag:s6], $0x1800  }
0x32: {  	[sflag:s6] =	ssyncset.done $0x0  }
0x33: {  	s2 =	rddreg [dreg:$0x15];
	[sflag:s6] =	ssyncadd.s32 $0xFFFFE800  }
0x34: {  	[spmem:s2] =	stream.linear.scatter [tilespmem:s3], [sflag:$0x11], $0x1800, $0x38;
	[tilespmem:$0xE000] =	vst v63  }
0x35: {  	_ =	swait.ge [sflag:s6], $0x1800  }
0x36: {  	[sflag:s6] =	ssyncset.done $0x0  }
0x37: {  	[sflag:s6] =	ssyncadd.s32 $0xFFFFE800  }
0x38: {  	[bflag:$0x0] =	sbarrier.arrive $0xFFFF  }
0x39: {  	s2 =	simm.s32 $0x0;
	s7 =	rddreg [dreg:$0x7]  }
0x3a: {  	[tilespmem:s2], [sflag:$0x9] =	stream.linear.gather [hbm4b:s7+s2], $0x80, $0x38;
	[tilespmem:$0xE000] =	vst v63  }
0x3b: {  	s9 =	simm.s32 $0x400;
	s8 =	rddreg [dreg:$0x8]  }
0x3c: {  	[tilespmem:s9], [sflag:$0x9] =	stream.linear.gather [hbm4b:s8+s2], $0x80, $0x38;
	[tilespmem:$0xE000] =	vst v63  }
0x3d: {  	s11 =	simm.s32 $0x80;
	s10 =	rddreg [dreg:$0x9]  }
0x3e: {  	[tilespmem:s11], [sflag:$0xA] =	stream.linear.gather [hbm4b:s10+s2], $0x80, $0x38;
	[tilespmem:$0xE000] =	vst v63  }
0x3f: {  	s12 =	rddreg [dreg:$0xa];
	s7 =	simm.s32 $0x480  }
0x40: {  	[tilespmem:s7], [sflag:$0xA] =	stream.linear.gather [hbm4b:s12+s2], $0x80, $0x38;
	[tilespmem:$0xE000] =	vst v63  }
0x41: {  	s14 =	simm.s32 $0x100;
	s13 =	rddreg [dreg:$0xb]  }
0x42: {  	[tilespmem:s14], [sflag:$0xB] =	stream.linear.gather [hbm4b:s13+s2], $0x80, $0x38;
	[tilespmem:$0xE000] =	vst v63  }
0x43: {  	s16 =	simm.s32 $0x500;
	s15 =	rddreg [dreg:$0xc]  }
0x44: {  	[tilespmem:s16], [sflag:$0xB] =	stream.linear.gather [hbm4b:s15+s2], $0x80, $0x38;
	[tilespmem:$0xE000] =	vst v63  }
0x45: {  	s18 =	simm.s32 $0x180;
	s17 =	rddreg [dreg:$0xd]  }
0x46: {  	[tilespmem:s18], [sflag:$0xC] =	stream.linear.gather [hbm4b:s17+s2], $0x80, $0x38;
	[tilespmem:$0xE000] =	vst v63  }
0x47: {  	s20 =	simm.s32 $0x580;
	s23 =	simm.s32 $0x9;
	s19 =	rddreg [dreg:$0xe]  }
0x48: {  	[tilespmem:s20], [sflag:$0xC] =	stream.linear.gather [hbm4b:s19+s2], $0x80, $0x38;
	[tilespmem:$0xE000] =	vst v63  }
0x49: {  	_ =	swait.ge [sflag:s23], $0x80  }
0x4a: {  	[sflag:s23] =	ssyncset.done $0x0  }
0x4b: {  	[sflag:s23] =	ssyncadd.s32 $0xFFFFFF80  }
0x4c: {  	_ =	swait.ge [sflag:s23], $0x80  }
0x4d: {  	[sflag:s23] =	ssyncset.done $0x0  }
0x4e: {  	s24 =	simm.s32 $0xA;
	[sflag:s23] =	ssyncadd.s32 $0xFFFFFF80  }
0x4f: {  	[tilespmem:s3], [sflag:$0x1] =	stream.indirect.gather [hbm4b:s4+s11], $0x30, s2, s11, $0xb8;
	[tilespmem:$0xE000] =	vst v63  }
0x50: {  	_ =	swait.ge [sflag:s24], $0x80  }
0x51: {  	[sflag:s24] =	ssyncset.done $0x0  }
0x52: {  	p0 =	por $0x1, $0x1;
	[sflag:s24] =	ssyncadd.s32 $0xFFFFFF80  }
0x53: {  	p1 =	slt.u32 @!p0 s5, $0x0;
	_ =	swait.ge [sflag:s24], $0x80  }
0x54: {  	p1 =	por p1, p0;
	[sflag:s24] =	ssyncset.done $0x0  }
0x55: {  	s0 =	simm.s32 @!p1 $0x8;
	s25 =	simm.s32 $0x2000;
	[sflag:s24] =	ssyncadd.s32 $0xFFFFFF80  }
0x56: {  	[tilespmem:s25], [sflag:$0x2] =	stream.indirect.gather [hbm4b:s4+s11], $0x30, s11, s11, $0xb8;
	[tilespmem:$0xE000] =	vst v63  }
0x57: {  	_ =	swait.ge @!p1 [sflag:s0], $0x1800  }
0x58: {  	p0 =	sle.u32 s5, $0x0;
	[sflag:s0] =	ssyncset.done @!p1 $0x0  }
0x59: {  	[sflag:s0] =	ssyncadd.s32 @!p1 $0xFFFFE800;
	s0 =	simm.s32 @!p0 $0x1  }
0x5a: {  	s8 =	simm.s32 @!p0 $0x400;
	_ =	swait.ge @!p0 [sflag:s0], $0x1800  }
0x5b: {  	s7 =	simm.s32 @!p0 $0x800;
	[sflag:s0] =	ssyncset.done @!p0 $0x0;
	s26 =	rddreg [dreg:$0x4]  }
0x5c: {  	s3 =	simm.s32 @!p0 $0x80;
	[sflag:s0] =	ssyncadd.s32 @!p0 $0xFFFFE800;
	p2 =	sle.u32 s26, $0x0  }
0x5d: {  	[spmem:s1] =	stream.indirect.scatter.add.f32 @!p0 [tilespmem:s7], [sflag:$0x5], $0x30, s8, s3, $0xb8;
	[tilespmem:$0xE000] =	vst v63  }
0x5e: {  	s0 =	simm.s32 @!p2 $0xB  }
0x5f: {  	_ =	swait.ge @!p2 [sflag:s0], $0x80  }
0x60: {  	[sflag:s0] =	ssyncset.done @!p2 $0x0  }
0x61: {  	p1 =	sle.u32 s5, $0x4;
	[sflag:s0] =	ssyncadd.s32 @!p2 $0xFFFFFF80  }
0x62: {  	s6 =	simm.s32 @!p1 $0x200;
	_ =	swait.ge @!p2 [sflag:s0], $0x80  }
0x63: {  	s3 =	sadd.s32 @!p1 $0x0, s22;
	s8 =	simm.s32 @!p2 $0x3800;
	[sflag:s0] =	ssyncset.done @!p2 $0x0  }
0x64: {  	s10 =	simm.s32 @!p2 $0x80;
	[sflag:s0] =	ssyncadd.s32 @!p2 $0xFFFFFF80;
	s0 =	simm.s32 @!p2 $0x100  }
0x65: {  	[tilespmem:s8], [sflag:$0x3] =	stream.indirect.gather @!p2 [hbm4b:s4+s10], $0x30, s0, s10, $0xb8;
	[tilespmem:$0xE000] =	vst v63  }
0x66: {  	s7 =	sadd.s32 @!p1 $0x0, s21;
	s0 =	sadd.s32 @!p1 $0x40, s3;
	s3 =	simm.s32 @!p1 $0x0  }
0x67: {  	[tilespmem:s6], [sflag:$0xD] =	stream.linear.gather @!p1 [hbm4b:s0+s3], $0x80, $0x38;
	[tilespmem:$0xE000] =	vst v63  }
0x68: {  	s9 =	simm.s32 @!p0 $0x5;
	s7 =	sadd.s32 @!p1 $0x40, s7;
	s0 =	simm.s32 @!p1 $0x600  }
0x69: {  	[tilespmem:s0], [sflag:$0xD] =	stream.linear.gather @!p1 [hbm4b:s7+s3], $0x80, $0x38;
	[tilespmem:$0xE000] =	vst v63  }
0x6a: {  	_ =	swait.ge @!p0 [sflag:s9], $0x1800  }
0x6b: {  	s29 =	rddreg [dreg:$0x5]  }
0x6c: {  	[sflag:s9] =	ssyncset.done @!p0 $0x0;
	p4 =	sle.u32 s29, $0x0  }
0x6d: {  	[sflag:s9] =	ssyncadd.s32 @!p0 $0xFFFFE800;
	s3 =	simm.s32 @!p4 $0x2  }
0x6e: {  	p3 =	sle.u32 s5, $0x3;
	_ =	swait.ge @!p4 [sflag:s3], $0x1800  }
0x6f: {  	s7 =	simm.s32 @!p4 $0x2000;
	s9 =	simm.s32 @!p4 $0x80;
	[sflag:s3] =	ssyncset.done @!p4 $0x0  }
0x70: {  	s11 =	simm.s32 @!p4 $0x480;
	[sflag:s3] =	ssyncadd.s32 @!p4 $0xFFFFE800;
	s3 =	simm.s32 @!p3 $0xC  }
0x71: {  	[spmem:s1] =	stream.indirect.scatter.add.f32 @!p4 [tilespmem:s7], [sflag:$0x6], $0x30, s11, s9, $0xb8;
	[tilespmem:$0xE000] =	vst v63  }
0x72: {  	_ =	swait.ge @!p3 [sflag:s3], $0x80  }
0x73: {  	[sflag:s3] =	ssyncset.done @!p3 $0x0  }
0x74: {  	[sflag:s3] =	ssyncadd.s32 @!p3 $0xFFFFFF80  }
0x75: {  	s12 =	simm.s32 @!p3 $0x5000;
	p4 =	sle.u32 s5, $0x5;
	_ =	swait.ge @!p3 [sflag:s3], $0x80  }
0x76: {  	s11 =	simm.s32 @!p3 $0x180;
	s7 =	sadd.s32 @!p4 $0x0, s22;
	[sflag:s3] =	ssyncset.done @!p3 $0x0  }
0x77: {  	s9 =	sadd.s32 @!p4 $0x0, s21;
	[sflag:s3] =	ssyncadd.s32 @!p3 $0xFFFFFF80;
	s3 =	simm.s32 @!p3 $0x80  }
0x78: {  	[tilespmem:s12], [sflag:$0x4] =	stream.indirect.gather @!p3 [hbm4b:s4+s3], $0x30, s11, s3, $0xb8;
	[tilespmem:$0xE000] =	vst v63  }
0x79: {  	s13 =	simm.s32 @!p4 $0x0;
	s7 =	sadd.s32 @!p4 $0x50, s7;
	s11 =	simm.s32 @!p4 $0x280  }
0x7a: {  	[tilespmem:s11], [sflag:$0xE] =	stream.linear.gather @!p4 [hbm4b:s7+s13], $0x80, $0x38;
	[tilespmem:$0xE000] =	vst v63  }
0x7b: {  	s14 =	simm.s32 @!p0 $0x6;
	s7 =	sadd.s32 @!p4 $0x50, s9;
	s9 =	simm.s32 @!p4 $0x680  }
0x7c: {  	[tilespmem:s9], [sflag:$0xE] =	stream.linear.gather @!p4 [hbm4b:s7+s13], $0x80, $0x38;
	[tilespmem:$0xE000] =	vst v63  }
0x7d: {  	_ =	swait.ge @!p0 [sflag:s14], $0x1800  }
0x7e: {  	[sflag:s14] =	ssyncset.done @!p0 $0x0  }
0x7f: {  	s7 =	simm.s32 @!p2 $0x3;
	[sflag:s14] =	ssyncadd.s32 @!p0 $0xFFFFE800  }
0x80: {  	_ =	swait.ge @!p2 [sflag:s7], $0x1800  }
0x81: {  	[sflag:s7] =	ssyncset.done @!p2 $0x0  }
0x82: {  	s13 =	simm.s32 @!p1 $0xD;
	[sflag:s7] =	ssyncadd.s32 @!p2 $0xFFFFE800;
	s7 =	simm.s32 @!p2 $0x500  }
0x83: {  	[spmem:s1] =	stream.indirect.scatter.add.f32 @!p2 [tilespmem:s8], [sflag:$0x7], $0x30, s7, s10, $0xb8;
	[tilespmem:$0xE000] =	vst v63  }
0x84: {  	_ =	swait.ge @!p1 [sflag:s13], $0x80  }
0x85: {  	[sflag:s13] =	ssyncset.done @!p1 $0x0  }
0x86: {  	[sflag:s13] =	ssyncadd.s32 @!p1 $0xFFFFFF80  }
0x87: {  	p5 =	slt.u32 s5, $0x3;
	s14 =	simm.s32 @!p1 $0x800;
	_ =	swait.ge @!p1 [sflag:s13], $0x80  }
0x88: {  	p2 =	sle.u32 s5, $0x6;
	s10 =	simm.s32 @!p1 $0x80;
	[sflag:s13] =	ssyncset.done @!p1 $0x0  }
0x89: {  	s7 =	sadd.s32 @!p2 $0x0, s22;
	s8 =	sadd.s32 @!p2 $0x0, s21;
	[sflag:s13] =	ssyncadd.s32 @!p1 $0xFFFFFF80  }
0x8a: {  	[tilespmem:s14], [sflag:$0x1] =	stream.indirect.gather @!p1 [hbm4b:s4+s10], $0x30, s6, s10, $0xb8;
	[tilespmem:$0xE000] =	vst v63  }
0x8b: {  	s15 =	simm.s32 @!p2 $0x300;
	s7 =	sadd.s32 @!p2 $0x60, s7;
	s6 =	simm.s32 @!p2 $0x0  }
0x8c: {  	[tilespmem:s15], [sflag:$0xF] =	stream.linear.gather @!p2 [hbm4b:s7+s6], $0x80, $0x38;
	[tilespmem:$0xE000] =	vst v63  }
0x8d: {  	s13 =	simm.s32 @!p2 $0x700;
	s7 =	sadd.s32 @!p2 $0x60, s8;
	s8 =	simm.s32 @!p5 $0x7  }
0x8e: {  	[tilespmem:s13], [sflag:$0xF] =	stream.linear.gather @!p2 [hbm4b:s7+s6], $0x80, $0x38;
	[tilespmem:$0xE000] =	vst v63  }
0x8f: {  	_ =	swait.ge @!p5 [sflag:s8], $0x1800  }
0x90: {  	[sflag:s8] =	ssyncset.done @!p5 $0x0  }
0x91: {  	s6 =	simm.s32 @!p3 $0x4;
	[sflag:s8] =	ssyncadd.s32 @!p5 $0xFFFFE800  }
0x92: {  	_ =	swait.ge @!p3 [sflag:s6], $0x1800  }
0x93: {  	[sflag:s6] =	ssyncset.done @!p3 $0x0  }
0x94: {  	s7 =	simm.s32 @!p4 $0xE;
	[sflag:s6] =	ssyncadd.s32 @!p3 $0xFFFFE800;
	s6 =	simm.s32 @!p3 $0x580  }
0x95: {  	[spmem:s1] =	stream.indirect.scatter.add.f32 @!p3 [tilespmem:s12], [sflag:$0x8], $0x30, s6, s3, $0xb8;
	[tilespmem:$0xE000] =	vst v63  }
0x96: {  	_ =	swait.ge @!p4 [sflag:s7], $0x80  }
0x97: {  	[sflag:s7] =	ssyncset.done @!p4 $0x0  }
0x98: {  	[sflag:s7] =	ssyncadd.s32 @!p4 $0xFFFFFF80  }
0x99: {  	s18 =	simm.s32 @!p4 $0x80;
	_ =	swait.ge @!p4 [sflag:s7], $0x80  }
0x9a: {  	s23 =	simm.s32 @!p4 $0x2000;
	p3 =	sle.u32 s5, $0x7;
	[sflag:s7] =	ssyncset.done @!p4 $0x0  }
0x9b: {  	s3 =	sadd.s32 @!p3 $0x0, s22;
	s6 =	sadd.s32 @!p3 $0x0, s21;
	[sflag:s7] =	ssyncadd.s32 @!p4 $0xFFFFFF80  }
0x9c: {  	[tilespmem:s23], [sflag:$0x2] =	stream.indirect.gather @!p4 [hbm4b:s4+s18], $0x30, s11, s18, $0xb8;
	[tilespmem:$0xE000] =	vst v63  }
0x9d: {  	s16 =	simm.s32 @!p3 $0x380;
	s3 =	sadd.s32 @!p3 $0x70, s3;
	s7 =	simm.s32 @!p3 $0x0  }
0x9e: {  	[tilespmem:s16], [sflag:$0x10] =	stream.linear.gather @!p3 [hbm4b:s3+s7], $0x80, $0x38;
	[tilespmem:$0xE000] =	vst v63  }
0x9f: {  	s12 =	simm.s32 @!p3 $0x780;
	s3 =	sadd.s32 @!p3 $0x70, s6;
	s6 =	simm.s32 @!p0 $0x8  }
0xa0: {  	[tilespmem:s12], [sflag:$0x10] =	stream.linear.gather @!p3 [hbm4b:s3+s7], $0x80, $0x38;
	[tilespmem:$0xE000] =	vst v63  }
0xa1: {  	_ =	swait.ge @!p0 [sflag:s6], $0x1800  }
0xa2: {  	[sflag:s6] =	ssyncset.done @!p0 $0x0  }
0xa3: {  	s3 =	simm.s32 @!p1 $0x1;
	[sflag:s6] =	ssyncadd.s32 @!p0 $0xFFFFE800  }
0xa4: {  	_ =	swait.ge @!p1 [sflag:s3], $0x1800  }
0xa5: {  	[sflag:s3] =	ssyncset.done @!p1 $0x0  }
0xa6: {  	[sflag:s3] =	ssyncadd.s32 @!p1 $0xFFFFE800;
	s3 =	simm.s32 @!p2 $0xF  }
0xa7: {  	[spmem:s1] =	stream.indirect.scatter.add.f32 @!p1 [tilespmem:s14], [sflag:$0x5], $0x30, s0, s10, $0xb8;
	[tilespmem:$0xE000] =	vst v63  }
0xa8: {  	_ =	swait.ge @!p2 [sflag:s3], $0x80  }
0xa9: {  	[sflag:s3] =	ssyncset.done @!p2 $0x0  }
0xaa: {  	[sflag:s3] =	ssyncadd.s32 @!p2 $0xFFFFFF80  }
0xab: {  	s19 =	simm.s32 @!p2 $0x80;
	_ =	swait.ge @!p2 [sflag:s3], $0x80  }
0xac: {  	s20 =	simm.s32 @!p2 $0x3800;
	p1 =	sle.u32 s5, $0x8;
	[sflag:s3] =	ssyncset.done @!p2 $0x0  }
0xad: {  	p0 =	slt.u32 s5, $0x5;
	s0 =	sadd.s32 @!p1 $0x0, s22;
	[sflag:s3] =	ssyncadd.s32 @!p2 $0xFFFFFF80  }
0xae: {  	[tilespmem:s20], [sflag:$0x3] =	stream.indirect.gather @!p2 [hbm4b:s4+s19], $0x30, s15, s19, $0xb8;
	[tilespmem:$0xE000] =	vst v63  }
0xaf: {  	s17 =	simm.s32 @!p1 $0x0;
	s0 =	sadd.s32 @!p1 $0x80, s0;
	s3 =	sadd.s32 @!p1 $0x0, s21  }
0xb0: {  	[tilespmem:s17], [sflag:$0x9] =	stream.linear.gather @!p1 [hbm4b:s0+s17], $0x80, $0x38;
	[tilespmem:$0xE000] =	vst v63  }
0xb1: {  	s6 =	simm.s32 @!p1 $0x400;
	s0 =	sadd.s32 @!p1 $0x80, s3;
	s3 =	simm.s32 @!p0 $0x5  }
0xb2: {  	[tilespmem:s6], [sflag:$0x9] =	stream.linear.gather @!p1 [hbm4b:s0+s17], $0x80, $0x38;
	[tilespmem:$0xE000] =	vst v63  }
0xb3: {  	_ =	swait.ge @!p0 [sflag:s3], $0x1800  }
0xb4: {  	s31 =	simm.s32 $0x11;
	s26 =	simm.s32 $0x8;
	[sflag:s3] =	ssyncset.done @!p0 $0x0  }
0xb5: {  	s8 =	simm.s32 $0x7;
	s14 =	simm.s32 @!p4 $0x2;
	[sflag:s3] =	ssyncadd.s32 @!p0 $0xFFFFE800  }
0xb6: {  	p5 =	slt.u32 s5, $0x6;
	s25 =	simm.s32 @!p3 $0x5000;
	_ =	swait.ge @!p4 [sflag:s14], $0x1800  }
0xb7: {  	s11 =	simm.s32 $0xF;
	s7 =	simm.s32 $0x13;
	[sflag:s14] =	ssyncset.done @!p4 $0x0  }
0xb8: {  	s10 =	simm.s32 $0x100;
	s15 =	simm.s32 @!p3 $0x10;
	[sflag:s14] =	ssyncadd.s32 @!p4 $0xFFFFE800  }
0xb9: {  	[spmem:s1] =	stream.indirect.scatter.add.f32 @!p4 [tilespmem:s23], [sflag:$0x6], $0x30, s9, s18, $0xb8;
	[tilespmem:$0xE000] =	vst v63  }
0xba: {  	s0 =	simm.s32 $0x80;
	s6 =	simm.s32 $0xB;
	_ =	swait.ge @!p3 [sflag:s15], $0x80  }
0xbb: {  	s14 =	simm.s32 @!p3 $0x80;
	p4 =	sle.u32 s5, $0x9;
	[sflag:s15] =	ssyncset.done @!p3 $0x0  }
0xbc: {  	s23 =	simm.s32 @!p5 $0x6;
	s3 =	sadd.s32 @!p4 $0x0, s22;
	[sflag:s15] =	ssyncadd.s32 @!p3 $0xFFFFFF80  }
0xbd: {  	s9 =	sadd.s32 @!p4 $0x0, s21;
	s18 =	simm.s32 @!p4 $0x80;
	_ =	swait.ge @!p3 [sflag:s15], $0x80  }
0xbe: {  	s30 =	sadd.s32 @!p4 $0x90, s3;
	s28 =	sadd.s32 @!p4 $0x90, s9;
	[sflag:s15] =	ssyncset.done @!p3 $0x0  }
0xbf: {  	s3 =	simm.s32 @!p4 $0x0;
	s9 =	simm.s32 $0x0;
	[sflag:s15] =	ssyncadd.s32 @!p3 $0xFFFFFF80  }
.LBB2_4:
0xc0: {  	[tilespmem:s25], [sflag:$0x4] =	stream.indirect.gather @!p3 [hbm4b:s4+s14], $0x30, s16, s14, $0xb8;
	[tilespmem:$0xE000] =	vst v63  }
0xc1: {  	_ = 	snop  }
0xc2: {  	[tilespmem:s18], [sflag:$0xA] =	stream.linear.gather @!p4 [hbm4b:s30+s3], $0x80, $0x38;
	[tilespmem:$0xE000] =	vst v63  }
0xc3: {  	s15 =	simm.s32 @!p4 $0x480  }
0xc4: {  	[tilespmem:s15], [sflag:$0xA] =	stream.linear.gather @!p4 [hbm4b:s28+s3], $0x80, $0x38;
	[tilespmem:$0xE000] =	vst v63  }
0xc5: {  	_ =	swait.ge @!p5 [sflag:s23], $0x1800  }
0xc6: {  	[sflag:s23] =	ssyncset.done @!p5 $0x0  }
0xc7: {  	s3 =	simm.s32 @!p2 $0x3;
	[sflag:s23] =	ssyncadd.s32 @!p5 $0xFFFFE800  }
0xc8: {  	_ =	swait.ge @!p2 [sflag:s3], $0x1800  }
0xc9: {  	[sflag:s3] =	ssyncset.done @!p2 $0x0  }
0xca: {  	s15 =	simm.s32 @!p1 $0x9;
	[sflag:s3] =	ssyncadd.s32 @!p2 $0xFFFFE800  }
0xcb: {  	[spmem:s1] =	stream.indirect.scatter.add.f32 @!p2 [tilespmem:s20], [sflag:$0x7], $0x30, s13, s19, $0xb8;
	[tilespmem:$0xE000] =	vst v63  }
0xcc: {  	_ =	swait.ge @!p1 [sflag:s15], $0x80  }
0xcd: {  	[sflag:s15] =	ssyncset.done @!p1 $0x0  }
0xce: {  	s19 =	sadd.s32 $0xA, s2;
	[sflag:s15] =	ssyncadd.s32 @!p1 $0xFFFFFF80  }
0xcf: {  	s3 =	simm.s32 @!p1 $0x80;
	p2 =	sge.u32 s19, s5;
	_ =	swait.ge @!p1 [sflag:s15], $0x80  }
0xd0: {  	s13 =	simm.s32 @!p1 $0x800;
	s19 =	sadd.s32 @!p2 s9, s22;
	[sflag:s15] =	ssyncset.done @!p1 $0x0  }
0xd1: {  	s20 =	sadd.s32 @!p2 s9, s21;
	s19 =	sadd.s32 @!p2 $0xA0, s19;
	[sflag:s15] =	ssyncadd.s32 @!p1 $0xFFFFFF80  }
0xd2: {  	[tilespmem:s13], [sflag:$0x1] =	stream.indirect.gather @!p1 [hbm4b:s4+s3], $0x30, s17, s3, $0xb8;
	[tilespmem:$0xE000] =	vst v63  }
0xd3: {  	s3 =	simm.s32 @!p2 $0x0;
	s13 =	simm.s32 @!p2 $0x100;
	p1 =	sgt.u32 s8, s5  }
0xd4: {  	[tilespmem:s13], [sflag:$0xB] =	stream.linear.gather @!p2 [hbm4b:s19+s3], $0x80, $0x38;
	[tilespmem:$0xE000] =	vst v63  }
0xd5: {  	s20 =	sadd.s32 @!p2 $0xA0, s20;
	s15 =	simm.s32 @!p1 $0x7;
	s13 =	simm.s32 @!p2 $0x500  }
0xd6: {  	[tilespmem:s13], [sflag:$0xB] =	stream.linear.gather @!p2 [hbm4b:s20+s3], $0x80, $0x38;
	[tilespmem:$0xE000] =	vst v63  }
0xd7: {  	_ =	swait.ge @!p1 [sflag:s15], $0x1800  }
0xd8: {  	[sflag:s15] =	ssyncset.done @!p1 $0x0  }
0xd9: {  	s3 =	simm.s32 @!p3 $0x4;
	[sflag:s15] =	ssyncadd.s32 @!p1 $0xFFFFE800  }
0xda: {  	_ =	swait.ge @!p3 [sflag:s3], $0x1800  }
0xdb: {  	[sflag:s3] =	ssyncset.done @!p3 $0x0  }
0xdc: {  	s13 =	simm.s32 @!p4 $0xA;
	[sflag:s3] =	ssyncadd.s32 @!p3 $0xFFFFE800  }
0xdd: {  	[spmem:s1] =	stream.indirect.scatter.add.f32 @!p3 [tilespmem:s25], [sflag:$0x8], $0x30, s12, s14, $0xb8;
	[tilespmem:$0xE000] =	vst v63  }
0xde: {  	_ =	swait.ge @!p4 [sflag:s13], $0x80  }
0xdf: {  	p2 =	seq.s32 s0, $0x0;
	[sflag:s13] =	ssyncset.done @!p4 $0x0  }
0xe0: {  	p1 =	sgt.u32 @!p2 s26, s5;
	[sflag:s13] =	ssyncadd.s32 @!p4 $0xFFFFFF80  }
0xe1: {  	p2 =	por p1, p2;
	p1 =	sge.u32 s6, s5;
	_ =	swait.ge @!p4 [sflag:s13], $0x80  }
0xe2: {  	s6 =	smov.u32 s7;
	s7 =	sadd.s32 @!p1 s9, s22;
	[sflag:s13] =	ssyncset.done @!p4 $0x0  }
0xe3: {  	s9 =	sadd.s32 @!p1 s9, s21;
	s12 =	simm.s32 @!p4 $0x2000;
	[sflag:s13] =	ssyncadd.s32 @!p4 $0xFFFFFF80  }
0xe4: {  	[tilespmem:s12], [sflag:$0x2] =	stream.indirect.gather @!p4 [hbm4b:s4+s18], $0x30, s18, s18, $0xb8;
	[tilespmem:$0xE000] =	vst v63  }
0xe5: {  	s7 =	sadd.s32 @!p1 $0xB0, s7;
	s13 =	simm.s32 @!p1 $0x180;
	s12 =	simm.s32 @!p1 $0x0  }
0xe6: {  	[tilespmem:s13], [sflag:$0xC] =	stream.linear.gather @!p1 [hbm4b:s7+s12], $0x80, $0x38;
	[tilespmem:$0xE000] =	vst v63  }
0xe7: {  	s3 =	simm.s32 @!p2 $0x8;
	s14 =	simm.s32 @!p1 $0x580;
	s13 =	sadd.s32 @!p1 $0xB0, s9  }
0xe8: {  	[tilespmem:s14], [sflag:$0xC] =	stream.linear.gather @!p1 [hbm4b:s13+s12], $0x80, $0x38;
	[tilespmem:$0xE000] =	vst v63  }
0xe9: {  	_ =	swait.ge @!p2 [sflag:s3], $0x1800  }
0xea: {  	p1 =	sge.u32 s26, s5;
	[sflag:s3] =	ssyncset.done @!p2 $0x0  }
0xeb: {  	[sflag:s3] =	ssyncadd.s32 @!p2 $0xFFFFE800;
	s3 =	simm.s32 @!p1 $0x1  }
0xec: {  	s20 =	sadd.s32 $0x4, s26;
	s12 =	simm.s32 @!p1 $0x80;
	_ =	swait.ge @!p1 [sflag:s3], $0x1800  }
0xed: {  	s13 =	simm.s32 @!p1 $0x800;
	[sflag:s3] =	ssyncset.done @!p1 $0x0;
	s23 =	rddreg [dreg:$0x4]  }
0xee: {  	s14 =	simm.s32 @!p1 $0x400;
	[sflag:s3] =	ssyncadd.s32 @!p1 $0xFFFFE800;
	p3 =	sge.u32 s26, s23  }
0xef: {  	[spmem:s1] =	stream.indirect.scatter.add.f32 @!p1 [tilespmem:s13], [sflag:$0x5], $0x30, s14, s12, $0xb8;
	[tilespmem:$0xE000] =	vst v63  }
0xf0: {  	s8 =	smov.u32 s11;
	p5 =	sge.u32 s20, s5;
	s3 =	simm.s32 @!p3 $0xB  }
0xf1: {  	s7 =	sadd.s32 $0x5, s26;
	s9 =	smov.u32 s0;
	_ =	swait.ge @!p3 [sflag:s3], $0x80  }
0xf2: {  	p4 =	sge.u32 s7, s5;
	s11 =	sadd.s32 @!p5 s9, s22;
	[sflag:s3] =	ssyncset.done @!p3 $0x0  }
0xf3: {  	s15 =	sadd.s32 @!p4 s9, s22;
	s17 =	sadd.s32 @!p4 s9, s21;
	[sflag:s3] =	ssyncadd.s32 @!p3 $0xFFFFFF80  }
0xf4: {  	s11 =	sadd.s32 @!p5 $0x40, s11;
	s18 =	sadd.s32 @!p4 $0x50, s15;
	_ =	swait.ge @!p3 [sflag:s3], $0x80  }
0xf5: {  	s12 =	sadd.s32 @!p5 s9, s21;
	s16 =	simm.s32 @!p3 $0x3800;
	[sflag:s3] =	ssyncset.done @!p3 $0x0  }
0xf6: {  	s20 =	simm.s32 @!p3 $0x80;
	[sflag:s3] =	ssyncadd.s32 @!p3 $0xFFFFFF80;
	s3 =	simm.s32 @!p3 $0x100  }
0xf7: {  	[tilespmem:s16], [sflag:$0x3] =	stream.indirect.gather @!p3 [hbm4b:s4+s20], $0x30, s3, s20, $0xb8;
	[tilespmem:$0xE000] =	vst v63  }
0xf8: {  	s14 =	sadd.s32 @!p5 $0x40, s12;
	s12 =	simm.s32 @!p5 $0x200;
	s3 =	simm.s32 @!p5 $0x0  }
0xf9: {  	[tilespmem:s12], [sflag:$0xD] =	stream.linear.gather @!p5 [hbm4b:s11+s3], $0x80, $0x38;
	[tilespmem:$0xE000] =	vst v63  }
0xfa: {  	s15 =	sadd.s32 @!p4 $0x50, s17;
	s17 =	simm.s32 @!p1 $0x5;
	s11 =	simm.s32 @!p5 $0x600  }
0xfb: {  	[tilespmem:s11], [sflag:$0xD] =	stream.linear.gather @!p5 [hbm4b:s14+s3], $0x80, $0x38;
	[tilespmem:$0xE000] =	vst v63  }
0xfc: {  	s29 =	smov.u32 s10;
	_ =	swait.ge @!p1 [sflag:s17], $0x1800  }
0xfd: {  	s0 =	smov.u32 s29;
	s29 =	rddreg [dreg:$0x5]  }
0xfe: {  	[sflag:s17] =	ssyncset.done @!p1 $0x0;
	p2 =	sge.u32 s26, s29  }
0xff: {  	s24 =	sadd.s32 $0x3, s26;
	[sflag:s17] =	ssyncadd.s32 @!p1 $0xFFFFE800;
	s3 =	simm.s32 @!p2 $0x2  }
0x100: {  	p6 =	sge.u32 s24, s5;
	_ =	swait.ge @!p2 [sflag:s3], $0x1800  }
0x101: {  	s14 =	simm.s32 @!p2 $0x2000;
	s17 =	simm.s32 @!p2 $0x80;
	[sflag:s3] =	ssyncset.done @!p2 $0x0  }
0x102: {  	s19 =	simm.s32 @!p2 $0x480;
	[sflag:s3] =	ssyncadd.s32 @!p2 $0xFFFFE800;
	s3 =	simm.s32 @!p6 $0xC  }
0x103: {  	[spmem:s1] =	stream.indirect.scatter.add.f32 @!p2 [tilespmem:s14], [sflag:$0x6], $0x30, s19, s17, $0xb8;
	[tilespmem:$0xE000] =	vst v63  }
0x104: {  	_ =	swait.ge @!p6 [sflag:s3], $0x80  }
0x105: {  	[sflag:s3] =	ssyncset.done @!p6 $0x0  }
0x106: {  	[sflag:s3] =	ssyncadd.s32 @!p6 $0xFFFFFF80  }
0x107: {  	_ =	swait.ge @!p6 [sflag:s3], $0x80  }
0x108: {  	s28 =	simm.s32 @!p6 $0x5000;
	[sflag:s3] =	ssyncset.done @!p6 $0x0  }
0x109: {  	s23 =	simm.s32 @!p6 $0x80;
	s19 =	simm.s32 @!p6 $0x180;
	[sflag:s3] =	ssyncadd.s32 @!p6 $0xFFFFFF80  }
0x10a: {  	[tilespmem:s28], [sflag:$0x4] =	stream.indirect.gather @!p6 [hbm4b:s4+s23], $0x30, s19, s23, $0xb8;
	[tilespmem:$0xE000] =	vst v63  }
0x10b: {  	s17 =	simm.s32 @!p4 $0x280;
	s3 =	simm.s32 @!p4 $0x0  }
0x10c: {  	[tilespmem:s17], [sflag:$0xE] =	stream.linear.gather @!p4 [hbm4b:s18+s3], $0x80, $0x38;
	[tilespmem:$0xE000] =	vst v63  }
0x10d: {  	s14 =	simm.s32 @!p4 $0x680;
	s19 =	simm.s32 @!p1 $0x6  }
0x10e: {  	[tilespmem:s14], [sflag:$0xE] =	stream.linear.gather @!p4 [hbm4b:s15+s3], $0x80, $0x38;
	[tilespmem:$0xE000] =	vst v63  }
0x10f: {  	_ =	swait.ge @!p1 [sflag:s19], $0x1800  }
0x110: {  	[sflag:s19] =	ssyncset.done @!p1 $0x0  }
0x111: {  	s30 =	simm.s32 @!p3 $0x3;
	[sflag:s19] =	ssyncadd.s32 @!p1 $0xFFFFE800  }
0x112: {  	_ =	swait.ge @!p3 [sflag:s30], $0x1800  }
0x113: {  	[sflag:s30] =	ssyncset.done @!p3 $0x0  }
0x114: {  	s25 =	simm.s32 @!p5 $0xD;
	[sflag:s30] =	ssyncadd.s32 @!p3 $0xFFFFE800;
	s30 =	simm.s32 @!p3 $0x500  }
0x115: {  	[spmem:s1] =	stream.indirect.scatter.add.f32 @!p3 [tilespmem:s16], [sflag:$0x7], $0x30, s30, s20, $0xb8;
	[tilespmem:$0xE000] =	vst v63  }
0x116: {  	_ =	swait.ge @!p5 [sflag:s25], $0x80  }
0x117: {  	s18 =	sadd.s32 $0x6, s26;
	[sflag:s25] =	ssyncset.done @!p5 $0x0  }
0x118: {  	p2 =	sge.u32 s18, s5;
	[sflag:s25] =	ssyncadd.s32 @!p5 $0xFFFFFF80  }
0x119: {  	s3 =	sadd.s32 @!p2 s9, s22;
	_ =	swait.ge @!p5 [sflag:s25], $0x80  }
0x11a: {  	s29 =	sadd.s32 @!p2 s9, s21;
	s15 =	simm.s32 @!p5 $0x80;
	[sflag:s25] =	ssyncset.done @!p5 $0x0  }
0x11b: {  	s3 =	sadd.s32 @!p2 $0x60, s3;
	s19 =	simm.s32 @!p5 $0x800;
	[sflag:s25] =	ssyncadd.s32 @!p5 $0xFFFFFF80  }
0x11c: {  	[tilespmem:s19], [sflag:$0x1] =	stream.indirect.gather @!p5 [hbm4b:s4+s15], $0x30, s12, s15, $0xb8;
	[tilespmem:$0xE000] =	vst v63  }
0x11d: {  	p3 =	sgt.u32 s24, s5;
	s25 =	simm.s32 @!p2 $0x300;
	s12 =	simm.s32 @!p2 $0x0  }
0x11e: {  	[tilespmem:s25], [sflag:$0xF] =	stream.linear.gather @!p2 [hbm4b:s3+s12], $0x80, $0x38;
	[tilespmem:$0xE000] =	vst v63  }
0x11f: {  	s13 =	simm.s32 @!p2 $0x700;
	s29 =	sadd.s32 @!p2 $0x60, s29;
	s3 =	simm.s32 @!p3 $0x7  }
0x120: {  	[tilespmem:s13], [sflag:$0xF] =	stream.linear.gather @!p2 [hbm4b:s29+s12], $0x80, $0x38;
	[tilespmem:$0xE000] =	vst v63  }
0x121: {  	_ =	swait.ge @!p3 [sflag:s3], $0x1800  }
0x122: {  	[sflag:s3] =	ssyncset.done @!p3 $0x0  }
0x123: {  	[sflag:s3] =	ssyncadd.s32 @!p3 $0xFFFFE800;
	s3 =	simm.s32 @!p6 $0x4  }
0x124: {  	_ =	swait.ge @!p6 [sflag:s3], $0x1800  }
0x125: {  	[sflag:s3] =	ssyncset.done @!p6 $0x0  }
0x126: {  	s12 =	simm.s32 @!p4 $0xE;
	[sflag:s3] =	ssyncadd.s32 @!p6 $0xFFFFE800;
	s3 =	simm.s32 @!p6 $0x580  }
0x127: {  	[spmem:s1] =	stream.indirect.scatter.add.f32 @!p6 [tilespmem:s28], [sflag:$0x8], $0x30, s3, s23, $0xb8;
	[tilespmem:$0xE000] =	vst v63  }
0x128: {  	_ =	swait.ge @!p4 [sflag:s12], $0x80  }
0x129: {  	[sflag:s12] =	ssyncset.done @!p4 $0x0  }
0x12a: {  	p3 =	sge.u32 s8, s5;
	[sflag:s12] =	ssyncadd.s32 @!p4 $0xFFFFFF80  }
0x12b: {  	s16 =	sadd.s32 @!p3 s9, s22;
	_ =	swait.ge @!p4 [sflag:s12], $0x80  }
0x12c: {  	s3 =	sadd.s32 @!p3 $0x70, s16;
	s16 =	sadd.s32 @!p3 s9, s21;
	[sflag:s12] =	ssyncset.done @!p4 $0x0  }
0x12d: {  	s23 =	simm.s32 @!p4 $0x80;
	s28 =	simm.s32 @!p4 $0x2000;
	[sflag:s12] =	ssyncadd.s32 @!p4 $0xFFFFFF80  }
0x12e: {  	[tilespmem:s28], [sflag:$0x2] =	stream.indirect.gather @!p4 [hbm4b:s4+s23], $0x30, s17, s23, $0xb8;
	[tilespmem:$0xE000] =	vst v63  }
0x12f: {  	s20 =	sadd.s32 @!p3 $0x70, s16;
	s16 =	simm.s32 @!p3 $0x380;
	s17 =	simm.s32 @!p3 $0x0  }
0x130: {  	[tilespmem:s16], [sflag:$0x10] =	stream.linear.gather @!p3 [hbm4b:s3+s17], $0x80, $0x38;
	[tilespmem:$0xE000] =	vst v63  }
0x131: {  	s12 =	simm.s32 @!p3 $0x780;
	s3 =	simm.s32 @!p1 $0x8  }
0x132: {  	[tilespmem:s12], [sflag:$0x10] =	stream.linear.gather @!p3 [hbm4b:s20+s17], $0x80, $0x38;
	[tilespmem:$0xE000] =	vst v63  }
0x133: {  	_ =	swait.ge @!p1 [sflag:s3], $0x1800  }
0x134: {  	[sflag:s3] =	ssyncset.done @!p1 $0x0  }
0x135: {  	s17 =	simm.s32 @!p5 $0x1;
	[sflag:s3] =	ssyncadd.s32 @!p1 $0xFFFFE800  }
0x136: {  	_ =	swait.ge @!p5 [sflag:s17], $0x1800  }
0x137: {  	[sflag:s17] =	ssyncset.done @!p5 $0x0  }
0x138: {  	s3 =	simm.s32 @!p2 $0xF;
	[sflag:s17] =	ssyncadd.s32 @!p5 $0xFFFFE800  }
0x139: {  	[spmem:s1] =	stream.indirect.scatter.add.f32 @!p5 [tilespmem:s19], [sflag:$0x5], $0x30, s11, s15, $0xb8;
	[tilespmem:$0xE000] =	vst v63  }
0x13a: {  	_ =	swait.ge @!p2 [sflag:s3], $0x80  }
0x13b: {  	[sflag:s3] =	ssyncset.done @!p2 $0x0  }
0x13c: {  	s2 =	smov.u32 s26;
	[sflag:s3] =	ssyncadd.s32 @!p2 $0xFFFFFF80  }
0x13d: {  	s26 =	sadd.s32 $0x8, s26;
	p6 =	sgt.u32 s7, s5;
	_ =	swait.ge @!p2 [sflag:s3], $0x80  }
0x13e: {  	s20 =	simm.s32 @!p2 $0x3800;
	p1 =	sge.u32 s26, s5;
	[sflag:s3] =	ssyncset.done @!p2 $0x0  }
0x13f: {  	s7 =	sadd.s32 @!p1 s9, s22;
	s19 =	simm.s32 @!p2 $0x80;
	[sflag:s3] =	ssyncadd.s32 @!p2 $0xFFFFFF80  }
0x140: {  	[tilespmem:s20], [sflag:$0x3] =	stream.indirect.gather @!p2 [hbm4b:s4+s19], $0x30, s25, s19, $0xb8;
	[tilespmem:$0xE000] =	vst v63  }
0x141: {  	s17 =	simm.s32 @!p1 $0x0;
	s11 =	sadd.s32 @!p1 s9, s21;
	s15 =	sadd.s32 @!p1 $0x80, s7  }
0x142: {  	[tilespmem:s17], [sflag:$0x9] =	stream.linear.gather @!p1 [hbm4b:s15+s17], $0x80, $0x38;
	[tilespmem:$0xE000] =	vst v63  }
0x143: {  	s24 =	simm.s32 @!p6 $0x5;
	s30 =	sadd.s32 @!p1 $0x80, s11;
	s15 =	simm.s32 @!p1 $0x400  }
0x144: {  	[tilespmem:s15], [sflag:$0x9] =	stream.linear.gather @!p1 [hbm4b:s30+s17], $0x80, $0x38;
	[tilespmem:$0xE000] =	vst v63  }
0x145: {  	_ =	swait.ge @!p6 [sflag:s24], $0x1800  }
0x146: {  	[sflag:s24] =	ssyncset.done @!p6 $0x0  }
0x147: {  	s10 =	sadd.s32 $0x80, s10;
	s3 =	simm.s32 @!p4 $0x2;
	[sflag:s24] =	ssyncadd.s32 @!p6 $0xFFFFE800  }
0x148: {  	p0 =	sne.s32 s10, $0x800;
	s29 =	sadd.s32 $0x9, s26;
	_ =	swait.ge @!p4 [sflag:s3], $0x1800  }
0x149: {  	s7 =	sadd.s32 $0xB, s26;
	p5 =	sgt.u32 s18, s5;
	[sflag:s3] =	ssyncset.done @!p4 $0x0  }
0x14a: {  	s11 =	sadd.s32 $0x7, s26;
	s24 =	simm.s32 @!p3 $0x10;
	[sflag:s3] =	ssyncadd.s32 @!p4 $0xFFFFE800  }
0x14b: {  	[spmem:s1] =	stream.indirect.scatter.add.f32 @!p4 [tilespmem:s28], [sflag:$0x6], $0x30, s14, s23, $0xb8;
	[tilespmem:$0xE000] =	vst v63  }
0x14c: {  	s25 =	simm.s32 @!p3 $0x5000;
	s14 =	simm.s32 @!p3 $0x80;
	_ =	swait.ge @!p3 [sflag:s24], $0x80  }
.Ltmp1:
0x14d: {  	p4 =	sge.u32 s31, s5;
	[sflag:s24] =	ssyncset.done @!p3 $0x0;
	(pc) =	sbr.rel @p0 .LBB2_4-.Ltmp1, $4  }
0x14e: {  	s23 =	simm.s32 @!p5 $0x6;
	s31 =	smov.u32 s29;
	[sflag:s24] =	ssyncadd.s32 @!p3 $0xFFFFFF80  }
0x14f: {  	s3 =	sadd.s32 @!p4 s9, s22;
	s18 =	sadd.s32 @!p4 s9, s21;
	_ =	swait.ge @!p3 [sflag:s24], $0x80  }
0x150: {  	s30 =	sadd.s32 @!p4 $0x90, s3;
	s28 =	sadd.s32 @!p4 $0x90, s18;
	[sflag:s24] =	ssyncset.done @!p3 $0x0  }
0x151: {  	s3 =	simm.s32 @!p4 $0x0;
	s18 =	simm.s32 @!p4 $0x80;
	[sflag:s24] =	ssyncadd.s32 @!p3 $0xFFFFFF80  }
0x152: {  	[tilespmem:s25], [sflag:$0x4] =	stream.indirect.gather @!p3 [hbm4b:s4+s14], $0x30, s16, s14, $0xb8;
	[tilespmem:$0xE000] =	vst v63  }
0x153: {  	_ = 	snop  }
0x154: {  	[tilespmem:s18], [sflag:$0xA] =	stream.linear.gather @!p4 [hbm4b:s30+s3], $0x80, $0x38;
	[tilespmem:$0xE000] =	vst v63  }
0x155: {  	s10 =	simm.s32 @!p4 $0x480  }
0x156: {  	[tilespmem:s10], [sflag:$0xA] =	stream.linear.gather @!p4 [hbm4b:s28+s3], $0x80, $0x38;
	[tilespmem:$0xE000] =	vst v63  }
0x157: {  	_ =	swait.ge @!p5 [sflag:s23], $0x1800  }
0x158: {  	[sflag:s23] =	ssyncset.done @!p5 $0x0  }
0x159: {  	s3 =	simm.s32 @!p2 $0x3;
	[sflag:s23] =	ssyncadd.s32 @!p5 $0xFFFFE800  }
0x15a: {  	_ =	swait.ge @!p2 [sflag:s3], $0x1800  }
0x15b: {  	[sflag:s3] =	ssyncset.done @!p2 $0x0  }
0x15c: {  	[sflag:s3] =	ssyncadd.s32 @!p2 $0xFFFFE800;
	s3 =	simm.s32 @!p1 $0x9  }
0x15d: {  	[spmem:s1] =	stream.indirect.scatter.add.f32 @!p2 [tilespmem:s20], [sflag:$0x7], $0x30, s13, s19, $0xb8;
	[tilespmem:$0xE000] =	vst v63  }
0x15e: {  	_ =	swait.ge @!p1 [sflag:s3], $0x80  }
0x15f: {  	[sflag:s3] =	ssyncset.done @!p1 $0x0  }
0x160: {  	s2 =	sadd.s32 $0xA, s2;
	[sflag:s3] =	ssyncadd.s32 @!p1 $0xFFFFFF80  }
0x161: {  	p0 =	sge.u32 s2, s5;
	s2 =	simm.s32 @!p1 $0x80;
	_ =	swait.ge @!p1 [sflag:s3], $0x80  }
0x162: {  	s16 =	sadd.s32 @!p0 s9, s21;
	s10 =	simm.s32 @!p1 $0x800;
	[sflag:s3] =	ssyncset.done @!p1 $0x0  }
0x163: {  	s13 =	sadd.s32 @!p0 s9, s22;
	p2 =	sgt.u32 s8, s5;
	[sflag:s3] =	ssyncadd.s32 @!p1 $0xFFFFFF80  }
0x164: {  	[tilespmem:s10], [sflag:$0x1] =	stream.indirect.gather @!p1 [hbm4b:s4+s2], $0x30, s17, s2, $0xb8;
	[tilespmem:$0xE000] =	vst v63  }
0x165: {  	s13 =	sadd.s32 @!p0 $0xA0, s13;
	s3 =	simm.s32 @!p0 $0x0;
	s17 =	simm.s32 @!p0 $0x100  }
0x166: {  	[tilespmem:s17], [sflag:$0xB] =	stream.linear.gather @!p0 [hbm4b:s13+s3], $0x80, $0x38;
	[tilespmem:$0xE000] =	vst v63  }
0x167: {  	s8 =	sadd.s32 @!p0 $0xA0, s16;
	s16 =	simm.s32 @!p2 $0x7;
	s13 =	simm.s32 @!p0 $0x500  }
0x168: {  	[tilespmem:s13], [sflag:$0xB] =	stream.linear.gather @!p0 [hbm4b:s8+s3], $0x80, $0x38;
	[tilespmem:$0xE000] =	vst v63  }
0x169: {  	_ =	swait.ge @!p2 [sflag:s16], $0x1800  }
0x16a: {  	[sflag:s16] =	ssyncset.done @!p2 $0x0  }
0x16b: {  	s3 =	simm.s32 @!p3 $0x4;
	[sflag:s16] =	ssyncadd.s32 @!p2 $0xFFFFE800  }
0x16c: {  	_ =	swait.ge @!p3 [sflag:s3], $0x1800  }
0x16d: {  	[sflag:s3] =	ssyncset.done @!p3 $0x0  }
0x16e: {  	s8 =	simm.s32 @!p4 $0xA;
	[sflag:s3] =	ssyncadd.s32 @!p3 $0xFFFFE800  }
0x16f: {  	[spmem:s1] =	stream.indirect.scatter.add.f32 @!p3 [tilespmem:s25], [sflag:$0x8], $0x30, s12, s14, $0xb8;
	[tilespmem:$0xE000] =	vst v63  }
0x170: {  	_ =	swait.ge @!p4 [sflag:s8], $0x80  }
0x171: {  	[sflag:s8] =	ssyncset.done @!p4 $0x0  }
0x172: {  	[sflag:s8] =	ssyncadd.s32 @!p4 $0xFFFFFF80  }
0x173: {  	p0 =	seq.s32 s0, $0x0;
	_ =	swait.ge @!p4 [sflag:s8], $0x80  }
0x174: {  	p2 =	sgt.u32 @!p0 s26, s5;
	[sflag:s8] =	ssyncset.done @!p4 $0x0  }
0x175: {  	s3 =	simm.s32 @!p4 $0x2000;
	p3 =	sge.u32 s6, s5;
	[sflag:s8] =	ssyncadd.s32 @!p4 $0xFFFFFF80  }
0x176: {  	[tilespmem:s3], [sflag:$0x2] =	stream.indirect.gather @!p4 [hbm4b:s4+s18], $0x30, s18, s18, $0xb8;
	[tilespmem:$0xE000] =	vst v63  }
0x177: {  	p0 =	por p2, p0;
	s6 =	simm.s32 @!p3 $0x0;
	s3 =	sadd.s32 @!p3 s9, s22  }
0x178: {  	s8 =	simm.s32 @!p3 $0x180;
	s9 =	sadd.s32 @!p3 s9, s21;
	s3 =	sadd.s32 @!p3 $0xB0, s3  }
0x179: {  	[tilespmem:s8], [sflag:$0xC] =	stream.linear.gather @!p3 [hbm4b:s3+s6], $0x80, $0x38;
	[tilespmem:$0xE000] =	vst v63  }
0x17a: {  	s9 =	sadd.s32 @!p3 $0xB0, s9;
	s3 =	simm.s32 @!p0 $0x8;
	s8 =	simm.s32 @!p3 $0x580  }
0x17b: {  	[tilespmem:s8], [sflag:$0xC] =	stream.linear.gather @!p3 [hbm4b:s9+s6], $0x80, $0x38;
	[tilespmem:$0xE000] =	vst v63  }
0x17c: {  	_ =	swait.ge @!p0 [sflag:s3], $0x1800  }
0x17d: {  	[sflag:s3] =	ssyncset.done @!p0 $0x0  }
0x17e: {  	[sflag:s3] =	ssyncadd.s32 @!p0 $0xFFFFE800;
	s3 =	simm.s32 @!p1 $0x1  }
0x17f: {  	_ =	swait.ge @!p1 [sflag:s3], $0x1800  }
0x180: {  	[sflag:s3] =	ssyncset.done @!p1 $0x0;
	s25 =	rddreg [dreg:$0x4]  }
0x181: {  	[sflag:s3] =	ssyncadd.s32 @!p1 $0xFFFFE800;
	p3 =	sge.u32 s26, s25  }
0x182: {  	[spmem:s1] =	stream.indirect.scatter.add.f32 @!p1 [tilespmem:s10], [sflag:$0x5], $0x30, s15, s2, $0xb8;
	[tilespmem:$0xE000] =	vst v63  }
0x183: {  	s2 =	simm.s32 @!p3 $0xB  }
0x184: {  	_ =	swait.ge @!p3 [sflag:s2], $0x80  }
0x185: {  	s28 =	sadd.s32 $0x4, s26;
	[sflag:s2] =	ssyncset.done @!p3 $0x0  }
0x186: {  	p0 =	sge.u32 s28, s5;
	[sflag:s2] =	ssyncadd.s32 @!p3 $0xFFFFFF80  }
0x187: {  	s6 =	sadd.s32 @!p0 s0, s21;
	_ =	swait.ge @!p3 [sflag:s2], $0x80  }
0x188: {  	s3 =	sadd.s32 @!p0 s0, s22;
	s8 =	simm.s32 @!p3 $0x3800;
	[sflag:s2] =	ssyncset.done @!p3 $0x0  }
0x189: {  	s12 =	simm.s32 @!p3 $0x80;
	[sflag:s2] =	ssyncadd.s32 @!p3 $0xFFFFFF80;
	s2 =	simm.s32 @!p3 $0x100  }
0x18a: {  	[tilespmem:s8], [sflag:$0x3] =	stream.indirect.gather @!p3 [hbm4b:s4+s12], $0x30, s2, s12, $0xb8;
	[tilespmem:$0xE000] =	vst v63  }
0x18b: {  	s10 =	simm.s32 @!p0 $0x200;
	s2 =	sadd.s32 @!p0 $0x40, s3;
	s3 =	simm.s32 @!p0 $0x0  }
0x18c: {  	[tilespmem:s10], [sflag:$0xD] =	stream.linear.gather @!p0 [hbm4b:s2+s3], $0x80, $0x38;
	[tilespmem:$0xE000] =	vst v63  }
0x18d: {  	s9 =	simm.s32 @!p1 $0x5;
	s2 =	sadd.s32 @!p0 $0x40, s6;
	s6 =	simm.s32 @!p0 $0x600  }
0x18e: {  	[tilespmem:s6], [sflag:$0xD] =	stream.linear.gather @!p0 [hbm4b:s2+s3], $0x80, $0x38;
	[tilespmem:$0xE000] =	vst v63  }
0x18f: {  	_ =	swait.ge @!p1 [sflag:s9], $0x1800  }
0x190: {  	s29 =	rddreg [dreg:$0x5]  }
0x191: {  	[sflag:s9] =	ssyncset.done @!p1 $0x0;
	p2 =	sge.u32 s26, s29  }
0x192: {  	s30 =	sadd.s32 $0x3, s26;
	[sflag:s9] =	ssyncadd.s32 @!p1 $0xFFFFE800;
	s2 =	simm.s32 @!p2 $0x2  }
0x193: {  	p4 =	sge.u32 s30, s5;
	_ =	swait.ge @!p2 [sflag:s2], $0x1800  }
0x194: {  	s15 =	simm.s32 @!p4 $0xC;
	s9 =	simm.s32 @!p2 $0x2000;
	[sflag:s2] =	ssyncset.done @!p2 $0x0  }
0x195: {  	s13 =	simm.s32 @!p2 $0x80;
	s14 =	simm.s32 @!p2 $0x480;
	[sflag:s2] =	ssyncadd.s32 @!p2 $0xFFFFE800  }
0x196: {  	[spmem:s1] =	stream.indirect.scatter.add.f32 @!p2 [tilespmem:s9], [sflag:$0x6], $0x30, s14, s13, $0xb8;
	[tilespmem:$0xE000] =	vst v63  }
0x197: {  	_ =	swait.ge @!p4 [sflag:s15], $0x80  }
0x198: {  	[sflag:s15] =	ssyncset.done @!p4 $0x0  }
0x199: {  	s20 =	sadd.s32 $0x5, s26;
	[sflag:s15] =	ssyncadd.s32 @!p4 $0xFFFFFF80  }
0x19a: {  	s16 =	simm.s32 @!p4 $0x5000;
	p2 =	sge.u32 s20, s5;
	_ =	swait.ge @!p4 [sflag:s15], $0x80  }
0x19b: {  	s14 =	simm.s32 @!p4 $0x180;
	s9 =	sadd.s32 @!p2 s0, s22;
	[sflag:s15] =	ssyncset.done @!p4 $0x0  }
0x19c: {  	s13 =	sadd.s32 @!p2 s0, s21;
	[sflag:s15] =	ssyncadd.s32 @!p4 $0xFFFFFF80;
	s15 =	simm.s32 @!p4 $0x80  }
0x19d: {  	[tilespmem:s16], [sflag:$0x4] =	stream.indirect.gather @!p4 [hbm4b:s4+s15], $0x30, s14, s15, $0xb8;
	[tilespmem:$0xE000] =	vst v63  }
0x19e: {  	s17 =	simm.s32 @!p2 $0x0;
	s9 =	sadd.s32 @!p2 $0x50, s9;
	s14 =	simm.s32 @!p2 $0x280  }
0x19f: {  	[tilespmem:s14], [sflag:$0xE] =	stream.linear.gather @!p2 [hbm4b:s9+s17], $0x80, $0x38;
	[tilespmem:$0xE000] =	vst v63  }
0x1a0: {  	s18 =	simm.s32 @!p1 $0x6;
	s13 =	sadd.s32 @!p2 $0x50, s13;
	s9 =	simm.s32 @!p2 $0x680  }
0x1a1: {  	[tilespmem:s9], [sflag:$0xE] =	stream.linear.gather @!p2 [hbm4b:s13+s17], $0x80, $0x38;
	[tilespmem:$0xE000] =	vst v63  }
0x1a2: {  	_ =	swait.ge @!p1 [sflag:s18], $0x1800  }
0x1a3: {  	[sflag:s18] =	ssyncset.done @!p1 $0x0  }
0x1a4: {  	s13 =	simm.s32 @!p3 $0x3;
	[sflag:s18] =	ssyncadd.s32 @!p1 $0xFFFFE800  }
0x1a5: {  	_ =	swait.ge @!p3 [sflag:s13], $0x1800  }
0x1a6: {  	[sflag:s13] =	ssyncset.done @!p3 $0x0  }
0x1a7: {  	s17 =	simm.s32 @!p0 $0xD;
	[sflag:s13] =	ssyncadd.s32 @!p3 $0xFFFFE800;
	s13 =	simm.s32 @!p3 $0x500  }
0x1a8: {  	[spmem:s1] =	stream.indirect.scatter.add.f32 @!p3 [tilespmem:s8], [sflag:$0x7], $0x30, s13, s12, $0xb8;
	[tilespmem:$0xE000] =	vst v63  }
0x1a9: {  	_ =	swait.ge @!p0 [sflag:s17], $0x80  }
0x1aa: {  	[sflag:s17] =	ssyncset.done @!p0 $0x0  }
0x1ab: {  	s23 =	sadd.s32 $0x6, s26;
	[sflag:s17] =	ssyncadd.s32 @!p0 $0xFFFFFF80  }
0x1ac: {  	p5 =	sgt.u32 s30, s5;
	s19 =	simm.s32 @!p0 $0x800;
	_ =	swait.ge @!p0 [sflag:s17], $0x80  }
0x1ad: {  	s18 =	simm.s32 @!p0 $0x80;
	p3 =	sge.u32 s23, s5;
	[sflag:s17] =	ssyncset.done @!p0 $0x0  }
0x1ae: {  	s12 =	sadd.s32 @!p3 s0, s22;
	s13 =	sadd.s32 @!p3 s0, s21;
	[sflag:s17] =	ssyncadd.s32 @!p0 $0xFFFFFF80  }
0x1af: {  	[tilespmem:s19], [sflag:$0x1] =	stream.indirect.gather @!p0 [hbm4b:s4+s18], $0x30, s10, s18, $0xb8;
	[tilespmem:$0xE000] =	vst v63  }
0x1b0: {  	s12 =	sadd.s32 @!p3 $0x60, s12;
	s17 =	simm.s32 @!p3 $0x300;
	s10 =	simm.s32 @!p3 $0x0  }
0x1b1: {  	[tilespmem:s17], [sflag:$0xF] =	stream.linear.gather @!p3 [hbm4b:s12+s10], $0x80, $0x38;
	[tilespmem:$0xE000] =	vst v63  }
0x1b2: {  	s3 =	sadd.s32 @!p3 $0x60, s13;
	s13 =	simm.s32 @!p5 $0x7;
	s12 =	simm.s32 @!p3 $0x700  }
0x1b3: {  	[tilespmem:s12], [sflag:$0xF] =	stream.linear.gather @!p3 [hbm4b:s3+s10], $0x80, $0x38;
	[tilespmem:$0xE000] =	vst v63  }
0x1b4: {  	_ =	swait.ge @!p5 [sflag:s13], $0x1800  }
0x1b5: {  	[sflag:s13] =	ssyncset.done @!p5 $0x0  }
0x1b6: {  	s3 =	simm.s32 @!p4 $0x4;
	[sflag:s13] =	ssyncadd.s32 @!p5 $0xFFFFE800  }
0x1b7: {  	_ =	swait.ge @!p4 [sflag:s3], $0x1800  }
0x1b8: {  	[sflag:s3] =	ssyncset.done @!p4 $0x0  }
0x1b9: {  	s10 =	simm.s32 @!p2 $0xE;
	[sflag:s3] =	ssyncadd.s32 @!p4 $0xFFFFE800;
	s3 =	simm.s32 @!p4 $0x580  }
0x1ba: {  	[spmem:s1] =	stream.indirect.scatter.add.f32 @!p4 [tilespmem:s16], [sflag:$0x8], $0x30, s3, s15, $0xb8;
	[tilespmem:$0xE000] =	vst v63  }
0x1bb: {  	_ =	swait.ge @!p2 [sflag:s10], $0x80  }
0x1bc: {  	[sflag:s10] =	ssyncset.done @!p2 $0x0  }
0x1bd: {  	[sflag:s10] =	ssyncadd.s32 @!p2 $0xFFFFFF80  }
0x1be: {  	s13 =	simm.s32 @!p2 $0x80;
	_ =	swait.ge @!p2 [sflag:s10], $0x80  }
0x1bf: {  	p4 =	sge.u32 s11, s5;
	s15 =	simm.s32 @!p2 $0x2000;
	[sflag:s10] =	ssyncset.done @!p2 $0x0  }
0x1c0: {  	s3 =	sadd.s32 @!p4 s0, s22;
	s16 =	simm.s32 @!p4 $0x0;
	[sflag:s10] =	ssyncadd.s32 @!p2 $0xFFFFFF80  }
0x1c1: {  	[tilespmem:s15], [sflag:$0x2] =	stream.indirect.gather @!p2 [hbm4b:s4+s13], $0x30, s14, s13, $0xb8;
	[tilespmem:$0xE000] =	vst v63  }
0x1c2: {  	s3 =	sadd.s32 @!p4 $0x70, s3;
	s10 =	sadd.s32 @!p4 s0, s21;
	s14 =	simm.s32 @!p4 $0x380  }
0x1c3: {  	[tilespmem:s14], [sflag:$0x10] =	stream.linear.gather @!p4 [hbm4b:s3+s16], $0x80, $0x38;
	[tilespmem:$0xE000] =	vst v63  }
0x1c4: {  	s3 =	sadd.s32 @!p4 $0x70, s10;
	s10 =	simm.s32 @!p4 $0x780  }
0x1c5: {  	[tilespmem:s10], [sflag:$0x10] =	stream.linear.gather @!p4 [hbm4b:s3+s16], $0x80, $0x38;
	[tilespmem:$0xE000] =	vst v63  }
0x1c6: {  	s3 =	simm.s32 @!p1 $0x8  }
0x1c7: {  	_ =	swait.ge @!p1 [sflag:s3], $0x1800  }
0x1c8: {  	[sflag:s3] =	ssyncset.done @!p1 $0x0  }
0x1c9: {  	[sflag:s3] =	ssyncadd.s32 @!p1 $0xFFFFE800;
	s3 =	simm.s32 @!p0 $0x1  }
0x1ca: {  	_ =	swait.ge @!p0 [sflag:s3], $0x1800  }
0x1cb: {  	[sflag:s3] =	ssyncset.done @!p0 $0x0  }
0x1cc: {  	[sflag:s3] =	ssyncadd.s32 @!p0 $0xFFFFE800;
	s3 =	simm.s32 @!p3 $0xF  }
0x1cd: {  	[spmem:s1] =	stream.indirect.scatter.add.f32 @!p0 [tilespmem:s19], [sflag:$0x5], $0x30, s6, s18, $0xb8;
	[tilespmem:$0xE000] =	vst v63  }
0x1ce: {  	_ =	swait.ge @!p3 [sflag:s3], $0x80  }
0x1cf: {  	[sflag:s3] =	ssyncset.done @!p3 $0x0  }
0x1d0: {  	[sflag:s3] =	ssyncadd.s32 @!p3 $0xFFFFFF80  }
0x1d1: {  	s24 =	sadd.s32 $0x8, s26;
	s16 =	simm.s32 @!p3 $0x3800;
	_ =	swait.ge @!p3 [sflag:s3], $0x80  }
0x1d2: {  	p1 =	sgt.u32 s20, s5;
	p0 =	sge.u32 s24, s5;
	[sflag:s3] =	ssyncset.done @!p3 $0x0  }
0x1d3: {  	s6 =	sadd.s32 @!p0 s0, s22;
	[sflag:s3] =	ssyncadd.s32 @!p3 $0xFFFFFF80;
	s3 =	simm.s32 @!p3 $0x80  }
0x1d4: {  	[tilespmem:s16], [sflag:$0x3] =	stream.indirect.gather @!p3 [hbm4b:s4+s3], $0x30, s17, s3, $0xb8;
	[tilespmem:$0xE000] =	vst v63  }
0x1d5: {  	s18 =	simm.s32 @!p0 $0x0;
	s6 =	sadd.s32 @!p0 $0x80, s6;
	s17 =	sadd.s32 @!p0 s0, s21  }
0x1d6: {  	[tilespmem:s18], [sflag:$0x9] =	stream.linear.gather @!p0 [hbm4b:s6+s18], $0x80, $0x38;
	[tilespmem:$0xE000] =	vst v63  }
0x1d7: {  	s2 =	simm.s32 @!p1 $0x5;
	s6 =	sadd.s32 @!p0 $0x80, s17;
	s17 =	simm.s32 @!p0 $0x400  }
0x1d8: {  	[tilespmem:s17], [sflag:$0x9] =	stream.linear.gather @!p0 [hbm4b:s6+s18], $0x80, $0x38;
	[tilespmem:$0xE000] =	vst v63  }
0x1d9: {  	_ =	swait.ge @!p1 [sflag:s2], $0x1800  }
0x1da: {  	[sflag:s2] =	ssyncset.done @!p1 $0x0  }
0x1db: {  	[sflag:s2] =	ssyncadd.s32 @!p1 $0xFFFFE800;
	s2 =	simm.s32 @!p2 $0x2  }
0x1dc: {  	_ =	swait.ge @!p2 [sflag:s2], $0x1800  }
0x1dd: {  	[sflag:s2] =	ssyncset.done @!p2 $0x0  }
0x1de: {  	[sflag:s2] =	ssyncadd.s32 @!p2 $0xFFFFE800;
	s2 =	simm.s32 @!p4 $0x10  }
0x1df: {  	[spmem:s1] =	stream.indirect.scatter.add.f32 @!p2 [tilespmem:s15], [sflag:$0x6], $0x30, s9, s13, $0xb8;
	[tilespmem:$0xE000] =	vst v63  }
0x1e0: {  	_ =	swait.ge @!p4 [sflag:s2], $0x80  }
0x1e1: {  	[sflag:s2] =	ssyncset.done @!p4 $0x0  }
0x1e2: {  	[sflag:s2] =	ssyncadd.s32 @!p4 $0xFFFFFF80  }
0x1e3: {  	s6 =	simm.s32 @!p4 $0x80;
	p1 =	sge.u32 s31, s5;
	_ =	swait.ge @!p4 [sflag:s2], $0x80  }
0x1e4: {  	s9 =	sadd.s32 @!p1 s0, s22;
	s13 =	sadd.s32 @!p1 s0, s21;
	[sflag:s2] =	ssyncset.done @!p4 $0x0  }
0x1e5: {  	s15 =	simm.s32 @!p1 $0x80;
	[sflag:s2] =	ssyncadd.s32 @!p4 $0xFFFFFF80;
	s2 =	simm.s32 @!p4 $0x5000  }
0x1e6: {  	[tilespmem:s2], [sflag:$0x4] =	stream.indirect.gather @!p4 [hbm4b:s4+s6], $0x30, s14, s6, $0xb8;
	[tilespmem:$0xE000] =	vst v63  }
0x1e7: {  	p2 =	sgt.u32 s23, s5;
	s9 =	sadd.s32 @!p1 $0x90, s9;
	s14 =	simm.s32 @!p1 $0x0  }
0x1e8: {  	[tilespmem:s15], [sflag:$0xA] =	stream.linear.gather @!p1 [hbm4b:s9+s14], $0x80, $0x38;
	[tilespmem:$0xE000] =	vst v63  }
0x1e9: {  	s8 =	simm.s32 @!p2 $0x6;
	s9 =	sadd.s32 @!p1 $0x90, s13;
	s13 =	simm.s32 @!p1 $0x480  }
0x1ea: {  	[tilespmem:s13], [sflag:$0xA] =	stream.linear.gather @!p1 [hbm4b:s9+s14], $0x80, $0x38;
	[tilespmem:$0xE000] =	vst v63  }
0x1eb: {  	_ =	swait.ge @!p2 [sflag:s8], $0x1800  }
0x1ec: {  	[sflag:s8] =	ssyncset.done @!p2 $0x0  }
0x1ed: {  	[sflag:s8] =	ssyncadd.s32 @!p2 $0xFFFFE800;
	s8 =	simm.s32 @!p3 $0x3  }
0x1ee: {  	_ =	swait.ge @!p3 [sflag:s8], $0x1800  }
0x1ef: {  	[sflag:s8] =	ssyncset.done @!p3 $0x0  }
0x1f0: {  	[sflag:s8] =	ssyncadd.s32 @!p3 $0xFFFFE800  }
0x1f1: {  	[spmem:s1] =	stream.indirect.scatter.add.f32 @!p3 [tilespmem:s16], [sflag:$0x7], $0x30, s12, s3, $0xb8;
	[tilespmem:$0xE000] =	vst v63  }
0x1f2: {  	s3 =	simm.s32 @!p0 $0x9  }
0x1f3: {  	_ =	swait.ge @!p0 [sflag:s3], $0x80  }
0x1f4: {  	[sflag:s3] =	ssyncset.done @!p0 $0x0  }
0x1f5: {  	[sflag:s3] =	ssyncadd.s32 @!p0 $0xFFFFFF80  }
0x1f6: {  	s25 =	sadd.s32 $0xA, s26;
	_ =	swait.ge @!p0 [sflag:s3], $0x80  }
0x1f7: {  	p2 =	sge.u32 s25, s5;
	[sflag:s3] =	ssyncset.done @!p0 $0x0  }
0x1f8: {  	s8 =	simm.s32 @!p0 $0x80;
	[sflag:s3] =	ssyncadd.s32 @!p0 $0xFFFFFF80;
	s3 =	simm.s32 @!p0 $0x800  }
0x1f9: {  	[tilespmem:s3], [sflag:$0x1] =	stream.indirect.gather @!p0 [hbm4b:s4+s8], $0x30, s18, s8, $0xb8;
	[tilespmem:$0xE000] =	vst v63  }
0x1fa: {  	s3 =	sadd.s32 @!p2 s0, s22  }
0x1fb: {  	s9 =	simm.s32 @!p2 $0x100;
	s8 =	simm.s32 @!p2 $0x0;
	s3 =	sadd.s32 @!p2 $0xA0, s3  }
0x1fc: {  	[tilespmem:s9], [sflag:$0xB] =	stream.linear.gather @!p2 [hbm4b:s3+s8], $0x80, $0x38;
	[tilespmem:$0xE000] =	vst v63  }
0x1fd: {  	s3 =	sadd.s32 @!p2 s0, s21  }
0x1fe: {  	p0 =	sgt.u32 s11, s5;
	s9 =	simm.s32 @!p2 $0x500;
	s3 =	sadd.s32 @!p2 $0xA0, s3  }
0x1ff: {  	[tilespmem:s9], [sflag:$0xB] =	stream.linear.gather @!p2 [hbm4b:s3+s8], $0x80, $0x38;
	[tilespmem:$0xE000] =	vst v63  }
0x200: {  	s3 =	simm.s32 @!p0 $0x7  }
0x201: {  	_ =	swait.ge @!p0 [sflag:s3], $0x1800  }
0x202: {  	[sflag:s3] =	ssyncset.done @!p0 $0x0  }
0x203: {  	[sflag:s3] =	ssyncadd.s32 @!p0 $0xFFFFE800;
	s3 =	simm.s32 @!p4 $0x4  }
0x204: {  	_ =	swait.ge @!p4 [sflag:s3], $0x1800  }
0x205: {  	[sflag:s3] =	ssyncset.done @!p4 $0x0  }
0x206: {  	[sflag:s3] =	ssyncadd.s32 @!p4 $0xFFFFE800  }
0x207: {  	[spmem:s1] =	stream.indirect.scatter.add.f32 @!p4 [tilespmem:s2], [sflag:$0x8], $0x30, s10, s6, $0xb8;
	[tilespmem:$0xE000] =	vst v63  }
0x208: {  	s2 =	simm.s32 @!p1 $0xA  }
0x209: {  	_ =	swait.ge @!p1 [sflag:s2], $0x80  }
0x20a: {  	[sflag:s2] =	ssyncset.done @!p1 $0x0  }
0x20b: {  	[sflag:s2] =	ssyncadd.s32 @!p1 $0xFFFFFF80  }
0x20c: {  	_ =	swait.ge @!p1 [sflag:s2], $0x80  }
0x20d: {  	[sflag:s2] =	ssyncset.done @!p1 $0x0  }
0x20e: {  	p0 =	sge.u32 s7, s5;
	[sflag:s2] =	ssyncadd.s32 @!p1 $0xFFFFFF80;
	s2 =	simm.s32 @!p1 $0x2000  }
0x20f: {  	[tilespmem:s2], [sflag:$0x2] =	stream.indirect.gather @!p1 [hbm4b:s4+s15], $0x30, s15, s15, $0xb8;
	[tilespmem:$0xE000] =	vst v63  }
0x210: {  	s3 =	simm.s32 @!p0 $0x0;
	s2 =	sadd.s32 @!p0 s0, s22  }
0x211: {  	s6 =	simm.s32 @!p0 $0x180;
	s0 =	sadd.s32 @!p0 s0, s21;
	s2 =	sadd.s32 @!p0 $0xB0, s2  }
0x212: {  	[tilespmem:s6], [sflag:$0xC] =	stream.linear.gather @!p0 [hbm4b:s2+s3], $0x80, $0x38;
	[tilespmem:$0xE000] =	vst v63  }
0x213: {  	s0 =	sadd.s32 @!p0 $0xB0, s0;
	s2 =	simm.s32 @!p0 $0x580  }
0x214: {  	[tilespmem:s2], [sflag:$0xC] =	stream.linear.gather @!p0 [hbm4b:s0+s3], $0x80, $0x38;
	[tilespmem:$0xE000] =	vst v63  }
0x215: {  	s26 =	stileid.u32;
	[bflag:$0x0] =	sbarrier.arrive $0xFFFF  }
0x216: {  	s0 =	sshll.u32 s26, $0x6;
	s28 =	rddreg [dreg:$0xf]  }
0x217: {  	s6 =	simm.s32 $0x11;
	s0 =	sor.u32 $0x1C11, s0;
	s29 =	rddreg [dreg:$0x16]  }
0x218: {  	[hbm:s28], [sflag:s0] =	dma.local [spmem:s29], $0xF00  }
0x219: {  	_ =	swait.ge [sflag:s6], $0xF00  }
0x21a: {  	s30 =	rddreg [dreg:$0x6]  }
0x21b: {  	s31 =	rddreg [dreg:$0x11];
	s13 =	sadd.s32 $0x1, s30  }
0x21c: {  	p0 =	sne.s32 s13, s31  }
.Ltmp2:
0x21d: {  	_ = 	snop;
	(pc) =	sbr.rel @p0 .LBB2_1-.Ltmp2, $3  }
0x21e: {  	_ =	sdelay $0x1  }
0x21f: {  	[sflag:s6] =	ssyncset.done $0x0  }
0x220: {  	[sflag:s6] =	ssyncadd.s32 $0xFFFFF100  }
0x221: {  	_ =	sfence.sel $0x180000  }
0x222: {  	[bflag:$0x0] =	sbarrier.arrive $0xFFFF  }
0x223: {  	_ =	strace $0x9000004D  }
0x224: {  	s0 =	stileid.u32;
	[bflag:$0x2] =	sbarrier.arrive $0xFFFF  }
0x225: {  	p0 =	sne.s32 s0, $0x0;
	s0 =	rddreg [dreg:$0x3]  }
0x226: {  	s0 =	sadd.s32 @!p0 $0x100000, s0  }
0x227: {  	[sflag:s0] =	ssyncadd.tile.s32 @!p0 $0x1;
	_ =	shalt  }
.Lfunc_end2:
_tile_overlayer_lowered:
.L_overlay_start_2:
0x228: {  	(tag) =	ssettag $0x2  }
0x229: {  	s0 =	rddreg [dreg:$0x0];
	s2 =	stileid.u32  }
0x22a: {  	s1 =	rddreg [dreg:$0x1];
	p0 =	sne.s32 s2, $0x0  }
0x22b: {  	s3 =	rddreg [dreg:$0x2];
	[bflag:$0x3] =	sbarrier.arrive $0xFFFF;
	s2 =	simm.s32 @!p0 $0x1C11  }
0x22c: {  	[timem:s3], [sflag:s2] =	dma.local @!p0 [hbm:s0], s1  }
0x22d: {  	s0 =	simm.s32 @!p0 $0x11  }
0x22e: {  	_ =	swait.ge @!p0 [sflag:s0], s1  }
0x22f: {  	s1 =	ssub.s32 @!p0 $0x0, s1;
	[sflag:s0] =	ssyncset.done @!p0 $0x0  }
0x230: {  	[sflag:s0] =	ssyncadd.s32 @!p0 s1  }
0x231: {  	[bflag:$0x3] =	sbarrier.arrive $0xFFFF  }
0x232: {  	_ =	shalt  }

// kernel: kernel.8.cloned.1.call-start
scs
__scs_entry_jumppad:
0x0: {  	(pc) =	sbr.rel $0x88, $3  }
0x1: {  	(tag) =	ssettag $0x0;
	lr =	simm.s32 $0x1  }
0x2: {  	[smem:$0x3F9B] =	sst lr;
	_ =	strace $0xD0000000  }
0x3: {  	_ = 	snop  }
0x4: {  	_ = 	snop  }
0x5: {  	_ = 	snop  }
0x6: {  	_ = 	snop  }
0x7: {  	_ = 	snop  }
__scs_overlays_trampoline_lowered:
0x8: {  	[smem:$0x3FAA] =	sst s0  }
0x9: {  	[smem:$0x3FAB] =	sst s1  }
0xa: {  	[smem:$0x3FAC] =	sst s2  }
0xb: {  	[smem:$0x3FAD] =	sst s3  }
0xc: {  	[smem:$0x3FAE] =	sst s4  }
0xd: {  	[smem:$0x3FAF] =	sst s5  }
0xe: {  	[smem:$0x3FB0] =	sst s6  }
0xf: {  	[smem:$0x3FB1] =	sst s7  }
0x10: {  	[smem:$0x3FB2] =	sst s8  }
0x11: {  	[smem:$0x3FB3] =	sst s9;
	s0 =	simm.s32 @!p0 $0x0  }
0x12: {  	s1 =	sld [smem:$0x3F99];
	s0 =	simm.s32 @p0 $0x1  }
0x13: {  	[smem:$0x3FB4] =	sst s0;
	s0 =	simm.s32 @!p1 $0x0  }
0x14: {  	s2 =	sld [smem:$0x3F98];
	s0 =	simm.s32 @p1 $0x1  }
0x15: {  	[smem:$0x3FB5] =	sst s0;
	s0 =	simm.s32 @!p2 $0x0  }
0x16: {  	s3 =	sld [smem:$0x3FDB];
	s0 =	simm.s32 @p2 $0x1  }
0x17: {  	s4 =	simm.s32 $0x1BF5;
	[smem:$0x3FB7] =	sst s0  }
0x18: {  	s0 =	sld [smem:$0x3F9A];
	_ =	swait.ge [sflag:s4], $0x0  }
0x19: {  	s7 =	sld [smem:$0x3F9B]  }
0x1a: {  	s8 =	sadd.s32 $0xFFFFE003, lr  }
0x1b: {  	s9 =	sadd.s32 $0xFFFFFEF7, lr;
	s5 =	simm.s32 $0xFFFFFFFF;
	p2 =	slt.u32 s8, $0xFFFFF086  }
0x1c: {  	p1 =	slt.u32 s9, $0xF7A;
	s5 =	simm.s32 @!p2 $0x0  }
0x1d: {  	s5 =	simm.s32 @p1 $0x1;
	p0 =	seq.s32 s7, s2  }
0x1e: {  	s7 =	smul.u32 @!p0 $0xF7A, s2;
	p2 =	seq.s32 @!p0 s5, $0x0  }
0x1f: {  	s9 =	smul.u32 $0xF7A, s1;
	s8 =	simm.s32 @!p0 $0x1BF5;
	p2 =	por !p2, p0  }
0x20: {  	[sflag:s8] =	ssyncset.s32 @!p0 $0xFFFFF086;
	s6 =	sadd.s32 @!p0 s3, s7;
	s7 =	simm.s32 @!p0 $0x108  }
0x21: {  	s3 =	sadd.s32 s3, s9;
	s6 =	sadd.s32 @!p0 $0x88, s6;
	s7 =	simm.s32 @p2 $0x1082  }
0x22: {  	[simem:s7], [sflag:s8] =	dma.local @!p0 [hbm:s6], $0xF7A  }
0x23: {  	s9 =	sor.u32 $0xD0000000, s2;
	s6 =	simm.s32 $0x108;
	_ =	swait.ge @!p0 [sflag:s8], $0x0  }
0x24: {  	s3 =	sadd.s32 $0x88, s3;
	s6 =	simm.s32 @!p1 $0x1082;
	[sflag:s4] =	ssyncset.s32 $0xFFFFF086  }
0x25: {  	[simem:s6], [sflag:s4] =	dma.local [hbm:s3], $0xF7A  }
0x26: {  	[smem:$0x3F9B] =	sst s1;
	(tag) =	ssettag s2;
	_ =	strace s9  }
0x27: {  	s1 =	sld [smem:$0x3FAB]  }
0x28: {  	s2 =	sld [smem:$0x3FAC]  }
0x29: {  	s4 =	sld [smem:$0x3FAE]  }
0x2a: {  	p0 =	seq.s32 s5, $0x0;
	s5 =	sld [smem:$0x3FAF]  }
0x2b: {  	s6 =	sld [smem:$0x3FB0]  }
0x2c: {  	s7 =	sld [smem:$0x3FB1]  }
0x2d: {  	s3 =	simm.s32 $0x108;
	s8 =	sld [smem:$0x3FB2]  }
0x2e: {  	s3 =	simm.s32 @!p0 $0x1082;
	s9 =	sld [smem:$0x3FB3]  }
0x2f: {  	lr =	sadd.s32 s0, s3;
	s0 =	sld [smem:$0x3FAA]  }
0x30: {  	s3 =	sld [smem:$0x3FAD]  }
0x31: {  	[smem:$0x3FB6] =	sst s10  }
0x32: {  	s10 =	sld [smem:$0x3FB4];
	_ =	sdelay $0x3  }
0x33: {  	p0 =	seq.s32 s10, $0x1;
	s10 =	sld [smem:$0x3FB6];
	_ =	sdelay $0x3  }
0x34: {  	[smem:$0x3FB6] =	sst s10  }
0x35: {  	s10 =	sld [smem:$0x3FB5];
	_ =	sdelay $0x3  }
0x36: {  	p1 =	seq.s32 s10, $0x1;
	s10 =	sld [smem:$0x3FB6];
	_ =	sdelay $0x3  }
0x37: {  	[smem:$0x3FB6] =	sst s10  }
0x38: {  	s10 =	sld [smem:$0x3FB7]  }
0x39: {  	_ = 	snop;
	(pc) =	sbr.ind lr, $3  }
0x3a: {  	_ = 	snop  }
0x3b: {  	_ = 	snop  }
0x3c: {  	p2 =	seq.s32 s10, $0x1;
	s10 =	sld [smem:$0x3FB6]  }
0x3d: {  	_ =	shalt  }
0x3e: {  	_ =	shalt  }
0x3f: {  	_ =	shalt  }
0x40: {  	_ =	shalt  }
0x41: {  	_ =	shalt  }
0x42: {  	_ =	shalt  }
0x43: {  	_ =	shalt  }
0x44: {  	_ =	shalt  }
0x45: {  	_ =	shalt  }
0x46: {  	_ =	shalt  }
0x47: {  	_ =	shalt  }
0x48: {  	_ =	shalt  }
0x49: {  	_ =	shalt  }
0x4a: {  	_ =	shalt  }
0x4b: {  	_ =	shalt  }
0x4c: {  	_ =	shalt  }
0x4d: {  	_ =	shalt  }
0x4e: {  	_ =	shalt  }
0x4f: {  	_ =	shalt  }
0x50: {  	_ =	shalt  }
0x51: {  	_ =	shalt  }
0x52: {  	_ =	shalt  }
0x53: {  	_ =	shalt  }
0x54: {  	_ =	shalt  }
0x55: {  	_ =	shalt  }
0x56: {  	_ =	shalt  }
0x57: {  	_ =	shalt  }
0x58: {  	_ =	shalt  }
0x59: {  	_ =	shalt  }
0x5a: {  	_ =	shalt  }
0x5b: {  	_ =	shalt  }
0x5c: {  	_ =	shalt  }
0x5d: {  	_ =	shalt  }
0x5e: {  	_ =	shalt  }
0x5f: {  	_ =	shalt  }
0x60: {  	_ =	shalt  }
0x61: {  	_ =	shalt  }
0x62: {  	_ =	shalt  }
0x63: {  	_ =	shalt  }
0x64: {  	_ =	shalt  }
0x65: {  	_ =	shalt  }
0x66: {  	_ =	shalt  }
0x67: {  	_ =	shalt  }
0x68: {  	_ =	shalt  }
0x69: {  	_ =	shalt  }
0x6a: {  	_ =	shalt  }
0x6b: {  	_ =	shalt  }
0x6c: {  	_ =	shalt  }
0x6d: {  	_ =	shalt  }
0x6e: {  	_ =	shalt  }
0x6f: {  	_ =	shalt  }
0x70: {  	_ =	shalt  }
0x71: {  	_ =	shalt  }
0x72: {  	_ =	shalt  }
0x73: {  	_ =	shalt  }
0x74: {  	_ =	shalt  }
0x75: {  	_ =	shalt  }
0x76: {  	_ =	shalt  }
0x77: {  	_ =	shalt  }
0x78: {  	_ =	shalt  }
0x79: {  	_ =	shalt  }
0x7a: {  	_ =	shalt  }
0x7b: {  	_ =	shalt  }
0x7c: {  	_ =	shalt  }
0x7d: {  	_ =	shalt  }
0x7e: {  	_ =	shalt  }
0x7f: {  	_ =	shalt  }
0x80: {  	_ =	shalt  }
0x81: {  	_ =	shalt  }
0x82: {  	_ =	shalt  }
0x83: {  	_ =	shalt  }
0x84: {  	_ =	shalt  }
0x85: {  	_ =	shalt  }
0x86: {  	_ =	shalt  }
0x87: {  	_ =	shalt  }
.Lfunc_end0:
.L_simem_size_0:
called_computation_lowered:
.L_overlay_start_0:
0x88: {  	s2 =	sld [smem:$0x3FD9]  }
0x89: {  	s3 =	sld [smem:$0x3FFE];
	_ =	sdelay $0x1  }
0x8a: {  	s1 =	srdreg.scid  }
0x8b: {  	s0 =	sand.u32 $0x1, s1  }
0x8c: {  	s14 =	sshll.u32 s0, $0xA;
	s2 =	sadd.s32 s3, s2  }
0x8d: {  	s2 =	sadd.s32 s2, s14  }
0x8e: {  	[smem:$0x3FC2] =	sst s2  }
0x8f: {  	_ = 	snop  }
0x90: {  	s2 =	sld [smem:$0x3FD0];
	_ =	sdelay $0x2  }
0x91: {  	s15 =	simm.s32 $0xA;
	s4 =	simm.s32 $0x10  }
0x92: {  	[smem:s4], [sflag:s15] =	dma.local [hbm:s2], $0x1  }
0x93: {  	_ =	swait.eq [sflag:s15], $0x1  }
0x94: {  	[sflag:s15] =	ssyncset.done $0x0  }
0x95: {  	[sflag:s15] =	ssyncadd.s32 $0xFFFFFFFF  }
0x96: {  	s16 =	sld [smem:$0x10];
	(tm) =	ssettm $0x1  }
0x97: {  	s17 =	sld [smem:$0x3FFB];
	_ =	sdelay $0x3  }
0x98: {  	_ =	strace s17  }
0x99: {  	s3 =	sld [smem:$0x3FFC];
	_ =	sdelay $0x3  }
0x9a: {  	_ =	strace s3  }
0x9b: {  	s3 =	sld [smem:$0x3FFD];
	_ =	sdelay $0x3  }
0x9c: {  	_ =	strace s3  }
0x9d: {  	_ =	strace $0x8FFFFFFF  }
0x9e: {  	s18 =	sld [smem:$0x3FDB];
	_ =	sdelay $0x1  }
0x9f: {  	s19 =	simm.s32 $_scs_section_size  }
0xa0: {  	s5 =	simm.s32 $_size__tile_overlayer_lowered;
	s6 =	simm.s32 $_tile_overlayer_lowered  }
0xa1: {  	s22 =	simm.s32 $0x1BFF;
	s21 =	sshll.u32 s6, $0x1;
	s3 =	sadd.s32 s19, s18  }
0xa2: {  	s7 =	simm.s32 $0x0;
	s20 =	sshll.u32 s5, $0x1;
	s5 =	sadd.s32 s21, s3  }
0xa3: {  	[timem:s7], [sflag:s22] =	dma.local [hbm:s5], s20  }
0xa4: {  	_ =	swait.ge [sflag:s22], s20  }
0xa5: {  	s4 =	ssub.s32 $0x0, s20;
	[sflag:s22] =	ssyncset.done $0x0  }
0xa6: {  	[sflag:s22] =	ssyncadd.s32 s4;
	_ =	sdelay $0x1  }
0xa7: {  	s23 =	simm.s32 $0x1B8B  }
0xa8: {  	_ =	swait.ge [sflag:s23], $0x1  }
0xa9: {  	[sflag:s23] =	ssyncset.done $0x0  }
0xaa: {  	s25 =	simm.s32 $0x1B8E;
	s24 =	sld [smem:$0x3FFE];
	[sflag:s23] =	ssyncadd.s32 $0xFFFFFFFF  }
0xab: {  	s26 =	simm.s32 $execute0_lowered;
	[smem:$0x3FD2] =	sst s25  }
0xac: {  	s5 =	sshll.u32 s26, $0x1;
	_ =	strace $0x80000046;
	[dreg:$0x1] =	wrdreg $0xFFFFFFFF  }
0xad: {  	s28 =	simm.s32 $_size_execute0_lowered;
	s3 =	sadd.s32 s3, s5;
	[dreg:$0x0] =	wrdreg $0x0  }
0xae: {  	s5 =	sshll.u32 s28, $0x1;
	[dreg:$0x2] =	wrdreg s3  }
0xaf: {  	[dreg:$0x3] =	wrdreg s5  }
0xb0: {  	[dreg:$0x4] =	wrdreg $0xC0  }
0xb1: {  	_ =	task [dreg:s7], $0x5FFFF  }
0xb2: {  	[dreg:$0x1] =	wrdreg $0xFFFFFFFF  }
0xb3: {  	[dreg:$0x0] =	wrdreg $0x60  }
0xb4: {  	[dreg:$0x2] =	wrdreg s16  }
0xb5: {  	[dreg:$0x3] =	wrdreg s24  }
0xb6: {  	[dreg:$0x4] =	wrdreg $0x77800  }
0xb7: {  	[dreg:$0x5] =	wrdreg $0x9  }
0xb8: {  	_ =	task.clear_ibuf [dreg:s7], $0x6FFFF;
	_ =	strace $0x90000046  }
0xb9: {  	s29 =	simm.s32 $0x9;
	_ =	strace $0x80000048  }
0xba: {  	_ =	swait.ge [sflag:s29], $0x1  }
0xbb: {  	[sflag:s29] =	ssyncadd.s32 $0xFFFFFFFF  }
0xbc: {  	_ =	strace $0x90000048  }
0xbd: {  	_ =	sfence  }
0xbe: {  	s30 =	sld [smem:$0x0];
	_ =	sdelay $0x2  }
0xbf: {  	s31 =	sshll.u32 s1, $0xD;
	s1 =	sshrl.u32 s1, $0x2  }
0xc0: {  	s3 =	sand.u32 $0x4000, s31;
	s1 =	sadd.s32 s1, s30  }
0xc1: {  	s0 =	sor.u32 s3, s0;
	s1 =	sshll.u32 s1, $0x11  }
0xc2: {  	s0 =	sor.u32 s1, s0  }
0xc3: {  	s0 =	sadd.s32 $0x8F2B, s0  }
0xc4: {  	[sflag:s0] =	ssyncadd.remote.s32 $0x1  }
0xc5: {  	_ =	sfence.sel $0xFFFF  }
0xc6: {  	[dreg:$0x0] =	wrdreg $0xFFFFFFFF;
	(pc) =	sbr.abs _section_cstart, $3  }
0xc7: {  	[dreg:$0x1] =	wrdreg $0xFFFFFFFF  }
0xc8: {  	_ =	task.clear_ibuf [dreg:s7], $0x2FFFF;
	_ =	strace $0x9FFFFFFF  }
0xc9: {  	(tm) =	ssettm $0x7FFFFFFF  }
tec
execute0_lowered:
.L_overlay_start_1:
0x0: {  	(tag) =	ssettag $0x1  }
0x1: {  	s3 =	rddreg [dreg:$0x0]  }
0x2: {  	s4 =	rddreg [dreg:$0x1]  }
0x3: {  	s5 =	rddreg [dreg:$0x2]  }
0x4: {  	s0 =	rddreg [dreg:$0x3]  }
0x5: {  	s6 =	srdreg.scid;
	s1 =	stileid.u32  }
0x6: {  	s2 =	simm.s32 $0x0;
	s11 =	simm.s32 $0x400;
	s12 =	simm.s32 $0x1400  }
0x7: {  	s13 =	simm.s32 $0x14000;
	s14 =	simm.s32 $0x4F80;
	s15 =	simm.s32 $0x100  }
0x8: {  	s6 =	sand.u32 $0x1, s6;
	s7 =	smul.u32 $0x500, s1;
	[smem:$0x7FF] =	sst s2  }
0x9: {  	s9 =	sshll.u32 s1, $0x1;
	s26 =	sshrl.u32 s1, $0x3;
	s28 =	smul.u32 $0x5000, s1  }
0xa: {  	s29 =	sshll.u32 s1, $0x7;
	s8 =	sshll.u32 s6, $0x7;
	_ =	strace $0x80000047  }
0xb: {  	s25 =	sor.u32 s6, s9;
	s6 =	ssub.s32 $0x2, s6;
	s9 =	smul.u32 $0x50000, s26  }
0xc: {  	s7 =	sor.u32 s8, s7;
	s8 =	smul.u32 $0x4E2, s25;
	s10 =	sshrl.u32 s6, $0x1  }
0xd: {  	s31 =	sshrl.u32 s28, $0x2;
	s7 =	sshrl.u32 s7, $0x3;
	s10 =	ssub.s32 s6, s10  }
0xe: {  	s30 =	sshrl.u32 s9, $0x2;
	s6 =	sand.u32 $0x380, s29;
	s9 =	simm.s32 $0x2780  }
0xf: {  	s7 =	sadd.s32 s7, s4;
	s3 =	sadd.s32 s3, s8;
	s8 =	sadd.s32 s30, s5  }
0x10: {  	s5 =	sadd.s32 s31, s5;
	s4 =	sadd.s32 s6, s8;
	s6 =	sadd.s32 $0x2000, s7  }
0x11: {  	v0 =	vimm.f32 $0.0e+00;
	v1 =	vimm.f32 $1.000000000e+00;
	s7 =	smax.u32 s10, $0x1;
	s8 =	simm.s32 $0x1;
	s10 =	simm.s32 $0x80  }
.LBB2_1:
0x12: {  	s16 =	simm.s32 $0x40;
	s17 =	simm.s32 $0x0  }
.LBB2_2:
0x13: {  	p0 =	sne.s32 s16, $0x9FC0;
	[tilespmem:s17+$0x2780] =	vst v0;
	s17 =	smov.u32 s16;
	s16 =	sadd.s32 $0x40, s16  }
.Ltmp0:
0x14: {  	(pc) =	sbr.rel @p0 .LBB2_2-.Ltmp0, $2  }
0x15: {  	_ =	sdelay $0x2  }
0x16: {  	s17 =	sshra.s32 s17, $0x2  }
0x17: {  	[tilespmem:s17+$0x2780] =	vst v0;
	s16 =	simm.s32 $0x0  }
0x18: {  	[tilespmem:s16], [sflag:$0x1] =	stream.linear.gather [hbm4b:s3+s16], $0x2710, $0x38;
	[tilespmem:$0x9F80] =	vst v63  }
0x19: {  	_ =	swait.ge [sflag:s8], $0x2710  }
0x1a: {  	[sflag:s8] =	ssyncset.done $0x0  }
0x1b: {  	s17 =	simm.s32 $0x0;
	s16 =	simm.s32 $0x40;
	[sflag:s8] =	ssyncadd.s32 $0xFFFFD8F0  }
.LBB2_4:
0x1c: {  	p0 =	sne.s32 s16, $0x9C00;
	v2 =	vld [tilespmem:s17+$0x0];
	_ =	sdelay $0x3  }
.Ltmp1:
0x1d: {  	(pc) =	sbr.rel @p0 .LBB2_4-.Ltmp1, $2  }
0x1e: {  	_ =	sdelay $0x2  }
0x1f: {  	s17 =	sshra.s32 s16, $0x2;
	s16 =	sadd.s32 $0x40, s16;
	[tilespmem:v2+s9+$0x0] =	vst.idx.add.f32.msk $0xffff, v1  }
0x20: {  	v2 =	vld [tilespmem:s17+$0x0];
	_ =	sdelay $0x7  }
0x21: {  	s16 =	simm.s32 $0x2780;
	[tilespmem:v2+s9+$0x0] =	vst.idx.add.f32.msk $0xffff, v1  }
0x22: {  	[spmem:s4] =	stream.strided.scatter [tilespmem:s16], [sflag:$0x1], $0x2800, s11, s10, $0x38;
	[tilespmem:$0x9F80] =	vst v63  }
0x23: {  	_ =	swait.ge [sflag:s8], $0x2800  }
0x24: {  	[sflag:s8] =	ssyncset.done $0x0  }
0x25: {  	[sflag:s8] =	ssyncadd.s32 $0xFFFFD800  }
0x26: {  	[bflag:$0x0] =	sbarrier.arrive $0xFFFF  }
0x27: {  	[tilespmem:s14], [sflag:$0x1] =	stream.strided.gather [spmem:s5], $0x2800, s13, s12, $0x38;
	[tilespmem:$0x9F80] =	vst v63  }
0x28: {  	s30 =	simm.s32 $0x0;
	_ =	swait.ge [sflag:s8], $0x2800  }
0x29: {  	s18 =	sand.u32 $0x70, s30;
	s17 =	sand.u32 $0x1C00, s30;
	[sflag:s8] =	ssyncset.done $0x0  }
0x2a: {  	s17 =	sor.u32 s18, s17;
	[sflag:s8] =	ssyncadd.s32 $0xFFFFD800  }
0x2b: {  	v2 =	vld [tilespmem:s17+$0x5000]  }
0x2c: {  	v3 =	vld [tilespmem:s17+$0x4F80];
	_ =	sdelay $0x1  }
0x2d: {  	v4 =	vld [tilespmem:s17+$0x5080];
	_ =	sdelay $0x1  }
0x2e: {  	v5 =	vld [tilespmem:s17+$0x5100]  }
0x2f: {  	v2 =	vadd.f32 v2, v3  }
0x30: {  	v3 =	vld [tilespmem:s17+$0x5180]  }
0x31: {  	v2 =	vadd.f32 v4, v2  }
0x32: {  	v56 =	vld [tilespmem:s17+$0x5200]  }
0x33: {  	v2 =	vadd.f32 v5, v2  }
0x34: {  	v57 =	vld [tilespmem:s17+$0x5280]  }
0x35: {  	v2 =	vadd.f32 v3, v2  }
0x36: {  	v3 =	vld [tilespmem:s17+$0x5300]  }
0x37: {  	v2 =	vadd.f32 v56, v2  }
0x38: {  	v58 =	vld [tilespmem:s17+$0x6380]  }
0x39: {  	v2 =	vadd.f32 v57, v2  }
0x3a: {  	v59 =	vld [tilespmem:s17+$0x6400]  }
0x3b: {  	v2 =	vadd.f32 v3, v2  }
0x3c: {  	v3 =	vld [tilespmem:s17+$0x6480]  }
0x3d: {  	v2 =	vadd.f32 v58, v2  }
0x3e: {  	v60 =	vld [tilespmem:s17+$0x6500]  }
0x3f: {  	v2 =	vadd.f32 v59, v2  }
0x40: {  	v61 =	vld [tilespmem:s17+$0x6580]  }
0x41: {  	v2 =	vadd.f32 v3, v2  }
0x42: {  	v3 =	vld [tilespmem:s17+$0x6600]  }
0x43: {  	v2 =	vadd.f32 v60, v2  }
0x44: {  	v62 =	vld [tilespmem:s17+$0x6680]  }
0x45: {  	v2 =	vadd.f32 v61, v2  }
0x46: {  	v63 =	vld [tilespmem:s17+$0x6700]  }
0x47: {  	v2 =	vadd.f32 v3, v2;
	_ =	sdelay $0x1  }
0x48: {  	v2 =	vadd.f32 v62, v2;
	_ =	sdelay $0x1  }
0x49: {  	s31 =	simm.s32 $0x10;
	s18 =	simm.s32 $0x80;
	v2 =	vadd.f32 v63, v2  }
0x4a: {  	s19 =	sand.u32 $0x1C00, s18;
	s17 =	sand.u32 $0x70, s31  }
0x4b: {  	s17 =	sor.u32 s17, s19;
	s19 =	simm.s32 $0x20;
	[tilespmem:s16+$0x0] =	vst v2  }
.LBB2_6:
0x4c: {  	p0 =	sne.s32 s19, $0x270;
	v2 =	vld [tilespmem:s17+$0x5000]  }
0x4d: {  	v3 =	vld [tilespmem:s17+$0x4F80];
	_ =	sdelay $0x1  }
0x4e: {  	v4 =	vld [tilespmem:s17+$0x5080];
	_ =	sdelay $0x1  }
0x4f: {  	v5 =	vld [tilespmem:s17+$0x5100]  }
0x50: {  	v2 =	vadd.f32 v2, v3  }
0x51: {  	v3 =	vld [tilespmem:s17+$0x5180]  }
0x52: {  	v2 =	vadd.f32 v4, v2  }
0x53: {  	v4 =	vld [tilespmem:s17+$0x5200]  }
0x54: {  	v2 =	vadd.f32 v5, v2  }
0x55: {  	v5 =	vld [tilespmem:s17+$0x5280]  }
0x56: {  	v2 =	vadd.f32 v3, v2  }
0x57: {  	v3 =	vld [tilespmem:s17+$0x5300]  }
0x58: {  	v2 =	vadd.f32 v4, v2  }
0x59: {  	v4 =	vld [tilespmem:s17+$0x6380]  }
0x5a: {  	v2 =	vadd.f32 v5, v2  }
0x5b: {  	v5 =	vld [tilespmem:s17+$0x6400]  }
0x5c: {  	v2 =	vadd.f32 v3, v2  }
0x5d: {  	v3 =	vld [tilespmem:s17+$0x6480]  }
0x5e: {  	v2 =	vadd.f32 v4, v2  }
0x5f: {  	v4 =	vld [tilespmem:s17+$0x6500]  }
0x60: {  	v2 =	vadd.f32 v5, v2  }
0x61: {  	v5 =	vld [tilespmem:s17+$0x6580]  }
0x62: {  	v2 =	vadd.f32 v3, v2  }
0x63: {  	v3 =	vld [tilespmem:s17+$0x6600]  }
0x64: {  	v2 =	vadd.f32 v4, v2  }
0x65: {  	v4 =	vld [tilespmem:s17+$0x6680]  }
0x66: {  	v2 =	vadd.f32 v5, v2  }
0x67: {  	v5 =	vld [tilespmem:s17+$0x6700]  }
0x68: {  	v2 =	vadd.f32 v3, v2;
	_ =	sdelay $0x1  }
.Ltmp2:
0x69: {  	v2 =	vadd.f32 v4, v2;
	(pc) =	sbr.rel @p0 .LBB2_6-.Ltmp2, $4  }
0x6a: {  	_ = 	snop  }
0x6b: {  	s18 =	sadd.s32 $0x80, s18;
	v2 =	vadd.f32 v5, v2  }
0x6c: {  	s16 =	sadd.s32 $0x10, s16;
	s20 =	sand.u32 $0x1C00, s18;
	s17 =	sand.u32 $0x70, s19  }
0x6d: {  	s19 =	sadd.s32 $0x10, s19;
	s17 =	sor.u32 s17, s20;
	[tilespmem:s16+$0x0] =	vst v2  }
0x6e: {  	v2 =	vld [tilespmem:s17+$0x5000]  }
0x6f: {  	v3 =	vld [tilespmem:s17+$0x4F80];
	_ =	sdelay $0x1  }
0x70: {  	v4 =	vld [tilespmem:s17+$0x5080];
	_ =	sdelay $0x1  }
0x71: {  	v5 =	vld [tilespmem:s17+$0x5100]  }
0x72: {  	v2 =	vadd.f32 v2, v3  }
0x73: {  	v3 =	vld [tilespmem:s17+$0x5180]  }
0x74: {  	v2 =	vadd.f32 v4, v2  }
0x75: {  	v56 =	vld [tilespmem:s17+$0x5200]  }
0x76: {  	v2 =	vadd.f32 v5, v2  }
0x77: {  	v57 =	vld [tilespmem:s17+$0x5280]  }
0x78: {  	v2 =	vadd.f32 v3, v2  }
0x79: {  	v3 =	vld [tilespmem:s17+$0x5300]  }
0x7a: {  	v2 =	vadd.f32 v56, v2  }
0x7b: {  	v58 =	vld [tilespmem:s17+$0x6380]  }
0x7c: {  	v2 =	vadd.f32 v57, v2  }
0x7d: {  	v59 =	vld [tilespmem:s17+$0x6400]  }
0x7e: {  	v2 =	vadd.f32 v3, v2  }
0x7f: {  	v3 =	vld [tilespmem:s17+$0x6480]  }
0x80: {  	v2 =	vadd.f32 v58, v2  }
0x81: {  	v60 =	vld [tilespmem:s17+$0x6500]  }
0x82: {  	v2 =	vadd.f32 v59, v2  }
0x83: {  	v61 =	vld [tilespmem:s17+$0x6580]  }
0x84: {  	v2 =	vadd.f32 v3, v2  }
0x85: {  	v3 =	vld [tilespmem:s17+$0x6600]  }
0x86: {  	v2 =	vadd.f32 v60, v2  }
0x87: {  	v62 =	vld [tilespmem:s17+$0x6680]  }
0x88: {  	v2 =	vadd.f32 v61, v2  }
0x89: {  	v63 =	vld [tilespmem:s17+$0x6700]  }
0x8a: {  	v2 =	vadd.f32 v3, v2;
	_ =	sdelay $0x1  }
0x8b: {  	v2 =	vadd.f32 v62, v2;
	_ =	sdelay $0x1  }
0x8c: {  	s2 =	sadd.s32 $0x1, s2;
	v2 =	vadd.f32 v63, v2  }
0x8d: {  	s16 =	sadd.s32 $0x10, s16;
	p0 =	sne.s32 s2, s7  }
.Ltmp3:
0x8e: {  	[tilespmem:s16+$0x0] =	vst v2;
	(pc) =	sbr.rel @p0 .LBB2_1-.Ltmp3, $4  }
0x8f: {  	[hbm4b:s6+s10] =	stream.strided.scatter [tilespmem:s9], [sflag:$0x1], $0x280, s15, s10, $0x38;
	[tilespmem:$0x9F80] =	vst v63  }
0x90: {  	_ =	swait.ge [sflag:s8], $0x280  }
0x91: {  	[sflag:s8] =	ssyncset.done $0x0  }
0x92: {  	[sflag:s8] =	ssyncadd.s32 $0xFFFFFD80  }
0x93: {  	_ =	sfence.sel $0x180000  }
0x94: {  	[bflag:$0x0] =	sbarrier.arrive $0xFFFF  }
0x95: {  	p0 =	sne.s32 s1, $0x0;
	_ =	strace $0x90000047  }
0x96: {  	s0 =	sadd.s32 @!p0 $0x100000, s0;
	[bflag:$0x2] =	sbarrier.arrive $0xFFFF  }
0x97: {  	[sflag:s0] =	ssyncadd.tile.s32 @!p0 $0x1;
	_ =	shalt  }
.Lfunc_end2:
_tile_overlayer_lowered:
.L_overlay_start_2:
0x98: {  	(tag) =	ssettag $0x2  }
0x99: {  	s0 =	rddreg [dreg:$0x0];
	s2 =	stileid.u32  }
0x9a: {  	s1 =	rddreg [dreg:$0x1];
	p0 =	sne.s32 s2, $0x0  }
0x9b: {  	s3 =	rddreg [dreg:$0x2];
	[bflag:$0x3] =	sbarrier.arrive $0xFFFF;
	s2 =	simm.s32 @!p0 $0x1C01  }
0x9c: {  	[timem:s3], [sflag:s2] =	dma.local @!p0 [hbm:s0], s1  }
0x9d: {  	s0 =	simm.s32 @!p0 $0x1  }
0x9e: {  	_ =	swait.ge @!p0 [sflag:s0], s1  }
0x9f: {  	s1 =	ssub.s32 @!p0 $0x0, s1;
	[sflag:s0] =	ssyncset.done @!p0 $0x0  }
0xa0: {  	[sflag:s0] =	ssyncadd.s32 @!p0 s1  }
0xa1: {  	[bflag:$0x3] =	sbarrier.arrive $0xFFFF  }
0xa2: {  	_ =	shalt  }

</sc_bundles>
